<compile_context>
chip_gen: v7x
topology: tpu7x:2x2x1
jax: 0.10.2.dev20260603
libtpu: 0.0.44.dev20260713+nightly
codegen_flags: <defaults>
</compile_context>

<pallas_src>
import jax
import jax.numpy as jnp
from jax import lax
from jax.experimental import pallas as pl
from jax.experimental.pallas import tpu as pltpu
from jax.experimental.pallas import tpu_sc as plsc

E = 8
KTOP = 2
D = 768
I = 1536
T = 2048

NC, NS, L = 2, 16, 16
NW = NC * NS
CHUNK = T // NW

BM = 256
NT = (KTOP * T) // BM + E
MR = NT * BM
NTE = NT


def _route_body(lt_ref, i0_ref, i1_ref, w0_ref, w1_ref, cbs_ref, te_ref):
    l = lt_ref[...]
    iota = lax.broadcasted_iota(jnp.int32, (E, T), 0)
    m1 = jnp.max(l, axis=0, keepdims=True)
    top1 = jnp.min(jnp.where(l >= m1, iota, E), axis=0, keepdims=True)
    lm = jnp.where(iota == top1, -jnp.inf, l)
    m2 = jnp.max(lm, axis=0, keepdims=True)
    top2 = jnp.min(jnp.where(lm >= m2, iota, E), axis=0, keepdims=True)
    t = jnp.exp(m2 - m1)
    w0 = 1.0 / (1.0 + t)
    i0_ref[...] = top1.reshape(T)
    i1_ref[...] = top2.reshape(T)
    w0_ref[...] = w0.reshape(T)
    w1_ref[...] = (1.0 - w0).reshape(T)

    bmat = ((iota == top1).astype(jnp.float32)
            + (iota == top2).astype(jnp.float32))
    s2 = (lax.broadcasted_iota(jnp.int32, (NW, T), 0)
          == lax.broadcasted_iota(jnp.int32, (NW, T), 1) // CHUNK
          ).astype(jnp.float32)
    hist_t = lax.dot_general(s2, bmat, (((1,), (1,)), ((), ())),
                             preferred_element_type=jnp.float32)
    ltri = (lax.broadcasted_iota(jnp.int32, (NW, NW), 1)
            < lax.broadcasted_iota(jnp.int32, (NW, NW), 0)
            ).astype(jnp.float32)
    pc_t = lax.dot_general(ltri, hist_t, (((1,), (0,)), ((), ())),
                           preferred_element_type=jnp.float32)
    tot1 = jnp.sum(hist_t, axis=0, keepdims=True)
    g1 = (((tot1.astype(jnp.int32) + (BM - 1)) // BM) * BM).astype(jnp.float32)
    u8 = (lax.broadcasted_iota(jnp.int32, (E, E), 0)
          < lax.broadcasted_iota(jnp.int32, (E, E), 1)).astype(jnp.float32)
    base1 = lax.dot_general(g1, u8, (((1,), (0,)), ((), ())),
                            preferred_element_type=jnp.float32)
    cb_t = (pc_t + base1).astype(jnp.int32)
    cbs_ref[...] = jnp.concatenate(
        [cb_t, jnp.zeros((NW, 3 * E), jnp.int32)], axis=1)

    hist8 = lax.dot_general(bmat, s2, (((1,), (1,)), ((), ())),
                            preferred_element_type=jnp.float32)
    tot8 = jnp.sum(hist8, axis=1, keepdims=True)
    g8 = (((tot8.astype(jnp.int32) + (BM - 1)) // BM) * BM).astype(jnp.float32)
    l8 = (lax.broadcasted_iota(jnp.int32, (E, E), 1)
          < lax.broadcasted_iota(jnp.int32, (E, E), 0)).astype(jnp.float32)
    base8 = lax.dot_general(l8, g8, (((1,), (0,)), ((), ())),
                            preferred_element_type=jnp.float32)
    s_bm = (lax.broadcasted_iota(jnp.int32, (1, NTE), 1) * BM).astype(jnp.float32)
    cnt = jnp.sum((base8 <= s_bm).astype(jnp.float32), axis=0, keepdims=True)
    te = jnp.minimum(cnt.astype(jnp.int32) - 1, E - 1)
    te_ref[...] = te.reshape(NTE)


def _route(logits_t):
    return pl.pallas_call(
        _route_body,
        out_shape=(
            jax.ShapeDtypeStruct((T,), jnp.int32),
            jax.ShapeDtypeStruct((T,), jnp.int32),
            jax.ShapeDtypeStruct((T,), jnp.float32),
            jax.ShapeDtypeStruct((T,), jnp.float32),
            jax.ShapeDtypeStruct((NW, 4 * E), jnp.int32),
            jax.ShapeDtypeStruct((NTE,), jnp.int32),
        ),
    )(logits_t)


def _dispatch_body(i0_hbm, i1_hbm, w0_hbm, w1_hbm, hid_hbm, cbs_hbm,
                   xs_hbm, ws_hbm, p0_hbm, p1_hbm,
                   c0_v, c1_v, xbuf_v, wbuf0_v, wbuf1_v, p0_v, p1_v, cb_v,
                   cb_sm, sem0, sem1, sem2, sem3, sem4, sem5):
    wid = lax.axis_index("s") * NC + lax.axis_index("c")
    tbase = wid * CHUNK
    ds = pl.ds(tbase, CHUNK)

    cp0 = pltpu.async_copy(i0_hbm.at[ds], c0_v, sem0)
    cp1 = pltpu.async_copy(i1_hbm.at[ds], c1_v, sem1)
    cpc = pltpu.async_copy(cbs_hbm.at[wid], cb_v, sem2)
    cpx = pltpu.async_copy(hid_hbm.at[ds], xbuf_v, sem3)
    cpw0 = pltpu.async_copy(w0_hbm.at[ds], wbuf0_v, sem4)
    cpw1 = pltpu.async_copy(w1_hbm.at[ds], wbuf1_v, sem5)
    cp0.wait()
    cp1.wait()
    cpc.wait()
    cbv = cb_v[pl.ds(0, L)]
    for e in range(E):
        cb_sm[e] = cbv[e]

    def place(ids_ref, pos_ref):
        for g in range(CHUNK // L):
            v = ids_ref[pl.ds(g * L, L)]
            posv = jnp.zeros((L,), jnp.int32)
            for e in range(E):
                m = (v == jnp.full((L,), e, jnp.int32)).astype(jnp.int32)
                incl = plsc.cumsum(m)
                c = cb_sm[e]
                posv = posv + m * (jnp.full((L,), c, jnp.int32) + incl - m)
                cb_sm[e] = c + incl[L - 1]
            pos_ref[pl.ds(g * L, L)] = posv

    place(c0_v, p0_v)
    place(c1_v, p1_v)

    o0 = pltpu.async_copy(p0_v, p0_hbm.at[ds], sem0)
    o1 = pltpu.async_copy(p1_v, p1_hbm.at[ds], sem1)
    cpx.wait()
    o2 = pltpu.async_copy(xbuf_v, xs_hbm.at[p0_v], sem2)
    o3 = pltpu.async_copy(xbuf_v, xs_hbm.at[p1_v], sem3)
    cpw0.wait()
    cpw1.wait()
    o4 = pltpu.async_copy(wbuf0_v, ws_hbm.at[p0_v], sem4)
    o5 = pltpu.async_copy(wbuf1_v, ws_hbm.at[p1_v], sem5)
    o0.wait()
    o1.wait()
    o2.wait()
    o3.wait()
    o4.wait()
    o5.wait()


def _dispatch(ids0, ids1, w0, w1, hidden, cbs):
    mesh = plsc.VectorSubcoreMesh(core_axis_name="c", subcore_axis_name="s",
                                  num_cores=NC, num_subcores=NS)
    return pl.kernel(
        _dispatch_body,
        out_type=(
            jax.ShapeDtypeStruct((MR, D), jnp.float32),
            jax.ShapeDtypeStruct((MR,), jnp.float32),
            jax.ShapeDtypeStruct((T,), jnp.int32),
            jax.ShapeDtypeStruct((T,), jnp.int32),
        ),
        mesh=mesh,
        compiler_params=pltpu.CompilerParams(needs_layout_passes=False),
        scratch_types=(
            pltpu.VMEM((CHUNK,), jnp.int32),
            pltpu.VMEM((CHUNK,), jnp.int32),
            pltpu.VMEM((CHUNK, D), jnp.float32),
            pltpu.VMEM((CHUNK,), jnp.float32),
            pltpu.VMEM((CHUNK,), jnp.float32),
            pltpu.VMEM((CHUNK,), jnp.int32),
            pltpu.VMEM((CHUNK,), jnp.int32),
            pltpu.VMEM((4 * E,), jnp.int32),
            pltpu.SMEM((E,), jnp.int32),
            pltpu.SemaphoreType.DMA,
            pltpu.SemaphoreType.DMA,
            pltpu.SemaphoreType.DMA,
            pltpu.SemaphoreType.DMA,
            pltpu.SemaphoreType.DMA,
            pltpu.SemaphoreType.DMA,
        ),
    )(ids0, ids1, w0, w1, hidden, cbs)


def _mlp_body(te_ref, x_ref, w13_ref, w2_ref, ws_ref, y_ref):
    x = x_ref[...]
    dn = (((1,), (1,)), ((), ()))
    g = lax.dot_general(x, w13_ref[0, :I, :], dn,
                        preferred_element_type=jnp.float32)
    u = lax.dot_general(x, w13_ref[0, I:, :], dn,
                        preferred_element_type=jnp.float32)
    h = g * u / (1.0 + jnp.exp(-g))
    y = lax.dot_general(h, w2_ref[0], dn, preferred_element_type=jnp.float32)
    y_ref[...] = y * ws_ref[...].reshape(BM, 1)


def _mlp(te, xs, w13, w2, ws):
    grid_spec = pltpu.PrefetchScalarGridSpec(
        num_scalar_prefetch=1,
        grid=(NT,),
        in_specs=[
            pl.BlockSpec((BM, D), lambda i, te: (i, 0)),
            pl.BlockSpec((1, 2 * I, D), lambda i, te: (te[i], 0, 0)),
            pl.BlockSpec((1, D, I), lambda i, te: (te[i], 0, 0)),
            pl.BlockSpec((BM,), lambda i, te: (i,)),
        ],
        out_specs=pl.BlockSpec((BM, D), lambda i, te: (i, 0)),
    )
    return pl.pallas_call(
        _mlp_body,
        grid_spec=grid_spec,
        out_shape=jax.ShapeDtypeStruct((MR, D), jnp.float32),
    )(te, xs, w13, w2, ws)


def _combine_body(y_hbm, p0_hbm, p1_hbm, out_hbm, p0_v, p1_v, r0_v, r1_v,
                  sem0, sem1):
    wid = lax.axis_index("s") * NC + lax.axis_index("c")
    tbase = wid * CHUNK
    pltpu.sync_copy(p0_hbm.at[pl.ds(tbase, CHUNK)], p0_v)
    pltpu.sync_copy(p1_hbm.at[pl.ds(tbase, CHUNK)], p1_v)
    c0 = pltpu.async_copy(y_hbm.at[p0_v], r0_v, sem0)
    c1 = pltpu.async_copy(y_hbm.at[p1_v], r1_v, sem1)
    c0.wait()
    c1.wait()

    def add_row(i, _):
        for c in range(D // L):
            s = pl.ds(c * L, L)
            r0_v[i, s] = r0_v[i, s] + r1_v[i, s]
        return 0
    lax.fori_loop(0, CHUNK, add_row, 0)
    pltpu.sync_copy(r0_v, out_hbm.at[pl.ds(tbase, CHUNK)])


def _combine(y, p0, p1):
    mesh = plsc.VectorSubcoreMesh(core_axis_name="c", subcore_axis_name="s",
                                  num_cores=NC, num_subcores=NS)
    return pl.kernel(
        _combine_body,
        out_type=jax.ShapeDtypeStruct((T, D), jnp.float32),
        mesh=mesh,
        compiler_params=pltpu.CompilerParams(needs_layout_passes=False),
        scratch_types=(
            pltpu.VMEM((CHUNK,), jnp.int32),
            pltpu.VMEM((CHUNK,), jnp.int32),
            pltpu.VMEM((CHUNK, D), jnp.float32),
            pltpu.VMEM((CHUNK, D), jnp.float32),
            pltpu.SemaphoreType.DMA,
            pltpu.SemaphoreType.DMA,
        ),
    )(y, p0, p1)


def kernel(hidden_states, router_logits, w13_weight, w2_weight):
    ids0, ids1, w0, w1, cbs, te = _route(router_logits.T)
    xs, ws, p0, p1 = _dispatch(ids0, ids1, w0, w1, hidden_states, cbs)
    y = _mlp(te, xs, w13_weight, w2_weight, ws)
    return _combine(y, p0, p1)

# --- scband reference (transcript-rebuilt; emitter-appended) ---
"""Pipeline reference for scband-fused-mo-e-26603027432076 (READ-ONLY COPY).

The authoritative reference and input builder live on the scoring server;
editing this copy changes nothing except your own understanding.
"""

import jax, jax.numpy as jnp
import numpy as np

NUM_EXPERTS = 8
TOP_K = 2
HIDDEN = 768
INTER = 1536
T = 2048

def setup_inputs(seed: int = 0) -> dict:
    key = jax.random.key(seed)
    k1, k2, k3, k4 = jax.random.split(key, 4)
    hidden_states = jax.random.normal(k1, (T, HIDDEN), dtype=jnp.float32)
    router_logits = jax.random.normal(k2, (T, NUM_EXPERTS), dtype=jnp.float32)
    # learned parameters per FusedMoE.create_weights (UnquantizedFusedMoEMethod)
    w13_weight = jax.random.normal(k3, (NUM_EXPERTS, 2 * INTER, HIDDEN), dtype=jnp.float32) * 0.02
    w2_weight = jax.random.normal(k4, (NUM_EXPERTS, HIDDEN, INTER), dtype=jnp.float32) * 0.02
    return {"hidden_states": hidden_states, "router_logits": router_logits,
            "w13_weight": w13_weight, "w2_weight": w2_weight}

def reference(hidden_states, router_logits, w13_weight, w2_weight):
    E = w13_weight.shape[0]
    I = w2_weight.shape[2]
    # fused_topk: softmax over router logits -> top-k -> renormalize
    probs = jax.nn.softmax(router_logits.astype(jnp.float32), axis=-1)
    topk_weights, topk_ids = jax.lax.top_k(probs, TOP_K)
    topk_weights = topk_weights / jnp.sum(topk_weights, axis=-1, keepdims=True)
    # fused_experts: gate/up (w1/w3 packed in w13), SiLU, down (w2)
    w1 = w13_weight[:, :I, :]   # [E, I, d]
    w3 = w13_weight[:, I:, :]   # [E, I, d]
    g = jnp.einsum('td,eid->eti', hidden_states, w1)  # [E, T, I]
    u = jnp.einsum('td,eid->eti', hidden_states, w3)  # [E, T, I]
    h = jax.nn.silu(g) * u                            # [E, T, I]
    y = jnp.einsum('eti,edi->etd', h, w2_weight)      # [E, T, d]
    # combine: per-token weighted sum over selected experts
    combine = jnp.sum(jax.nn.one_hot(topk_ids, E, dtype=hidden_states.dtype) * topk_weights[..., None], axis=1)  # [T, E]
    out = jnp.einsum('te,etd->td', combine, y)        # [T, d]
    return out

if __name__ == "__main__":
    import jax
    _d = setup_inputs()
    print(jax.jit(kernel)(*tuple(_d.values())))

</pallas_src>

<mosaic_0001>
#map = affine_map<(d0, d1) -> (0, 0)>
#map1 = affine_map<(d0, d1) -> (0)>
module attributes {stable_mosaic.version = 14 : i64} {
  func.func @_combine_body(%arg0: i32, %arg1: i32, %arg2: memref<6144x768xf32, #tpu.memory_space<hbm>>, %arg3: memref<2048xi32, #tpu.memory_space<hbm>>, %arg4: memref<2048xi32, #tpu.memory_space<hbm>>, %arg5: memref<2048x768xf32, #tpu.memory_space<hbm>>, %arg6: memref<64xi32, #tpu.memory_space<vmem>>, %arg7: memref<64xi32, #tpu.memory_space<vmem>>, %arg8: memref<64x768xf32, #tpu.memory_space<vmem>>, %arg9: memref<64x768xf32, #tpu.memory_space<vmem>>, %arg10: memref<!tpu.dma_semaphore, #tpu.memory_space<semaphore_mem>>, %arg11: memref<!tpu.dma_semaphore, #tpu.memory_space<semaphore_mem>>) attributes {dimension_semantics = [#tpu.dimension_semantics<core_parallel>, #tpu.dimension_semantics<subcore_parallel>], iteration_bounds = array<i64: 2, 16>, scalar_prefetch = 0 : i64, scratch_operands = 6 : i64, tpu.core_type = #tpu.core_type<sc_vector_subcore>, window_params = [{transform_indices = #map}, {transform_indices = #map1}, {transform_indices = #map1}, {transform_indices = #map}]} {
    %mul3A = arith.constant 2 : i32
    %mul3A_0 = arith.muli %arg1, %mul3A : i32
    %add3A = arith.addi %mul3A_0, %arg0 : i32
    %mul3A_1 = arith.constant 64 : i32
    %mul3A_2 = arith.muli %add3A, %mul3A_1 : i32
    "tpu.region"() ({
      %run_scoped3A = tpu.sem_alloc : memref<!tpu.dma_semaphore, #tpu.memory_space<semaphore_mem>>
      %dma_start3A_19 = tpu.memref_slice %arg3[%mul3A_2] : memref<2048xi32, #tpu.memory_space<hbm>> -> memref<64xi32, #tpu.memory_space<hbm>>
      %dma_start3A_20 = tpu.memref_slice %arg3[%mul3A_2] : memref<2048xi32, #tpu.memory_space<hbm>> -> memref<64xi32, #tpu.memory_space<hbm>>
      tpu.enqueue_dma source(%dma_start3A_20 : memref<64xi32, #tpu.memory_space<hbm>>) target(%arg6 : memref<64xi32, #tpu.memory_space<vmem>>) target_semaphore(%run_scoped3A : memref<!tpu.dma_semaphore, #tpu.memory_space<semaphore_mem>>)
      %dma_wait3A_21 = tpu.memref_slice %arg3[%mul3A_2] : memref<2048xi32, #tpu.memory_space<hbm>> -> memref<64xi32, #tpu.memory_space<hbm>>
      %dma_wait3A_22 = tpu.memref_slice %arg3[%mul3A_2] : memref<2048xi32, #tpu.memory_space<hbm>> -> memref<64xi32, #tpu.memory_space<hbm>>
      tpu.wait_dma2 semaphore(%run_scoped3A : memref<!tpu.dma_semaphore, #tpu.memory_space<semaphore_mem>>) src(%dma_wait3A_22 : memref<64xi32, #tpu.memory_space<hbm>>) dst(%arg6 : memref<64xi32, #tpu.memory_space<vmem>>)
      tpu.yield
    }) : () -> ()
    "tpu.region"() ({
      %run_scoped3A = tpu.sem_alloc : memref<!tpu.dma_semaphore, #tpu.memory_space<semaphore_mem>>
      %dma_start3A_19 = tpu.memref_slice %arg4[%mul3A_2] : memref<2048xi32, #tpu.memory_space<hbm>> -> memref<64xi32, #tpu.memory_space<hbm>>
      %dma_start3A_20 = tpu.memref_slice %arg4[%mul3A_2] : memref<2048xi32, #tpu.memory_space<hbm>> -> memref<64xi32, #tpu.memory_space<hbm>>
      tpu.enqueue_dma source(%dma_start3A_20 : memref<64xi32, #tpu.memory_space<hbm>>) target(%arg7 : memref<64xi32, #tpu.memory_space<vmem>>) target_semaphore(%run_scoped3A : memref<!tpu.dma_semaphore, #tpu.memory_space<semaphore_mem>>)
      %dma_wait3A_21 = tpu.memref_slice %arg4[%mul3A_2] : memref<2048xi32, #tpu.memory_space<hbm>> -> memref<64xi32, #tpu.memory_space<hbm>>
      %dma_wait3A_22 = tpu.memref_slice %arg4[%mul3A_2] : memref<2048xi32, #tpu.memory_space<hbm>> -> memref<64xi32, #tpu.memory_space<hbm>>
      tpu.wait_dma2 semaphore(%run_scoped3A : memref<!tpu.dma_semaphore, #tpu.memory_space<semaphore_mem>>) src(%dma_wait3A_22 : memref<64xi32, #tpu.memory_space<hbm>>) dst(%arg7 : memref<64xi32, #tpu.memory_space<vmem>>)
      tpu.yield
    }) : () -> ()
    %dma_start3A = arith.constant 0 : i32
    %dma_start3A_3 = arith.constant 0 : i32
    %dma_start3A_4 = tpu.memref_slice %arg2[%dma_start3A, %dma_start3A_3] : memref<6144x768xf32, #tpu.memory_space<hbm>> -> memref<6144x768xf32, #tpu.memory_space<hbm>>
    tpu.enqueue_indirect_dma source(%dma_start3A_4 : memref<6144x768xf32, #tpu.memory_space<hbm>>) target(%arg8 : memref<64x768xf32, #tpu.memory_space<vmem>>) offsets(%arg6 : memref<64xi32, #tpu.memory_space<vmem>>) semaphore(%arg10 : memref<!tpu.dma_semaphore, #tpu.memory_space<semaphore_mem>>)
    %dma_start3A_5 = arith.constant 0 : i32
    %dma_start3A_6 = arith.constant 0 : i32
    %dma_start3A_7 = tpu.memref_slice %arg2[%dma_start3A_5, %dma_start3A_6] : memref<6144x768xf32, #tpu.memory_space<hbm>> -> memref<6144x768xf32, #tpu.memory_space<hbm>>
    tpu.enqueue_indirect_dma source(%dma_start3A_7 : memref<6144x768xf32, #tpu.memory_space<hbm>>) target(%arg9 : memref<64x768xf32, #tpu.memory_space<vmem>>) offsets(%arg7 : memref<64xi32, #tpu.memory_space<vmem>>) semaphore(%arg11 : memref<!tpu.dma_semaphore, #tpu.memory_space<semaphore_mem>>)
    %dma_wait3A = arith.constant 0 : i32
    %dma_wait3A_8 = arith.constant 0 : i32
    %dma_wait3A_9 = tpu.memref_slice %arg2[%dma_wait3A, %dma_wait3A_8] : memref<6144x768xf32, #tpu.memory_space<hbm>> -> memref<6144x768xf32, #tpu.memory_space<hbm>>
    tpu.wait_indirect_dma semaphore(%arg10 : memref<!tpu.dma_semaphore, #tpu.memory_space<semaphore_mem>>) src(%dma_wait3A_9 : memref<6144x768xf32, #tpu.memory_space<hbm>>) dst(%arg8 : memref<64x768xf32, #tpu.memory_space<vmem>>)
    %dma_wait3A_10 = arith.constant 0 : i32
    %dma_wait3A_11 = arith.constant 0 : i32
    %dma_wait3A_12 = tpu.memref_slice %arg2[%dma_wait3A_10, %dma_wait3A_11] : memref<6144x768xf32, #tpu.memory_space<hbm>> -> memref<6144x768xf32, #tpu.memory_space<hbm>>
    tpu.wait_indirect_dma semaphore(%arg11 : memref<!tpu.dma_semaphore, #tpu.memory_space<semaphore_mem>>) src(%dma_wait3A_12 : memref<6144x768xf32, #tpu.memory_space<hbm>>) dst(%arg9 : memref<64x768xf32, #tpu.memory_space<vmem>>)
    %scan3A = arith.constant 0 : i32
    %scan3A_13 = arith.constant 0 : i32
    %scan3A_14 = arith.constant 64 : i32
    %scan3A_15 = arith.addi %scan3A_13, %scan3A_14 : i32
    %scan3A_16 = arith.constant 1 : i32
    %scan3A_17 = scf.for %scan3A_19 = %scan3A_13 to %scan3A_15 step %scan3A_16 iter_args(%scan3A_20 = %scan3A) -> (i32)  : i32 {
      %get3A = arith.index_cast %scan3A_19 : i32 to index
      %get3A_21 = arith.constant 0 : index
      %get3A_22 = tpu.vector_load %arg8[%get3A, %get3A_21] {strides = array<i32>} : memref<64x768xf32, #tpu.memory_space<vmem>>, vector<16xf32>,
      %get3A_23 = arith.index_cast %scan3A_19 : i32 to index
      %get3A_24 = arith.constant 0 : index
      %get3A_25 = tpu.vector_load %arg9[%get3A_23, %get3A_24] {strides = array<i32>} : memref<64x768xf32, #tpu.memory_space<vmem>>, vector<16xf32>,
      %add3A_26 = arith.addf %get3A_22, %get3A_25 : vector<16xf32>
      %swap3A = arith.index_cast %scan3A_19 : i32 to index
      %swap3A_27 = arith.constant 0 : index
      %swap3A_28 = tpu.vector_load %arg8[%swap3A, %swap3A_27] {strides = array<i32>} : memref<64x768xf32, #tpu.memory_space<vmem>>, vector<16xf32>,
      tpu.vector_store %arg8[%swap3A, %swap3A_27], %add3A_26 {strides = array<i32>} : memref<64x768xf32, #tpu.memory_space<vmem>>, vector<16xf32>,
      %get3A_29 = arith.index_cast %scan3A_19 : i32 to index
      %get3A_30 = arith.constant 16 : index
      %get3A_31 = tpu.vector_load %arg8[%get3A_29, %get3A_30] {strides = array<i32>} : memref<64x768xf32, #tpu.memory_space<vmem>>, vector<16xf32>,
      %get3A_32 = arith.index_cast %scan3A_19 : i32 to index
      %get3A_33 = arith.constant 16 : index
      %get3A_34 = tpu.vector_load %arg9[%get3A_32, %get3A_33] {strides = array<i32>} : memref<64x768xf32, #tpu.memory_space<vmem>>, vector<16xf32>,
      %add3A_35 = arith.addf %get3A_31, %get3A_34 : vector<16xf32>
      %swap3A_36 = arith.index_cast %scan3A_19 : i32 to index
      %swap3A_37 = arith.constant 16 : index
      %swap3A_38 = tpu.vector_load %arg8[%swap3A_36, %swap3A_37] {strides = array<i32>} : memref<64x768xf32, #tpu.memory_space<vmem>>, vector<16xf32>,
      tpu.vector_store %arg8[%swap3A_36, %swap3A_37], %add3A_35 {strides = array<i32>} : memref<64x768xf32, #tpu.memory_space<vmem>>, vector<16xf32>,
      %get3A_39 = arith.index_cast %scan3A_19 : i32 to index
      %get3A_40 = arith.constant 32 : index
      %get3A_41 = tpu.vector_load %arg8[%get3A_39, %get3A_40] {strides = array<i32>} : memref<64x768xf32, #tpu.memory_space<vmem>>, vector<16xf32>,
      %get3A_42 = arith.index_cast %scan3A_19 : i32 to index
      %get3A_43 = arith.constant 32 : index
      %get3A_44 = tpu.vector_load %arg9[%get3A_42, %get3A_43] {strides = array<i32>} : memref<64x768xf32, #tpu.memory_space<vmem>>, vector<16xf32>,
      %add3A_45 = arith.addf %get3A_41, %get3A_44 : vector<16xf32>
      %swap3A_46 = arith.index_cast %scan3A_19 : i32 to index
      %swap3A_47 = arith.constant 32 : index
      %swap3A_48 = tpu.vector_load %arg8[%swap3A_46, %swap3A_47] {strides = array<i32>} : memref<64x768xf32, #tpu.memory_space<vmem>>, vector<16xf32>,
      tpu.vector_store %arg8[%swap3A_46, %swap3A_47], %add3A_45 {strides = array<i32>} : memref<64x768xf32, #tpu.memory_space<vmem>>, vector<16xf32>,
      %get3A_49 = arith.index_cast %scan3A_19 : i32 to index
      %get3A_50 = arith.constant 48 : index
      %get3A_51 = tpu.vector_load %arg8[%get3A_49, %get3A_50] {strides = array<i32>} : memref<64x768xf32, #tpu.memory_space<vmem>>, vector<16xf32>,
      %get3A_52 = arith.index_cast %scan3A_19 : i32 to index
      %get3A_53 = arith.constant 48 : index
      %get3A_54 = tpu.vector_load %arg9[%get3A_52, %get3A_53] {strides = array<i32>} : memref<64x768xf32, #tpu.memory_space<vmem>>, vector<16xf32>,
      %add3A_55 = arith.addf %get3A_51, %get3A_54 : vector<16xf32>
      %swap3A_56 = arith.index_cast %scan3A_19 : i32 to index
      %swap3A_57 = arith.constant 48 : index
      %swap3A_58 = tpu.vector_load %arg8[%swap3A_56, %swap3A_57] {strides = array<i32>} : memref<64x768xf32, #tpu.memory_space<vmem>>, vector<16xf32>,
      tpu.vector_store %arg8[%swap3A_56, %swap3A_57], %add3A_55 {strides = array<i32>} : memref<64x768xf32, #tpu.memory_space<vmem>>, vector<16xf32>,
      %get3A_59 = arith.index_cast %scan3A_19 : i32 to index
      %get3A_60 = arith.constant 64 : index
      %get3A_61 = tpu.vector_load %arg8[%get3A_59, %get3A_60] {strides = array<i32>} : memref<64x768xf32, #tpu.memory_space<vmem>>, vector<16xf32>,
      %get3A_62 = arith.index_cast %scan3A_19 : i32 to index
      %get3A_63 = arith.constant 64 : index
      %get3A_64 = tpu.vector_load %arg9[%get3A_62, %get3A_63] {strides = array<i32>} : memref<64x768xf32, #tpu.memory_space<vmem>>, vector<16xf32>,
      %add3A_65 = arith.addf %get3A_61, %get3A_64 : vector<16xf32>
      %swap3A_66 = arith.index_cast %scan3A_19 : i32 to index
      %swap3A_67 = arith.constant 64 : index
      %swap3A_68 = tpu.vector_load %arg8[%swap3A_66, %swap3A_67] {strides = array<i32>} : memref<64x768xf32, #tpu.memory_space<vmem>>, vector<16xf32>,
      tpu.vector_store %arg8[%swap3A_66, %swap3A_67], %add3A_65 {strides = array<i32>} : memref<64x768xf32, #tpu.memory_space<vmem>>, vector<16xf32>,
      %get3A_69 = arith.index_cast %scan3A_19 : i32 to index
      %get3A_70 = arith.constant 80 : index
      %get3A_71 = tpu.vector_load %arg8[%get3A_69, %get3A_70] {strides = array<i32>} : memref<64x768xf32, #tpu.memory_space<vmem>>, vector<16xf32>,
      %get3A_72 = arith.index_cast %scan3A_19 : i32 to index
      %get3A_73 = arith.constant 80 : index
      %get3A_74 = tpu.vector_load %arg9[%get3A_72, %get3A_73] {strides = array<i32>} : memref<64x768xf32, #tpu.memory_space<vmem>>, vector<16xf32>,
      %add3A_75 = arith.addf %get3A_71, %get3A_74 : vector<16xf32>
      %swap3A_76 = arith.index_cast %scan3A_19 : i32 to index
      %swap3A_77 = arith.constant 80 : index
      %swap3A_78 = tpu.vector_load %arg8[%swap3A_76, %swap3A_77] {strides = array<i32>} : memref<64x768xf32, #tpu.memory_space<vmem>>, vector<16xf32>,
      tpu.vector_store %arg8[%swap3A_76, %swap3A_77], %add3A_75 {strides = array<i32>} : memref<64x768xf32, #tpu.memory_space<vmem>>, vector<16xf32>,
      %get3A_79 = arith.index_cast %scan3A_19 : i32 to index
      %get3A_80 = arith.constant 96 : index
      %get3A_81 = tpu.vector_load %arg8[%get3A_79, %get3A_80] {strides = array<i32>} : memref<64x768xf32, #tpu.memory_space<vmem>>, vector<16xf32>,
      %get3A_82 = arith.index_cast %scan3A_19 : i32 to index
      %get3A_83 = arith.constant 96 : index
      %get3A_84 = tpu.vector_load %arg9[%get3A_82, %get3A_83] {strides = array<i32>} : memref<64x768xf32, #tpu.memory_space<vmem>>, vector<16xf32>,
      %add3A_85 = arith.addf %get3A_81, %get3A_84 : vector<16xf32>
      %swap3A_86 = arith.index_cast %scan3A_19 : i32 to index
      %swap3A_87 = arith.constant 96 : index
      %swap3A_88 = tpu.vector_load %arg8[%swap3A_86, %swap3A_87] {strides = array<i32>} : memref<64x768xf32, #tpu.memory_space<vmem>>, vector<16xf32>,
      tpu.vector_store %arg8[%swap3A_86, %swap3A_87], %add3A_85 {strides = array<i32>} : memref<64x768xf32, #tpu.memory_space<vmem>>, vector<16xf32>,
      %get3A_89 = arith.index_cast %scan3A_19 : i32 to index
      %get3A_90 = arith.constant 112 : index
      %get3A_91 = tpu.vector_load %arg8[%get3A_89, %get3A_90] {strides = array<i32>} : memref<64x768xf32, #tpu.memory_space<vmem>>, vector<16xf32>,
      %get3A_92 = arith.index_cast %scan3A_19 : i32 to index
      %get3A_93 = arith.constant 112 : index
      %get3A_94 = tpu.vector_load %arg9[%get3A_92, %get3A_93] {strides = array<i32>} : memref<64x768xf32, #tpu.memory_space<vmem>>, vector<16xf32>,
      %add3A_95 = arith.addf %get3A_91, %get3A_94 : vector<16xf32>
      %swap3A_96 = arith.index_cast %scan3A_19 : i32 to index
      %swap3A_97 = arith.constant 112 : index
      %swap3A_98 = tpu.vector_load %arg8[%swap3A_96, %swap3A_97] {strides = array<i32>} : memref<64x768xf32, #tpu.memory_space<vmem>>, vector<16xf32>,
      tpu.vector_store %arg8[%swap3A_96, %swap3A_97], %add3A_95 {strides = array<i32>} : memref<64x768xf32, #tpu.memory_space<vmem>>, vector<16xf32>,
      %get3A_99 = arith.index_cast %scan3A_19 : i32 to index
      %get3A_100 = arith.constant 128 : index
      %get3A_101 = tpu.vector_load %arg8[%get3A_99, %get3A_100] {strides = array<i32>} : memref<64x768xf32, #tpu.memory_space<vmem>>, vector<16xf32>,
      %get3A_102 = arith.index_cast %scan3A_19 : i32 to index
      %get3A_103 = arith.constant 128 : index
      %get3A_104 = tpu.vector_load %arg9[%get3A_102, %get3A_103] {strides = array<i32>} : memref<64x768xf32, #tpu.memory_space<vmem>>, vector<16xf32>,
      %add3A_105 = arith.addf %get3A_101, %get3A_104 : vector<16xf32>
      %swap3A_106 = arith.index_cast %scan3A_19 : i32 to index
      %swap3A_107 = arith.constant 128 : index
      %swap3A_108 = tpu.vector_load %arg8[%swap3A_106, %swap3A_107] {strides = array<i32>} : memref<64x768xf32, #tpu.memory_space<vmem>>, vector<16xf32>,
      tpu.vector_store %arg8[%swap3A_106, %swap3A_107], %add3A_105 {strides = array<i32>} : memref<64x768xf32, #tpu.memory_space<vmem>>, vector<16xf32>,
      %get3A_109 = arith.index_cast %scan3A_19 : i32 to index
      %get3A_110 = arith.constant 144 : index
      %get3A_111 = tpu.vector_load %arg8[%get3A_109, %get3A_110] {strides = array<i32>} : memref<64x768xf32, #tpu.memory_space<vmem>>, vector<16xf32>,
      %get3A_112 = arith.index_cast %scan3A_19 : i32 to index
      %get3A_113 = arith.constant 144 : index
      %get3A_114 = tpu.vector_load %arg9[%get3A_112, %get3A_113] {strides = array<i32>} : memref<64x768xf32, #tpu.memory_space<vmem>>, vector<16xf32>,
      %add3A_115 = arith.addf %get3A_111, %get3A_114 : vector<16xf32>
      %swap3A_116 = arith.index_cast %scan3A_19 : i32 to index
      %swap3A_117 = arith.constant 144 : index
      %swap3A_118 = tpu.vector_load %arg8[%swap3A_116, %swap3A_117] {strides = array<i32>} : memref<64x768xf32, #tpu.memory_space<vmem>>, vector<16xf32>,
      tpu.vector_store %arg8[%swap3A_116, %swap3A_117], %add3A_115 {strides = array<i32>} : memref<64x768xf32, #tpu.memory_space<vmem>>, vector<16xf32>,
      %get3A_119 = arith.index_cast %scan3A_19 : i32 to index
      %get3A_120 = arith.constant 160 : index
      %get3A_121 = tpu.vector_load %arg8[%get3A_119, %get3A_120] {strides = array<i32>} : memref<64x768xf32, #tpu.memory_space<vmem>>, vector<16xf32>,
      %get3A_122 = arith.index_cast %scan3A_19 : i32 to index
      %get3A_123 = arith.constant 160 : index
      %get3A_124 = tpu.vector_load %arg9[%get3A_122, %get3A_123] {strides = array<i32>} : memref<64x768xf32, #tpu.memory_space<vmem>>, vector<16xf32>,
      %add3A_125 = arith.addf %get3A_121, %get3A_124 : vector<16xf32>
      %swap3A_126 = arith.index_cast %scan3A_19 : i32 to index
      %swap3A_127 = arith.constant 160 : index
      %swap3A_128 = tpu.vector_load %arg8[%swap3A_126, %swap3A_127] {strides = array<i32>} : memref<64x768xf32, #tpu.memory_space<vmem>>, vector<16xf32>,
      tpu.vector_store %arg8[%swap3A_126, %swap3A_127], %add3A_125 {strides = array<i32>} : memref<64x768xf32, #tpu.memory_space<vmem>>, vector<16xf32>,
      %get3A_129 = arith.index_cast %scan3A_19 : i32 to index
      %get3A_130 = arith.constant 176 : index
      %get3A_131 = tpu.vector_load %arg8[%get3A_129, %get3A_130] {strides = array<i32>} : memref<64x768xf32, #tpu.memory_space<vmem>>, vector<16xf32>,
      %get3A_132 = arith.index_cast %scan3A_19 : i32 to index
      %get3A_133 = arith.constant 176 : index
      %get3A_134 = tpu.vector_load %arg9[%get3A_132, %get3A_133] {strides = array<i32>} : memref<64x768xf32, #tpu.memory_space<vmem>>, vector<16xf32>,
      %add3A_135 = arith.addf %get3A_131, %get3A_134 : vector<16xf32>
      %swap3A_136 = arith.index_cast %scan3A_19 : i32 to index
      %swap3A_137 = arith.constant 176 : index
      %swap3A_138 = tpu.vector_load %arg8[%swap3A_136, %swap3A_137] {strides = array<i32>} : memref<64x768xf32, #tpu.memory_space<vmem>>, vector<16xf32>,
      tpu.vector_store %arg8[%swap3A_136, %swap3A_137], %add3A_135 {strides = array<i32>} : memref<64x768xf32, #tpu.memory_space<vmem>>, vector<16xf32>,
      %get3A_139 = arith.index_cast %scan3A_19 : i32 to index
      %get3A_140 = arith.constant 192 : index
      %get3A_141 = tpu.vector_load %arg8[%get3A_139, %get3A_140] {strides = array<i32>} : memref<64x768xf32, #tpu.memory_space<vmem>>, vector<16xf32>,
      %get3A_142 = arith.index_cast %scan3A_19 : i32 to index
      %get3A_143 = arith.constant 192 : index
      %get3A_144 = tpu.vector_load %arg9[%get3A_142, %get3A_143] {strides = array<i32>} : memref<64x768xf32, #tpu.memory_space<vmem>>, vector<16xf32>,
      %add3A_145 = arith.addf %get3A_141, %get3A_144 : vector<16xf32>
      %swap3A_146 = arith.index_cast %scan3A_19 : i32 to index
      %swap3A_147 = arith.constant 192 : index
      %swap3A_148 = tpu.vector_load %arg8[%swap3A_146, %swap3A_147] {strides = array<i32>} : memref<64x768xf32, #tpu.memory_space<vmem>>, vector<16xf32>,
      tpu.vector_store %arg8[%swap3A_146, %swap3A_147], %add3A_145 {strides = array<i32>} : memref<64x768xf32, #tpu.memory_space<vmem>>, vector<16xf32>,
      %get3A_149 = arith.index_cast %scan3A_19 : i32 to index
      %get3A_150 = arith.constant 208 : index
      %get3A_151 = tpu.vector_load %arg8[%get3A_149, %get3A_150] {strides = array<i32>} : memref<64x768xf32, #tpu.memory_space<vmem>>, vector<16xf32>,
      %get3A_152 = arith.index_cast %scan3A_19 : i32 to index
      %get3A_153 = arith.constant 208 : index
      %get3A_154 = tpu.vector_load %arg9[%get3A_152, %get3A_153] {strides = array<i32>} : memref<64x768xf32, #tpu.memory_space<vmem>>, vector<16xf32>,
      %add3A_155 = arith.addf %get3A_151, %get3A_154 : vector<16xf32>
      %swap3A_156 = arith.index_cast %scan3A_19 : i32 to index
      %swap3A_157 = arith.constant 208 : index
      %swap3A_158 = tpu.vector_load %arg8[%swap3A_156, %swap3A_157] {strides = array<i32>} : memref<64x768xf32, #tpu.memory_space<vmem>>, vector<16xf32>,
      tpu.vector_store %arg8[%swap3A_156, %swap3A_157], %add3A_155 {strides = array<i32>} : memref<64x768xf32, #tpu.memory_space<vmem>>, vector<16xf32>,
      %get3A_159 = arith.index_cast %scan3A_19 : i32 to index
      %get3A_160 = arith.constant 224 : index
      %get3A_161 = tpu.vector_load %arg8[%get3A_159, %get3A_160] {strides = array<i32>} : memref<64x768xf32, #tpu.memory_space<vmem>>, vector<16xf32>,
      %get3A_162 = arith.index_cast %scan3A_19 : i32 to index
      %get3A_163 = arith.constant 224 : index
      %get3A_164 = tpu.vector_load %arg9[%get3A_162, %get3A_163] {strides = array<i32>} : memref<64x768xf32, #tpu.memory_space<vmem>>, vector<16xf32>,
      %add3A_165 = arith.addf %get3A_161, %get3A_164 : vector<16xf32>
      %swap3A_166 = arith.index_cast %scan3A_19 : i32 to index
      %swap3A_167 = arith.constant 224 : index
      %swap3A_168 = tpu.vector_load %arg8[%swap3A_166, %swap3A_167] {strides = array<i32>} : memref<64x768xf32, #tpu.memory_space<vmem>>, vector<16xf32>,
      tpu.vector_store %arg8[%swap3A_166, %swap3A_167], %add3A_165 {strides = array<i32>} : memref<64x768xf32, #tpu.memory_space<vmem>>, vector<16xf32>,
      %get3A_169 = arith.index_cast %scan3A_19 : i32 to index
      %get3A_170 = arith.constant 240 : index
      %get3A_171 = tpu.vector_load %arg8[%get3A_169, %get3A_170] {strides = array<i32>} : memref<64x768xf32, #tpu.memory_space<vmem>>, vector<16xf32>,
      %get3A_172 = arith.index_cast %scan3A_19 : i32 to index
      %get3A_173 = arith.constant 240 : index
      %get3A_174 = tpu.vector_load %arg9[%get3A_172, %get3A_173] {strides = array<i32>} : memref<64x768xf32, #tpu.memory_space<vmem>>, vector<16xf32>,
      %add3A_175 = arith.addf %get3A_171, %get3A_174 : vector<16xf32>
      %swap3A_176 = arith.index_cast %scan3A_19 : i32 to index
      %swap3A_177 = arith.constant 240 : index
      %swap3A_178 = tpu.vector_load %arg8[%swap3A_176, %swap3A_177] {strides = array<i32>} : memref<64x768xf32, #tpu.memory_space<vmem>>, vector<16xf32>,
      tpu.vector_store %arg8[%swap3A_176, %swap3A_177], %add3A_175 {strides = array<i32>} : memref<64x768xf32, #tpu.memory_space<vmem>>, vector<16xf32>,
      %get3A_179 = arith.index_cast %scan3A_19 : i32 to index
      %get3A_180 = arith.constant 256 : index
      %get3A_181 = tpu.vector_load %arg8[%get3A_179, %get3A_180] {strides = array<i32>} : memref<64x768xf32, #tpu.memory_space<vmem>>, vector<16xf32>,
      %get3A_182 = arith.index_cast %scan3A_19 : i32 to index
      %get3A_183 = arith.constant 256 : index
      %get3A_184 = tpu.vector_load %arg9[%get3A_182, %get3A_183] {strides = array<i32>} : memref<64x768xf32, #tpu.memory_space<vmem>>, vector<16xf32>,
      %add3A_185 = arith.addf %get3A_181, %get3A_184 : vector<16xf32>
      %swap3A_186 = arith.index_cast %scan3A_19 : i32 to index
      %swap3A_187 = arith.constant 256 : index
      %swap3A_188 = tpu.vector_load %arg8[%swap3A_186, %swap3A_187] {strides = array<i32>} : memref<64x768xf32, #tpu.memory_space<vmem>>, vector<16xf32>,
      tpu.vector_store %arg8[%swap3A_186, %swap3A_187], %add3A_185 {strides = array<i32>} : memref<64x768xf32, #tpu.memory_space<vmem>>, vector<16xf32>,
      %get3A_189 = arith.index_cast %scan3A_19 : i32 to index
      %get3A_190 = arith.constant 272 : index
      %get3A_191 = tpu.vector_load %arg8[%get3A_189, %get3A_190] {strides = array<i32>} : memref<64x768xf32, #tpu.memory_space<vmem>>, vector<16xf32>,
      %get3A_192 = arith.index_cast %scan3A_19 : i32 to index
      %get3A_193 = arith.constant 272 : index
      %get3A_194 = tpu.vector_load %arg9[%get3A_192, %get3A_193] {strides = array<i32>} : memref<64x768xf32, #tpu.memory_space<vmem>>, vector<16xf32>,
      %add3A_195 = arith.addf %get3A_191, %get3A_194 : vector<16xf32>
      %swap3A_196 = arith.index_cast %scan3A_19 : i32 to index
      %swap3A_197 = arith.constant 272 : index
      %swap3A_198 = tpu.vector_load %arg8[%swap3A_196, %swap3A_197] {strides = array<i32>} : memref<64x768xf32, #tpu.memory_space<vmem>>, vector<16xf32>,
      tpu.vector_store %arg8[%swap3A_196, %swap3A_197], %add3A_195 {strides = array<i32>} : memref<64x768xf32, #tpu.memory_space<vmem>>, vector<16xf32>,
      %get3A_199 = arith.index_cast %scan3A_19 : i32 to index
      %get3A_200 = arith.constant 288 : index
      %get3A_201 = tpu.vector_load %arg8[%get3A_199, %get3A_200] {strides = array<i32>} : memref<64x768xf32, #tpu.memory_space<vmem>>, vector<16xf32>,
      %get3A_202 = arith.index_cast %scan3A_19 : i32 to index
      %get3A_203 = arith.constant 288 : index
      %get3A_204 = tpu.vector_load %arg9[%get3A_202, %get3A_203] {strides = array<i32>} : memref<64x768xf32, #tpu.memory_space<vmem>>, vector<16xf32>,
      %add3A_205 = arith.addf %get3A_201, %get3A_204 : vector<16xf32>
      %swap3A_206 = arith.index_cast %scan3A_19 : i32 to index
      %swap3A_207 = arith.constant 288 : index
      %swap3A_208 = tpu.vector_load %arg8[%swap3A_206, %swap3A_207] {strides = array<i32>} : memref<64x768xf32, #tpu.memory_space<vmem>>, vector<16xf32>,
      tpu.vector_store %arg8[%swap3A_206, %swap3A_207], %add3A_205 {strides = array<i32>} : memref<64x768xf32, #tpu.memory_space<vmem>>, vector<16xf32>,
      %get3A_209 = arith.index_cast %scan3A_19 : i32 to index
      %get3A_210 = arith.constant 304 : index
      %get3A_211 = tpu.vector_load %arg8[%get3A_209, %get3A_210] {strides = array<i32>} : memref<64x768xf32, #tpu.memory_space<vmem>>, vector<16xf32>,
      %get3A_212 = arith.index_cast %scan3A_19 : i32 to index
      %get3A_213 = arith.constant 304 : index
      %get3A_214 = tpu.vector_load %arg9[%get3A_212, %get3A_213] {strides = array<i32>} : memref<64x768xf32, #tpu.memory_space<vmem>>, vector<16xf32>,
      %add3A_215 = arith.addf %get3A_211, %get3A_214 : vector<16xf32>
      %swap3A_216 = arith.index_cast %scan3A_19 : i32 to index
      %swap3A_217 = arith.constant 304 : index
      %swap3A_218 = tpu.vector_load %arg8[%swap3A_216, %swap3A_217] {strides = array<i32>} : memref<64x768xf32, #tpu.memory_space<vmem>>, vector<16xf32>,
      tpu.vector_store %arg8[%swap3A_216, %swap3A_217], %add3A_215 {strides = array<i32>} : memref<64x768xf32, #tpu.memory_space<vmem>>, vector<16xf32>,
      %get3A_219 = arith.index_cast %scan3A_19 : i32 to index
      %get3A_220 = arith.constant 320 : index
      %get3A_221 = tpu.vector_load %arg8[%get3A_219, %get3A_220] {strides = array<i32>} : memref<64x768xf32, #tpu.memory_space<vmem>>, vector<16xf32>,
      %get3A_222 = arith.index_cast %scan3A_19 : i32 to index
      %get3A_223 = arith.constant 320 : index
      %get3A_224 = tpu.vector_load %arg9[%get3A_222, %get3A_223] {strides = array<i32>} : memref<64x768xf32, #tpu.memory_space<vmem>>, vector<16xf32>,
      %add3A_225 = arith.addf %get3A_221, %get3A_224 : vector<16xf32>
      %swap3A_226 = arith.index_cast %scan3A_19 : i32 to index
      %swap3A_227 = arith.constant 320 : index
      %swap3A_228 = tpu.vector_load %arg8[%swap3A_226, %swap3A_227] {strides = array<i32>} : memref<64x768xf32, #tpu.memory_space<vmem>>, vector<16xf32>,
      tpu.vector_store %arg8[%swap3A_226, %swap3A_227], %add3A_225 {strides = array<i32>} : memref<64x768xf32, #tpu.memory_space<vmem>>, vector<16xf32>,
      %get3A_229 = arith.index_cast %scan3A_19 : i32 to index
      %get3A_230 = arith.constant 336 : index
      %get3A_231 = tpu.vector_load %arg8[%get3A_229, %get3A_230] {strides = array<i32>} : memref<64x768xf32, #tpu.memory_space<vmem>>, vector<16xf32>,
      %get3A_232 = arith.index_cast %scan3A_19 : i32 to index
      %get3A_233 = arith.constant 336 : index
      %get3A_234 = tpu.vector_load %arg9[%get3A_232, %get3A_233] {strides = array<i32>} : memref<64x768xf32, #tpu.memory_space<vmem>>, vector<16xf32>,
      %add3A_235 = arith.addf %get3A_231, %get3A_234 : vector<16xf32>
      %swap3A_236 = arith.index_cast %scan3A_19 : i32 to index
      %swap3A_237 = arith.constant 336 : index
      %swap3A_238 = tpu.vector_load %arg8[%swap3A_236, %swap3A_237] {strides = array<i32>} : memref<64x768xf32, #tpu.memory_space<vmem>>, vector<16xf32>,
      tpu.vector_store %arg8[%swap3A_236, %swap3A_237], %add3A_235 {strides = array<i32>} : memref<64x768xf32, #tpu.memory_space<vmem>>, vector<16xf32>,
      %get3A_239 = arith.index_cast %scan3A_19 : i32 to index
      %get3A_240 = arith.constant 352 : index
      %get3A_241 = tpu.vector_load %arg8[%get3A_239, %get3A_240] {strides = array<i32>} : memref<64x768xf32, #tpu.memory_space<vmem>>, vector<16xf32>,
      %get3A_242 = arith.index_cast %scan3A_19 : i32 to index
      %get3A_243 = arith.constant 352 : index
      %get3A_244 = tpu.vector_load %arg9[%get3A_242, %get3A_243] {strides = array<i32>} : memref<64x768xf32, #tpu.memory_space<vmem>>, vector<16xf32>,
      %add3A_245 = arith.addf %get3A_241, %get3A_244 : vector<16xf32>
      %swap3A_246 = arith.index_cast %scan3A_19 : i32 to index
      %swap3A_247 = arith.constant 352 : index
      %swap3A_248 = tpu.vector_load %arg8[%swap3A_246, %swap3A_247] {strides = array<i32>} : memref<64x768xf32, #tpu.memory_space<vmem>>, vector<16xf32>,
      tpu.vector_store %arg8[%swap3A_246, %swap3A_247], %add3A_245 {strides = array<i32>} : memref<64x768xf32, #tpu.memory_space<vmem>>, vector<16xf32>,
      %get3A_249 = arith.index_cast %scan3A_19 : i32 to index
      %get3A_250 = arith.constant 368 : index
      %get3A_251 = tpu.vector_load %arg8[%get3A_249, %get3A_250] {strides = array<i32>} : memref<64x768xf32, #tpu.memory_space<vmem>>, vector<16xf32>,
      %get3A_252 = arith.index_cast %scan3A_19 : i32 to index
      %get3A_253 = arith.constant 368 : index
      %get3A_254 = tpu.vector_load %arg9[%get3A_252, %get3A_253] {strides = array<i32>} : memref<64x768xf32, #tpu.memory_space<vmem>>, vector<16xf32>,
      %add3A_255 = arith.addf %get3A_251, %get3A_254 : vector<16xf32>
      %swap3A_256 = arith.index_cast %scan3A_19 : i32 to index
      %swap3A_257 = arith.constant 368 : index
      %swap3A_258 = tpu.vector_load %arg8[%swap3A_256, %swap3A_257] {strides = array<i32>} : memref<64x768xf32, #tpu.memory_space<vmem>>, vector<16xf32>,
      tpu.vector_store %arg8[%swap3A_256, %swap3A_257], %add3A_255 {strides = array<i32>} : memref<64x768xf32, #tpu.memory_space<vmem>>, vector<16xf32>,
      %get3A_259 = arith.index_cast %scan3A_19 : i32 to index
      %get3A_260 = arith.constant 384 : index
      %get3A_261 = tpu.vector_load %arg8[%get3A_259, %get3A_260] {strides = array<i32>} : memref<64x768xf32, #tpu.memory_space<vmem>>, vector<16xf32>,
      %get3A_262 = arith.index_cast %scan3A_19 : i32 to index
      %get3A_263 = arith.constant 384 : index
      %get3A_264 = tpu.vector_load %arg9[%get3A_262, %get3A_263] {strides = array<i32>} : memref<64x768xf32, #tpu.memory_space<vmem>>, vector<16xf32>,
      %add3A_265 = arith.addf %get3A_261, %get3A_264 : vector<16xf32>
      %swap3A_266 = arith.index_cast %scan3A_19 : i32 to index
      %swap3A_267 = arith.constant 384 : index
      %swap3A_268 = tpu.vector_load %arg8[%swap3A_266, %swap3A_267] {strides = array<i32>} : memref<64x768xf32, #tpu.memory_space<vmem>>, vector<16xf32>,
      tpu.vector_store %arg8[%swap3A_266, %swap3A_267], %add3A_265 {strides = array<i32>} : memref<64x768xf32, #tpu.memory_space<vmem>>, vector<16xf32>,
      %get3A_269 = arith.index_cast %scan3A_19 : i32 to index
      %get3A_270 = arith.constant 400 : index
      %get3A_271 = tpu.vector_load %arg8[%get3A_269, %get3A_270] {strides = array<i32>} : memref<64x768xf32, #tpu.memory_space<vmem>>, vector<16xf32>,
      %get3A_272 = arith.index_cast %scan3A_19 : i32 to index
      %get3A_273 = arith.constant 400 : index
      %get3A_274 = tpu.vector_load %arg9[%get3A_272, %get3A_273] {strides = array<i32>} : memref<64x768xf32, #tpu.memory_space<vmem>>, vector<16xf32>,
      %add3A_275 = arith.addf %get3A_271, %get3A_274 : vector<16xf32>
      %swap3A_276 = arith.index_cast %scan3A_19 : i32 to index
      %swap3A_277 = arith.constant 400 : index
      %swap3A_278 = tpu.vector_load %arg8[%swap3A_276, %swap3A_277] {strides = array<i32>} : memref<64x768xf32, #tpu.memory_space<vmem>>, vector<16xf32>,
      tpu.vector_store %arg8[%swap3A_276, %swap3A_277], %add3A_275 {strides = array<i32>} : memref<64x768xf32, #tpu.memory_space<vmem>>, vector<16xf32>,
      %get3A_279 = arith.index_cast %scan3A_19 : i32 to index
      %get3A_280 = arith.constant 416 : index
      %get3A_281 = tpu.vector_load %arg8[%get3A_279, %get3A_280] {strides = array<i32>} : memref<64x768xf32, #tpu.memory_space<vmem>>, vector<16xf32>,
      %get3A_282 = arith.index_cast %scan3A_19 : i32 to index
      %get3A_283 = arith.constant 416 : index
      %get3A_284 = tpu.vector_load %arg9[%get3A_282, %get3A_283] {strides = array<i32>} : memref<64x768xf32, #tpu.memory_space<vmem>>, vector<16xf32>,
      %add3A_285 = arith.addf %get3A_281, %get3A_284 : vector<16xf32>
      %swap3A_286 = arith.index_cast %scan3A_19 : i32 to index
      %swap3A_287 = arith.constant 416 : index
      %swap3A_288 = tpu.vector_load %arg8[%swap3A_286, %swap3A_287] {strides = array<i32>} : memref<64x768xf32, #tpu.memory_space<vmem>>, vector<16xf32>,
      tpu.vector_store %arg8[%swap3A_286, %swap3A_287], %add3A_285 {strides = array<i32>} : memref<64x768xf32, #tpu.memory_space<vmem>>, vector<16xf32>,
      %get3A_289 = arith.index_cast %scan3A_19 : i32 to index
      %get3A_290 = arith.constant 432 : index
      %get3A_291 = tpu.vector_load %arg8[%get3A_289, %get3A_290] {strides = array<i32>} : memref<64x768xf32, #tpu.memory_space<vmem>>, vector<16xf32>,
      %get3A_292 = arith.index_cast %scan3A_19 : i32 to index
      %get3A_293 = arith.constant 432 : index
      %get3A_294 = tpu.vector_load %arg9[%get3A_292, %get3A_293] {strides = array<i32>} : memref<64x768xf32, #tpu.memory_space<vmem>>, vector<16xf32>,
      %add3A_295 = arith.addf %get3A_291, %get3A_294 : vector<16xf32>
      %swap3A_296 = arith.index_cast %scan3A_19 : i32 to index
      %swap3A_297 = arith.constant 432 : index
      %swap3A_298 = tpu.vector_load %arg8[%swap3A_296, %swap3A_297] {strides = array<i32>} : memref<64x768xf32, #tpu.memory_space<vmem>>, vector<16xf32>,
      tpu.vector_store %arg8[%swap3A_296, %swap3A_297], %add3A_295 {strides = array<i32>} : memref<64x768xf32, #tpu.memory_space<vmem>>, vector<16xf32>,
      %get3A_299 = arith.index_cast %scan3A_19 : i32 to index
      %get3A_300 = arith.constant 448 : index
      %get3A_301 = tpu.vector_load %arg8[%get3A_299, %get3A_300] {strides = array<i32>} : memref<64x768xf32, #tpu.memory_space<vmem>>, vector<16xf32>,
      %get3A_302 = arith.index_cast %scan3A_19 : i32 to index
      %get3A_303 = arith.constant 448 : index
      %get3A_304 = tpu.vector_load %arg9[%get3A_302, %get3A_303] {strides = array<i32>} : memref<64x768xf32, #tpu.memory_space<vmem>>, vector<16xf32>,
      %add3A_305 = arith.addf %get3A_301, %get3A_304 : vector<16xf32>
      %swap3A_306 = arith.index_cast %scan3A_19 : i32 to index
      %swap3A_307 = arith.constant 448 : index
      %swap3A_308 = tpu.vector_load %arg8[%swap3A_306, %swap3A_307] {strides = array<i32>} : memref<64x768xf32, #tpu.memory_space<vmem>>, vector<16xf32>,
      tpu.vector_store %arg8[%swap3A_306, %swap3A_307], %add3A_305 {strides = array<i32>} : memref<64x768xf32, #tpu.memory_space<vmem>>, vector<16xf32>,
      %get3A_309 = arith.index_cast %scan3A_19 : i32 to index
      %get3A_310 = arith.constant 464 : index
      %get3A_311 = tpu.vector_load %arg8[%get3A_309, %get3A_310] {strides = array<i32>} : memref<64x768xf32, #tpu.memory_space<vmem>>, vector<16xf32>,
      %get3A_312 = arith.index_cast %scan3A_19 : i32 to index
      %get3A_313 = arith.constant 464 : index
      %get3A_314 = tpu.vector_load %arg9[%get3A_312, %get3A_313] {strides = array<i32>} : memref<64x768xf32, #tpu.memory_space<vmem>>, vector<16xf32>,
      %add3A_315 = arith.addf %get3A_311, %get3A_314 : vector<16xf32>
      %swap3A_316 = arith.index_cast %scan3A_19 : i32 to index
      %swap3A_317 = arith.constant 464 : index
      %swap3A_318 = tpu.vector_load %arg8[%swap3A_316, %swap3A_317] {strides = array<i32>} : memref<64x768xf32, #tpu.memory_space<vmem>>, vector<16xf32>,
      tpu.vector_store %arg8[%swap3A_316, %swap3A_317], %add3A_315 {strides = array<i32>} : memref<64x768xf32, #tpu.memory_space<vmem>>, vector<16xf32>,
      %get3A_319 = arith.index_cast %scan3A_19 : i32 to index
      %get3A_320 = arith.constant 480 : index
      %get3A_321 = tpu.vector_load %arg8[%get3A_319, %get3A_320] {strides = array<i32>} : memref<64x768xf32, #tpu.memory_space<vmem>>, vector<16xf32>,
      %get3A_322 = arith.index_cast %scan3A_19 : i32 to index
      %get3A_323 = arith.constant 480 : index
      %get3A_324 = tpu.vector_load %arg9[%get3A_322, %get3A_323] {strides = array<i32>} : memref<64x768xf32, #tpu.memory_space<vmem>>, vector<16xf32>,
      %add3A_325 = arith.addf %get3A_321, %get3A_324 : vector<16xf32>
      %swap3A_326 = arith.index_cast %scan3A_19 : i32 to index
      %swap3A_327 = arith.constant 480 : index
      %swap3A_328 = tpu.vector_load %arg8[%swap3A_326, %swap3A_327] {strides = array<i32>} : memref<64x768xf32, #tpu.memory_space<vmem>>, vector<16xf32>,
      tpu.vector_store %arg8[%swap3A_326, %swap3A_327], %add3A_325 {strides = array<i32>} : memref<64x768xf32, #tpu.memory_space<vmem>>, vector<16xf32>,
      %get3A_329 = arith.index_cast %scan3A_19 : i32 to index
      %get3A_330 = arith.constant 496 : index
      %get3A_331 = tpu.vector_load %arg8[%get3A_329, %get3A_330] {strides = array<i32>} : memref<64x768xf32, #tpu.memory_space<vmem>>, vector<16xf32>,
      %get3A_332 = arith.index_cast %scan3A_19 : i32 to index
      %get3A_333 = arith.constant 496 : index
      %get3A_334 = tpu.vector_load %arg9[%get3A_332, %get3A_333] {strides = array<i32>} : memref<64x768xf32, #tpu.memory_space<vmem>>, vector<16xf32>,
      %add3A_335 = arith.addf %get3A_331, %get3A_334 : vector<16xf32>
      %swap3A_336 = arith.index_cast %scan3A_19 : i32 to index
      %swap3A_337 = arith.constant 496 : index
      %swap3A_338 = tpu.vector_load %arg8[%swap3A_336, %swap3A_337] {strides = array<i32>} : memref<64x768xf32, #tpu.memory_space<vmem>>, vector<16xf32>,
      tpu.vector_store %arg8[%swap3A_336, %swap3A_337], %add3A_335 {strides = array<i32>} : memref<64x768xf32, #tpu.memory_space<vmem>>, vector<16xf32>,
      %get3A_339 = arith.index_cast %scan3A_19 : i32 to index
      %get3A_340 = arith.constant 512 : index
      %get3A_341 = tpu.vector_load %arg8[%get3A_339, %get3A_340] {strides = array<i32>} : memref<64x768xf32, #tpu.memory_space<vmem>>, vector<16xf32>,
      %get3A_342 = arith.index_cast %scan3A_19 : i32 to index
      %get3A_343 = arith.constant 512 : index
      %get3A_344 = tpu.vector_load %arg9[%get3A_342, %get3A_343] {strides = array<i32>} : memref<64x768xf32, #tpu.memory_space<vmem>>, vector<16xf32>,
      %add3A_345 = arith.addf %get3A_341, %get3A_344 : vector<16xf32>
      %swap3A_346 = arith.index_cast %scan3A_19 : i32 to index
      %swap3A_347 = arith.constant 512 : index
      %swap3A_348 = tpu.vector_load %arg8[%swap3A_346, %swap3A_347] {strides = array<i32>} : memref<64x768xf32, #tpu.memory_space<vmem>>, vector<16xf32>,
      tpu.vector_store %arg8[%swap3A_346, %swap3A_347], %add3A_345 {strides = array<i32>} : memref<64x768xf32, #tpu.memory_space<vmem>>, vector<16xf32>,
      %get3A_349 = arith.index_cast %scan3A_19 : i32 to index
      %get3A_350 = arith.constant 528 : index
      %get3A_351 = tpu.vector_load %arg8[%get3A_349, %get3A_350] {strides = array<i32>} : memref<64x768xf32, #tpu.memory_space<vmem>>, vector<16xf32>,
      %get3A_352 = arith.index_cast %scan3A_19 : i32 to index
      %get3A_353 = arith.constant 528 : index
      %get3A_354 = tpu.vector_load %arg9[%get3A_352, %get3A_353] {strides = array<i32>} : memref<64x768xf32, #tpu.memory_space<vmem>>, vector<16xf32>,
      %add3A_355 = arith.addf %get3A_351, %get3A_354 : vector<16xf32>
      %swap3A_356 = arith.index_cast %scan3A_19 : i32 to index
      %swap3A_357 = arith.constant 528 : index
      %swap3A_358 = tpu.vector_load %arg8[%swap3A_356, %swap3A_357] {strides = array<i32>} : memref<64x768xf32, #tpu.memory_space<vmem>>, vector<16xf32>,
      tpu.vector_store %arg8[%swap3A_356, %swap3A_357], %add3A_355 {strides = array<i32>} : memref<64x768xf32, #tpu.memory_space<vmem>>, vector<16xf32>,
      %get3A_359 = arith.index_cast %scan3A_19 : i32 to index
      %get3A_360 = arith.constant 544 : index
      %get3A_361 = tpu.vector_load %arg8[%get3A_359, %get3A_360] {strides = array<i32>} : memref<64x768xf32, #tpu.memory_space<vmem>>, vector<16xf32>,
      %get3A_362 = arith.index_cast %scan3A_19 : i32 to index
      %get3A_363 = arith.constant 544 : index
      %get3A_364 = tpu.vector_load %arg9[%get3A_362, %get3A_363] {strides = array<i32>} : memref<64x768xf32, #tpu.memory_space<vmem>>, vector<16xf32>,
      %add3A_365 = arith.addf %get3A_361, %get3A_364 : vector<16xf32>
      %swap3A_366 = arith.index_cast %scan3A_19 : i32 to index
      %swap3A_367 = arith.constant 544 : index
      %swap3A_368 = tpu.vector_load %arg8[%swap3A_366, %swap3A_367] {strides = array<i32>} : memref<64x768xf32, #tpu.memory_space<vmem>>, vector<16xf32>,
      tpu.vector_store %arg8[%swap3A_366, %swap3A_367], %add3A_365 {strides = array<i32>} : memref<64x768xf32, #tpu.memory_space<vmem>>, vector<16xf32>,
      %get3A_369 = arith.index_cast %scan3A_19 : i32 to index
      %get3A_370 = arith.constant 560 : index
      %get3A_371 = tpu.vector_load %arg8[%get3A_369, %get3A_370] {strides = array<i32>} : memref<64x768xf32, #tpu.memory_space<vmem>>, vector<16xf32>,
      %get3A_372 = arith.index_cast %scan3A_19 : i32 to index
      %get3A_373 = arith.constant 560 : index
      %get3A_374 = tpu.vector_load %arg9[%get3A_372, %get3A_373] {strides = array<i32>} : memref<64x768xf32, #tpu.memory_space<vmem>>, vector<16xf32>,
      %add3A_375 = arith.addf %get3A_371, %get3A_374 : vector<16xf32>
      %swap3A_376 = arith.index_cast %scan3A_19 : i32 to index
      %swap3A_377 = arith.constant 560 : index
      %swap3A_378 = tpu.vector_load %arg8[%swap3A_376, %swap3A_377] {strides = array<i32>} : memref<64x768xf32, #tpu.memory_space<vmem>>, vector<16xf32>,
      tpu.vector_store %arg8[%swap3A_376, %swap3A_377], %add3A_375 {strides = array<i32>} : memref<64x768xf32, #tpu.memory_space<vmem>>, vector<16xf32>,
      %get3A_379 = arith.index_cast %scan3A_19 : i32 to index
      %get3A_380 = arith.constant 576 : index
      %get3A_381 = tpu.vector_load %arg8[%get3A_379, %get3A_380] {strides = array<i32>} : memref<64x768xf32, #tpu.memory_space<vmem>>, vector<16xf32>,
      %get3A_382 = arith.index_cast %scan3A_19 : i32 to index
      %get3A_383 = arith.constant 576 : index
      %get3A_384 = tpu.vector_load %arg9[%get3A_382, %get3A_383] {strides = array<i32>} : memref<64x768xf32, #tpu.memory_space<vmem>>, vector<16xf32>,
      %add3A_385 = arith.addf %get3A_381, %get3A_384 : vector<16xf32>
      %swap3A_386 = arith.index_cast %scan3A_19 : i32 to index
      %swap3A_387 = arith.constant 576 : index
      %swap3A_388 = tpu.vector_load %arg8[%swap3A_386, %swap3A_387] {strides = array<i32>} : memref<64x768xf32, #tpu.memory_space<vmem>>, vector<16xf32>,
      tpu.vector_store %arg8[%swap3A_386, %swap3A_387], %add3A_385 {strides = array<i32>} : memref<64x768xf32, #tpu.memory_space<vmem>>, vector<16xf32>,
      %get3A_389 = arith.index_cast %scan3A_19 : i32 to index
      %get3A_390 = arith.constant 592 : index
      %get3A_391 = tpu.vector_load %arg8[%get3A_389, %get3A_390] {strides = array<i32>} : memref<64x768xf32, #tpu.memory_space<vmem>>, vector<16xf32>,
      %get3A_392 = arith.index_cast %scan3A_19 : i32 to index
      %get3A_393 = arith.constant 592 : index
      %get3A_394 = tpu.vector_load %arg9[%get3A_392, %get3A_393] {strides = array<i32>} : memref<64x768xf32, #tpu.memory_space<vmem>>, vector<16xf32>,
      %add3A_395 = arith.addf %get3A_391, %get3A_394 : vector<16xf32>
      %swap3A_396 = arith.index_cast %scan3A_19 : i32 to index
      %swap3A_397 = arith.constant 592 : index
      %swap3A_398 = tpu.vector_load %arg8[%swap3A_396, %swap3A_397] {strides = array<i32>} : memref<64x768xf32, #tpu.memory_space<vmem>>, vector<16xf32>,
      tpu.vector_store %arg8[%swap3A_396, %swap3A_397], %add3A_395 {strides = array<i32>} : memref<64x768xf32, #tpu.memory_space<vmem>>, vector<16xf32>,
      %get3A_399 = arith.index_cast %scan3A_19 : i32 to index
      %get3A_400 = arith.constant 608 : index
      %get3A_401 = tpu.vector_load %arg8[%get3A_399, %get3A_400] {strides = array<i32>} : memref<64x768xf32, #tpu.memory_space<vmem>>, vector<16xf32>,
      %get3A_402 = arith.index_cast %scan3A_19 : i32 to index
      %get3A_403 = arith.constant 608 : index
      %get3A_404 = tpu.vector_load %arg9[%get3A_402, %get3A_403] {strides = array<i32>} : memref<64x768xf32, #tpu.memory_space<vmem>>, vector<16xf32>,
      %add3A_405 = arith.addf %get3A_401, %get3A_404 : vector<16xf32>
      %swap3A_406 = arith.index_cast %scan3A_19 : i32 to index
      %swap3A_407 = arith.constant 608 : index
      %swap3A_408 = tpu.vector_load %arg8[%swap3A_406, %swap3A_407] {strides = array<i32>} : memref<64x768xf32, #tpu.memory_space<vmem>>, vector<16xf32>,
      tpu.vector_store %arg8[%swap3A_406, %swap3A_407], %add3A_405 {strides = array<i32>} : memref<64x768xf32, #tpu.memory_space<vmem>>, vector<16xf32>,
      %get3A_409 = arith.index_cast %scan3A_19 : i32 to index
      %get3A_410 = arith.constant 624 : index
      %get3A_411 = tpu.vector_load %arg8[%get3A_409, %get3A_410] {strides = array<i32>} : memref<64x768xf32, #tpu.memory_space<vmem>>, vector<16xf32>,
      %get3A_412 = arith.index_cast %scan3A_19 : i32 to index
      %get3A_413 = arith.constant 624 : index
      %get3A_414 = tpu.vector_load %arg9[%get3A_412, %get3A_413] {strides = array<i32>} : memref<64x768xf32, #tpu.memory_space<vmem>>, vector<16xf32>,
      %add3A_415 = arith.addf %get3A_411, %get3A_414 : vector<16xf32>
      %swap3A_416 = arith.index_cast %scan3A_19 : i32 to index
      %swap3A_417 = arith.constant 624 : index
      %swap3A_418 = tpu.vector_load %arg8[%swap3A_416, %swap3A_417] {strides = array<i32>} : memref<64x768xf32, #tpu.memory_space<vmem>>, vector<16xf32>,
      tpu.vector_store %arg8[%swap3A_416, %swap3A_417], %add3A_415 {strides = array<i32>} : memref<64x768xf32, #tpu.memory_space<vmem>>, vector<16xf32>,
      %get3A_419 = arith.index_cast %scan3A_19 : i32 to index
      %get3A_420 = arith.constant 640 : index
      %get3A_421 = tpu.vector_load %arg8[%get3A_419, %get3A_420] {strides = array<i32>} : memref<64x768xf32, #tpu.memory_space<vmem>>, vector<16xf32>,
      %get3A_422 = arith.index_cast %scan3A_19 : i32 to index
      %get3A_423 = arith.constant 640 : index
      %get3A_424 = tpu.vector_load %arg9[%get3A_422, %get3A_423] {strides = array<i32>} : memref<64x768xf32, #tpu.memory_space<vmem>>, vector<16xf32>,
      %add3A_425 = arith.addf %get3A_421, %get3A_424 : vector<16xf32>
      %swap3A_426 = arith.index_cast %scan3A_19 : i32 to index
      %swap3A_427 = arith.constant 640 : index
      %swap3A_428 = tpu.vector_load %arg8[%swap3A_426, %swap3A_427] {strides = array<i32>} : memref<64x768xf32, #tpu.memory_space<vmem>>, vector<16xf32>,
      tpu.vector_store %arg8[%swap3A_426, %swap3A_427], %add3A_425 {strides = array<i32>} : memref<64x768xf32, #tpu.memory_space<vmem>>, vector<16xf32>,
      %get3A_429 = arith.index_cast %scan3A_19 : i32 to index
      %get3A_430 = arith.constant 656 : index
      %get3A_431 = tpu.vector_load %arg8[%get3A_429, %get3A_430] {strides = array<i32>} : memref<64x768xf32, #tpu.memory_space<vmem>>, vector<16xf32>,
      %get3A_432 = arith.index_cast %scan3A_19 : i32 to index
      %get3A_433 = arith.constant 656 : index
      %get3A_434 = tpu.vector_load %arg9[%get3A_432, %get3A_433] {strides = array<i32>} : memref<64x768xf32, #tpu.memory_space<vmem>>, vector<16xf32>,
      %add3A_435 = arith.addf %get3A_431, %get3A_434 : vector<16xf32>
      %swap3A_436 = arith.index_cast %scan3A_19 : i32 to index
      %swap3A_437 = arith.constant 656 : index
      %swap3A_438 = tpu.vector_load %arg8[%swap3A_436, %swap3A_437] {strides = array<i32>} : memref<64x768xf32, #tpu.memory_space<vmem>>, vector<16xf32>,
      tpu.vector_store %arg8[%swap3A_436, %swap3A_437], %add3A_435 {strides = array<i32>} : memref<64x768xf32, #tpu.memory_space<vmem>>, vector<16xf32>,
      %get3A_439 = arith.index_cast %scan3A_19 : i32 to index
      %get3A_440 = arith.constant 672 : index
      %get3A_441 = tpu.vector_load %arg8[%get3A_439, %get3A_440] {strides = array<i32>} : memref<64x768xf32, #tpu.memory_space<vmem>>, vector<16xf32>,
      %get3A_442 = arith.index_cast %scan3A_19 : i32 to index
      %get3A_443 = arith.constant 672 : index
      %get3A_444 = tpu.vector_load %arg9[%get3A_442, %get3A_443] {strides = array<i32>} : memref<64x768xf32, #tpu.memory_space<vmem>>, vector<16xf32>,
      %add3A_445 = arith.addf %get3A_441, %get3A_444 : vector<16xf32>
      %swap3A_446 = arith.index_cast %scan3A_19 : i32 to index
      %swap3A_447 = arith.constant 672 : index
      %swap3A_448 = tpu.vector_load %arg8[%swap3A_446, %swap3A_447] {strides = array<i32>} : memref<64x768xf32, #tpu.memory_space<vmem>>, vector<16xf32>,
      tpu.vector_store %arg8[%swap3A_446, %swap3A_447], %add3A_445 {strides = array<i32>} : memref<64x768xf32, #tpu.memory_space<vmem>>, vector<16xf32>,
      %get3A_449 = arith.index_cast %scan3A_19 : i32 to index
      %get3A_450 = arith.constant 688 : index
      %get3A_451 = tpu.vector_load %arg8[%get3A_449, %get3A_450] {strides = array<i32>} : memref<64x768xf32, #tpu.memory_space<vmem>>, vector<16xf32>,
      %get3A_452 = arith.index_cast %scan3A_19 : i32 to index
      %get3A_453 = arith.constant 688 : index
      %get3A_454 = tpu.vector_load %arg9[%get3A_452, %get3A_453] {strides = array<i32>} : memref<64x768xf32, #tpu.memory_space<vmem>>, vector<16xf32>,
      %add3A_455 = arith.addf %get3A_451, %get3A_454 : vector<16xf32>
      %swap3A_456 = arith.index_cast %scan3A_19 : i32 to index
      %swap3A_457 = arith.constant 688 : index
      %swap3A_458 = tpu.vector_load %arg8[%swap3A_456, %swap3A_457] {strides = array<i32>} : memref<64x768xf32, #tpu.memory_space<vmem>>, vector<16xf32>,
      tpu.vector_store %arg8[%swap3A_456, %swap3A_457], %add3A_455 {strides = array<i32>} : memref<64x768xf32, #tpu.memory_space<vmem>>, vector<16xf32>,
      %get3A_459 = arith.index_cast %scan3A_19 : i32 to index
      %get3A_460 = arith.constant 704 : index
      %get3A_461 = tpu.vector_load %arg8[%get3A_459, %get3A_460] {strides = array<i32>} : memref<64x768xf32, #tpu.memory_space<vmem>>, vector<16xf32>,
      %get3A_462 = arith.index_cast %scan3A_19 : i32 to index
      %get3A_463 = arith.constant 704 : index
      %get3A_464 = tpu.vector_load %arg9[%get3A_462, %get3A_463] {strides = array<i32>} : memref<64x768xf32, #tpu.memory_space<vmem>>, vector<16xf32>,
      %add3A_465 = arith.addf %get3A_461, %get3A_464 : vector<16xf32>
      %swap3A_466 = arith.index_cast %scan3A_19 : i32 to index
      %swap3A_467 = arith.constant 704 : index
      %swap3A_468 = tpu.vector_load %arg8[%swap3A_466, %swap3A_467] {strides = array<i32>} : memref<64x768xf32, #tpu.memory_space<vmem>>, vector<16xf32>,
      tpu.vector_store %arg8[%swap3A_466, %swap3A_467], %add3A_465 {strides = array<i32>} : memref<64x768xf32, #tpu.memory_space<vmem>>, vector<16xf32>,
      %get3A_469 = arith.index_cast %scan3A_19 : i32 to index
      %get3A_470 = arith.constant 720 : index
      %get3A_471 = tpu.vector_load %arg8[%get3A_469, %get3A_470] {strides = array<i32>} : memref<64x768xf32, #tpu.memory_space<vmem>>, vector<16xf32>,
      %get3A_472 = arith.index_cast %scan3A_19 : i32 to index
      %get3A_473 = arith.constant 720 : index
      %get3A_474 = tpu.vector_load %arg9[%get3A_472, %get3A_473] {strides = array<i32>} : memref<64x768xf32, #tpu.memory_space<vmem>>, vector<16xf32>,
      %add3A_475 = arith.addf %get3A_471, %get3A_474 : vector<16xf32>
      %swap3A_476 = arith.index_cast %scan3A_19 : i32 to index
      %swap3A_477 = arith.constant 720 : index
      %swap3A_478 = tpu.vector_load %arg8[%swap3A_476, %swap3A_477] {strides = array<i32>} : memref<64x768xf32, #tpu.memory_space<vmem>>, vector<16xf32>,
      tpu.vector_store %arg8[%swap3A_476, %swap3A_477], %add3A_475 {strides = array<i32>} : memref<64x768xf32, #tpu.memory_space<vmem>>, vector<16xf32>,
      %get3A_479 = arith.index_cast %scan3A_19 : i32 to index
      %get3A_480 = arith.constant 736 : index
      %get3A_481 = tpu.vector_load %arg8[%get3A_479, %get3A_480] {strides = array<i32>} : memref<64x768xf32, #tpu.memory_space<vmem>>, vector<16xf32>,
      %get3A_482 = arith.index_cast %scan3A_19 : i32 to index
      %get3A_483 = arith.constant 736 : index
      %get3A_484 = tpu.vector_load %arg9[%get3A_482, %get3A_483] {strides = array<i32>} : memref<64x768xf32, #tpu.memory_space<vmem>>, vector<16xf32>,
      %add3A_485 = arith.addf %get3A_481, %get3A_484 : vector<16xf32>
      %swap3A_486 = arith.index_cast %scan3A_19 : i32 to index
      %swap3A_487 = arith.constant 736 : index
      %swap3A_488 = tpu.vector_load %arg8[%swap3A_486, %swap3A_487] {strides = array<i32>} : memref<64x768xf32, #tpu.memory_space<vmem>>, vector<16xf32>,
      tpu.vector_store %arg8[%swap3A_486, %swap3A_487], %add3A_485 {strides = array<i32>} : memref<64x768xf32, #tpu.memory_space<vmem>>, vector<16xf32>,
      %get3A_489 = arith.index_cast %scan3A_19 : i32 to index
      %get3A_490 = arith.constant 752 : index
      %get3A_491 = tpu.vector_load %arg8[%get3A_489, %get3A_490] {strides = array<i32>} : memref<64x768xf32, #tpu.memory_space<vmem>>, vector<16xf32>,
      %get3A_492 = arith.index_cast %scan3A_19 : i32 to index
      %get3A_493 = arith.constant 752 : index
      %get3A_494 = tpu.vector_load %arg9[%get3A_492, %get3A_493] {strides = array<i32>} : memref<64x768xf32, #tpu.memory_space<vmem>>, vector<16xf32>,
      %add3A_495 = arith.addf %get3A_491, %get3A_494 : vector<16xf32>
      %swap3A_496 = arith.index_cast %scan3A_19 : i32 to index
      %swap3A_497 = arith.constant 752 : index
      %swap3A_498 = tpu.vector_load %arg8[%swap3A_496, %swap3A_497] {strides = array<i32>} : memref<64x768xf32, #tpu.memory_space<vmem>>, vector<16xf32>,
      tpu.vector_store %arg8[%swap3A_496, %swap3A_497], %add3A_495 {strides = array<i32>} : memref<64x768xf32, #tpu.memory_space<vmem>>, vector<16xf32>,
      %scan3A_499 = arith.constant 0 : i32
      scf.yield %scan3A_499 : i32
    }
    %scan3A_18 = arith.constant 64 : i32
    "tpu.region"() ({
      %run_scoped3A = tpu.sem_alloc : memref<!tpu.dma_semaphore, #tpu.memory_space<semaphore_mem>>
      %dma_start3A_19 = arith.constant 0 : i32
      %dma_start3A_20 = tpu.memref_slice %arg5[%mul3A_2, %dma_start3A_19] : memref<2048x768xf32, #tpu.memory_space<hbm>> -> memref<64x768xf32, #tpu.memory_space<hbm>>
      %dma_start3A_21 = arith.constant 0 : i32
      %dma_start3A_22 = tpu.memref_slice %arg5[%mul3A_2, %dma_start3A_21] : memref<2048x768xf32, #tpu.memory_space<hbm>> -> memref<64x768xf32, #tpu.memory_space<hbm>>
      tpu.enqueue_dma source(%arg8 : memref<64x768xf32, #tpu.memory_space<vmem>>) target(%dma_start3A_22 : memref<64x768xf32, #tpu.memory_space<hbm>>) target_semaphore(%run_scoped3A : memref<!tpu.dma_semaphore, #tpu.memory_space<semaphore_mem>>)
      %dma_wait3A_23 = arith.constant 0 : i32
      %dma_wait3A_24 = tpu.memref_slice %arg5[%mul3A_2, %dma_wait3A_23] : memref<2048x768xf32, #tpu.memory_space<hbm>> -> memref<64x768xf32, #tpu.memory_space<hbm>>
      %dma_wait3A_25 = arith.constant 0 : i32
      %dma_wait3A_26 = tpu.memref_slice %arg5[%mul3A_2, %dma_wait3A_25] : memref<2048x768xf32, #tpu.memory_space<hbm>> -> memref<64x768xf32, #tpu.memory_space<hbm>>
      tpu.wait_dma2 semaphore(%run_scoped3A : memref<!tpu.dma_semaphore, #tpu.memory_space<semaphore_mem>>) src(%arg8 : memref<64x768xf32, #tpu.memory_space<vmem>>) dst(%dma_wait3A_26 : memref<64x768xf32, #tpu.memory_space<hbm>>)
      tpu.yield
    }) : () -> ()
    return
  }
}

#map = affine_map<(d0, d1) -> (0)>
#map1 = affine_map<(d0, d1) -> (0, 0)>
module attributes {stable_mosaic.version = 14 : i64} {
  func.func @_dispatch_body(%arg0: i32, %arg1: i32, %arg2: memref<2048xi32, #tpu.memory_space<hbm>>, %arg3: memref<2048xi32, #tpu.memory_space<hbm>>, %arg4: memref<2048xf32, #tpu.memory_space<hbm>>, %arg5: memref<2048xf32, #tpu.memory_space<hbm>>, %arg6: memref<2048x768xf32, #tpu.memory_space<hbm>>, %arg7: memref<32x32xi32, #tpu.memory_space<hbm>>, %arg8: memref<6144x768xf32, #tpu.memory_space<hbm>>, %arg9: memref<6144xf32, #tpu.memory_space<hbm>>, %arg10: memref<2048xi32, #tpu.memory_space<hbm>>, %arg11: memref<2048xi32, #tpu.memory_space<hbm>>, %arg12: memref<64xi32, #tpu.memory_space<vmem>>, %arg13: memref<64xi32, #tpu.memory_space<vmem>>, %arg14: memref<64x768xf32, #tpu.memory_space<vmem>>, %arg15: memref<64xf32, #tpu.memory_space<vmem>>, %arg16: memref<64xf32, #tpu.memory_space<vmem>>, %arg17: memref<64xi32, #tpu.memory_space<vmem>>, %arg18: memref<64xi32, #tpu.memory_space<vmem>>, %arg19: memref<32xi32, #tpu.memory_space<vmem>>, %arg20: memref<8xi32, #tpu.memory_space<smem>>, %arg21: memref<!tpu.dma_semaphore, #tpu.memory_space<semaphore_mem>>, %arg22: memref<!tpu.dma_semaphore, #tpu.memory_space<semaphore_mem>>, %arg23: memref<!tpu.dma_semaphore, #tpu.memory_space<semaphore_mem>>, %arg24: memref<!tpu.dma_semaphore, #tpu.memory_space<semaphore_mem>>, %arg25: memref<!tpu.dma_semaphore, #tpu.memory_space<semaphore_mem>>, %arg26: memref<!tpu.dma_semaphore, #tpu.memory_space<semaphore_mem>>) attributes {dimension_semantics = [#tpu.dimension_semantics<core_parallel>, #tpu.dimension_semantics<subcore_parallel>], iteration_bounds = array<i64: 2, 16>, scalar_prefetch = 0 : i64, scratch_operands = 15 : i64, tpu.core_type = #tpu.core_type<sc_vector_subcore>, window_params = [{transform_indices = #map}, {transform_indices = #map}, {transform_indices = #map}, {transform_indices = #map}, {transform_indices = #map1}, {transform_indices = #map1}, {transform_indices = #map1}, {transform_indices = #map}, {transform_indices = #map}, {transform_indices = #map}]} {
    %mul3A = arith.constant 2 : i32
    %mul3A_0 = arith.muli %arg1, %mul3A : i32
    %add3A = arith.addi %mul3A_0, %arg0 : i32
    %mul3A_1 = arith.constant 64 : i32
    %mul3A_2 = arith.muli %add3A, %mul3A_1 : i32
    %dma_start3A = tpu.memref_slice %arg2[%mul3A_2] : memref<2048xi32, #tpu.memory_space<hbm>> -> memref<64xi32, #tpu.memory_space<hbm>>
    %dma_start3A_3 = tpu.memref_slice %arg2[%mul3A_2] : memref<2048xi32, #tpu.memory_space<hbm>> -> memref<64xi32, #tpu.memory_space<hbm>>
    tpu.enqueue_dma source(%dma_start3A_3 : memref<64xi32, #tpu.memory_space<hbm>>) target(%arg12 : memref<64xi32, #tpu.memory_space<vmem>>) target_semaphore(%arg21 : memref<!tpu.dma_semaphore, #tpu.memory_space<semaphore_mem>>)
    %dma_start3A_4 = tpu.memref_slice %arg3[%mul3A_2] : memref<2048xi32, #tpu.memory_space<hbm>> -> memref<64xi32, #tpu.memory_space<hbm>>
    %dma_start3A_5 = tpu.memref_slice %arg3[%mul3A_2] : memref<2048xi32, #tpu.memory_space<hbm>> -> memref<64xi32, #tpu.memory_space<hbm>>
    tpu.enqueue_dma source(%dma_start3A_5 : memref<64xi32, #tpu.memory_space<hbm>>) target(%arg13 : memref<64xi32, #tpu.memory_space<vmem>>) target_semaphore(%arg22 : memref<!tpu.dma_semaphore, #tpu.memory_space<semaphore_mem>>)
    %dma_start3A_6 = arith.constant 0 : i32
    %dma_start3A_7 = tpu.memref_slice %arg7[%add3A, %dma_start3A_6] : memref<32x32xi32, #tpu.memory_space<hbm>> -> memref<1x32xi32, #tpu.memory_space<hbm>>
    %dma_start3A_8 = tpu.memref_squeeze %dma_start3A_7 : memref<1x32xi32, #tpu.memory_space<hbm>> -> memref<32xi32, #tpu.memory_space<hbm>>
    %dma_start3A_9 = arith.constant 0 : i32
    %dma_start3A_10 = tpu.memref_slice %arg7[%add3A, %dma_start3A_9] : memref<32x32xi32, #tpu.memory_space<hbm>> -> memref<1x32xi32, #tpu.memory_space<hbm>>
    %dma_start3A_11 = tpu.memref_squeeze %dma_start3A_10 : memref<1x32xi32, #tpu.memory_space<hbm>> -> memref<32xi32, #tpu.memory_space<hbm>>
    tpu.enqueue_dma source(%dma_start3A_11 : memref<32xi32, #tpu.memory_space<hbm>>) target(%arg19 : memref<32xi32, #tpu.memory_space<vmem>>) target_semaphore(%arg23 : memref<!tpu.dma_semaphore, #tpu.memory_space<semaphore_mem>>)
    %dma_start3A_12 = arith.constant 0 : i32
    %dma_start3A_13 = tpu.memref_slice %arg6[%mul3A_2, %dma_start3A_12] : memref<2048x768xf32, #tpu.memory_space<hbm>> -> memref<64x768xf32, #tpu.memory_space<hbm>>
    %dma_start3A_14 = arith.constant 0 : i32
    %dma_start3A_15 = tpu.memref_slice %arg6[%mul3A_2, %dma_start3A_14] : memref<2048x768xf32, #tpu.memory_space<hbm>> -> memref<64x768xf32, #tpu.memory_space<hbm>>
    tpu.enqueue_dma source(%dma_start3A_15 : memref<64x768xf32, #tpu.memory_space<hbm>>) target(%arg14 : memref<64x768xf32, #tpu.memory_space<vmem>>) target_semaphore(%arg24 : memref<!tpu.dma_semaphore, #tpu.memory_space<semaphore_mem>>)
    %dma_start3A_16 = tpu.memref_slice %arg4[%mul3A_2] : memref<2048xf32, #tpu.memory_space<hbm>> -> memref<64xf32, #tpu.memory_space<hbm>>
    %dma_start3A_17 = tpu.memref_slice %arg4[%mul3A_2] : memref<2048xf32, #tpu.memory_space<hbm>> -> memref<64xf32, #tpu.memory_space<hbm>>
    tpu.enqueue_dma source(%dma_start3A_17 : memref<64xf32, #tpu.memory_space<hbm>>) target(%arg15 : memref<64xf32, #tpu.memory_space<vmem>>) target_semaphore(%arg25 : memref<!tpu.dma_semaphore, #tpu.memory_space<semaphore_mem>>)
    %dma_start3A_18 = tpu.memref_slice %arg5[%mul3A_2] : memref<2048xf32, #tpu.memory_space<hbm>> -> memref<64xf32, #tpu.memory_space<hbm>>
    %dma_start3A_19 = tpu.memref_slice %arg5[%mul3A_2] : memref<2048xf32, #tpu.memory_space<hbm>> -> memref<64xf32, #tpu.memory_space<hbm>>
    tpu.enqueue_dma source(%dma_start3A_19 : memref<64xf32, #tpu.memory_space<hbm>>) target(%arg16 : memref<64xf32, #tpu.memory_space<vmem>>) target_semaphore(%arg26 : memref<!tpu.dma_semaphore, #tpu.memory_space<semaphore_mem>>)
    %dma_wait3A = tpu.memref_slice %arg2[%mul3A_2] : memref<2048xi32, #tpu.memory_space<hbm>> -> memref<64xi32, #tpu.memory_space<hbm>>
    %dma_wait3A_20 = tpu.memref_slice %arg2[%mul3A_2] : memref<2048xi32, #tpu.memory_space<hbm>> -> memref<64xi32, #tpu.memory_space<hbm>>
    tpu.wait_dma2 semaphore(%arg21 : memref<!tpu.dma_semaphore, #tpu.memory_space<semaphore_mem>>) src(%dma_wait3A_20 : memref<64xi32, #tpu.memory_space<hbm>>) dst(%arg12 : memref<64xi32, #tpu.memory_space<vmem>>)
    %dma_wait3A_21 = tpu.memref_slice %arg3[%mul3A_2] : memref<2048xi32, #tpu.memory_space<hbm>> -> memref<64xi32, #tpu.memory_space<hbm>>
    %dma_wait3A_22 = tpu.memref_slice %arg3[%mul3A_2] : memref<2048xi32, #tpu.memory_space<hbm>> -> memref<64xi32, #tpu.memory_space<hbm>>
    tpu.wait_dma2 semaphore(%arg22 : memref<!tpu.dma_semaphore, #tpu.memory_space<semaphore_mem>>) src(%dma_wait3A_22 : memref<64xi32, #tpu.memory_space<hbm>>) dst(%arg13 : memref<64xi32, #tpu.memory_space<vmem>>)
    %dma_wait3A_23 = arith.constant 0 : i32
    %dma_wait3A_24 = tpu.memref_slice %arg7[%add3A, %dma_wait3A_23] : memref<32x32xi32, #tpu.memory_space<hbm>> -> memref<1x32xi32, #tpu.memory_space<hbm>>
    %dma_wait3A_25 = tpu.memref_squeeze %dma_wait3A_24 : memref<1x32xi32, #tpu.memory_space<hbm>> -> memref<32xi32, #tpu.memory_space<hbm>>
    %dma_wait3A_26 = arith.constant 0 : i32
    %dma_wait3A_27 = tpu.memref_slice %arg7[%add3A, %dma_wait3A_26] : memref<32x32xi32, #tpu.memory_space<hbm>> -> memref<1x32xi32, #tpu.memory_space<hbm>>
    %dma_wait3A_28 = tpu.memref_squeeze %dma_wait3A_27 : memref<1x32xi32, #tpu.memory_space<hbm>> -> memref<32xi32, #tpu.memory_space<hbm>>
    tpu.wait_dma2 semaphore(%arg23 : memref<!tpu.dma_semaphore, #tpu.memory_space<semaphore_mem>>) src(%dma_wait3A_28 : memref<32xi32, #tpu.memory_space<hbm>>) dst(%arg19 : memref<32xi32, #tpu.memory_space<vmem>>)
    %get3A = arith.constant 0 : index
    %get3A_29 = tpu.vector_load %arg19[%get3A] {strides = array<i32>} : memref<32xi32, #tpu.memory_space<vmem>>, vector<16xi32>,
    %slice3A = vector.extract_strided_slice %get3A_29 {offsets = [0], sizes = [1], strides = [1]} : vector<16xi32> to vector<1xi32>
    %squeeze3A = vector.extract %slice3A[0] : i32 from vector<1xi32>
    %swap3A = arith.constant 0 : i32
    %swap3A_30 = arith.index_cast %swap3A : i32 to index
    %swap3A_31 = memref.load %arg20[%swap3A_30] : memref<8xi32, #tpu.memory_space<smem>>
    memref.store %squeeze3A, %arg20[%swap3A_30] : memref<8xi32, #tpu.memory_space<smem>>
    %slice3A_32 = vector.extract_strided_slice %get3A_29 {offsets = [1], sizes = [1], strides = [1]} : vector<16xi32> to vector<1xi32>
    %squeeze3A_33 = vector.extract %slice3A_32[0] : i32 from vector<1xi32>
    %swap3A_34 = arith.constant 1 : i32
    %swap3A_35 = arith.index_cast %swap3A_34 : i32 to index
    %swap3A_36 = memref.load %arg20[%swap3A_35] : memref<8xi32, #tpu.memory_space<smem>>
    memref.store %squeeze3A_33, %arg20[%swap3A_35] : memref<8xi32, #tpu.memory_space<smem>>
    %slice3A_37 = vector.extract_strided_slice %get3A_29 {offsets = [2], sizes = [1], strides = [1]} : vector<16xi32> to vector<1xi32>
    %squeeze3A_38 = vector.extract %slice3A_37[0] : i32 from vector<1xi32>
    %swap3A_39 = arith.constant 2 : i32
    %swap3A_40 = arith.index_cast %swap3A_39 : i32 to index
    %swap3A_41 = memref.load %arg20[%swap3A_40] : memref<8xi32, #tpu.memory_space<smem>>
    memref.store %squeeze3A_38, %arg20[%swap3A_40] : memref<8xi32, #tpu.memory_space<smem>>
    %slice3A_42 = vector.extract_strided_slice %get3A_29 {offsets = [3], sizes = [1], strides = [1]} : vector<16xi32> to vector<1xi32>
    %squeeze3A_43 = vector.extract %slice3A_42[0] : i32 from vector<1xi32>
    %swap3A_44 = arith.constant 3 : i32
    %swap3A_45 = arith.index_cast %swap3A_44 : i32 to index
    %swap3A_46 = memref.load %arg20[%swap3A_45] : memref<8xi32, #tpu.memory_space<smem>>
    memref.store %squeeze3A_43, %arg20[%swap3A_45] : memref<8xi32, #tpu.memory_space<smem>>
    %slice3A_47 = vector.extract_strided_slice %get3A_29 {offsets = [4], sizes = [1], strides = [1]} : vector<16xi32> to vector<1xi32>
    %squeeze3A_48 = vector.extract %slice3A_47[0] : i32 from vector<1xi32>
    %swap3A_49 = arith.constant 4 : i32
    %swap3A_50 = arith.index_cast %swap3A_49 : i32 to index
    %swap3A_51 = memref.load %arg20[%swap3A_50] : memref<8xi32, #tpu.memory_space<smem>>
    memref.store %squeeze3A_48, %arg20[%swap3A_50] : memref<8xi32, #tpu.memory_space<smem>>
    %slice3A_52 = vector.extract_strided_slice %get3A_29 {offsets = [5], sizes = [1], strides = [1]} : vector<16xi32> to vector<1xi32>
    %squeeze3A_53 = vector.extract %slice3A_52[0] : i32 from vector<1xi32>
    %swap3A_54 = arith.constant 5 : i32
    %swap3A_55 = arith.index_cast %swap3A_54 : i32 to index
    %swap3A_56 = memref.load %arg20[%swap3A_55] : memref<8xi32, #tpu.memory_space<smem>>
    memref.store %squeeze3A_53, %arg20[%swap3A_55] : memref<8xi32, #tpu.memory_space<smem>>
    %slice3A_57 = vector.extract_strided_slice %get3A_29 {offsets = [6], sizes = [1], strides = [1]} : vector<16xi32> to vector<1xi32>
    %squeeze3A_58 = vector.extract %slice3A_57[0] : i32 from vector<1xi32>
    %swap3A_59 = arith.constant 6 : i32
    %swap3A_60 = arith.index_cast %swap3A_59 : i32 to index
    %swap3A_61 = memref.load %arg20[%swap3A_60] : memref<8xi32, #tpu.memory_space<smem>>
    memref.store %squeeze3A_58, %arg20[%swap3A_60] : memref<8xi32, #tpu.memory_space<smem>>
    %slice3A_62 = vector.extract_strided_slice %get3A_29 {offsets = [7], sizes = [1], strides = [1]} : vector<16xi32> to vector<1xi32>
    %squeeze3A_63 = vector.extract %slice3A_62[0] : i32 from vector<1xi32>
    %swap3A_64 = arith.constant 7 : i32
    %swap3A_65 = arith.index_cast %swap3A_64 : i32 to index
    %swap3A_66 = memref.load %arg20[%swap3A_65] : memref<8xi32, #tpu.memory_space<smem>>
    memref.store %squeeze3A_63, %arg20[%swap3A_65] : memref<8xi32, #tpu.memory_space<smem>>
    %get3A_67 = arith.constant 0 : index
    %get3A_68 = tpu.vector_load %arg12[%get3A_67] {strides = array<i32>} : memref<64xi32, #tpu.memory_space<vmem>>, vector<16xi32>,
    %broadcast_in_dim3A = arith.constant 0 : i32
    %broadcast_in_dim3A_69 = vector.broadcast %broadcast_in_dim3A : i32 to vector<16xi32>
    %broadcast_in_dim3A_70 = arith.constant 0 : i32
    %broadcast_in_dim3A_71 = vector.broadcast %broadcast_in_dim3A_70 : i32 to vector<16xi32>
    %eq3A = arith.cmpi eq, %get3A_68, %broadcast_in_dim3A_71 : vector<16xi32>
    %convert_element_type3A = arith.extui %eq3A : vector<16xi1> to vector<16xi32>
    %broadcast_in_dim3A_72 = arith.constant true
    %broadcast_in_dim3A_73 = vector.broadcast %broadcast_in_dim3A_72 : i1 to vector<16xi1>
    %masked_cumsum3A = tpu.scan <sum>, %convert_element_type3A masked %broadcast_in_dim3A_73 : vector<16xi32>, vector<16xi1> -> vector<16xi32>
    %get3A_74 = arith.constant 0 : i32
    %get3A_75 = arith.index_cast %get3A_74 : i32 to index
    %get3A_76 = memref.load %arg20[%get3A_75] : memref<8xi32, #tpu.memory_space<smem>>
    %broadcast_in_dim3A_77 = vector.broadcast %get3A_76 : i32 to vector<16xi32>
    %add3A_78 = arith.addi %broadcast_in_dim3A_77, %masked_cumsum3A : vector<16xi32>
    %sub3A = arith.subi %add3A_78, %convert_element_type3A : vector<16xi32>
    %mul3A_79 = arith.muli %convert_element_type3A, %sub3A : vector<16xi32>
    %add3A_80 = arith.addi %broadcast_in_dim3A_69, %mul3A_79 : vector<16xi32>
    %slice3A_81 = vector.extract_strided_slice %masked_cumsum3A {offsets = [15], sizes = [1], strides = [1]} : vector<16xi32> to vector<1xi32>
    %squeeze3A_82 = vector.extract %slice3A_81[0] : i32 from vector<1xi32>
    %add3A_83 = arith.addi %get3A_76, %squeeze3A_82 : i32
    %swap3A_84 = arith.constant 0 : i32
    %swap3A_85 = arith.index_cast %swap3A_84 : i32 to index
    %swap3A_86 = memref.load %arg20[%swap3A_85] : memref<8xi32, #tpu.memory_space<smem>>
    memref.store %add3A_83, %arg20[%swap3A_85] : memref<8xi32, #tpu.memory_space<smem>>
    %broadcast_in_dim3A_87 = arith.constant 1 : i32
    %broadcast_in_dim3A_88 = vector.broadcast %broadcast_in_dim3A_87 : i32 to vector<16xi32>
    %eq3A_89 = arith.cmpi eq, %get3A_68, %broadcast_in_dim3A_88 : vector<16xi32>
    %convert_element_type3A_90 = arith.extui %eq3A_89 : vector<16xi1> to vector<16xi32>
    %broadcast_in_dim3A_91 = arith.constant true
    %broadcast_in_dim3A_92 = vector.broadcast %broadcast_in_dim3A_91 : i1 to vector<16xi1>
    %masked_cumsum3A_93 = tpu.scan <sum>, %convert_element_type3A_90 masked %broadcast_in_dim3A_92 : vector<16xi32>, vector<16xi1> -> vector<16xi32>
    %get3A_94 = arith.constant 1 : i32
    %get3A_95 = arith.index_cast %get3A_94 : i32 to index
    %get3A_96 = memref.load %arg20[%get3A_95] : memref<8xi32, #tpu.memory_space<smem>>
    %broadcast_in_dim3A_97 = vector.broadcast %get3A_96 : i32 to vector<16xi32>
    %add3A_98 = arith.addi %broadcast_in_dim3A_97, %masked_cumsum3A_93 : vector<16xi32>
    %sub3A_99 = arith.subi %add3A_98, %convert_element_type3A_90 : vector<16xi32>
    %mul3A_100 = arith.muli %convert_element_type3A_90, %sub3A_99 : vector<16xi32>
    %add3A_101 = arith.addi %add3A_80, %mul3A_100 : vector<16xi32>
    %slice3A_102 = vector.extract_strided_slice %masked_cumsum3A_93 {offsets = [15], sizes = [1], strides = [1]} : vector<16xi32> to vector<1xi32>
    %squeeze3A_103 = vector.extract %slice3A_102[0] : i32 from vector<1xi32>
    %add3A_104 = arith.addi %get3A_96, %squeeze3A_103 : i32
    %swap3A_105 = arith.constant 1 : i32
    %swap3A_106 = arith.index_cast %swap3A_105 : i32 to index
    %swap3A_107 = memref.load %arg20[%swap3A_106] : memref<8xi32, #tpu.memory_space<smem>>
    memref.store %add3A_104, %arg20[%swap3A_106] : memref<8xi32, #tpu.memory_space<smem>>
    %broadcast_in_dim3A_108 = arith.constant 2 : i32
    %broadcast_in_dim3A_109 = vector.broadcast %broadcast_in_dim3A_108 : i32 to vector<16xi32>
    %eq3A_110 = arith.cmpi eq, %get3A_68, %broadcast_in_dim3A_109 : vector<16xi32>
    %convert_element_type3A_111 = arith.extui %eq3A_110 : vector<16xi1> to vector<16xi32>
    %broadcast_in_dim3A_112 = arith.constant true
    %broadcast_in_dim3A_113 = vector.broadcast %broadcast_in_dim3A_112 : i1 to vector<16xi1>
    %masked_cumsum3A_114 = tpu.scan <sum>, %convert_element_type3A_111 masked %broadcast_in_dim3A_113 : vector<16xi32>, vector<16xi1> -> vector<16xi32>
    %get3A_115 = arith.constant 2 : i32
    %get3A_116 = arith.index_cast %get3A_115 : i32 to index
    %get3A_117 = memref.load %arg20[%get3A_116] : memref<8xi32, #tpu.memory_space<smem>>
    %broadcast_in_dim3A_118 = vector.broadcast %get3A_117 : i32 to vector<16xi32>
    %add3A_119 = arith.addi %broadcast_in_dim3A_118, %masked_cumsum3A_114 : vector<16xi32>
    %sub3A_120 = arith.subi %add3A_119, %convert_element_type3A_111 : vector<16xi32>
    %mul3A_121 = arith.muli %convert_element_type3A_111, %sub3A_120 : vector<16xi32>
    %add3A_122 = arith.addi %add3A_101, %mul3A_121 : vector<16xi32>
    %slice3A_123 = vector.extract_strided_slice %masked_cumsum3A_114 {offsets = [15], sizes = [1], strides = [1]} : vector<16xi32> to vector<1xi32>
    %squeeze3A_124 = vector.extract %slice3A_123[0] : i32 from vector<1xi32>
    %add3A_125 = arith.addi %get3A_117, %squeeze3A_124 : i32
    %swap3A_126 = arith.constant 2 : i32
    %swap3A_127 = arith.index_cast %swap3A_126 : i32 to index
    %swap3A_128 = memref.load %arg20[%swap3A_127] : memref<8xi32, #tpu.memory_space<smem>>
    memref.store %add3A_125, %arg20[%swap3A_127] : memref<8xi32, #tpu.memory_space<smem>>
    %broadcast_in_dim3A_129 = arith.constant 3 : i32
    %broadcast_in_dim3A_130 = vector.broadcast %broadcast_in_dim3A_129 : i32 to vector<16xi32>
    %eq3A_131 = arith.cmpi eq, %get3A_68, %broadcast_in_dim3A_130 : vector<16xi32>
    %convert_element_type3A_132 = arith.extui %eq3A_131 : vector<16xi1> to vector<16xi32>
    %broadcast_in_dim3A_133 = arith.constant true
    %broadcast_in_dim3A_134 = vector.broadcast %broadcast_in_dim3A_133 : i1 to vector<16xi1>
    %masked_cumsum3A_135 = tpu.scan <sum>, %convert_element_type3A_132 masked %broadcast_in_dim3A_134 : vector<16xi32>, vector<16xi1> -> vector<16xi32>
    %get3A_136 = arith.constant 3 : i32
    %get3A_137 = arith.index_cast %get3A_136 : i32 to index
    %get3A_138 = memref.load %arg20[%get3A_137] : memref<8xi32, #tpu.memory_space<smem>>
    %broadcast_in_dim3A_139 = vector.broadcast %get3A_138 : i32 to vector<16xi32>
    %add3A_140 = arith.addi %broadcast_in_dim3A_139, %masked_cumsum3A_135 : vector<16xi32>
    %sub3A_141 = arith.subi %add3A_140, %convert_element_type3A_132 : vector<16xi32>
    %mul3A_142 = arith.muli %convert_element_type3A_132, %sub3A_141 : vector<16xi32>
    %add3A_143 = arith.addi %add3A_122, %mul3A_142 : vector<16xi32>
    %slice3A_144 = vector.extract_strided_slice %masked_cumsum3A_135 {offsets = [15], sizes = [1], strides = [1]} : vector<16xi32> to vector<1xi32>
    %squeeze3A_145 = vector.extract %slice3A_144[0] : i32 from vector<1xi32>
    %add3A_146 = arith.addi %get3A_138, %squeeze3A_145 : i32
    %swap3A_147 = arith.constant 3 : i32
    %swap3A_148 = arith.index_cast %swap3A_147 : i32 to index
    %swap3A_149 = memref.load %arg20[%swap3A_148] : memref<8xi32, #tpu.memory_space<smem>>
    memref.store %add3A_146, %arg20[%swap3A_148] : memref<8xi32, #tpu.memory_space<smem>>
    %broadcast_in_dim3A_150 = arith.constant 4 : i32
    %broadcast_in_dim3A_151 = vector.broadcast %broadcast_in_dim3A_150 : i32 to vector<16xi32>
    %eq3A_152 = arith.cmpi eq, %get3A_68, %broadcast_in_dim3A_151 : vector<16xi32>
    %convert_element_type3A_153 = arith.extui %eq3A_152 : vector<16xi1> to vector<16xi32>
    %broadcast_in_dim3A_154 = arith.constant true
    %broadcast_in_dim3A_155 = vector.broadcast %broadcast_in_dim3A_154 : i1 to vector<16xi1>
    %masked_cumsum3A_156 = tpu.scan <sum>, %convert_element_type3A_153 masked %broadcast_in_dim3A_155 : vector<16xi32>, vector<16xi1> -> vector<16xi32>
    %get3A_157 = arith.constant 4 : i32
    %get3A_158 = arith.index_cast %get3A_157 : i32 to index
    %get3A_159 = memref.load %arg20[%get3A_158] : memref<8xi32, #tpu.memory_space<smem>>
    %broadcast_in_dim3A_160 = vector.broadcast %get3A_159 : i32 to vector<16xi32>
    %add3A_161 = arith.addi %broadcast_in_dim3A_160, %masked_cumsum3A_156 : vector<16xi32>
    %sub3A_162 = arith.subi %add3A_161, %convert_element_type3A_153 : vector<16xi32>
    %mul3A_163 = arith.muli %convert_element_type3A_153, %sub3A_162 : vector<16xi32>
    %add3A_164 = arith.addi %add3A_143, %mul3A_163 : vector<16xi32>
    %slice3A_165 = vector.extract_strided_slice %masked_cumsum3A_156 {offsets = [15], sizes = [1], strides = [1]} : vector<16xi32> to vector<1xi32>
    %squeeze3A_166 = vector.extract %slice3A_165[0] : i32 from vector<1xi32>
    %add3A_167 = arith.addi %get3A_159, %squeeze3A_166 : i32
    %swap3A_168 = arith.constant 4 : i32
    %swap3A_169 = arith.index_cast %swap3A_168 : i32 to index
    %swap3A_170 = memref.load %arg20[%swap3A_169] : memref<8xi32, #tpu.memory_space<smem>>
    memref.store %add3A_167, %arg20[%swap3A_169] : memref<8xi32, #tpu.memory_space<smem>>
    %broadcast_in_dim3A_171 = arith.constant 5 : i32
    %broadcast_in_dim3A_172 = vector.broadcast %broadcast_in_dim3A_171 : i32 to vector<16xi32>
    %eq3A_173 = arith.cmpi eq, %get3A_68, %broadcast_in_dim3A_172 : vector<16xi32>
    %convert_element_type3A_174 = arith.extui %eq3A_173 : vector<16xi1> to vector<16xi32>
    %broadcast_in_dim3A_175 = arith.constant true
    %broadcast_in_dim3A_176 = vector.broadcast %broadcast_in_dim3A_175 : i1 to vector<16xi1>
    %masked_cumsum3A_177 = tpu.scan <sum>, %convert_element_type3A_174 masked %broadcast_in_dim3A_176 : vector<16xi32>, vector<16xi1> -> vector<16xi32>
    %get3A_178 = arith.constant 5 : i32
    %get3A_179 = arith.index_cast %get3A_178 : i32 to index
    %get3A_180 = memref.load %arg20[%get3A_179] : memref<8xi32, #tpu.memory_space<smem>>
    %broadcast_in_dim3A_181 = vector.broadcast %get3A_180 : i32 to vector<16xi32>
    %add3A_182 = arith.addi %broadcast_in_dim3A_181, %masked_cumsum3A_177 : vector<16xi32>
    %sub3A_183 = arith.subi %add3A_182, %convert_element_type3A_174 : vector<16xi32>
    %mul3A_184 = arith.muli %convert_element_type3A_174, %sub3A_183 : vector<16xi32>
    %add3A_185 = arith.addi %add3A_164, %mul3A_184 : vector<16xi32>
    %slice3A_186 = vector.extract_strided_slice %masked_cumsum3A_177 {offsets = [15], sizes = [1], strides = [1]} : vector<16xi32> to vector<1xi32>
    %squeeze3A_187 = vector.extract %slice3A_186[0] : i32 from vector<1xi32>
    %add3A_188 = arith.addi %get3A_180, %squeeze3A_187 : i32
    %swap3A_189 = arith.constant 5 : i32
    %swap3A_190 = arith.index_cast %swap3A_189 : i32 to index
    %swap3A_191 = memref.load %arg20[%swap3A_190] : memref<8xi32, #tpu.memory_space<smem>>
    memref.store %add3A_188, %arg20[%swap3A_190] : memref<8xi32, #tpu.memory_space<smem>>
    %broadcast_in_dim3A_192 = arith.constant 6 : i32
    %broadcast_in_dim3A_193 = vector.broadcast %broadcast_in_dim3A_192 : i32 to vector<16xi32>
    %eq3A_194 = arith.cmpi eq, %get3A_68, %broadcast_in_dim3A_193 : vector<16xi32>
    %convert_element_type3A_195 = arith.extui %eq3A_194 : vector<16xi1> to vector<16xi32>
    %broadcast_in_dim3A_196 = arith.constant true
    %broadcast_in_dim3A_197 = vector.broadcast %broadcast_in_dim3A_196 : i1 to vector<16xi1>
    %masked_cumsum3A_198 = tpu.scan <sum>, %convert_element_type3A_195 masked %broadcast_in_dim3A_197 : vector<16xi32>, vector<16xi1> -> vector<16xi32>
    %get3A_199 = arith.constant 6 : i32
    %get3A_200 = arith.index_cast %get3A_199 : i32 to index
    %get3A_201 = memref.load %arg20[%get3A_200] : memref<8xi32, #tpu.memory_space<smem>>
    %broadcast_in_dim3A_202 = vector.broadcast %get3A_201 : i32 to vector<16xi32>
    %add3A_203 = arith.addi %broadcast_in_dim3A_202, %masked_cumsum3A_198 : vector<16xi32>
    %sub3A_204 = arith.subi %add3A_203, %convert_element_type3A_195 : vector<16xi32>
    %mul3A_205 = arith.muli %convert_element_type3A_195, %sub3A_204 : vector<16xi32>
    %add3A_206 = arith.addi %add3A_185, %mul3A_205 : vector<16xi32>
    %slice3A_207 = vector.extract_strided_slice %masked_cumsum3A_198 {offsets = [15], sizes = [1], strides = [1]} : vector<16xi32> to vector<1xi32>
    %squeeze3A_208 = vector.extract %slice3A_207[0] : i32 from vector<1xi32>
    %add3A_209 = arith.addi %get3A_201, %squeeze3A_208 : i32
    %swap3A_210 = arith.constant 6 : i32
    %swap3A_211 = arith.index_cast %swap3A_210 : i32 to index
    %swap3A_212 = memref.load %arg20[%swap3A_211] : memref<8xi32, #tpu.memory_space<smem>>
    memref.store %add3A_209, %arg20[%swap3A_211] : memref<8xi32, #tpu.memory_space<smem>>
    %broadcast_in_dim3A_213 = arith.constant 7 : i32
    %broadcast_in_dim3A_214 = vector.broadcast %broadcast_in_dim3A_213 : i32 to vector<16xi32>
    %eq3A_215 = arith.cmpi eq, %get3A_68, %broadcast_in_dim3A_214 : vector<16xi32>
    %convert_element_type3A_216 = arith.extui %eq3A_215 : vector<16xi1> to vector<16xi32>
    %broadcast_in_dim3A_217 = arith.constant true
    %broadcast_in_dim3A_218 = vector.broadcast %broadcast_in_dim3A_217 : i1 to vector<16xi1>
    %masked_cumsum3A_219 = tpu.scan <sum>, %convert_element_type3A_216 masked %broadcast_in_dim3A_218 : vector<16xi32>, vector<16xi1> -> vector<16xi32>
    %get3A_220 = arith.constant 7 : i32
    %get3A_221 = arith.index_cast %get3A_220 : i32 to index
    %get3A_222 = memref.load %arg20[%get3A_221] : memref<8xi32, #tpu.memory_space<smem>>
    %broadcast_in_dim3A_223 = vector.broadcast %get3A_222 : i32 to vector<16xi32>
    %add3A_224 = arith.addi %broadcast_in_dim3A_223, %masked_cumsum3A_219 : vector<16xi32>
    %sub3A_225 = arith.subi %add3A_224, %convert_element_type3A_216 : vector<16xi32>
    %mul3A_226 = arith.muli %convert_element_type3A_216, %sub3A_225 : vector<16xi32>
    %add3A_227 = arith.addi %add3A_206, %mul3A_226 : vector<16xi32>
    %slice3A_228 = vector.extract_strided_slice %masked_cumsum3A_219 {offsets = [15], sizes = [1], strides = [1]} : vector<16xi32> to vector<1xi32>
    %squeeze3A_229 = vector.extract %slice3A_228[0] : i32 from vector<1xi32>
    %add3A_230 = arith.addi %get3A_222, %squeeze3A_229 : i32
    %swap3A_231 = arith.constant 7 : i32
    %swap3A_232 = arith.index_cast %swap3A_231 : i32 to index
    %swap3A_233 = memref.load %arg20[%swap3A_232] : memref<8xi32, #tpu.memory_space<smem>>
    memref.store %add3A_230, %arg20[%swap3A_232] : memref<8xi32, #tpu.memory_space<smem>>
    %swap3A_234 = arith.constant 0 : index
    %swap3A_235 = tpu.vector_load %arg17[%swap3A_234] {strides = array<i32>} : memref<64xi32, #tpu.memory_space<vmem>>, vector<16xi32>,
    tpu.vector_store %arg17[%swap3A_234], %add3A_227 {strides = array<i32>} : memref<64xi32, #tpu.memory_space<vmem>>, vector<16xi32>,
    %get3A_236 = arith.constant 16 : index
    %get3A_237 = tpu.vector_load %arg12[%get3A_236] {strides = array<i32>} : memref<64xi32, #tpu.memory_space<vmem>>, vector<16xi32>,
    %broadcast_in_dim3A_238 = arith.constant 0 : i32
    %broadcast_in_dim3A_239 = vector.broadcast %broadcast_in_dim3A_238 : i32 to vector<16xi32>
    %broadcast_in_dim3A_240 = arith.constant 0 : i32
    %broadcast_in_dim3A_241 = vector.broadcast %broadcast_in_dim3A_240 : i32 to vector<16xi32>
    %eq3A_242 = arith.cmpi eq, %get3A_237, %broadcast_in_dim3A_241 : vector<16xi32>
    %convert_element_type3A_243 = arith.extui %eq3A_242 : vector<16xi1> to vector<16xi32>
    %broadcast_in_dim3A_244 = arith.constant true
    %broadcast_in_dim3A_245 = vector.broadcast %broadcast_in_dim3A_244 : i1 to vector<16xi1>
    %masked_cumsum3A_246 = tpu.scan <sum>, %convert_element_type3A_243 masked %broadcast_in_dim3A_245 : vector<16xi32>, vector<16xi1> -> vector<16xi32>
    %get3A_247 = arith.constant 0 : i32
    %get3A_248 = arith.index_cast %get3A_247 : i32 to index
    %get3A_249 = memref.load %arg20[%get3A_248] : memref<8xi32, #tpu.memory_space<smem>>
    %broadcast_in_dim3A_250 = vector.broadcast %get3A_249 : i32 to vector<16xi32>
    %add3A_251 = arith.addi %broadcast_in_dim3A_250, %masked_cumsum3A_246 : vector<16xi32>
    %sub3A_252 = arith.subi %add3A_251, %convert_element_type3A_243 : vector<16xi32>
    %mul3A_253 = arith.muli %convert_element_type3A_243, %sub3A_252 : vector<16xi32>
    %add3A_254 = arith.addi %broadcast_in_dim3A_239, %mul3A_253 : vector<16xi32>
    %slice3A_255 = vector.extract_strided_slice %masked_cumsum3A_246 {offsets = [15], sizes = [1], strides = [1]} : vector<16xi32> to vector<1xi32>
    %squeeze3A_256 = vector.extract %slice3A_255[0] : i32 from vector<1xi32>
    %add3A_257 = arith.addi %get3A_249, %squeeze3A_256 : i32
    %swap3A_258 = arith.constant 0 : i32
    %swap3A_259 = arith.index_cast %swap3A_258 : i32 to index
    %swap3A_260 = memref.load %arg20[%swap3A_259] : memref<8xi32, #tpu.memory_space<smem>>
    memref.store %add3A_257, %arg20[%swap3A_259] : memref<8xi32, #tpu.memory_space<smem>>
    %broadcast_in_dim3A_261 = arith.constant 1 : i32
    %broadcast_in_dim3A_262 = vector.broadcast %broadcast_in_dim3A_261 : i32 to vector<16xi32>
    %eq3A_263 = arith.cmpi eq, %get3A_237, %broadcast_in_dim3A_262 : vector<16xi32>
    %convert_element_type3A_264 = arith.extui %eq3A_263 : vector<16xi1> to vector<16xi32>
    %broadcast_in_dim3A_265 = arith.constant true
    %broadcast_in_dim3A_266 = vector.broadcast %broadcast_in_dim3A_265 : i1 to vector<16xi1>
    %masked_cumsum3A_267 = tpu.scan <sum>, %convert_element_type3A_264 masked %broadcast_in_dim3A_266 : vector<16xi32>, vector<16xi1> -> vector<16xi32>
    %get3A_268 = arith.constant 1 : i32
    %get3A_269 = arith.index_cast %get3A_268 : i32 to index
    %get3A_270 = memref.load %arg20[%get3A_269] : memref<8xi32, #tpu.memory_space<smem>>
    %broadcast_in_dim3A_271 = vector.broadcast %get3A_270 : i32 to vector<16xi32>
    %add3A_272 = arith.addi %broadcast_in_dim3A_271, %masked_cumsum3A_267 : vector<16xi32>
    %sub3A_273 = arith.subi %add3A_272, %convert_element_type3A_264 : vector<16xi32>
    %mul3A_274 = arith.muli %convert_element_type3A_264, %sub3A_273 : vector<16xi32>
    %add3A_275 = arith.addi %add3A_254, %mul3A_274 : vector<16xi32>
    %slice3A_276 = vector.extract_strided_slice %masked_cumsum3A_267 {offsets = [15], sizes = [1], strides = [1]} : vector<16xi32> to vector<1xi32>
    %squeeze3A_277 = vector.extract %slice3A_276[0] : i32 from vector<1xi32>
    %add3A_278 = arith.addi %get3A_270, %squeeze3A_277 : i32
    %swap3A_279 = arith.constant 1 : i32
    %swap3A_280 = arith.index_cast %swap3A_279 : i32 to index
    %swap3A_281 = memref.load %arg20[%swap3A_280] : memref<8xi32, #tpu.memory_space<smem>>
    memref.store %add3A_278, %arg20[%swap3A_280] : memref<8xi32, #tpu.memory_space<smem>>
    %broadcast_in_dim3A_282 = arith.constant 2 : i32
    %broadcast_in_dim3A_283 = vector.broadcast %broadcast_in_dim3A_282 : i32 to vector<16xi32>
    %eq3A_284 = arith.cmpi eq, %get3A_237, %broadcast_in_dim3A_283 : vector<16xi32>
    %convert_element_type3A_285 = arith.extui %eq3A_284 : vector<16xi1> to vector<16xi32>
    %broadcast_in_dim3A_286 = arith.constant true
    %broadcast_in_dim3A_287 = vector.broadcast %broadcast_in_dim3A_286 : i1 to vector<16xi1>
    %masked_cumsum3A_288 = tpu.scan <sum>, %convert_element_type3A_285 masked %broadcast_in_dim3A_287 : vector<16xi32>, vector<16xi1> -> vector<16xi32>
    %get3A_289 = arith.constant 2 : i32
    %get3A_290 = arith.index_cast %get3A_289 : i32 to index
    %get3A_291 = memref.load %arg20[%get3A_290] : memref<8xi32, #tpu.memory_space<smem>>
    %broadcast_in_dim3A_292 = vector.broadcast %get3A_291 : i32 to vector<16xi32>
    %add3A_293 = arith.addi %broadcast_in_dim3A_292, %masked_cumsum3A_288 : vector<16xi32>
    %sub3A_294 = arith.subi %add3A_293, %convert_element_type3A_285 : vector<16xi32>
    %mul3A_295 = arith.muli %convert_element_type3A_285, %sub3A_294 : vector<16xi32>
    %add3A_296 = arith.addi %add3A_275, %mul3A_295 : vector<16xi32>
    %slice3A_297 = vector.extract_strided_slice %masked_cumsum3A_288 {offsets = [15], sizes = [1], strides = [1]} : vector<16xi32> to vector<1xi32>
    %squeeze3A_298 = vector.extract %slice3A_297[0] : i32 from vector<1xi32>
    %add3A_299 = arith.addi %get3A_291, %squeeze3A_298 : i32
    %swap3A_300 = arith.constant 2 : i32
    %swap3A_301 = arith.index_cast %swap3A_300 : i32 to index
    %swap3A_302 = memref.load %arg20[%swap3A_301] : memref<8xi32, #tpu.memory_space<smem>>
    memref.store %add3A_299, %arg20[%swap3A_301] : memref<8xi32, #tpu.memory_space<smem>>
    %broadcast_in_dim3A_303 = arith.constant 3 : i32
    %broadcast_in_dim3A_304 = vector.broadcast %broadcast_in_dim3A_303 : i32 to vector<16xi32>
    %eq3A_305 = arith.cmpi eq, %get3A_237, %broadcast_in_dim3A_304 : vector<16xi32>
    %convert_element_type3A_306 = arith.extui %eq3A_305 : vector<16xi1> to vector<16xi32>
    %broadcast_in_dim3A_307 = arith.constant true
    %broadcast_in_dim3A_308 = vector.broadcast %broadcast_in_dim3A_307 : i1 to vector<16xi1>
    %masked_cumsum3A_309 = tpu.scan <sum>, %convert_element_type3A_306 masked %broadcast_in_dim3A_308 : vector<16xi32>, vector<16xi1> -> vector<16xi32>
    %get3A_310 = arith.constant 3 : i32
    %get3A_311 = arith.index_cast %get3A_310 : i32 to index
    %get3A_312 = memref.load %arg20[%get3A_311] : memref<8xi32, #tpu.memory_space<smem>>
    %broadcast_in_dim3A_313 = vector.broadcast %get3A_312 : i32 to vector<16xi32>
    %add3A_314 = arith.addi %broadcast_in_dim3A_313, %masked_cumsum3A_309 : vector<16xi32>
    %sub3A_315 = arith.subi %add3A_314, %convert_element_type3A_306 : vector<16xi32>
    %mul3A_316 = arith.muli %convert_element_type3A_306, %sub3A_315 : vector<16xi32>
    %add3A_317 = arith.addi %add3A_296, %mul3A_316 : vector<16xi32>
    %slice3A_318 = vector.extract_strided_slice %masked_cumsum3A_309 {offsets = [15], sizes = [1], strides = [1]} : vector<16xi32> to vector<1xi32>
    %squeeze3A_319 = vector.extract %slice3A_318[0] : i32 from vector<1xi32>
    %add3A_320 = arith.addi %get3A_312, %squeeze3A_319 : i32
    %swap3A_321 = arith.constant 3 : i32
    %swap3A_322 = arith.index_cast %swap3A_321 : i32 to index
    %swap3A_323 = memref.load %arg20[%swap3A_322] : memref<8xi32, #tpu.memory_space<smem>>
    memref.store %add3A_320, %arg20[%swap3A_322] : memref<8xi32, #tpu.memory_space<smem>>
    %broadcast_in_dim3A_324 = arith.constant 4 : i32
    %broadcast_in_dim3A_325 = vector.broadcast %broadcast_in_dim3A_324 : i32 to vector<16xi32>
    %eq3A_326 = arith.cmpi eq, %get3A_237, %broadcast_in_dim3A_325 : vector<16xi32>
    %convert_element_type3A_327 = arith.extui %eq3A_326 : vector<16xi1> to vector<16xi32>
    %broadcast_in_dim3A_328 = arith.constant true
    %broadcast_in_dim3A_329 = vector.broadcast %broadcast_in_dim3A_328 : i1 to vector<16xi1>
    %masked_cumsum3A_330 = tpu.scan <sum>, %convert_element_type3A_327 masked %broadcast_in_dim3A_329 : vector<16xi32>, vector<16xi1> -> vector<16xi32>
    %get3A_331 = arith.constant 4 : i32
    %get3A_332 = arith.index_cast %get3A_331 : i32 to index
    %get3A_333 = memref.load %arg20[%get3A_332] : memref<8xi32, #tpu.memory_space<smem>>
    %broadcast_in_dim3A_334 = vector.broadcast %get3A_333 : i32 to vector<16xi32>
    %add3A_335 = arith.addi %broadcast_in_dim3A_334, %masked_cumsum3A_330 : vector<16xi32>
    %sub3A_336 = arith.subi %add3A_335, %convert_element_type3A_327 : vector<16xi32>
    %mul3A_337 = arith.muli %convert_element_type3A_327, %sub3A_336 : vector<16xi32>
    %add3A_338 = arith.addi %add3A_317, %mul3A_337 : vector<16xi32>
    %slice3A_339 = vector.extract_strided_slice %masked_cumsum3A_330 {offsets = [15], sizes = [1], strides = [1]} : vector<16xi32> to vector<1xi32>
    %squeeze3A_340 = vector.extract %slice3A_339[0] : i32 from vector<1xi32>
    %add3A_341 = arith.addi %get3A_333, %squeeze3A_340 : i32
    %swap3A_342 = arith.constant 4 : i32
    %swap3A_343 = arith.index_cast %swap3A_342 : i32 to index
    %swap3A_344 = memref.load %arg20[%swap3A_343] : memref<8xi32, #tpu.memory_space<smem>>
    memref.store %add3A_341, %arg20[%swap3A_343] : memref<8xi32, #tpu.memory_space<smem>>
    %broadcast_in_dim3A_345 = arith.constant 5 : i32
    %broadcast_in_dim3A_346 = vector.broadcast %broadcast_in_dim3A_345 : i32 to vector<16xi32>
    %eq3A_347 = arith.cmpi eq, %get3A_237, %broadcast_in_dim3A_346 : vector<16xi32>
    %convert_element_type3A_348 = arith.extui %eq3A_347 : vector<16xi1> to vector<16xi32>
    %broadcast_in_dim3A_349 = arith.constant true
    %broadcast_in_dim3A_350 = vector.broadcast %broadcast_in_dim3A_349 : i1 to vector<16xi1>
    %masked_cumsum3A_351 = tpu.scan <sum>, %convert_element_type3A_348 masked %broadcast_in_dim3A_350 : vector<16xi32>, vector<16xi1> -> vector<16xi32>
    %get3A_352 = arith.constant 5 : i32
    %get3A_353 = arith.index_cast %get3A_352 : i32 to index
    %get3A_354 = memref.load %arg20[%get3A_353] : memref<8xi32, #tpu.memory_space<smem>>
    %broadcast_in_dim3A_355 = vector.broadcast %get3A_354 : i32 to vector<16xi32>
    %add3A_356 = arith.addi %broadcast_in_dim3A_355, %masked_cumsum3A_351 : vector<16xi32>
    %sub3A_357 = arith.subi %add3A_356, %convert_element_type3A_348 : vector<16xi32>
    %mul3A_358 = arith.muli %convert_element_type3A_348, %sub3A_357 : vector<16xi32>
    %add3A_359 = arith.addi %add3A_338, %mul3A_358 : vector<16xi32>
    %slice3A_360 = vector.extract_strided_slice %masked_cumsum3A_351 {offsets = [15], sizes = [1], strides = [1]} : vector<16xi32> to vector<1xi32>
    %squeeze3A_361 = vector.extract %slice3A_360[0] : i32 from vector<1xi32>
    %add3A_362 = arith.addi %get3A_354, %squeeze3A_361 : i32
    %swap3A_363 = arith.constant 5 : i32
    %swap3A_364 = arith.index_cast %swap3A_363 : i32 to index
    %swap3A_365 = memref.load %arg20[%swap3A_364] : memref<8xi32, #tpu.memory_space<smem>>
    memref.store %add3A_362, %arg20[%swap3A_364] : memref<8xi32, #tpu.memory_space<smem>>
    %broadcast_in_dim3A_366 = arith.constant 6 : i32
    %broadcast_in_dim3A_367 = vector.broadcast %broadcast_in_dim3A_366 : i32 to vector<16xi32>
    %eq3A_368 = arith.cmpi eq, %get3A_237, %broadcast_in_dim3A_367 : vector<16xi32>
    %convert_element_type3A_369 = arith.extui %eq3A_368 : vector<16xi1> to vector<16xi32>
    %broadcast_in_dim3A_370 = arith.constant true
    %broadcast_in_dim3A_371 = vector.broadcast %broadcast_in_dim3A_370 : i1 to vector<16xi1>
    %masked_cumsum3A_372 = tpu.scan <sum>, %convert_element_type3A_369 masked %broadcast_in_dim3A_371 : vector<16xi32>, vector<16xi1> -> vector<16xi32>
    %get3A_373 = arith.constant 6 : i32
    %get3A_374 = arith.index_cast %get3A_373 : i32 to index
    %get3A_375 = memref.load %arg20[%get3A_374] : memref<8xi32, #tpu.memory_space<smem>>
    %broadcast_in_dim3A_376 = vector.broadcast %get3A_375 : i32 to vector<16xi32>
    %add3A_377 = arith.addi %broadcast_in_dim3A_376, %masked_cumsum3A_372 : vector<16xi32>
    %sub3A_378 = arith.subi %add3A_377, %convert_element_type3A_369 : vector<16xi32>
    %mul3A_379 = arith.muli %convert_element_type3A_369, %sub3A_378 : vector<16xi32>
    %add3A_380 = arith.addi %add3A_359, %mul3A_379 : vector<16xi32>
    %slice3A_381 = vector.extract_strided_slice %masked_cumsum3A_372 {offsets = [15], sizes = [1], strides = [1]} : vector<16xi32> to vector<1xi32>
    %squeeze3A_382 = vector.extract %slice3A_381[0] : i32 from vector<1xi32>
    %add3A_383 = arith.addi %get3A_375, %squeeze3A_382 : i32
    %swap3A_384 = arith.constant 6 : i32
    %swap3A_385 = arith.index_cast %swap3A_384 : i32 to index
    %swap3A_386 = memref.load %arg20[%swap3A_385] : memref<8xi32, #tpu.memory_space<smem>>
    memref.store %add3A_383, %arg20[%swap3A_385] : memref<8xi32, #tpu.memory_space<smem>>
    %broadcast_in_dim3A_387 = arith.constant 7 : i32
    %broadcast_in_dim3A_388 = vector.broadcast %broadcast_in_dim3A_387 : i32 to vector<16xi32>
    %eq3A_389 = arith.cmpi eq, %get3A_237, %broadcast_in_dim3A_388 : vector<16xi32>
    %convert_element_type3A_390 = arith.extui %eq3A_389 : vector<16xi1> to vector<16xi32>
    %broadcast_in_dim3A_391 = arith.constant true
    %broadcast_in_dim3A_392 = vector.broadcast %broadcast_in_dim3A_391 : i1 to vector<16xi1>
    %masked_cumsum3A_393 = tpu.scan <sum>, %convert_element_type3A_390 masked %broadcast_in_dim3A_392 : vector<16xi32>, vector<16xi1> -> vector<16xi32>
    %get3A_394 = arith.constant 7 : i32
    %get3A_395 = arith.index_cast %get3A_394 : i32 to index
    %get3A_396 = memref.load %arg20[%get3A_395] : memref<8xi32, #tpu.memory_space<smem>>
    %broadcast_in_dim3A_397 = vector.broadcast %get3A_396 : i32 to vector<16xi32>
    %add3A_398 = arith.addi %broadcast_in_dim3A_397, %masked_cumsum3A_393 : vector<16xi32>
    %sub3A_399 = arith.subi %add3A_398, %convert_element_type3A_390 : vector<16xi32>
    %mul3A_400 = arith.muli %convert_element_type3A_390, %sub3A_399 : vector<16xi32>
    %add3A_401 = arith.addi %add3A_380, %mul3A_400 : vector<16xi32>
    %slice3A_402 = vector.extract_strided_slice %masked_cumsum3A_393 {offsets = [15], sizes = [1], strides = [1]} : vector<16xi32> to vector<1xi32>
    %squeeze3A_403 = vector.extract %slice3A_402[0] : i32 from vector<1xi32>
    %add3A_404 = arith.addi %get3A_396, %squeeze3A_403 : i32
    %swap3A_405 = arith.constant 7 : i32
    %swap3A_406 = arith.index_cast %swap3A_405 : i32 to index
    %swap3A_407 = memref.load %arg20[%swap3A_406] : memref<8xi32, #tpu.memory_space<smem>>
    memref.store %add3A_404, %arg20[%swap3A_406] : memref<8xi32, #tpu.memory_space<smem>>
    %swap3A_408 = arith.constant 16 : index
    %swap3A_409 = tpu.vector_load %arg17[%swap3A_408] {strides = array<i32>} : memref<64xi32, #tpu.memory_space<vmem>>, vector<16xi32>,
    tpu.vector_store %arg17[%swap3A_408], %add3A_401 {strides = array<i32>} : memref<64xi32, #tpu.memory_space<vmem>>, vector<16xi32>,
    %get3A_410 = arith.constant 32 : index
    %get3A_411 = tpu.vector_load %arg12[%get3A_410] {strides = array<i32>} : memref<64xi32, #tpu.memory_space<vmem>>, vector<16xi32>,
    %broadcast_in_dim3A_412 = arith.constant 0 : i32
    %broadcast_in_dim3A_413 = vector.broadcast %broadcast_in_dim3A_412 : i32 to vector<16xi32>
    %broadcast_in_dim3A_414 = arith.constant 0 : i32
    %broadcast_in_dim3A_415 = vector.broadcast %broadcast_in_dim3A_414 : i32 to vector<16xi32>
    %eq3A_416 = arith.cmpi eq, %get3A_411, %broadcast_in_dim3A_415 : vector<16xi32>
    %convert_element_type3A_417 = arith.extui %eq3A_416 : vector<16xi1> to vector<16xi32>
    %broadcast_in_dim3A_418 = arith.constant true
    %broadcast_in_dim3A_419 = vector.broadcast %broadcast_in_dim3A_418 : i1 to vector<16xi1>
    %masked_cumsum3A_420 = tpu.scan <sum>, %convert_element_type3A_417 masked %broadcast_in_dim3A_419 : vector<16xi32>, vector<16xi1> -> vector<16xi32>
    %get3A_421 = arith.constant 0 : i32
    %get3A_422 = arith.index_cast %get3A_421 : i32 to index
    %get3A_423 = memref.load %arg20[%get3A_422] : memref<8xi32, #tpu.memory_space<smem>>
    %broadcast_in_dim3A_424 = vector.broadcast %get3A_423 : i32 to vector<16xi32>
    %add3A_425 = arith.addi %broadcast_in_dim3A_424, %masked_cumsum3A_420 : vector<16xi32>
    %sub3A_426 = arith.subi %add3A_425, %convert_element_type3A_417 : vector<16xi32>
    %mul3A_427 = arith.muli %convert_element_type3A_417, %sub3A_426 : vector<16xi32>
    %add3A_428 = arith.addi %broadcast_in_dim3A_413, %mul3A_427 : vector<16xi32>
    %slice3A_429 = vector.extract_strided_slice %masked_cumsum3A_420 {offsets = [15], sizes = [1], strides = [1]} : vector<16xi32> to vector<1xi32>
    %squeeze3A_430 = vector.extract %slice3A_429[0] : i32 from vector<1xi32>
    %add3A_431 = arith.addi %get3A_423, %squeeze3A_430 : i32
    %swap3A_432 = arith.constant 0 : i32
    %swap3A_433 = arith.index_cast %swap3A_432 : i32 to index
    %swap3A_434 = memref.load %arg20[%swap3A_433] : memref<8xi32, #tpu.memory_space<smem>>
    memref.store %add3A_431, %arg20[%swap3A_433] : memref<8xi32, #tpu.memory_space<smem>>
    %broadcast_in_dim3A_435 = arith.constant 1 : i32
    %broadcast_in_dim3A_436 = vector.broadcast %broadcast_in_dim3A_435 : i32 to vector<16xi32>
    %eq3A_437 = arith.cmpi eq, %get3A_411, %broadcast_in_dim3A_436 : vector<16xi32>
    %convert_element_type3A_438 = arith.extui %eq3A_437 : vector<16xi1> to vector<16xi32>
    %broadcast_in_dim3A_439 = arith.constant true
    %broadcast_in_dim3A_440 = vector.broadcast %broadcast_in_dim3A_439 : i1 to vector<16xi1>
    %masked_cumsum3A_441 = tpu.scan <sum>, %convert_element_type3A_438 masked %broadcast_in_dim3A_440 : vector<16xi32>, vector<16xi1> -> vector<16xi32>
    %get3A_442 = arith.constant 1 : i32
    %get3A_443 = arith.index_cast %get3A_442 : i32 to index
    %get3A_444 = memref.load %arg20[%get3A_443] : memref<8xi32, #tpu.memory_space<smem>>
    %broadcast_in_dim3A_445 = vector.broadcast %get3A_444 : i32 to vector<16xi32>
    %add3A_446 = arith.addi %broadcast_in_dim3A_445, %masked_cumsum3A_441 : vector<16xi32>
    %sub3A_447 = arith.subi %add3A_446, %convert_element_type3A_438 : vector<16xi32>
    %mul3A_448 = arith.muli %convert_element_type3A_438, %sub3A_447 : vector<16xi32>
    %add3A_449 = arith.addi %add3A_428, %mul3A_448 : vector<16xi32>
    %slice3A_450 = vector.extract_strided_slice %masked_cumsum3A_441 {offsets = [15], sizes = [1], strides = [1]} : vector<16xi32> to vector<1xi32>
    %squeeze3A_451 = vector.extract %slice3A_450[0] : i32 from vector<1xi32>
    %add3A_452 = arith.addi %get3A_444, %squeeze3A_451 : i32
    %swap3A_453 = arith.constant 1 : i32
    %swap3A_454 = arith.index_cast %swap3A_453 : i32 to index
    %swap3A_455 = memref.load %arg20[%swap3A_454] : memref<8xi32, #tpu.memory_space<smem>>
    memref.store %add3A_452, %arg20[%swap3A_454] : memref<8xi32, #tpu.memory_space<smem>>
    %broadcast_in_dim3A_456 = arith.constant 2 : i32
    %broadcast_in_dim3A_457 = vector.broadcast %broadcast_in_dim3A_456 : i32 to vector<16xi32>
    %eq3A_458 = arith.cmpi eq, %get3A_411, %broadcast_in_dim3A_457 : vector<16xi32>
    %convert_element_type3A_459 = arith.extui %eq3A_458 : vector<16xi1> to vector<16xi32>
    %broadcast_in_dim3A_460 = arith.constant true
    %broadcast_in_dim3A_461 = vector.broadcast %broadcast_in_dim3A_460 : i1 to vector<16xi1>
    %masked_cumsum3A_462 = tpu.scan <sum>, %convert_element_type3A_459 masked %broadcast_in_dim3A_461 : vector<16xi32>, vector<16xi1> -> vector<16xi32>
    %get3A_463 = arith.constant 2 : i32
    %get3A_464 = arith.index_cast %get3A_463 : i32 to index
    %get3A_465 = memref.load %arg20[%get3A_464] : memref<8xi32, #tpu.memory_space<smem>>
    %broadcast_in_dim3A_466 = vector.broadcast %get3A_465 : i32 to vector<16xi32>
    %add3A_467 = arith.addi %broadcast_in_dim3A_466, %masked_cumsum3A_462 : vector<16xi32>
    %sub3A_468 = arith.subi %add3A_467, %convert_element_type3A_459 : vector<16xi32>
    %mul3A_469 = arith.muli %convert_element_type3A_459, %sub3A_468 : vector<16xi32>
    %add3A_470 = arith.addi %add3A_449, %mul3A_469 : vector<16xi32>
    %slice3A_471 = vector.extract_strided_slice %masked_cumsum3A_462 {offsets = [15], sizes = [1], strides = [1]} : vector<16xi32> to vector<1xi32>
    %squeeze3A_472 = vector.extract %slice3A_471[0] : i32 from vector<1xi32>
    %add3A_473 = arith.addi %get3A_465, %squeeze3A_472 : i32
    %swap3A_474 = arith.constant 2 : i32
    %swap3A_475 = arith.index_cast %swap3A_474 : i32 to index
    %swap3A_476 = memref.load %arg20[%swap3A_475] : memref<8xi32, #tpu.memory_space<smem>>
    memref.store %add3A_473, %arg20[%swap3A_475] : memref<8xi32, #tpu.memory_space<smem>>
    %broadcast_in_dim3A_477 = arith.constant 3 : i32
    %broadcast_in_dim3A_478 = vector.broadcast %broadcast_in_dim3A_477 : i32 to vector<16xi32>
    %eq3A_479 = arith.cmpi eq, %get3A_411, %broadcast_in_dim3A_478 : vector<16xi32>
    %convert_element_type3A_480 = arith.extui %eq3A_479 : vector<16xi1> to vector<16xi32>
    %broadcast_in_dim3A_481 = arith.constant true
    %broadcast_in_dim3A_482 = vector.broadcast %broadcast_in_dim3A_481 : i1 to vector<16xi1>
    %masked_cumsum3A_483 = tpu.scan <sum>, %convert_element_type3A_480 masked %broadcast_in_dim3A_482 : vector<16xi32>, vector<16xi1> -> vector<16xi32>
    %get3A_484 = arith.constant 3 : i32
    %get3A_485 = arith.index_cast %get3A_484 : i32 to index
    %get3A_486 = memref.load %arg20[%get3A_485] : memref<8xi32, #tpu.memory_space<smem>>
    %broadcast_in_dim3A_487 = vector.broadcast %get3A_486 : i32 to vector<16xi32>
    %add3A_488 = arith.addi %broadcast_in_dim3A_487, %masked_cumsum3A_483 : vector<16xi32>
    %sub3A_489 = arith.subi %add3A_488, %convert_element_type3A_480 : vector<16xi32>
    %mul3A_490 = arith.muli %convert_element_type3A_480, %sub3A_489 : vector<16xi32>
    %add3A_491 = arith.addi %add3A_470, %mul3A_490 : vector<16xi32>
    %slice3A_492 = vector.extract_strided_slice %masked_cumsum3A_483 {offsets = [15], sizes = [1], strides = [1]} : vector<16xi32> to vector<1xi32>
    %squeeze3A_493 = vector.extract %slice3A_492[0] : i32 from vector<1xi32>
    %add3A_494 = arith.addi %get3A_486, %squeeze3A_493 : i32
    %swap3A_495 = arith.constant 3 : i32
    %swap3A_496 = arith.index_cast %swap3A_495 : i32 to index
    %swap3A_497 = memref.load %arg20[%swap3A_496] : memref<8xi32, #tpu.memory_space<smem>>
    memref.store %add3A_494, %arg20[%swap3A_496] : memref<8xi32, #tpu.memory_space<smem>>
    %broadcast_in_dim3A_498 = arith.constant 4 : i32
    %broadcast_in_dim3A_499 = vector.broadcast %broadcast_in_dim3A_498 : i32 to vector<16xi32>
    %eq3A_500 = arith.cmpi eq, %get3A_411, %broadcast_in_dim3A_499 : vector<16xi32>
    %convert_element_type3A_501 = arith.extui %eq3A_500 : vector<16xi1> to vector<16xi32>
    %broadcast_in_dim3A_502 = arith.constant true
    %broadcast_in_dim3A_503 = vector.broadcast %broadcast_in_dim3A_502 : i1 to vector<16xi1>
    %masked_cumsum3A_504 = tpu.scan <sum>, %convert_element_type3A_501 masked %broadcast_in_dim3A_503 : vector<16xi32>, vector<16xi1> -> vector<16xi32>
    %get3A_505 = arith.constant 4 : i32
    %get3A_506 = arith.index_cast %get3A_505 : i32 to index
    %get3A_507 = memref.load %arg20[%get3A_506] : memref<8xi32, #tpu.memory_space<smem>>
    %broadcast_in_dim3A_508 = vector.broadcast %get3A_507 : i32 to vector<16xi32>
    %add3A_509 = arith.addi %broadcast_in_dim3A_508, %masked_cumsum3A_504 : vector<16xi32>
    %sub3A_510 = arith.subi %add3A_509, %convert_element_type3A_501 : vector<16xi32>
    %mul3A_511 = arith.muli %convert_element_type3A_501, %sub3A_510 : vector<16xi32>
    %add3A_512 = arith.addi %add3A_491, %mul3A_511 : vector<16xi32>
    %slice3A_513 = vector.extract_strided_slice %masked_cumsum3A_504 {offsets = [15], sizes = [1], strides = [1]} : vector<16xi32> to vector<1xi32>
    %squeeze3A_514 = vector.extract %slice3A_513[0] : i32 from vector<1xi32>
    %add3A_515 = arith.addi %get3A_507, %squeeze3A_514 : i32
    %swap3A_516 = arith.constant 4 : i32
    %swap3A_517 = arith.index_cast %swap3A_516 : i32 to index
    %swap3A_518 = memref.load %arg20[%swap3A_517] : memref<8xi32, #tpu.memory_space<smem>>
    memref.store %add3A_515, %arg20[%swap3A_517] : memref<8xi32, #tpu.memory_space<smem>>
    %broadcast_in_dim3A_519 = arith.constant 5 : i32
    %broadcast_in_dim3A_520 = vector.broadcast %broadcast_in_dim3A_519 : i32 to vector<16xi32>
    %eq3A_521 = arith.cmpi eq, %get3A_411, %broadcast_in_dim3A_520 : vector<16xi32>
    %convert_element_type3A_522 = arith.extui %eq3A_521 : vector<16xi1> to vector<16xi32>
    %broadcast_in_dim3A_523 = arith.constant true
    %broadcast_in_dim3A_524 = vector.broadcast %broadcast_in_dim3A_523 : i1 to vector<16xi1>
    %masked_cumsum3A_525 = tpu.scan <sum>, %convert_element_type3A_522 masked %broadcast_in_dim3A_524 : vector<16xi32>, vector<16xi1> -> vector<16xi32>
    %get3A_526 = arith.constant 5 : i32
    %get3A_527 = arith.index_cast %get3A_526 : i32 to index
    %get3A_528 = memref.load %arg20[%get3A_527] : memref<8xi32, #tpu.memory_space<smem>>
    %broadcast_in_dim3A_529 = vector.broadcast %get3A_528 : i32 to vector<16xi32>
    %add3A_530 = arith.addi %broadcast_in_dim3A_529, %masked_cumsum3A_525 : vector<16xi32>
    %sub3A_531 = arith.subi %add3A_530, %convert_element_type3A_522 : vector<16xi32>
    %mul3A_532 = arith.muli %convert_element_type3A_522, %sub3A_531 : vector<16xi32>
    %add3A_533 = arith.addi %add3A_512, %mul3A_532 : vector<16xi32>
    %slice3A_534 = vector.extract_strided_slice %masked_cumsum3A_525 {offsets = [15], sizes = [1], strides = [1]} : vector<16xi32> to vector<1xi32>
    %squeeze3A_535 = vector.extract %slice3A_534[0] : i32 from vector<1xi32>
    %add3A_536 = arith.addi %get3A_528, %squeeze3A_535 : i32
    %swap3A_537 = arith.constant 5 : i32
    %swap3A_538 = arith.index_cast %swap3A_537 : i32 to index
    %swap3A_539 = memref.load %arg20[%swap3A_538] : memref<8xi32, #tpu.memory_space<smem>>
    memref.store %add3A_536, %arg20[%swap3A_538] : memref<8xi32, #tpu.memory_space<smem>>
    %broadcast_in_dim3A_540 = arith.constant 6 : i32
    %broadcast_in_dim3A_541 = vector.broadcast %broadcast_in_dim3A_540 : i32 to vector<16xi32>
    %eq3A_542 = arith.cmpi eq, %get3A_411, %broadcast_in_dim3A_541 : vector<16xi32>
    %convert_element_type3A_543 = arith.extui %eq3A_542 : vector<16xi1> to vector<16xi32>
    %broadcast_in_dim3A_544 = arith.constant true
    %broadcast_in_dim3A_545 = vector.broadcast %broadcast_in_dim3A_544 : i1 to vector<16xi1>
    %masked_cumsum3A_546 = tpu.scan <sum>, %convert_element_type3A_543 masked %broadcast_in_dim3A_545 : vector<16xi32>, vector<16xi1> -> vector<16xi32>
    %get3A_547 = arith.constant 6 : i32
    %get3A_548 = arith.index_cast %get3A_547 : i32 to index
    %get3A_549 = memref.load %arg20[%get3A_548] : memref<8xi32, #tpu.memory_space<smem>>
    %broadcast_in_dim3A_550 = vector.broadcast %get3A_549 : i32 to vector<16xi32>
    %add3A_551 = arith.addi %broadcast_in_dim3A_550, %masked_cumsum3A_546 : vector<16xi32>
    %sub3A_552 = arith.subi %add3A_551, %convert_element_type3A_543 : vector<16xi32>
    %mul3A_553 = arith.muli %convert_element_type3A_543, %sub3A_552 : vector<16xi32>
    %add3A_554 = arith.addi %add3A_533, %mul3A_553 : vector<16xi32>
    %slice3A_555 = vector.extract_strided_slice %masked_cumsum3A_546 {offsets = [15], sizes = [1], strides = [1]} : vector<16xi32> to vector<1xi32>
    %squeeze3A_556 = vector.extract %slice3A_555[0] : i32 from vector<1xi32>
    %add3A_557 = arith.addi %get3A_549, %squeeze3A_556 : i32
    %swap3A_558 = arith.constant 6 : i32
    %swap3A_559 = arith.index_cast %swap3A_558 : i32 to index
    %swap3A_560 = memref.load %arg20[%swap3A_559] : memref<8xi32, #tpu.memory_space<smem>>
    memref.store %add3A_557, %arg20[%swap3A_559] : memref<8xi32, #tpu.memory_space<smem>>
    %broadcast_in_dim3A_561 = arith.constant 7 : i32
    %broadcast_in_dim3A_562 = vector.broadcast %broadcast_in_dim3A_561 : i32 to vector<16xi32>
    %eq3A_563 = arith.cmpi eq, %get3A_411, %broadcast_in_dim3A_562 : vector<16xi32>
    %convert_element_type3A_564 = arith.extui %eq3A_563 : vector<16xi1> to vector<16xi32>
    %broadcast_in_dim3A_565 = arith.constant true
    %broadcast_in_dim3A_566 = vector.broadcast %broadcast_in_dim3A_565 : i1 to vector<16xi1>
    %masked_cumsum3A_567 = tpu.scan <sum>, %convert_element_type3A_564 masked %broadcast_in_dim3A_566 : vector<16xi32>, vector<16xi1> -> vector<16xi32>
    %get3A_568 = arith.constant 7 : i32
    %get3A_569 = arith.index_cast %get3A_568 : i32 to index
    %get3A_570 = memref.load %arg20[%get3A_569] : memref<8xi32, #tpu.memory_space<smem>>
    %broadcast_in_dim3A_571 = vector.broadcast %get3A_570 : i32 to vector<16xi32>
    %add3A_572 = arith.addi %broadcast_in_dim3A_571, %masked_cumsum3A_567 : vector<16xi32>
    %sub3A_573 = arith.subi %add3A_572, %convert_element_type3A_564 : vector<16xi32>
    %mul3A_574 = arith.muli %convert_element_type3A_564, %sub3A_573 : vector<16xi32>
    %add3A_575 = arith.addi %add3A_554, %mul3A_574 : vector<16xi32>
    %slice3A_576 = vector.extract_strided_slice %masked_cumsum3A_567 {offsets = [15], sizes = [1], strides = [1]} : vector<16xi32> to vector<1xi32>
    %squeeze3A_577 = vector.extract %slice3A_576[0] : i32 from vector<1xi32>
    %add3A_578 = arith.addi %get3A_570, %squeeze3A_577 : i32
    %swap3A_579 = arith.constant 7 : i32
    %swap3A_580 = arith.index_cast %swap3A_579 : i32 to index
    %swap3A_581 = memref.load %arg20[%swap3A_580] : memref<8xi32, #tpu.memory_space<smem>>
    memref.store %add3A_578, %arg20[%swap3A_580] : memref<8xi32, #tpu.memory_space<smem>>
    %swap3A_582 = arith.constant 32 : index
    %swap3A_583 = tpu.vector_load %arg17[%swap3A_582] {strides = array<i32>} : memref<64xi32, #tpu.memory_space<vmem>>, vector<16xi32>,
    tpu.vector_store %arg17[%swap3A_582], %add3A_575 {strides = array<i32>} : memref<64xi32, #tpu.memory_space<vmem>>, vector<16xi32>,
    %get3A_584 = arith.constant 48 : index
    %get3A_585 = tpu.vector_load %arg12[%get3A_584] {strides = array<i32>} : memref<64xi32, #tpu.memory_space<vmem>>, vector<16xi32>,
    %broadcast_in_dim3A_586 = arith.constant 0 : i32
    %broadcast_in_dim3A_587 = vector.broadcast %broadcast_in_dim3A_586 : i32 to vector<16xi32>
    %broadcast_in_dim3A_588 = arith.constant 0 : i32
    %broadcast_in_dim3A_589 = vector.broadcast %broadcast_in_dim3A_588 : i32 to vector<16xi32>
    %eq3A_590 = arith.cmpi eq, %get3A_585, %broadcast_in_dim3A_589 : vector<16xi32>
    %convert_element_type3A_591 = arith.extui %eq3A_590 : vector<16xi1> to vector<16xi32>
    %broadcast_in_dim3A_592 = arith.constant true
    %broadcast_in_dim3A_593 = vector.broadcast %broadcast_in_dim3A_592 : i1 to vector<16xi1>
    %masked_cumsum3A_594 = tpu.scan <sum>, %convert_element_type3A_591 masked %broadcast_in_dim3A_593 : vector<16xi32>, vector<16xi1> -> vector<16xi32>
    %get3A_595 = arith.constant 0 : i32
    %get3A_596 = arith.index_cast %get3A_595 : i32 to index
    %get3A_597 = memref.load %arg20[%get3A_596] : memref<8xi32, #tpu.memory_space<smem>>
    %broadcast_in_dim3A_598 = vector.broadcast %get3A_597 : i32 to vector<16xi32>
    %add3A_599 = arith.addi %broadcast_in_dim3A_598, %masked_cumsum3A_594 : vector<16xi32>
    %sub3A_600 = arith.subi %add3A_599, %convert_element_type3A_591 : vector<16xi32>
    %mul3A_601 = arith.muli %convert_element_type3A_591, %sub3A_600 : vector<16xi32>
    %add3A_602 = arith.addi %broadcast_in_dim3A_587, %mul3A_601 : vector<16xi32>
    %slice3A_603 = vector.extract_strided_slice %masked_cumsum3A_594 {offsets = [15], sizes = [1], strides = [1]} : vector<16xi32> to vector<1xi32>
    %squeeze3A_604 = vector.extract %slice3A_603[0] : i32 from vector<1xi32>
    %add3A_605 = arith.addi %get3A_597, %squeeze3A_604 : i32
    %swap3A_606 = arith.constant 0 : i32
    %swap3A_607 = arith.index_cast %swap3A_606 : i32 to index
    %swap3A_608 = memref.load %arg20[%swap3A_607] : memref<8xi32, #tpu.memory_space<smem>>
    memref.store %add3A_605, %arg20[%swap3A_607] : memref<8xi32, #tpu.memory_space<smem>>
    %broadcast_in_dim3A_609 = arith.constant 1 : i32
    %broadcast_in_dim3A_610 = vector.broadcast %broadcast_in_dim3A_609 : i32 to vector<16xi32>
    %eq3A_611 = arith.cmpi eq, %get3A_585, %broadcast_in_dim3A_610 : vector<16xi32>
    %convert_element_type3A_612 = arith.extui %eq3A_611 : vector<16xi1> to vector<16xi32>
    %broadcast_in_dim3A_613 = arith.constant true
    %broadcast_in_dim3A_614 = vector.broadcast %broadcast_in_dim3A_613 : i1 to vector<16xi1>
    %masked_cumsum3A_615 = tpu.scan <sum>, %convert_element_type3A_612 masked %broadcast_in_dim3A_614 : vector<16xi32>, vector<16xi1> -> vector<16xi32>
    %get3A_616 = arith.constant 1 : i32
    %get3A_617 = arith.index_cast %get3A_616 : i32 to index
    %get3A_618 = memref.load %arg20[%get3A_617] : memref<8xi32, #tpu.memory_space<smem>>
    %broadcast_in_dim3A_619 = vector.broadcast %get3A_618 : i32 to vector<16xi32>
    %add3A_620 = arith.addi %broadcast_in_dim3A_619, %masked_cumsum3A_615 : vector<16xi32>
    %sub3A_621 = arith.subi %add3A_620, %convert_element_type3A_612 : vector<16xi32>
    %mul3A_622 = arith.muli %convert_element_type3A_612, %sub3A_621 : vector<16xi32>
    %add3A_623 = arith.addi %add3A_602, %mul3A_622 : vector<16xi32>
    %slice3A_624 = vector.extract_strided_slice %masked_cumsum3A_615 {offsets = [15], sizes = [1], strides = [1]} : vector<16xi32> to vector<1xi32>
    %squeeze3A_625 = vector.extract %slice3A_624[0] : i32 from vector<1xi32>
    %add3A_626 = arith.addi %get3A_618, %squeeze3A_625 : i32
    %swap3A_627 = arith.constant 1 : i32
    %swap3A_628 = arith.index_cast %swap3A_627 : i32 to index
    %swap3A_629 = memref.load %arg20[%swap3A_628] : memref<8xi32, #tpu.memory_space<smem>>
    memref.store %add3A_626, %arg20[%swap3A_628] : memref<8xi32, #tpu.memory_space<smem>>
    %broadcast_in_dim3A_630 = arith.constant 2 : i32
    %broadcast_in_dim3A_631 = vector.broadcast %broadcast_in_dim3A_630 : i32 to vector<16xi32>
    %eq3A_632 = arith.cmpi eq, %get3A_585, %broadcast_in_dim3A_631 : vector<16xi32>
    %convert_element_type3A_633 = arith.extui %eq3A_632 : vector<16xi1> to vector<16xi32>
    %broadcast_in_dim3A_634 = arith.constant true
    %broadcast_in_dim3A_635 = vector.broadcast %broadcast_in_dim3A_634 : i1 to vector<16xi1>
    %masked_cumsum3A_636 = tpu.scan <sum>, %convert_element_type3A_633 masked %broadcast_in_dim3A_635 : vector<16xi32>, vector<16xi1> -> vector<16xi32>
    %get3A_637 = arith.constant 2 : i32
    %get3A_638 = arith.index_cast %get3A_637 : i32 to index
    %get3A_639 = memref.load %arg20[%get3A_638] : memref<8xi32, #tpu.memory_space<smem>>
    %broadcast_in_dim3A_640 = vector.broadcast %get3A_639 : i32 to vector<16xi32>
    %add3A_641 = arith.addi %broadcast_in_dim3A_640, %masked_cumsum3A_636 : vector<16xi32>
    %sub3A_642 = arith.subi %add3A_641, %convert_element_type3A_633 : vector<16xi32>
    %mul3A_643 = arith.muli %convert_element_type3A_633, %sub3A_642 : vector<16xi32>
    %add3A_644 = arith.addi %add3A_623, %mul3A_643 : vector<16xi32>
    %slice3A_645 = vector.extract_strided_slice %masked_cumsum3A_636 {offsets = [15], sizes = [1], strides = [1]} : vector<16xi32> to vector<1xi32>
    %squeeze3A_646 = vector.extract %slice3A_645[0] : i32 from vector<1xi32>
    %add3A_647 = arith.addi %get3A_639, %squeeze3A_646 : i32
    %swap3A_648 = arith.constant 2 : i32
    %swap3A_649 = arith.index_cast %swap3A_648 : i32 to index
    %swap3A_650 = memref.load %arg20[%swap3A_649] : memref<8xi32, #tpu.memory_space<smem>>
    memref.store %add3A_647, %arg20[%swap3A_649] : memref<8xi32, #tpu.memory_space<smem>>
    %broadcast_in_dim3A_651 = arith.constant 3 : i32
    %broadcast_in_dim3A_652 = vector.broadcast %broadcast_in_dim3A_651 : i32 to vector<16xi32>
    %eq3A_653 = arith.cmpi eq, %get3A_585, %broadcast_in_dim3A_652 : vector<16xi32>
    %convert_element_type3A_654 = arith.extui %eq3A_653 : vector<16xi1> to vector<16xi32>
    %broadcast_in_dim3A_655 = arith.constant true
    %broadcast_in_dim3A_656 = vector.broadcast %broadcast_in_dim3A_655 : i1 to vector<16xi1>
    %masked_cumsum3A_657 = tpu.scan <sum>, %convert_element_type3A_654 masked %broadcast_in_dim3A_656 : vector<16xi32>, vector<16xi1> -> vector<16xi32>
    %get3A_658 = arith.constant 3 : i32
    %get3A_659 = arith.index_cast %get3A_658 : i32 to index
    %get3A_660 = memref.load %arg20[%get3A_659] : memref<8xi32, #tpu.memory_space<smem>>
    %broadcast_in_dim3A_661 = vector.broadcast %get3A_660 : i32 to vector<16xi32>
    %add3A_662 = arith.addi %broadcast_in_dim3A_661, %masked_cumsum3A_657 : vector<16xi32>
    %sub3A_663 = arith.subi %add3A_662, %convert_element_type3A_654 : vector<16xi32>
    %mul3A_664 = arith.muli %convert_element_type3A_654, %sub3A_663 : vector<16xi32>
    %add3A_665 = arith.addi %add3A_644, %mul3A_664 : vector<16xi32>
    %slice3A_666 = vector.extract_strided_slice %masked_cumsum3A_657 {offsets = [15], sizes = [1], strides = [1]} : vector<16xi32> to vector<1xi32>
    %squeeze3A_667 = vector.extract %slice3A_666[0] : i32 from vector<1xi32>
    %add3A_668 = arith.addi %get3A_660, %squeeze3A_667 : i32
    %swap3A_669 = arith.constant 3 : i32
    %swap3A_670 = arith.index_cast %swap3A_669 : i32 to index
    %swap3A_671 = memref.load %arg20[%swap3A_670] : memref<8xi32, #tpu.memory_space<smem>>
    memref.store %add3A_668, %arg20[%swap3A_670] : memref<8xi32, #tpu.memory_space<smem>>
    %broadcast_in_dim3A_672 = arith.constant 4 : i32
    %broadcast_in_dim3A_673 = vector.broadcast %broadcast_in_dim3A_672 : i32 to vector<16xi32>
    %eq3A_674 = arith.cmpi eq, %get3A_585, %broadcast_in_dim3A_673 : vector<16xi32>
    %convert_element_type3A_675 = arith.extui %eq3A_674 : vector<16xi1> to vector<16xi32>
    %broadcast_in_dim3A_676 = arith.constant true
    %broadcast_in_dim3A_677 = vector.broadcast %broadcast_in_dim3A_676 : i1 to vector<16xi1>
    %masked_cumsum3A_678 = tpu.scan <sum>, %convert_element_type3A_675 masked %broadcast_in_dim3A_677 : vector<16xi32>, vector<16xi1> -> vector<16xi32>
    %get3A_679 = arith.constant 4 : i32
    %get3A_680 = arith.index_cast %get3A_679 : i32 to index
    %get3A_681 = memref.load %arg20[%get3A_680] : memref<8xi32, #tpu.memory_space<smem>>
    %broadcast_in_dim3A_682 = vector.broadcast %get3A_681 : i32 to vector<16xi32>
    %add3A_683 = arith.addi %broadcast_in_dim3A_682, %masked_cumsum3A_678 : vector<16xi32>
    %sub3A_684 = arith.subi %add3A_683, %convert_element_type3A_675 : vector<16xi32>
    %mul3A_685 = arith.muli %convert_element_type3A_675, %sub3A_684 : vector<16xi32>
    %add3A_686 = arith.addi %add3A_665, %mul3A_685 : vector<16xi32>
    %slice3A_687 = vector.extract_strided_slice %masked_cumsum3A_678 {offsets = [15], sizes = [1], strides = [1]} : vector<16xi32> to vector<1xi32>
    %squeeze3A_688 = vector.extract %slice3A_687[0] : i32 from vector<1xi32>
    %add3A_689 = arith.addi %get3A_681, %squeeze3A_688 : i32
    %swap3A_690 = arith.constant 4 : i32
    %swap3A_691 = arith.index_cast %swap3A_690 : i32 to index
    %swap3A_692 = memref.load %arg20[%swap3A_691] : memref<8xi32, #tpu.memory_space<smem>>
    memref.store %add3A_689, %arg20[%swap3A_691] : memref<8xi32, #tpu.memory_space<smem>>
    %broadcast_in_dim3A_693 = arith.constant 5 : i32
    %broadcast_in_dim3A_694 = vector.broadcast %broadcast_in_dim3A_693 : i32 to vector<16xi32>
    %eq3A_695 = arith.cmpi eq, %get3A_585, %broadcast_in_dim3A_694 : vector<16xi32>
    %convert_element_type3A_696 = arith.extui %eq3A_695 : vector<16xi1> to vector<16xi32>
    %broadcast_in_dim3A_697 = arith.constant true
    %broadcast_in_dim3A_698 = vector.broadcast %broadcast_in_dim3A_697 : i1 to vector<16xi1>
    %masked_cumsum3A_699 = tpu.scan <sum>, %convert_element_type3A_696 masked %broadcast_in_dim3A_698 : vector<16xi32>, vector<16xi1> -> vector<16xi32>
    %get3A_700 = arith.constant 5 : i32
    %get3A_701 = arith.index_cast %get3A_700 : i32 to index
    %get3A_702 = memref.load %arg20[%get3A_701] : memref<8xi32, #tpu.memory_space<smem>>
    %broadcast_in_dim3A_703 = vector.broadcast %get3A_702 : i32 to vector<16xi32>
    %add3A_704 = arith.addi %broadcast_in_dim3A_703, %masked_cumsum3A_699 : vector<16xi32>
    %sub3A_705 = arith.subi %add3A_704, %convert_element_type3A_696 : vector<16xi32>
    %mul3A_706 = arith.muli %convert_element_type3A_696, %sub3A_705 : vector<16xi32>
    %add3A_707 = arith.addi %add3A_686, %mul3A_706 : vector<16xi32>
    %slice3A_708 = vector.extract_strided_slice %masked_cumsum3A_699 {offsets = [15], sizes = [1], strides = [1]} : vector<16xi32> to vector<1xi32>
    %squeeze3A_709 = vector.extract %slice3A_708[0] : i32 from vector<1xi32>
    %add3A_710 = arith.addi %get3A_702, %squeeze3A_709 : i32
    %swap3A_711 = arith.constant 5 : i32
    %swap3A_712 = arith.index_cast %swap3A_711 : i32 to index
    %swap3A_713 = memref.load %arg20[%swap3A_712] : memref<8xi32, #tpu.memory_space<smem>>
    memref.store %add3A_710, %arg20[%swap3A_712] : memref<8xi32, #tpu.memory_space<smem>>
    %broadcast_in_dim3A_714 = arith.constant 6 : i32
    %broadcast_in_dim3A_715 = vector.broadcast %broadcast_in_dim3A_714 : i32 to vector<16xi32>
    %eq3A_716 = arith.cmpi eq, %get3A_585, %broadcast_in_dim3A_715 : vector<16xi32>
    %convert_element_type3A_717 = arith.extui %eq3A_716 : vector<16xi1> to vector<16xi32>
    %broadcast_in_dim3A_718 = arith.constant true
    %broadcast_in_dim3A_719 = vector.broadcast %broadcast_in_dim3A_718 : i1 to vector<16xi1>
    %masked_cumsum3A_720 = tpu.scan <sum>, %convert_element_type3A_717 masked %broadcast_in_dim3A_719 : vector<16xi32>, vector<16xi1> -> vector<16xi32>
    %get3A_721 = arith.constant 6 : i32
    %get3A_722 = arith.index_cast %get3A_721 : i32 to index
    %get3A_723 = memref.load %arg20[%get3A_722] : memref<8xi32, #tpu.memory_space<smem>>
    %broadcast_in_dim3A_724 = vector.broadcast %get3A_723 : i32 to vector<16xi32>
    %add3A_725 = arith.addi %broadcast_in_dim3A_724, %masked_cumsum3A_720 : vector<16xi32>
    %sub3A_726 = arith.subi %add3A_725, %convert_element_type3A_717 : vector<16xi32>
    %mul3A_727 = arith.muli %convert_element_type3A_717, %sub3A_726 : vector<16xi32>
    %add3A_728 = arith.addi %add3A_707, %mul3A_727 : vector<16xi32>
    %slice3A_729 = vector.extract_strided_slice %masked_cumsum3A_720 {offsets = [15], sizes = [1], strides = [1]} : vector<16xi32> to vector<1xi32>
    %squeeze3A_730 = vector.extract %slice3A_729[0] : i32 from vector<1xi32>
    %add3A_731 = arith.addi %get3A_723, %squeeze3A_730 : i32
    %swap3A_732 = arith.constant 6 : i32
    %swap3A_733 = arith.index_cast %swap3A_732 : i32 to index
    %swap3A_734 = memref.load %arg20[%swap3A_733] : memref<8xi32, #tpu.memory_space<smem>>
    memref.store %add3A_731, %arg20[%swap3A_733] : memref<8xi32, #tpu.memory_space<smem>>
    %broadcast_in_dim3A_735 = arith.constant 7 : i32
    %broadcast_in_dim3A_736 = vector.broadcast %broadcast_in_dim3A_735 : i32 to vector<16xi32>
    %eq3A_737 = arith.cmpi eq, %get3A_585, %broadcast_in_dim3A_736 : vector<16xi32>
    %convert_element_type3A_738 = arith.extui %eq3A_737 : vector<16xi1> to vector<16xi32>
    %broadcast_in_dim3A_739 = arith.constant true
    %broadcast_in_dim3A_740 = vector.broadcast %broadcast_in_dim3A_739 : i1 to vector<16xi1>
    %masked_cumsum3A_741 = tpu.scan <sum>, %convert_element_type3A_738 masked %broadcast_in_dim3A_740 : vector<16xi32>, vector<16xi1> -> vector<16xi32>
    %get3A_742 = arith.constant 7 : i32
    %get3A_743 = arith.index_cast %get3A_742 : i32 to index
    %get3A_744 = memref.load %arg20[%get3A_743] : memref<8xi32, #tpu.memory_space<smem>>
    %broadcast_in_dim3A_745 = vector.broadcast %get3A_744 : i32 to vector<16xi32>
    %add3A_746 = arith.addi %broadcast_in_dim3A_745, %masked_cumsum3A_741 : vector<16xi32>
    %sub3A_747 = arith.subi %add3A_746, %convert_element_type3A_738 : vector<16xi32>
    %mul3A_748 = arith.muli %convert_element_type3A_738, %sub3A_747 : vector<16xi32>
    %add3A_749 = arith.addi %add3A_728, %mul3A_748 : vector<16xi32>
    %slice3A_750 = vector.extract_strided_slice %masked_cumsum3A_741 {offsets = [15], sizes = [1], strides = [1]} : vector<16xi32> to vector<1xi32>
    %squeeze3A_751 = vector.extract %slice3A_750[0] : i32 from vector<1xi32>
    %add3A_752 = arith.addi %get3A_744, %squeeze3A_751 : i32
    %swap3A_753 = arith.constant 7 : i32
    %swap3A_754 = arith.index_cast %swap3A_753 : i32 to index
    %swap3A_755 = memref.load %arg20[%swap3A_754] : memref<8xi32, #tpu.memory_space<smem>>
    memref.store %add3A_752, %arg20[%swap3A_754] : memref<8xi32, #tpu.memory_space<smem>>
    %swap3A_756 = arith.constant 48 : index
    %swap3A_757 = tpu.vector_load %arg17[%swap3A_756] {strides = array<i32>} : memref<64xi32, #tpu.memory_space<vmem>>, vector<16xi32>,
    tpu.vector_store %arg17[%swap3A_756], %add3A_749 {strides = array<i32>} : memref<64xi32, #tpu.memory_space<vmem>>, vector<16xi32>,
    %get3A_758 = arith.constant 0 : index
    %get3A_759 = tpu.vector_load %arg13[%get3A_758] {strides = array<i32>} : memref<64xi32, #tpu.memory_space<vmem>>, vector<16xi32>,
    %broadcast_in_dim3A_760 = arith.constant 0 : i32
    %broadcast_in_dim3A_761 = vector.broadcast %broadcast_in_dim3A_760 : i32 to vector<16xi32>
    %broadcast_in_dim3A_762 = arith.constant 0 : i32
    %broadcast_in_dim3A_763 = vector.broadcast %broadcast_in_dim3A_762 : i32 to vector<16xi32>
    %eq3A_764 = arith.cmpi eq, %get3A_759, %broadcast_in_dim3A_763 : vector<16xi32>
    %convert_element_type3A_765 = arith.extui %eq3A_764 : vector<16xi1> to vector<16xi32>
    %broadcast_in_dim3A_766 = arith.constant true
    %broadcast_in_dim3A_767 = vector.broadcast %broadcast_in_dim3A_766 : i1 to vector<16xi1>
    %masked_cumsum3A_768 = tpu.scan <sum>, %convert_element_type3A_765 masked %broadcast_in_dim3A_767 : vector<16xi32>, vector<16xi1> -> vector<16xi32>
    %get3A_769 = arith.constant 0 : i32
    %get3A_770 = arith.index_cast %get3A_769 : i32 to index
    %get3A_771 = memref.load %arg20[%get3A_770] : memref<8xi32, #tpu.memory_space<smem>>
    %broadcast_in_dim3A_772 = vector.broadcast %get3A_771 : i32 to vector<16xi32>
    %add3A_773 = arith.addi %broadcast_in_dim3A_772, %masked_cumsum3A_768 : vector<16xi32>
    %sub3A_774 = arith.subi %add3A_773, %convert_element_type3A_765 : vector<16xi32>
    %mul3A_775 = arith.muli %convert_element_type3A_765, %sub3A_774 : vector<16xi32>
    %add3A_776 = arith.addi %broadcast_in_dim3A_761, %mul3A_775 : vector<16xi32>
    %slice3A_777 = vector.extract_strided_slice %masked_cumsum3A_768 {offsets = [15], sizes = [1], strides = [1]} : vector<16xi32> to vector<1xi32>
    %squeeze3A_778 = vector.extract %slice3A_777[0] : i32 from vector<1xi32>
    %add3A_779 = arith.addi %get3A_771, %squeeze3A_778 : i32
    %swap3A_780 = arith.constant 0 : i32
    %swap3A_781 = arith.index_cast %swap3A_780 : i32 to index
    %swap3A_782 = memref.load %arg20[%swap3A_781] : memref<8xi32, #tpu.memory_space<smem>>
    memref.store %add3A_779, %arg20[%swap3A_781] : memref<8xi32, #tpu.memory_space<smem>>
    %broadcast_in_dim3A_783 = arith.constant 1 : i32
    %broadcast_in_dim3A_784 = vector.broadcast %broadcast_in_dim3A_783 : i32 to vector<16xi32>
    %eq3A_785 = arith.cmpi eq, %get3A_759, %broadcast_in_dim3A_784 : vector<16xi32>
    %convert_element_type3A_786 = arith.extui %eq3A_785 : vector<16xi1> to vector<16xi32>
    %broadcast_in_dim3A_787 = arith.constant true
    %broadcast_in_dim3A_788 = vector.broadcast %broadcast_in_dim3A_787 : i1 to vector<16xi1>
    %masked_cumsum3A_789 = tpu.scan <sum>, %convert_element_type3A_786 masked %broadcast_in_dim3A_788 : vector<16xi32>, vector<16xi1> -> vector<16xi32>
    %get3A_790 = arith.constant 1 : i32
    %get3A_791 = arith.index_cast %get3A_790 : i32 to index
    %get3A_792 = memref.load %arg20[%get3A_791] : memref<8xi32, #tpu.memory_space<smem>>
    %broadcast_in_dim3A_793 = vector.broadcast %get3A_792 : i32 to vector<16xi32>
    %add3A_794 = arith.addi %broadcast_in_dim3A_793, %masked_cumsum3A_789 : vector<16xi32>
    %sub3A_795 = arith.subi %add3A_794, %convert_element_type3A_786 : vector<16xi32>
    %mul3A_796 = arith.muli %convert_element_type3A_786, %sub3A_795 : vector<16xi32>
    %add3A_797 = arith.addi %add3A_776, %mul3A_796 : vector<16xi32>
    %slice3A_798 = vector.extract_strided_slice %masked_cumsum3A_789 {offsets = [15], sizes = [1], strides = [1]} : vector<16xi32> to vector<1xi32>
    %squeeze3A_799 = vector.extract %slice3A_798[0] : i32 from vector<1xi32>
    %add3A_800 = arith.addi %get3A_792, %squeeze3A_799 : i32
    %swap3A_801 = arith.constant 1 : i32
    %swap3A_802 = arith.index_cast %swap3A_801 : i32 to index
    %swap3A_803 = memref.load %arg20[%swap3A_802] : memref<8xi32, #tpu.memory_space<smem>>
    memref.store %add3A_800, %arg20[%swap3A_802] : memref<8xi32, #tpu.memory_space<smem>>
    %broadcast_in_dim3A_804 = arith.constant 2 : i32
    %broadcast_in_dim3A_805 = vector.broadcast %broadcast_in_dim3A_804 : i32 to vector<16xi32>
    %eq3A_806 = arith.cmpi eq, %get3A_759, %broadcast_in_dim3A_805 : vector<16xi32>
    %convert_element_type3A_807 = arith.extui %eq3A_806 : vector<16xi1> to vector<16xi32>
    %broadcast_in_dim3A_808 = arith.constant true
    %broadcast_in_dim3A_809 = vector.broadcast %broadcast_in_dim3A_808 : i1 to vector<16xi1>
    %masked_cumsum3A_810 = tpu.scan <sum>, %convert_element_type3A_807 masked %broadcast_in_dim3A_809 : vector<16xi32>, vector<16xi1> -> vector<16xi32>
    %get3A_811 = arith.constant 2 : i32
    %get3A_812 = arith.index_cast %get3A_811 : i32 to index
    %get3A_813 = memref.load %arg20[%get3A_812] : memref<8xi32, #tpu.memory_space<smem>>
    %broadcast_in_dim3A_814 = vector.broadcast %get3A_813 : i32 to vector<16xi32>
    %add3A_815 = arith.addi %broadcast_in_dim3A_814, %masked_cumsum3A_810 : vector<16xi32>
    %sub3A_816 = arith.subi %add3A_815, %convert_element_type3A_807 : vector<16xi32>
    %mul3A_817 = arith.muli %convert_element_type3A_807, %sub3A_816 : vector<16xi32>
    %add3A_818 = arith.addi %add3A_797, %mul3A_817 : vector<16xi32>
    %slice3A_819 = vector.extract_strided_slice %masked_cumsum3A_810 {offsets = [15], sizes = [1], strides = [1]} : vector<16xi32> to vector<1xi32>
    %squeeze3A_820 = vector.extract %slice3A_819[0] : i32 from vector<1xi32>
    %add3A_821 = arith.addi %get3A_813, %squeeze3A_820 : i32
    %swap3A_822 = arith.constant 2 : i32
    %swap3A_823 = arith.index_cast %swap3A_822 : i32 to index
    %swap3A_824 = memref.load %arg20[%swap3A_823] : memref<8xi32, #tpu.memory_space<smem>>
    memref.store %add3A_821, %arg20[%swap3A_823] : memref<8xi32, #tpu.memory_space<smem>>
    %broadcast_in_dim3A_825 = arith.constant 3 : i32
    %broadcast_in_dim3A_826 = vector.broadcast %broadcast_in_dim3A_825 : i32 to vector<16xi32>
    %eq3A_827 = arith.cmpi eq, %get3A_759, %broadcast_in_dim3A_826 : vector<16xi32>
    %convert_element_type3A_828 = arith.extui %eq3A_827 : vector<16xi1> to vector<16xi32>
    %broadcast_in_dim3A_829 = arith.constant true
    %broadcast_in_dim3A_830 = vector.broadcast %broadcast_in_dim3A_829 : i1 to vector<16xi1>
    %masked_cumsum3A_831 = tpu.scan <sum>, %convert_element_type3A_828 masked %broadcast_in_dim3A_830 : vector<16xi32>, vector<16xi1> -> vector<16xi32>
    %get3A_832 = arith.constant 3 : i32
    %get3A_833 = arith.index_cast %get3A_832 : i32 to index
    %get3A_834 = memref.load %arg20[%get3A_833] : memref<8xi32, #tpu.memory_space<smem>>
    %broadcast_in_dim3A_835 = vector.broadcast %get3A_834 : i32 to vector<16xi32>
    %add3A_836 = arith.addi %broadcast_in_dim3A_835, %masked_cumsum3A_831 : vector<16xi32>
    %sub3A_837 = arith.subi %add3A_836, %convert_element_type3A_828 : vector<16xi32>
    %mul3A_838 = arith.muli %convert_element_type3A_828, %sub3A_837 : vector<16xi32>
    %add3A_839 = arith.addi %add3A_818, %mul3A_838 : vector<16xi32>
    %slice3A_840 = vector.extract_strided_slice %masked_cumsum3A_831 {offsets = [15], sizes = [1], strides = [1]} : vector<16xi32> to vector<1xi32>
    %squeeze3A_841 = vector.extract %slice3A_840[0] : i32 from vector<1xi32>
    %add3A_842 = arith.addi %get3A_834, %squeeze3A_841 : i32
    %swap3A_843 = arith.constant 3 : i32
    %swap3A_844 = arith.index_cast %swap3A_843 : i32 to index
    %swap3A_845 = memref.load %arg20[%swap3A_844] : memref<8xi32, #tpu.memory_space<smem>>
    memref.store %add3A_842, %arg20[%swap3A_844] : memref<8xi32, #tpu.memory_space<smem>>
    %broadcast_in_dim3A_846 = arith.constant 4 : i32
    %broadcast_in_dim3A_847 = vector.broadcast %broadcast_in_dim3A_846 : i32 to vector<16xi32>
    %eq3A_848 = arith.cmpi eq, %get3A_759, %broadcast_in_dim3A_847 : vector<16xi32>
    %convert_element_type3A_849 = arith.extui %eq3A_848 : vector<16xi1> to vector<16xi32>
    %broadcast_in_dim3A_850 = arith.constant true
    %broadcast_in_dim3A_851 = vector.broadcast %broadcast_in_dim3A_850 : i1 to vector<16xi1>
    %masked_cumsum3A_852 = tpu.scan <sum>, %convert_element_type3A_849 masked %broadcast_in_dim3A_851 : vector<16xi32>, vector<16xi1> -> vector<16xi32>
    %get3A_853 = arith.constant 4 : i32
    %get3A_854 = arith.index_cast %get3A_853 : i32 to index
    %get3A_855 = memref.load %arg20[%get3A_854] : memref<8xi32, #tpu.memory_space<smem>>
    %broadcast_in_dim3A_856 = vector.broadcast %get3A_855 : i32 to vector<16xi32>
    %add3A_857 = arith.addi %broadcast_in_dim3A_856, %masked_cumsum3A_852 : vector<16xi32>
    %sub3A_858 = arith.subi %add3A_857, %convert_element_type3A_849 : vector<16xi32>
    %mul3A_859 = arith.muli %convert_element_type3A_849, %sub3A_858 : vector<16xi32>
    %add3A_860 = arith.addi %add3A_839, %mul3A_859 : vector<16xi32>
    %slice3A_861 = vector.extract_strided_slice %masked_cumsum3A_852 {offsets = [15], sizes = [1], strides = [1]} : vector<16xi32> to vector<1xi32>
    %squeeze3A_862 = vector.extract %slice3A_861[0] : i32 from vector<1xi32>
    %add3A_863 = arith.addi %get3A_855, %squeeze3A_862 : i32
    %swap3A_864 = arith.constant 4 : i32
    %swap3A_865 = arith.index_cast %swap3A_864 : i32 to index
    %swap3A_866 = memref.load %arg20[%swap3A_865] : memref<8xi32, #tpu.memory_space<smem>>
    memref.store %add3A_863, %arg20[%swap3A_865] : memref<8xi32, #tpu.memory_space<smem>>
    %broadcast_in_dim3A_867 = arith.constant 5 : i32
    %broadcast_in_dim3A_868 = vector.broadcast %broadcast_in_dim3A_867 : i32 to vector<16xi32>
    %eq3A_869 = arith.cmpi eq, %get3A_759, %broadcast_in_dim3A_868 : vector<16xi32>
    %convert_element_type3A_870 = arith.extui %eq3A_869 : vector<16xi1> to vector<16xi32>
    %broadcast_in_dim3A_871 = arith.constant true
    %broadcast_in_dim3A_872 = vector.broadcast %broadcast_in_dim3A_871 : i1 to vector<16xi1>
    %masked_cumsum3A_873 = tpu.scan <sum>, %convert_element_type3A_870 masked %broadcast_in_dim3A_872 : vector<16xi32>, vector<16xi1> -> vector<16xi32>
    %get3A_874 = arith.constant 5 : i32
    %get3A_875 = arith.index_cast %get3A_874 : i32 to index
    %get3A_876 = memref.load %arg20[%get3A_875] : memref<8xi32, #tpu.memory_space<smem>>
    %broadcast_in_dim3A_877 = vector.broadcast %get3A_876 : i32 to vector<16xi32>
    %add3A_878 = arith.addi %broadcast_in_dim3A_877, %masked_cumsum3A_873 : vector<16xi32>
    %sub3A_879 = arith.subi %add3A_878, %convert_element_type3A_870 : vector<16xi32>
    %mul3A_880 = arith.muli %convert_element_type3A_870, %sub3A_879 : vector<16xi32>
    %add3A_881 = arith.addi %add3A_860, %mul3A_880 : vector<16xi32>
    %slice3A_882 = vector.extract_strided_slice %masked_cumsum3A_873 {offsets = [15], sizes = [1], strides = [1]} : vector<16xi32> to vector<1xi32>
    %squeeze3A_883 = vector.extract %slice3A_882[0] : i32 from vector<1xi32>
    %add3A_884 = arith.addi %get3A_876, %squeeze3A_883 : i32
    %swap3A_885 = arith.constant 5 : i32
    %swap3A_886 = arith.index_cast %swap3A_885 : i32 to index
    %swap3A_887 = memref.load %arg20[%swap3A_886] : memref<8xi32, #tpu.memory_space<smem>>
    memref.store %add3A_884, %arg20[%swap3A_886] : memref<8xi32, #tpu.memory_space<smem>>
    %broadcast_in_dim3A_888 = arith.constant 6 : i32
    %broadcast_in_dim3A_889 = vector.broadcast %broadcast_in_dim3A_888 : i32 to vector<16xi32>
    %eq3A_890 = arith.cmpi eq, %get3A_759, %broadcast_in_dim3A_889 : vector<16xi32>
    %convert_element_type3A_891 = arith.extui %eq3A_890 : vector<16xi1> to vector<16xi32>
    %broadcast_in_dim3A_892 = arith.constant true
    %broadcast_in_dim3A_893 = vector.broadcast %broadcast_in_dim3A_892 : i1 to vector<16xi1>
    %masked_cumsum3A_894 = tpu.scan <sum>, %convert_element_type3A_891 masked %broadcast_in_dim3A_893 : vector<16xi32>, vector<16xi1> -> vector<16xi32>
    %get3A_895 = arith.constant 6 : i32
    %get3A_896 = arith.index_cast %get3A_895 : i32 to index
    %get3A_897 = memref.load %arg20[%get3A_896] : memref<8xi32, #tpu.memory_space<smem>>
    %broadcast_in_dim3A_898 = vector.broadcast %get3A_897 : i32 to vector<16xi32>
    %add3A_899 = arith.addi %broadcast_in_dim3A_898, %masked_cumsum3A_894 : vector<16xi32>
    %sub3A_900 = arith.subi %add3A_899, %convert_element_type3A_891 : vector<16xi32>
    %mul3A_901 = arith.muli %convert_element_type3A_891, %sub3A_900 : vector<16xi32>
    %add3A_902 = arith.addi %add3A_881, %mul3A_901 : vector<16xi32>
    %slice3A_903 = vector.extract_strided_slice %masked_cumsum3A_894 {offsets = [15], sizes = [1], strides = [1]} : vector<16xi32> to vector<1xi32>
    %squeeze3A_904 = vector.extract %slice3A_903[0] : i32 from vector<1xi32>
    %add3A_905 = arith.addi %get3A_897, %squeeze3A_904 : i32
    %swap3A_906 = arith.constant 6 : i32
    %swap3A_907 = arith.index_cast %swap3A_906 : i32 to index
    %swap3A_908 = memref.load %arg20[%swap3A_907] : memref<8xi32, #tpu.memory_space<smem>>
    memref.store %add3A_905, %arg20[%swap3A_907] : memref<8xi32, #tpu.memory_space<smem>>
    %broadcast_in_dim3A_909 = arith.constant 7 : i32
    %broadcast_in_dim3A_910 = vector.broadcast %broadcast_in_dim3A_909 : i32 to vector<16xi32>
    %eq3A_911 = arith.cmpi eq, %get3A_759, %broadcast_in_dim3A_910 : vector<16xi32>
    %convert_element_type3A_912 = arith.extui %eq3A_911 : vector<16xi1> to vector<16xi32>
    %broadcast_in_dim3A_913 = arith.constant true
    %broadcast_in_dim3A_914 = vector.broadcast %broadcast_in_dim3A_913 : i1 to vector<16xi1>
    %masked_cumsum3A_915 = tpu.scan <sum>, %convert_element_type3A_912 masked %broadcast_in_dim3A_914 : vector<16xi32>, vector<16xi1> -> vector<16xi32>
    %get3A_916 = arith.constant 7 : i32
    %get3A_917 = arith.index_cast %get3A_916 : i32 to index
    %get3A_918 = memref.load %arg20[%get3A_917] : memref<8xi32, #tpu.memory_space<smem>>
    %broadcast_in_dim3A_919 = vector.broadcast %get3A_918 : i32 to vector<16xi32>
    %add3A_920 = arith.addi %broadcast_in_dim3A_919, %masked_cumsum3A_915 : vector<16xi32>
    %sub3A_921 = arith.subi %add3A_920, %convert_element_type3A_912 : vector<16xi32>
    %mul3A_922 = arith.muli %convert_element_type3A_912, %sub3A_921 : vector<16xi32>
    %add3A_923 = arith.addi %add3A_902, %mul3A_922 : vector<16xi32>
    %slice3A_924 = vector.extract_strided_slice %masked_cumsum3A_915 {offsets = [15], sizes = [1], strides = [1]} : vector<16xi32> to vector<1xi32>
    %squeeze3A_925 = vector.extract %slice3A_924[0] : i32 from vector<1xi32>
    %add3A_926 = arith.addi %get3A_918, %squeeze3A_925 : i32
    %swap3A_927 = arith.constant 7 : i32
    %swap3A_928 = arith.index_cast %swap3A_927 : i32 to index
    %swap3A_929 = memref.load %arg20[%swap3A_928] : memref<8xi32, #tpu.memory_space<smem>>
    memref.store %add3A_926, %arg20[%swap3A_928] : memref<8xi32, #tpu.memory_space<smem>>
    %swap3A_930 = arith.constant 0 : index
    %swap3A_931 = tpu.vector_load %arg18[%swap3A_930] {strides = array<i32>} : memref<64xi32, #tpu.memory_space<vmem>>, vector<16xi32>,
    tpu.vector_store %arg18[%swap3A_930], %add3A_923 {strides = array<i32>} : memref<64xi32, #tpu.memory_space<vmem>>, vector<16xi32>,
    %get3A_932 = arith.constant 16 : index
    %get3A_933 = tpu.vector_load %arg13[%get3A_932] {strides = array<i32>} : memref<64xi32, #tpu.memory_space<vmem>>, vector<16xi32>,
    %broadcast_in_dim3A_934 = arith.constant 0 : i32
    %broadcast_in_dim3A_935 = vector.broadcast %broadcast_in_dim3A_934 : i32 to vector<16xi32>
    %broadcast_in_dim3A_936 = arith.constant 0 : i32
    %broadcast_in_dim3A_937 = vector.broadcast %broadcast_in_dim3A_936 : i32 to vector<16xi32>
    %eq3A_938 = arith.cmpi eq, %get3A_933, %broadcast_in_dim3A_937 : vector<16xi32>
    %convert_element_type3A_939 = arith.extui %eq3A_938 : vector<16xi1> to vector<16xi32>
    %broadcast_in_dim3A_940 = arith.constant true
    %broadcast_in_dim3A_941 = vector.broadcast %broadcast_in_dim3A_940 : i1 to vector<16xi1>
    %masked_cumsum3A_942 = tpu.scan <sum>, %convert_element_type3A_939 masked %broadcast_in_dim3A_941 : vector<16xi32>, vector<16xi1> -> vector<16xi32>
    %get3A_943 = arith.constant 0 : i32
    %get3A_944 = arith.index_cast %get3A_943 : i32 to index
    %get3A_945 = memref.load %arg20[%get3A_944] : memref<8xi32, #tpu.memory_space<smem>>
    %broadcast_in_dim3A_946 = vector.broadcast %get3A_945 : i32 to vector<16xi32>
    %add3A_947 = arith.addi %broadcast_in_dim3A_946, %masked_cumsum3A_942 : vector<16xi32>
    %sub3A_948 = arith.subi %add3A_947, %convert_element_type3A_939 : vector<16xi32>
    %mul3A_949 = arith.muli %convert_element_type3A_939, %sub3A_948 : vector<16xi32>
    %add3A_950 = arith.addi %broadcast_in_dim3A_935, %mul3A_949 : vector<16xi32>
    %slice3A_951 = vector.extract_strided_slice %masked_cumsum3A_942 {offsets = [15], sizes = [1], strides = [1]} : vector<16xi32> to vector<1xi32>
    %squeeze3A_952 = vector.extract %slice3A_951[0] : i32 from vector<1xi32>
    %add3A_953 = arith.addi %get3A_945, %squeeze3A_952 : i32
    %swap3A_954 = arith.constant 0 : i32
    %swap3A_955 = arith.index_cast %swap3A_954 : i32 to index
    %swap3A_956 = memref.load %arg20[%swap3A_955] : memref<8xi32, #tpu.memory_space<smem>>
    memref.store %add3A_953, %arg20[%swap3A_955] : memref<8xi32, #tpu.memory_space<smem>>
    %broadcast_in_dim3A_957 = arith.constant 1 : i32
    %broadcast_in_dim3A_958 = vector.broadcast %broadcast_in_dim3A_957 : i32 to vector<16xi32>
    %eq3A_959 = arith.cmpi eq, %get3A_933, %broadcast_in_dim3A_958 : vector<16xi32>
    %convert_element_type3A_960 = arith.extui %eq3A_959 : vector<16xi1> to vector<16xi32>
    %broadcast_in_dim3A_961 = arith.constant true
    %broadcast_in_dim3A_962 = vector.broadcast %broadcast_in_dim3A_961 : i1 to vector<16xi1>
    %masked_cumsum3A_963 = tpu.scan <sum>, %convert_element_type3A_960 masked %broadcast_in_dim3A_962 : vector<16xi32>, vector<16xi1> -> vector<16xi32>
    %get3A_964 = arith.constant 1 : i32
    %get3A_965 = arith.index_cast %get3A_964 : i32 to index
    %get3A_966 = memref.load %arg20[%get3A_965] : memref<8xi32, #tpu.memory_space<smem>>
    %broadcast_in_dim3A_967 = vector.broadcast %get3A_966 : i32 to vector<16xi32>
    %add3A_968 = arith.addi %broadcast_in_dim3A_967, %masked_cumsum3A_963 : vector<16xi32>
    %sub3A_969 = arith.subi %add3A_968, %convert_element_type3A_960 : vector<16xi32>
    %mul3A_970 = arith.muli %convert_element_type3A_960, %sub3A_969 : vector<16xi32>
    %add3A_971 = arith.addi %add3A_950, %mul3A_970 : vector<16xi32>
    %slice3A_972 = vector.extract_strided_slice %masked_cumsum3A_963 {offsets = [15], sizes = [1], strides = [1]} : vector<16xi32> to vector<1xi32>
    %squeeze3A_973 = vector.extract %slice3A_972[0] : i32 from vector<1xi32>
    %add3A_974 = arith.addi %get3A_966, %squeeze3A_973 : i32
    %swap3A_975 = arith.constant 1 : i32
    %swap3A_976 = arith.index_cast %swap3A_975 : i32 to index
    %swap3A_977 = memref.load %arg20[%swap3A_976] : memref<8xi32, #tpu.memory_space<smem>>
    memref.store %add3A_974, %arg20[%swap3A_976] : memref<8xi32, #tpu.memory_space<smem>>
    %broadcast_in_dim3A_978 = arith.constant 2 : i32
    %broadcast_in_dim3A_979 = vector.broadcast %broadcast_in_dim3A_978 : i32 to vector<16xi32>
    %eq3A_980 = arith.cmpi eq, %get3A_933, %broadcast_in_dim3A_979 : vector<16xi32>
    %convert_element_type3A_981 = arith.extui %eq3A_980 : vector<16xi1> to vector<16xi32>
    %broadcast_in_dim3A_982 = arith.constant true
    %broadcast_in_dim3A_983 = vector.broadcast %broadcast_in_dim3A_982 : i1 to vector<16xi1>
    %masked_cumsum3A_984 = tpu.scan <sum>, %convert_element_type3A_981 masked %broadcast_in_dim3A_983 : vector<16xi32>, vector<16xi1> -> vector<16xi32>
    %get3A_985 = arith.constant 2 : i32
    %get3A_986 = arith.index_cast %get3A_985 : i32 to index
    %get3A_987 = memref.load %arg20[%get3A_986] : memref<8xi32, #tpu.memory_space<smem>>
    %broadcast_in_dim3A_988 = vector.broadcast %get3A_987 : i32 to vector<16xi32>
    %add3A_989 = arith.addi %broadcast_in_dim3A_988, %masked_cumsum3A_984 : vector<16xi32>
    %sub3A_990 = arith.subi %add3A_989, %convert_element_type3A_981 : vector<16xi32>
    %mul3A_991 = arith.muli %convert_element_type3A_981, %sub3A_990 : vector<16xi32>
    %add3A_992 = arith.addi %add3A_971, %mul3A_991 : vector<16xi32>
    %slice3A_993 = vector.extract_strided_slice %masked_cumsum3A_984 {offsets = [15], sizes = [1], strides = [1]} : vector<16xi32> to vector<1xi32>
    %squeeze3A_994 = vector.extract %slice3A_993[0] : i32 from vector<1xi32>
    %add3A_995 = arith.addi %get3A_987, %squeeze3A_994 : i32
    %swap3A_996 = arith.constant 2 : i32
    %swap3A_997 = arith.index_cast %swap3A_996 : i32 to index
    %swap3A_998 = memref.load %arg20[%swap3A_997] : memref<8xi32, #tpu.memory_space<smem>>
    memref.store %add3A_995, %arg20[%swap3A_997] : memref<8xi32, #tpu.memory_space<smem>>
    %broadcast_in_dim3A_999 = arith.constant 3 : i32
    %broadcast_in_dim3A_1000 = vector.broadcast %broadcast_in_dim3A_999 : i32 to vector<16xi32>
    %eq3A_1001 = arith.cmpi eq, %get3A_933, %broadcast_in_dim3A_1000 : vector<16xi32>
    %convert_element_type3A_1002 = arith.extui %eq3A_1001 : vector<16xi1> to vector<16xi32>
    %broadcast_in_dim3A_1003 = arith.constant true
    %broadcast_in_dim3A_1004 = vector.broadcast %broadcast_in_dim3A_1003 : i1 to vector<16xi1>
    %masked_cumsum3A_1005 = tpu.scan <sum>, %convert_element_type3A_1002 masked %broadcast_in_dim3A_1004 : vector<16xi32>, vector<16xi1> -> vector<16xi32>
    %get3A_1006 = arith.constant 3 : i32
    %get3A_1007 = arith.index_cast %get3A_1006 : i32 to index
    %get3A_1008 = memref.load %arg20[%get3A_1007] : memref<8xi32, #tpu.memory_space<smem>>
    %broadcast_in_dim3A_1009 = vector.broadcast %get3A_1008 : i32 to vector<16xi32>
    %add3A_1010 = arith.addi %broadcast_in_dim3A_1009, %masked_cumsum3A_1005 : vector<16xi32>
    %sub3A_1011 = arith.subi %add3A_1010, %convert_element_type3A_1002 : vector<16xi32>
    %mul3A_1012 = arith.muli %convert_element_type3A_1002, %sub3A_1011 : vector<16xi32>
    %add3A_1013 = arith.addi %add3A_992, %mul3A_1012 : vector<16xi32>
    %slice3A_1014 = vector.extract_strided_slice %masked_cumsum3A_1005 {offsets = [15], sizes = [1], strides = [1]} : vector<16xi32> to vector<1xi32>
    %squeeze3A_1015 = vector.extract %slice3A_1014[0] : i32 from vector<1xi32>
    %add3A_1016 = arith.addi %get3A_1008, %squeeze3A_1015 : i32
    %swap3A_1017 = arith.constant 3 : i32
    %swap3A_1018 = arith.index_cast %swap3A_1017 : i32 to index
    %swap3A_1019 = memref.load %arg20[%swap3A_1018] : memref<8xi32, #tpu.memory_space<smem>>
    memref.store %add3A_1016, %arg20[%swap3A_1018] : memref<8xi32, #tpu.memory_space<smem>>
    %broadcast_in_dim3A_1020 = arith.constant 4 : i32
    %broadcast_in_dim3A_1021 = vector.broadcast %broadcast_in_dim3A_1020 : i32 to vector<16xi32>
    %eq3A_1022 = arith.cmpi eq, %get3A_933, %broadcast_in_dim3A_1021 : vector<16xi32>
    %convert_element_type3A_1023 = arith.extui %eq3A_1022 : vector<16xi1> to vector<16xi32>
    %broadcast_in_dim3A_1024 = arith.constant true
    %broadcast_in_dim3A_1025 = vector.broadcast %broadcast_in_dim3A_1024 : i1 to vector<16xi1>
    %masked_cumsum3A_1026 = tpu.scan <sum>, %convert_element_type3A_1023 masked %broadcast_in_dim3A_1025 : vector<16xi32>, vector<16xi1> -> vector<16xi32>
    %get3A_1027 = arith.constant 4 : i32
    %get3A_1028 = arith.index_cast %get3A_1027 : i32 to index
    %get3A_1029 = memref.load %arg20[%get3A_1028] : memref<8xi32, #tpu.memory_space<smem>>
    %broadcast_in_dim3A_1030 = vector.broadcast %get3A_1029 : i32 to vector<16xi32>
    %add3A_1031 = arith.addi %broadcast_in_dim3A_1030, %masked_cumsum3A_1026 : vector<16xi32>
    %sub3A_1032 = arith.subi %add3A_1031, %convert_element_type3A_1023 : vector<16xi32>
    %mul3A_1033 = arith.muli %convert_element_type3A_1023, %sub3A_1032 : vector<16xi32>
    %add3A_1034 = arith.addi %add3A_1013, %mul3A_1033 : vector<16xi32>
    %slice3A_1035 = vector.extract_strided_slice %masked_cumsum3A_1026 {offsets = [15], sizes = [1], strides = [1]} : vector<16xi32> to vector<1xi32>
    %squeeze3A_1036 = vector.extract %slice3A_1035[0] : i32 from vector<1xi32>
    %add3A_1037 = arith.addi %get3A_1029, %squeeze3A_1036 : i32
    %swap3A_1038 = arith.constant 4 : i32
    %swap3A_1039 = arith.index_cast %swap3A_1038 : i32 to index
    %swap3A_1040 = memref.load %arg20[%swap3A_1039] : memref<8xi32, #tpu.memory_space<smem>>
    memref.store %add3A_1037, %arg20[%swap3A_1039] : memref<8xi32, #tpu.memory_space<smem>>
    %broadcast_in_dim3A_1041 = arith.constant 5 : i32
    %broadcast_in_dim3A_1042 = vector.broadcast %broadcast_in_dim3A_1041 : i32 to vector<16xi32>
    %eq3A_1043 = arith.cmpi eq, %get3A_933, %broadcast_in_dim3A_1042 : vector<16xi32>
    %convert_element_type3A_1044 = arith.extui %eq3A_1043 : vector<16xi1> to vector<16xi32>
    %broadcast_in_dim3A_1045 = arith.constant true
    %broadcast_in_dim3A_1046 = vector.broadcast %broadcast_in_dim3A_1045 : i1 to vector<16xi1>
    %masked_cumsum3A_1047 = tpu.scan <sum>, %convert_element_type3A_1044 masked %broadcast_in_dim3A_1046 : vector<16xi32>, vector<16xi1> -> vector<16xi32>
    %get3A_1048 = arith.constant 5 : i32
    %get3A_1049 = arith.index_cast %get3A_1048 : i32 to index
    %get3A_1050 = memref.load %arg20[%get3A_1049] : memref<8xi32, #tpu.memory_space<smem>>
    %broadcast_in_dim3A_1051 = vector.broadcast %get3A_1050 : i32 to vector<16xi32>
    %add3A_1052 = arith.addi %broadcast_in_dim3A_1051, %masked_cumsum3A_1047 : vector<16xi32>
    %sub3A_1053 = arith.subi %add3A_1052, %convert_element_type3A_1044 : vector<16xi32>
    %mul3A_1054 = arith.muli %convert_element_type3A_1044, %sub3A_1053 : vector<16xi32>
    %add3A_1055 = arith.addi %add3A_1034, %mul3A_1054 : vector<16xi32>
    %slice3A_1056 = vector.extract_strided_slice %masked_cumsum3A_1047 {offsets = [15], sizes = [1], strides = [1]} : vector<16xi32> to vector<1xi32>
    %squeeze3A_1057 = vector.extract %slice3A_1056[0] : i32 from vector<1xi32>
    %add3A_1058 = arith.addi %get3A_1050, %squeeze3A_1057 : i32
    %swap3A_1059 = arith.constant 5 : i32
    %swap3A_1060 = arith.index_cast %swap3A_1059 : i32 to index
    %swap3A_1061 = memref.load %arg20[%swap3A_1060] : memref<8xi32, #tpu.memory_space<smem>>
    memref.store %add3A_1058, %arg20[%swap3A_1060] : memref<8xi32, #tpu.memory_space<smem>>
    %broadcast_in_dim3A_1062 = arith.constant 6 : i32
    %broadcast_in_dim3A_1063 = vector.broadcast %broadcast_in_dim3A_1062 : i32 to vector<16xi32>
    %eq3A_1064 = arith.cmpi eq, %get3A_933, %broadcast_in_dim3A_1063 : vector<16xi32>
    %convert_element_type3A_1065 = arith.extui %eq3A_1064 : vector<16xi1> to vector<16xi32>
    %broadcast_in_dim3A_1066 = arith.constant true
    %broadcast_in_dim3A_1067 = vector.broadcast %broadcast_in_dim3A_1066 : i1 to vector<16xi1>
    %masked_cumsum3A_1068 = tpu.scan <sum>, %convert_element_type3A_1065 masked %broadcast_in_dim3A_1067 : vector<16xi32>, vector<16xi1> -> vector<16xi32>
    %get3A_1069 = arith.constant 6 : i32
    %get3A_1070 = arith.index_cast %get3A_1069 : i32 to index
    %get3A_1071 = memref.load %arg20[%get3A_1070] : memref<8xi32, #tpu.memory_space<smem>>
    %broadcast_in_dim3A_1072 = vector.broadcast %get3A_1071 : i32 to vector<16xi32>
    %add3A_1073 = arith.addi %broadcast_in_dim3A_1072, %masked_cumsum3A_1068 : vector<16xi32>
    %sub3A_1074 = arith.subi %add3A_1073, %convert_element_type3A_1065 : vector<16xi32>
    %mul3A_1075 = arith.muli %convert_element_type3A_1065, %sub3A_1074 : vector<16xi32>
    %add3A_1076 = arith.addi %add3A_1055, %mul3A_1075 : vector<16xi32>
    %slice3A_1077 = vector.extract_strided_slice %masked_cumsum3A_1068 {offsets = [15], sizes = [1], strides = [1]} : vector<16xi32> to vector<1xi32>
    %squeeze3A_1078 = vector.extract %slice3A_1077[0] : i32 from vector<1xi32>
    %add3A_1079 = arith.addi %get3A_1071, %squeeze3A_1078 : i32
    %swap3A_1080 = arith.constant 6 : i32
    %swap3A_1081 = arith.index_cast %swap3A_1080 : i32 to index
    %swap3A_1082 = memref.load %arg20[%swap3A_1081] : memref<8xi32, #tpu.memory_space<smem>>
    memref.store %add3A_1079, %arg20[%swap3A_1081] : memref<8xi32, #tpu.memory_space<smem>>
    %broadcast_in_dim3A_1083 = arith.constant 7 : i32
    %broadcast_in_dim3A_1084 = vector.broadcast %broadcast_in_dim3A_1083 : i32 to vector<16xi32>
    %eq3A_1085 = arith.cmpi eq, %get3A_933, %broadcast_in_dim3A_1084 : vector<16xi32>
    %convert_element_type3A_1086 = arith.extui %eq3A_1085 : vector<16xi1> to vector<16xi32>
    %broadcast_in_dim3A_1087 = arith.constant true
    %broadcast_in_dim3A_1088 = vector.broadcast %broadcast_in_dim3A_1087 : i1 to vector<16xi1>
    %masked_cumsum3A_1089 = tpu.scan <sum>, %convert_element_type3A_1086 masked %broadcast_in_dim3A_1088 : vector<16xi32>, vector<16xi1> -> vector<16xi32>
    %get3A_1090 = arith.constant 7 : i32
    %get3A_1091 = arith.index_cast %get3A_1090 : i32 to index
    %get3A_1092 = memref.load %arg20[%get3A_1091] : memref<8xi32, #tpu.memory_space<smem>>
    %broadcast_in_dim3A_1093 = vector.broadcast %get3A_1092 : i32 to vector<16xi32>
    %add3A_1094 = arith.addi %broadcast_in_dim3A_1093, %masked_cumsum3A_1089 : vector<16xi32>
    %sub3A_1095 = arith.subi %add3A_1094, %convert_element_type3A_1086 : vector<16xi32>
    %mul3A_1096 = arith.muli %convert_element_type3A_1086, %sub3A_1095 : vector<16xi32>
    %add3A_1097 = arith.addi %add3A_1076, %mul3A_1096 : vector<16xi32>
    %slice3A_1098 = vector.extract_strided_slice %masked_cumsum3A_1089 {offsets = [15], sizes = [1], strides = [1]} : vector<16xi32> to vector<1xi32>
    %squeeze3A_1099 = vector.extract %slice3A_1098[0] : i32 from vector<1xi32>
    %add3A_1100 = arith.addi %get3A_1092, %squeeze3A_1099 : i32
    %swap3A_1101 = arith.constant 7 : i32
    %swap3A_1102 = arith.index_cast %swap3A_1101 : i32 to index
    %swap3A_1103 = memref.load %arg20[%swap3A_1102] : memref<8xi32, #tpu.memory_space<smem>>
    memref.store %add3A_1100, %arg20[%swap3A_1102] : memref<8xi32, #tpu.memory_space<smem>>
    %swap3A_1104 = arith.constant 16 : index
    %swap3A_1105 = tpu.vector_load %arg18[%swap3A_1104] {strides = array<i32>} : memref<64xi32, #tpu.memory_space<vmem>>, vector<16xi32>,
    tpu.vector_store %arg18[%swap3A_1104], %add3A_1097 {strides = array<i32>} : memref<64xi32, #tpu.memory_space<vmem>>, vector<16xi32>,
    %get3A_1106 = arith.constant 32 : index
    %get3A_1107 = tpu.vector_load %arg13[%get3A_1106] {strides = array<i32>} : memref<64xi32, #tpu.memory_space<vmem>>, vector<16xi32>,
    %broadcast_in_dim3A_1108 = arith.constant 0 : i32
    %broadcast_in_dim3A_1109 = vector.broadcast %broadcast_in_dim3A_1108 : i32 to vector<16xi32>
    %broadcast_in_dim3A_1110 = arith.constant 0 : i32
    %broadcast_in_dim3A_1111 = vector.broadcast %broadcast_in_dim3A_1110 : i32 to vector<16xi32>
    %eq3A_1112 = arith.cmpi eq, %get3A_1107, %broadcast_in_dim3A_1111 : vector<16xi32>
    %convert_element_type3A_1113 = arith.extui %eq3A_1112 : vector<16xi1> to vector<16xi32>
    %broadcast_in_dim3A_1114 = arith.constant true
    %broadcast_in_dim3A_1115 = vector.broadcast %broadcast_in_dim3A_1114 : i1 to vector<16xi1>
    %masked_cumsum3A_1116 = tpu.scan <sum>, %convert_element_type3A_1113 masked %broadcast_in_dim3A_1115 : vector<16xi32>, vector<16xi1> -> vector<16xi32>
    %get3A_1117 = arith.constant 0 : i32
    %get3A_1118 = arith.index_cast %get3A_1117 : i32 to index
    %get3A_1119 = memref.load %arg20[%get3A_1118] : memref<8xi32, #tpu.memory_space<smem>>
    %broadcast_in_dim3A_1120 = vector.broadcast %get3A_1119 : i32 to vector<16xi32>
    %add3A_1121 = arith.addi %broadcast_in_dim3A_1120, %masked_cumsum3A_1116 : vector<16xi32>
    %sub3A_1122 = arith.subi %add3A_1121, %convert_element_type3A_1113 : vector<16xi32>
    %mul3A_1123 = arith.muli %convert_element_type3A_1113, %sub3A_1122 : vector<16xi32>
    %add3A_1124 = arith.addi %broadcast_in_dim3A_1109, %mul3A_1123 : vector<16xi32>
    %slice3A_1125 = vector.extract_strided_slice %masked_cumsum3A_1116 {offsets = [15], sizes = [1], strides = [1]} : vector<16xi32> to vector<1xi32>
    %squeeze3A_1126 = vector.extract %slice3A_1125[0] : i32 from vector<1xi32>
    %add3A_1127 = arith.addi %get3A_1119, %squeeze3A_1126 : i32
    %swap3A_1128 = arith.constant 0 : i32
    %swap3A_1129 = arith.index_cast %swap3A_1128 : i32 to index
    %swap3A_1130 = memref.load %arg20[%swap3A_1129] : memref<8xi32, #tpu.memory_space<smem>>
    memref.store %add3A_1127, %arg20[%swap3A_1129] : memref<8xi32, #tpu.memory_space<smem>>
    %broadcast_in_dim3A_1131 = arith.constant 1 : i32
    %broadcast_in_dim3A_1132 = vector.broadcast %broadcast_in_dim3A_1131 : i32 to vector<16xi32>
    %eq3A_1133 = arith.cmpi eq, %get3A_1107, %broadcast_in_dim3A_1132 : vector<16xi32>
    %convert_element_type3A_1134 = arith.extui %eq3A_1133 : vector<16xi1> to vector<16xi32>
    %broadcast_in_dim3A_1135 = arith.constant true
    %broadcast_in_dim3A_1136 = vector.broadcast %broadcast_in_dim3A_1135 : i1 to vector<16xi1>
    %masked_cumsum3A_1137 = tpu.scan <sum>, %convert_element_type3A_1134 masked %broadcast_in_dim3A_1136 : vector<16xi32>, vector<16xi1> -> vector<16xi32>
    %get3A_1138 = arith.constant 1 : i32
    %get3A_1139 = arith.index_cast %get3A_1138 : i32 to index
    %get3A_1140 = memref.load %arg20[%get3A_1139] : memref<8xi32, #tpu.memory_space<smem>>
    %broadcast_in_dim3A_1141 = vector.broadcast %get3A_1140 : i32 to vector<16xi32>
    %add3A_1142 = arith.addi %broadcast_in_dim3A_1141, %masked_cumsum3A_1137 : vector<16xi32>
    %sub3A_1143 = arith.subi %add3A_1142, %convert_element_type3A_1134 : vector<16xi32>
    %mul3A_1144 = arith.muli %convert_element_type3A_1134, %sub3A_1143 : vector<16xi32>
    %add3A_1145 = arith.addi %add3A_1124, %mul3A_1144 : vector<16xi32>
    %slice3A_1146 = vector.extract_strided_slice %masked_cumsum3A_1137 {offsets = [15], sizes = [1], strides = [1]} : vector<16xi32> to vector<1xi32>
    %squeeze3A_1147 = vector.extract %slice3A_1146[0] : i32 from vector<1xi32>
    %add3A_1148 = arith.addi %get3A_1140, %squeeze3A_1147 : i32
    %swap3A_1149 = arith.constant 1 : i32
    %swap3A_1150 = arith.index_cast %swap3A_1149 : i32 to index
    %swap3A_1151 = memref.load %arg20[%swap3A_1150] : memref<8xi32, #tpu.memory_space<smem>>
    memref.store %add3A_1148, %arg20[%swap3A_1150] : memref<8xi32, #tpu.memory_space<smem>>
    %broadcast_in_dim3A_1152 = arith.constant 2 : i32
    %broadcast_in_dim3A_1153 = vector.broadcast %broadcast_in_dim3A_1152 : i32 to vector<16xi32>
    %eq3A_1154 = arith.cmpi eq, %get3A_1107, %broadcast_in_dim3A_1153 : vector<16xi32>
    %convert_element_type3A_1155 = arith.extui %eq3A_1154 : vector<16xi1> to vector<16xi32>
    %broadcast_in_dim3A_1156 = arith.constant true
    %broadcast_in_dim3A_1157 = vector.broadcast %broadcast_in_dim3A_1156 : i1 to vector<16xi1>
    %masked_cumsum3A_1158 = tpu.scan <sum>, %convert_element_type3A_1155 masked %broadcast_in_dim3A_1157 : vector<16xi32>, vector<16xi1> -> vector<16xi32>
    %get3A_1159 = arith.constant 2 : i32
    %get3A_1160 = arith.index_cast %get3A_1159 : i32 to index
    %get3A_1161 = memref.load %arg20[%get3A_1160] : memref<8xi32, #tpu.memory_space<smem>>
    %broadcast_in_dim3A_1162 = vector.broadcast %get3A_1161 : i32 to vector<16xi32>
    %add3A_1163 = arith.addi %broadcast_in_dim3A_1162, %masked_cumsum3A_1158 : vector<16xi32>
    %sub3A_1164 = arith.subi %add3A_1163, %convert_element_type3A_1155 : vector<16xi32>
    %mul3A_1165 = arith.muli %convert_element_type3A_1155, %sub3A_1164 : vector<16xi32>
    %add3A_1166 = arith.addi %add3A_1145, %mul3A_1165 : vector<16xi32>
    %slice3A_1167 = vector.extract_strided_slice %masked_cumsum3A_1158 {offsets = [15], sizes = [1], strides = [1]} : vector<16xi32> to vector<1xi32>
    %squeeze3A_1168 = vector.extract %slice3A_1167[0] : i32 from vector<1xi32>
    %add3A_1169 = arith.addi %get3A_1161, %squeeze3A_1168 : i32
    %swap3A_1170 = arith.constant 2 : i32
    %swap3A_1171 = arith.index_cast %swap3A_1170 : i32 to index
    %swap3A_1172 = memref.load %arg20[%swap3A_1171] : memref<8xi32, #tpu.memory_space<smem>>
    memref.store %add3A_1169, %arg20[%swap3A_1171] : memref<8xi32, #tpu.memory_space<smem>>
    %broadcast_in_dim3A_1173 = arith.constant 3 : i32
    %broadcast_in_dim3A_1174 = vector.broadcast %broadcast_in_dim3A_1173 : i32 to vector<16xi32>
    %eq3A_1175 = arith.cmpi eq, %get3A_1107, %broadcast_in_dim3A_1174 : vector<16xi32>
    %convert_element_type3A_1176 = arith.extui %eq3A_1175 : vector<16xi1> to vector<16xi32>
    %broadcast_in_dim3A_1177 = arith.constant true
    %broadcast_in_dim3A_1178 = vector.broadcast %broadcast_in_dim3A_1177 : i1 to vector<16xi1>
    %masked_cumsum3A_1179 = tpu.scan <sum>, %convert_element_type3A_1176 masked %broadcast_in_dim3A_1178 : vector<16xi32>, vector<16xi1> -> vector<16xi32>
    %get3A_1180 = arith.constant 3 : i32
    %get3A_1181 = arith.index_cast %get3A_1180 : i32 to index
    %get3A_1182 = memref.load %arg20[%get3A_1181] : memref<8xi32, #tpu.memory_space<smem>>
    %broadcast_in_dim3A_1183 = vector.broadcast %get3A_1182 : i32 to vector<16xi32>
    %add3A_1184 = arith.addi %broadcast_in_dim3A_1183, %masked_cumsum3A_1179 : vector<16xi32>
    %sub3A_1185 = arith.subi %add3A_1184, %convert_element_type3A_1176 : vector<16xi32>
    %mul3A_1186 = arith.muli %convert_element_type3A_1176, %sub3A_1185 : vector<16xi32>
    %add3A_1187 = arith.addi %add3A_1166, %mul3A_1186 : vector<16xi32>
    %slice3A_1188 = vector.extract_strided_slice %masked_cumsum3A_1179 {offsets = [15], sizes = [1], strides = [1]} : vector<16xi32> to vector<1xi32>
    %squeeze3A_1189 = vector.extract %slice3A_1188[0] : i32 from vector<1xi32>
    %add3A_1190 = arith.addi %get3A_1182, %squeeze3A_1189 : i32
    %swap3A_1191 = arith.constant 3 : i32
    %swap3A_1192 = arith.index_cast %swap3A_1191 : i32 to index
    %swap3A_1193 = memref.load %arg20[%swap3A_1192] : memref<8xi32, #tpu.memory_space<smem>>
    memref.store %add3A_1190, %arg20[%swap3A_1192] : memref<8xi32, #tpu.memory_space<smem>>
    %broadcast_in_dim3A_1194 = arith.constant 4 : i32
    %broadcast_in_dim3A_1195 = vector.broadcast %broadcast_in_dim3A_1194 : i32 to vector<16xi32>
    %eq3A_1196 = arith.cmpi eq, %get3A_1107, %broadcast_in_dim3A_1195 : vector<16xi32>
    %convert_element_type3A_1197 = arith.extui %eq3A_1196 : vector<16xi1> to vector<16xi32>
    %broadcast_in_dim3A_1198 = arith.constant true
    %broadcast_in_dim3A_1199 = vector.broadcast %broadcast_in_dim3A_1198 : i1 to vector<16xi1>
    %masked_cumsum3A_1200 = tpu.scan <sum>, %convert_element_type3A_1197 masked %broadcast_in_dim3A_1199 : vector<16xi32>, vector<16xi1> -> vector<16xi32>
    %get3A_1201 = arith.constant 4 : i32
    %get3A_1202 = arith.index_cast %get3A_1201 : i32 to index
    %get3A_1203 = memref.load %arg20[%get3A_1202] : memref<8xi32, #tpu.memory_space<smem>>
    %broadcast_in_dim3A_1204 = vector.broadcast %get3A_1203 : i32 to vector<16xi32>
    %add3A_1205 = arith.addi %broadcast_in_dim3A_1204, %masked_cumsum3A_1200 : vector<16xi32>
    %sub3A_1206 = arith.subi %add3A_1205, %convert_element_type3A_1197 : vector<16xi32>
    %mul3A_1207 = arith.muli %convert_element_type3A_1197, %sub3A_1206 : vector<16xi32>
    %add3A_1208 = arith.addi %add3A_1187, %mul3A_1207 : vector<16xi32>
    %slice3A_1209 = vector.extract_strided_slice %masked_cumsum3A_1200 {offsets = [15], sizes = [1], strides = [1]} : vector<16xi32> to vector<1xi32>
    %squeeze3A_1210 = vector.extract %slice3A_1209[0] : i32 from vector<1xi32>
    %add3A_1211 = arith.addi %get3A_1203, %squeeze3A_1210 : i32
    %swap3A_1212 = arith.constant 4 : i32
    %swap3A_1213 = arith.index_cast %swap3A_1212 : i32 to index
    %swap3A_1214 = memref.load %arg20[%swap3A_1213] : memref<8xi32, #tpu.memory_space<smem>>
    memref.store %add3A_1211, %arg20[%swap3A_1213] : memref<8xi32, #tpu.memory_space<smem>>
    %broadcast_in_dim3A_1215 = arith.constant 5 : i32
    %broadcast_in_dim3A_1216 = vector.broadcast %broadcast_in_dim3A_1215 : i32 to vector<16xi32>
    %eq3A_1217 = arith.cmpi eq, %get3A_1107, %broadcast_in_dim3A_1216 : vector<16xi32>
    %convert_element_type3A_1218 = arith.extui %eq3A_1217 : vector<16xi1> to vector<16xi32>
    %broadcast_in_dim3A_1219 = arith.constant true
    %broadcast_in_dim3A_1220 = vector.broadcast %broadcast_in_dim3A_1219 : i1 to vector<16xi1>
    %masked_cumsum3A_1221 = tpu.scan <sum>, %convert_element_type3A_1218 masked %broadcast_in_dim3A_1220 : vector<16xi32>, vector<16xi1> -> vector<16xi32>
    %get3A_1222 = arith.constant 5 : i32
    %get3A_1223 = arith.index_cast %get3A_1222 : i32 to index
    %get3A_1224 = memref.load %arg20[%get3A_1223] : memref<8xi32, #tpu.memory_space<smem>>
    %broadcast_in_dim3A_1225 = vector.broadcast %get3A_1224 : i32 to vector<16xi32>
    %add3A_1226 = arith.addi %broadcast_in_dim3A_1225, %masked_cumsum3A_1221 : vector<16xi32>
    %sub3A_1227 = arith.subi %add3A_1226, %convert_element_type3A_1218 : vector<16xi32>
    %mul3A_1228 = arith.muli %convert_element_type3A_1218, %sub3A_1227 : vector<16xi32>
    %add3A_1229 = arith.addi %add3A_1208, %mul3A_1228 : vector<16xi32>
    %slice3A_1230 = vector.extract_strided_slice %masked_cumsum3A_1221 {offsets = [15], sizes = [1], strides = [1]} : vector<16xi32> to vector<1xi32>
    %squeeze3A_1231 = vector.extract %slice3A_1230[0] : i32 from vector<1xi32>
    %add3A_1232 = arith.addi %get3A_1224, %squeeze3A_1231 : i32
    %swap3A_1233 = arith.constant 5 : i32
    %swap3A_1234 = arith.index_cast %swap3A_1233 : i32 to index
    %swap3A_1235 = memref.load %arg20[%swap3A_1234] : memref<8xi32, #tpu.memory_space<smem>>
    memref.store %add3A_1232, %arg20[%swap3A_1234] : memref<8xi32, #tpu.memory_space<smem>>
    %broadcast_in_dim3A_1236 = arith.constant 6 : i32
    %broadcast_in_dim3A_1237 = vector.broadcast %broadcast_in_dim3A_1236 : i32 to vector<16xi32>
    %eq3A_1238 = arith.cmpi eq, %get3A_1107, %broadcast_in_dim3A_1237 : vector<16xi32>
    %convert_element_type3A_1239 = arith.extui %eq3A_1238 : vector<16xi1> to vector<16xi32>
    %broadcast_in_dim3A_1240 = arith.constant true
    %broadcast_in_dim3A_1241 = vector.broadcast %broadcast_in_dim3A_1240 : i1 to vector<16xi1>
    %masked_cumsum3A_1242 = tpu.scan <sum>, %convert_element_type3A_1239 masked %broadcast_in_dim3A_1241 : vector<16xi32>, vector<16xi1> -> vector<16xi32>
    %get3A_1243 = arith.constant 6 : i32
    %get3A_1244 = arith.index_cast %get3A_1243 : i32 to index
    %get3A_1245 = memref.load %arg20[%get3A_1244] : memref<8xi32, #tpu.memory_space<smem>>
    %broadcast_in_dim3A_1246 = vector.broadcast %get3A_1245 : i32 to vector<16xi32>
    %add3A_1247 = arith.addi %broadcast_in_dim3A_1246, %masked_cumsum3A_1242 : vector<16xi32>
    %sub3A_1248 = arith.subi %add3A_1247, %convert_element_type3A_1239 : vector<16xi32>
    %mul3A_1249 = arith.muli %convert_element_type3A_1239, %sub3A_1248 : vector<16xi32>
    %add3A_1250 = arith.addi %add3A_1229, %mul3A_1249 : vector<16xi32>
    %slice3A_1251 = vector.extract_strided_slice %masked_cumsum3A_1242 {offsets = [15], sizes = [1], strides = [1]} : vector<16xi32> to vector<1xi32>
    %squeeze3A_1252 = vector.extract %slice3A_1251[0] : i32 from vector<1xi32>
    %add3A_1253 = arith.addi %get3A_1245, %squeeze3A_1252 : i32
    %swap3A_1254 = arith.constant 6 : i32
    %swap3A_1255 = arith.index_cast %swap3A_1254 : i32 to index
    %swap3A_1256 = memref.load %arg20[%swap3A_1255] : memref<8xi32, #tpu.memory_space<smem>>
    memref.store %add3A_1253, %arg20[%swap3A_1255] : memref<8xi32, #tpu.memory_space<smem>>
    %broadcast_in_dim3A_1257 = arith.constant 7 : i32
    %broadcast_in_dim3A_1258 = vector.broadcast %broadcast_in_dim3A_1257 : i32 to vector<16xi32>
    %eq3A_1259 = arith.cmpi eq, %get3A_1107, %broadcast_in_dim3A_1258 : vector<16xi32>
    %convert_element_type3A_1260 = arith.extui %eq3A_1259 : vector<16xi1> to vector<16xi32>
    %broadcast_in_dim3A_1261 = arith.constant true
    %broadcast_in_dim3A_1262 = vector.broadcast %broadcast_in_dim3A_1261 : i1 to vector<16xi1>
    %masked_cumsum3A_1263 = tpu.scan <sum>, %convert_element_type3A_1260 masked %broadcast_in_dim3A_1262 : vector<16xi32>, vector<16xi1> -> vector<16xi32>
    %get3A_1264 = arith.constant 7 : i32
    %get3A_1265 = arith.index_cast %get3A_1264 : i32 to index
    %get3A_1266 = memref.load %arg20[%get3A_1265] : memref<8xi32, #tpu.memory_space<smem>>
    %broadcast_in_dim3A_1267 = vector.broadcast %get3A_1266 : i32 to vector<16xi32>
    %add3A_1268 = arith.addi %broadcast_in_dim3A_1267, %masked_cumsum3A_1263 : vector<16xi32>
    %sub3A_1269 = arith.subi %add3A_1268, %convert_element_type3A_1260 : vector<16xi32>
    %mul3A_1270 = arith.muli %convert_element_type3A_1260, %sub3A_1269 : vector<16xi32>
    %add3A_1271 = arith.addi %add3A_1250, %mul3A_1270 : vector<16xi32>
    %slice3A_1272 = vector.extract_strided_slice %masked_cumsum3A_1263 {offsets = [15], sizes = [1], strides = [1]} : vector<16xi32> to vector<1xi32>
    %squeeze3A_1273 = vector.extract %slice3A_1272[0] : i32 from vector<1xi32>
    %add3A_1274 = arith.addi %get3A_1266, %squeeze3A_1273 : i32
    %swap3A_1275 = arith.constant 7 : i32
    %swap3A_1276 = arith.index_cast %swap3A_1275 : i32 to index
    %swap3A_1277 = memref.load %arg20[%swap3A_1276] : memref<8xi32, #tpu.memory_space<smem>>
    memref.store %add3A_1274, %arg20[%swap3A_1276] : memref<8xi32, #tpu.memory_space<smem>>
    %swap3A_1278 = arith.constant 32 : index
    %swap3A_1279 = tpu.vector_load %arg18[%swap3A_1278] {strides = array<i32>} : memref<64xi32, #tpu.memory_space<vmem>>, vector<16xi32>,
    tpu.vector_store %arg18[%swap3A_1278], %add3A_1271 {strides = array<i32>} : memref<64xi32, #tpu.memory_space<vmem>>, vector<16xi32>,
    %get3A_1280 = arith.constant 48 : index
    %get3A_1281 = tpu.vector_load %arg13[%get3A_1280] {strides = array<i32>} : memref<64xi32, #tpu.memory_space<vmem>>, vector<16xi32>,
    %broadcast_in_dim3A_1282 = arith.constant 0 : i32
    %broadcast_in_dim3A_1283 = vector.broadcast %broadcast_in_dim3A_1282 : i32 to vector<16xi32>
    %broadcast_in_dim3A_1284 = arith.constant 0 : i32
    %broadcast_in_dim3A_1285 = vector.broadcast %broadcast_in_dim3A_1284 : i32 to vector<16xi32>
    %eq3A_1286 = arith.cmpi eq, %get3A_1281, %broadcast_in_dim3A_1285 : vector<16xi32>
    %convert_element_type3A_1287 = arith.extui %eq3A_1286 : vector<16xi1> to vector<16xi32>
    %broadcast_in_dim3A_1288 = arith.constant true
    %broadcast_in_dim3A_1289 = vector.broadcast %broadcast_in_dim3A_1288 : i1 to vector<16xi1>
    %masked_cumsum3A_1290 = tpu.scan <sum>, %convert_element_type3A_1287 masked %broadcast_in_dim3A_1289 : vector<16xi32>, vector<16xi1> -> vector<16xi32>
    %get3A_1291 = arith.constant 0 : i32
    %get3A_1292 = arith.index_cast %get3A_1291 : i32 to index
    %get3A_1293 = memref.load %arg20[%get3A_1292] : memref<8xi32, #tpu.memory_space<smem>>
    %broadcast_in_dim3A_1294 = vector.broadcast %get3A_1293 : i32 to vector<16xi32>
    %add3A_1295 = arith.addi %broadcast_in_dim3A_1294, %masked_cumsum3A_1290 : vector<16xi32>
    %sub3A_1296 = arith.subi %add3A_1295, %convert_element_type3A_1287 : vector<16xi32>
    %mul3A_1297 = arith.muli %convert_element_type3A_1287, %sub3A_1296 : vector<16xi32>
    %add3A_1298 = arith.addi %broadcast_in_dim3A_1283, %mul3A_1297 : vector<16xi32>
    %slice3A_1299 = vector.extract_strided_slice %masked_cumsum3A_1290 {offsets = [15], sizes = [1], strides = [1]} : vector<16xi32> to vector<1xi32>
    %squeeze3A_1300 = vector.extract %slice3A_1299[0] : i32 from vector<1xi32>
    %add3A_1301 = arith.addi %get3A_1293, %squeeze3A_1300 : i32
    %swap3A_1302 = arith.constant 0 : i32
    %swap3A_1303 = arith.index_cast %swap3A_1302 : i32 to index
    %swap3A_1304 = memref.load %arg20[%swap3A_1303] : memref<8xi32, #tpu.memory_space<smem>>
    memref.store %add3A_1301, %arg20[%swap3A_1303] : memref<8xi32, #tpu.memory_space<smem>>
    %broadcast_in_dim3A_1305 = arith.constant 1 : i32
    %broadcast_in_dim3A_1306 = vector.broadcast %broadcast_in_dim3A_1305 : i32 to vector<16xi32>
    %eq3A_1307 = arith.cmpi eq, %get3A_1281, %broadcast_in_dim3A_1306 : vector<16xi32>
    %convert_element_type3A_1308 = arith.extui %eq3A_1307 : vector<16xi1> to vector<16xi32>
    %broadcast_in_dim3A_1309 = arith.constant true
    %broadcast_in_dim3A_1310 = vector.broadcast %broadcast_in_dim3A_1309 : i1 to vector<16xi1>
    %masked_cumsum3A_1311 = tpu.scan <sum>, %convert_element_type3A_1308 masked %broadcast_in_dim3A_1310 : vector<16xi32>, vector<16xi1> -> vector<16xi32>
    %get3A_1312 = arith.constant 1 : i32
    %get3A_1313 = arith.index_cast %get3A_1312 : i32 to index
    %get3A_1314 = memref.load %arg20[%get3A_1313] : memref<8xi32, #tpu.memory_space<smem>>
    %broadcast_in_dim3A_1315 = vector.broadcast %get3A_1314 : i32 to vector<16xi32>
    %add3A_1316 = arith.addi %broadcast_in_dim3A_1315, %masked_cumsum3A_1311 : vector<16xi32>
    %sub3A_1317 = arith.subi %add3A_1316, %convert_element_type3A_1308 : vector<16xi32>
    %mul3A_1318 = arith.muli %convert_element_type3A_1308, %sub3A_1317 : vector<16xi32>
    %add3A_1319 = arith.addi %add3A_1298, %mul3A_1318 : vector<16xi32>
    %slice3A_1320 = vector.extract_strided_slice %masked_cumsum3A_1311 {offsets = [15], sizes = [1], strides = [1]} : vector<16xi32> to vector<1xi32>
    %squeeze3A_1321 = vector.extract %slice3A_1320[0] : i32 from vector<1xi32>
    %add3A_1322 = arith.addi %get3A_1314, %squeeze3A_1321 : i32
    %swap3A_1323 = arith.constant 1 : i32
    %swap3A_1324 = arith.index_cast %swap3A_1323 : i32 to index
    %swap3A_1325 = memref.load %arg20[%swap3A_1324] : memref<8xi32, #tpu.memory_space<smem>>
    memref.store %add3A_1322, %arg20[%swap3A_1324] : memref<8xi32, #tpu.memory_space<smem>>
    %broadcast_in_dim3A_1326 = arith.constant 2 : i32
    %broadcast_in_dim3A_1327 = vector.broadcast %broadcast_in_dim3A_1326 : i32 to vector<16xi32>
    %eq3A_1328 = arith.cmpi eq, %get3A_1281, %broadcast_in_dim3A_1327 : vector<16xi32>
    %convert_element_type3A_1329 = arith.extui %eq3A_1328 : vector<16xi1> to vector<16xi32>
    %broadcast_in_dim3A_1330 = arith.constant true
    %broadcast_in_dim3A_1331 = vector.broadcast %broadcast_in_dim3A_1330 : i1 to vector<16xi1>
    %masked_cumsum3A_1332 = tpu.scan <sum>, %convert_element_type3A_1329 masked %broadcast_in_dim3A_1331 : vector<16xi32>, vector<16xi1> -> vector<16xi32>
    %get3A_1333 = arith.constant 2 : i32
    %get3A_1334 = arith.index_cast %get3A_1333 : i32 to index
    %get3A_1335 = memref.load %arg20[%get3A_1334] : memref<8xi32, #tpu.memory_space<smem>>
    %broadcast_in_dim3A_1336 = vector.broadcast %get3A_1335 : i32 to vector<16xi32>
    %add3A_1337 = arith.addi %broadcast_in_dim3A_1336, %masked_cumsum3A_1332 : vector<16xi32>
    %sub3A_1338 = arith.subi %add3A_1337, %convert_element_type3A_1329 : vector<16xi32>
    %mul3A_1339 = arith.muli %convert_element_type3A_1329, %sub3A_1338 : vector<16xi32>
    %add3A_1340 = arith.addi %add3A_1319, %mul3A_1339 : vector<16xi32>
    %slice3A_1341 = vector.extract_strided_slice %masked_cumsum3A_1332 {offsets = [15], sizes = [1], strides = [1]} : vector<16xi32> to vector<1xi32>
    %squeeze3A_1342 = vector.extract %slice3A_1341[0] : i32 from vector<1xi32>
    %add3A_1343 = arith.addi %get3A_1335, %squeeze3A_1342 : i32
    %swap3A_1344 = arith.constant 2 : i32
    %swap3A_1345 = arith.index_cast %swap3A_1344 : i32 to index
    %swap3A_1346 = memref.load %arg20[%swap3A_1345] : memref<8xi32, #tpu.memory_space<smem>>
    memref.store %add3A_1343, %arg20[%swap3A_1345] : memref<8xi32, #tpu.memory_space<smem>>
    %broadcast_in_dim3A_1347 = arith.constant 3 : i32
    %broadcast_in_dim3A_1348 = vector.broadcast %broadcast_in_dim3A_1347 : i32 to vector<16xi32>
    %eq3A_1349 = arith.cmpi eq, %get3A_1281, %broadcast_in_dim3A_1348 : vector<16xi32>
    %convert_element_type3A_1350 = arith.extui %eq3A_1349 : vector<16xi1> to vector<16xi32>
    %broadcast_in_dim3A_1351 = arith.constant true
    %broadcast_in_dim3A_1352 = vector.broadcast %broadcast_in_dim3A_1351 : i1 to vector<16xi1>
    %masked_cumsum3A_1353 = tpu.scan <sum>, %convert_element_type3A_1350 masked %broadcast_in_dim3A_1352 : vector<16xi32>, vector<16xi1> -> vector<16xi32>
    %get3A_1354 = arith.constant 3 : i32
    %get3A_1355 = arith.index_cast %get3A_1354 : i32 to index
    %get3A_1356 = memref.load %arg20[%get3A_1355] : memref<8xi32, #tpu.memory_space<smem>>
    %broadcast_in_dim3A_1357 = vector.broadcast %get3A_1356 : i32 to vector<16xi32>
    %add3A_1358 = arith.addi %broadcast_in_dim3A_1357, %masked_cumsum3A_1353 : vector<16xi32>
    %sub3A_1359 = arith.subi %add3A_1358, %convert_element_type3A_1350 : vector<16xi32>
    %mul3A_1360 = arith.muli %convert_element_type3A_1350, %sub3A_1359 : vector<16xi32>
    %add3A_1361 = arith.addi %add3A_1340, %mul3A_1360 : vector<16xi32>
    %slice3A_1362 = vector.extract_strided_slice %masked_cumsum3A_1353 {offsets = [15], sizes = [1], strides = [1]} : vector<16xi32> to vector<1xi32>
    %squeeze3A_1363 = vector.extract %slice3A_1362[0] : i32 from vector<1xi32>
    %add3A_1364 = arith.addi %get3A_1356, %squeeze3A_1363 : i32
    %swap3A_1365 = arith.constant 3 : i32
    %swap3A_1366 = arith.index_cast %swap3A_1365 : i32 to index
    %swap3A_1367 = memref.load %arg20[%swap3A_1366] : memref<8xi32, #tpu.memory_space<smem>>
    memref.store %add3A_1364, %arg20[%swap3A_1366] : memref<8xi32, #tpu.memory_space<smem>>
    %broadcast_in_dim3A_1368 = arith.constant 4 : i32
    %broadcast_in_dim3A_1369 = vector.broadcast %broadcast_in_dim3A_1368 : i32 to vector<16xi32>
    %eq3A_1370 = arith.cmpi eq, %get3A_1281, %broadcast_in_dim3A_1369 : vector<16xi32>
    %convert_element_type3A_1371 = arith.extui %eq3A_1370 : vector<16xi1> to vector<16xi32>
    %broadcast_in_dim3A_1372 = arith.constant true
    %broadcast_in_dim3A_1373 = vector.broadcast %broadcast_in_dim3A_1372 : i1 to vector<16xi1>
    %masked_cumsum3A_1374 = tpu.scan <sum>, %convert_element_type3A_1371 masked %broadcast_in_dim3A_1373 : vector<16xi32>, vector<16xi1> -> vector<16xi32>
    %get3A_1375 = arith.constant 4 : i32
    %get3A_1376 = arith.index_cast %get3A_1375 : i32 to index
    %get3A_1377 = memref.load %arg20[%get3A_1376] : memref<8xi32, #tpu.memory_space<smem>>
    %broadcast_in_dim3A_1378 = vector.broadcast %get3A_1377 : i32 to vector<16xi32>
    %add3A_1379 = arith.addi %broadcast_in_dim3A_1378, %masked_cumsum3A_1374 : vector<16xi32>
    %sub3A_1380 = arith.subi %add3A_1379, %convert_element_type3A_1371 : vector<16xi32>
    %mul3A_1381 = arith.muli %convert_element_type3A_1371, %sub3A_1380 : vector<16xi32>
    %add3A_1382 = arith.addi %add3A_1361, %mul3A_1381 : vector<16xi32>
    %slice3A_1383 = vector.extract_strided_slice %masked_cumsum3A_1374 {offsets = [15], sizes = [1], strides = [1]} : vector<16xi32> to vector<1xi32>
    %squeeze3A_1384 = vector.extract %slice3A_1383[0] : i32 from vector<1xi32>
    %add3A_1385 = arith.addi %get3A_1377, %squeeze3A_1384 : i32
    %swap3A_1386 = arith.constant 4 : i32
    %swap3A_1387 = arith.index_cast %swap3A_1386 : i32 to index
    %swap3A_1388 = memref.load %arg20[%swap3A_1387] : memref<8xi32, #tpu.memory_space<smem>>
    memref.store %add3A_1385, %arg20[%swap3A_1387] : memref<8xi32, #tpu.memory_space<smem>>
    %broadcast_in_dim3A_1389 = arith.constant 5 : i32
    %broadcast_in_dim3A_1390 = vector.broadcast %broadcast_in_dim3A_1389 : i32 to vector<16xi32>
    %eq3A_1391 = arith.cmpi eq, %get3A_1281, %broadcast_in_dim3A_1390 : vector<16xi32>
    %convert_element_type3A_1392 = arith.extui %eq3A_1391 : vector<16xi1> to vector<16xi32>
    %broadcast_in_dim3A_1393 = arith.constant true
    %broadcast_in_dim3A_1394 = vector.broadcast %broadcast_in_dim3A_1393 : i1 to vector<16xi1>
    %masked_cumsum3A_1395 = tpu.scan <sum>, %convert_element_type3A_1392 masked %broadcast_in_dim3A_1394 : vector<16xi32>, vector<16xi1> -> vector<16xi32>
    %get3A_1396 = arith.constant 5 : i32
    %get3A_1397 = arith.index_cast %get3A_1396 : i32 to index
    %get3A_1398 = memref.load %arg20[%get3A_1397] : memref<8xi32, #tpu.memory_space<smem>>
    %broadcast_in_dim3A_1399 = vector.broadcast %get3A_1398 : i32 to vector<16xi32>
    %add3A_1400 = arith.addi %broadcast_in_dim3A_1399, %masked_cumsum3A_1395 : vector<16xi32>
    %sub3A_1401 = arith.subi %add3A_1400, %convert_element_type3A_1392 : vector<16xi32>
    %mul3A_1402 = arith.muli %convert_element_type3A_1392, %sub3A_1401 : vector<16xi32>
    %add3A_1403 = arith.addi %add3A_1382, %mul3A_1402 : vector<16xi32>
    %slice3A_1404 = vector.extract_strided_slice %masked_cumsum3A_1395 {offsets = [15], sizes = [1], strides = [1]} : vector<16xi32> to vector<1xi32>
    %squeeze3A_1405 = vector.extract %slice3A_1404[0] : i32 from vector<1xi32>
    %add3A_1406 = arith.addi %get3A_1398, %squeeze3A_1405 : i32
    %swap3A_1407 = arith.constant 5 : i32
    %swap3A_1408 = arith.index_cast %swap3A_1407 : i32 to index
    %swap3A_1409 = memref.load %arg20[%swap3A_1408] : memref<8xi32, #tpu.memory_space<smem>>
    memref.store %add3A_1406, %arg20[%swap3A_1408] : memref<8xi32, #tpu.memory_space<smem>>
    %broadcast_in_dim3A_1410 = arith.constant 6 : i32
    %broadcast_in_dim3A_1411 = vector.broadcast %broadcast_in_dim3A_1410 : i32 to vector<16xi32>
    %eq3A_1412 = arith.cmpi eq, %get3A_1281, %broadcast_in_dim3A_1411 : vector<16xi32>
    %convert_element_type3A_1413 = arith.extui %eq3A_1412 : vector<16xi1> to vector<16xi32>
    %broadcast_in_dim3A_1414 = arith.constant true
    %broadcast_in_dim3A_1415 = vector.broadcast %broadcast_in_dim3A_1414 : i1 to vector<16xi1>
    %masked_cumsum3A_1416 = tpu.scan <sum>, %convert_element_type3A_1413 masked %broadcast_in_dim3A_1415 : vector<16xi32>, vector<16xi1> -> vector<16xi32>
    %get3A_1417 = arith.constant 6 : i32
    %get3A_1418 = arith.index_cast %get3A_1417 : i32 to index
    %get3A_1419 = memref.load %arg20[%get3A_1418] : memref<8xi32, #tpu.memory_space<smem>>
    %broadcast_in_dim3A_1420 = vector.broadcast %get3A_1419 : i32 to vector<16xi32>
    %add3A_1421 = arith.addi %broadcast_in_dim3A_1420, %masked_cumsum3A_1416 : vector<16xi32>
    %sub3A_1422 = arith.subi %add3A_1421, %convert_element_type3A_1413 : vector<16xi32>
    %mul3A_1423 = arith.muli %convert_element_type3A_1413, %sub3A_1422 : vector<16xi32>
    %add3A_1424 = arith.addi %add3A_1403, %mul3A_1423 : vector<16xi32>
    %slice3A_1425 = vector.extract_strided_slice %masked_cumsum3A_1416 {offsets = [15], sizes = [1], strides = [1]} : vector<16xi32> to vector<1xi32>
    %squeeze3A_1426 = vector.extract %slice3A_1425[0] : i32 from vector<1xi32>
    %add3A_1427 = arith.addi %get3A_1419, %squeeze3A_1426 : i32
    %swap3A_1428 = arith.constant 6 : i32
    %swap3A_1429 = arith.index_cast %swap3A_1428 : i32 to index
    %swap3A_1430 = memref.load %arg20[%swap3A_1429] : memref<8xi32, #tpu.memory_space<smem>>
    memref.store %add3A_1427, %arg20[%swap3A_1429] : memref<8xi32, #tpu.memory_space<smem>>
    %broadcast_in_dim3A_1431 = arith.constant 7 : i32
    %broadcast_in_dim3A_1432 = vector.broadcast %broadcast_in_dim3A_1431 : i32 to vector<16xi32>
    %eq3A_1433 = arith.cmpi eq, %get3A_1281, %broadcast_in_dim3A_1432 : vector<16xi32>
    %convert_element_type3A_1434 = arith.extui %eq3A_1433 : vector<16xi1> to vector<16xi32>
    %broadcast_in_dim3A_1435 = arith.constant true
    %broadcast_in_dim3A_1436 = vector.broadcast %broadcast_in_dim3A_1435 : i1 to vector<16xi1>
    %masked_cumsum3A_1437 = tpu.scan <sum>, %convert_element_type3A_1434 masked %broadcast_in_dim3A_1436 : vector<16xi32>, vector<16xi1> -> vector<16xi32>
    %get3A_1438 = arith.constant 7 : i32
    %get3A_1439 = arith.index_cast %get3A_1438 : i32 to index
    %get3A_1440 = memref.load %arg20[%get3A_1439] : memref<8xi32, #tpu.memory_space<smem>>
    %broadcast_in_dim3A_1441 = vector.broadcast %get3A_1440 : i32 to vector<16xi32>
    %add3A_1442 = arith.addi %broadcast_in_dim3A_1441, %masked_cumsum3A_1437 : vector<16xi32>
    %sub3A_1443 = arith.subi %add3A_1442, %convert_element_type3A_1434 : vector<16xi32>
    %mul3A_1444 = arith.muli %convert_element_type3A_1434, %sub3A_1443 : vector<16xi32>
    %add3A_1445 = arith.addi %add3A_1424, %mul3A_1444 : vector<16xi32>
    %slice3A_1446 = vector.extract_strided_slice %masked_cumsum3A_1437 {offsets = [15], sizes = [1], strides = [1]} : vector<16xi32> to vector<1xi32>
    %squeeze3A_1447 = vector.extract %slice3A_1446[0] : i32 from vector<1xi32>
    %add3A_1448 = arith.addi %get3A_1440, %squeeze3A_1447 : i32
    %swap3A_1449 = arith.constant 7 : i32
    %swap3A_1450 = arith.index_cast %swap3A_1449 : i32 to index
    %swap3A_1451 = memref.load %arg20[%swap3A_1450] : memref<8xi32, #tpu.memory_space<smem>>
    memref.store %add3A_1448, %arg20[%swap3A_1450] : memref<8xi32, #tpu.memory_space<smem>>
    %swap3A_1452 = arith.constant 48 : index
    %swap3A_1453 = tpu.vector_load %arg18[%swap3A_1452] {strides = array<i32>} : memref<64xi32, #tpu.memory_space<vmem>>, vector<16xi32>,
    tpu.vector_store %arg18[%swap3A_1452], %add3A_1445 {strides = array<i32>} : memref<64xi32, #tpu.memory_space<vmem>>, vector<16xi32>,
    %dma_start3A_1454 = tpu.memref_slice %arg10[%mul3A_2] : memref<2048xi32, #tpu.memory_space<hbm>> -> memref<64xi32, #tpu.memory_space<hbm>>
    %dma_start3A_1455 = tpu.memref_slice %arg10[%mul3A_2] : memref<2048xi32, #tpu.memory_space<hbm>> -> memref<64xi32, #tpu.memory_space<hbm>>
    tpu.enqueue_dma source(%arg17 : memref<64xi32, #tpu.memory_space<vmem>>) target(%dma_start3A_1455 : memref<64xi32, #tpu.memory_space<hbm>>) target_semaphore(%arg21 : memref<!tpu.dma_semaphore, #tpu.memory_space<semaphore_mem>>)
    %dma_start3A_1456 = tpu.memref_slice %arg11[%mul3A_2] : memref<2048xi32, #tpu.memory_space<hbm>> -> memref<64xi32, #tpu.memory_space<hbm>>
    %dma_start3A_1457 = tpu.memref_slice %arg11[%mul3A_2] : memref<2048xi32, #tpu.memory_space<hbm>> -> memref<64xi32, #tpu.memory_space<hbm>>
    tpu.enqueue_dma source(%arg18 : memref<64xi32, #tpu.memory_space<vmem>>) target(%dma_start3A_1457 : memref<64xi32, #tpu.memory_space<hbm>>) target_semaphore(%arg22 : memref<!tpu.dma_semaphore, #tpu.memory_space<semaphore_mem>>)
    %dma_wait3A_1458 = arith.constant 0 : i32
    %dma_wait3A_1459 = tpu.memref_slice %arg6[%mul3A_2, %dma_wait3A_1458] : memref<2048x768xf32, #tpu.memory_space<hbm>> -> memref<64x768xf32, #tpu.memory_space<hbm>>
    %dma_wait3A_1460 = arith.constant 0 : i32
    %dma_wait3A_1461 = tpu.memref_slice %arg6[%mul3A_2, %dma_wait3A_1460] : memref<2048x768xf32, #tpu.memory_space<hbm>> -> memref<64x768xf32, #tpu.memory_space<hbm>>
    tpu.wait_dma2 semaphore(%arg24 : memref<!tpu.dma_semaphore, #tpu.memory_space<semaphore_mem>>) src(%dma_wait3A_1461 : memref<64x768xf32, #tpu.memory_space<hbm>>) dst(%arg14 : memref<64x768xf32, #tpu.memory_space<vmem>>)
    %dma_start3A_1462 = arith.constant 0 : i32
    %dma_start3A_1463 = arith.constant 0 : i32
    %dma_start3A_1464 = tpu.memref_slice %arg8[%dma_start3A_1462, %dma_start3A_1463] : memref<6144x768xf32, #tpu.memory_space<hbm>> -> memref<6144x768xf32, #tpu.memory_space<hbm>>
    tpu.enqueue_indirect_dma source(%arg14 : memref<64x768xf32, #tpu.memory_space<vmem>>) target(%dma_start3A_1464 : memref<6144x768xf32, #tpu.memory_space<hbm>>) offsets(%arg17 : memref<64xi32, #tpu.memory_space<vmem>>) semaphore(%arg23 : memref<!tpu.dma_semaphore, #tpu.memory_space<semaphore_mem>>)
    %dma_start3A_1465 = arith.constant 0 : i32
    %dma_start3A_1466 = arith.constant 0 : i32
    %dma_start3A_1467 = tpu.memref_slice %arg8[%dma_start3A_1465, %dma_start3A_1466] : memref<6144x768xf32, #tpu.memory_space<hbm>> -> memref<6144x768xf32, #tpu.memory_space<hbm>>
    tpu.enqueue_indirect_dma source(%arg14 : memref<64x768xf32, #tpu.memory_space<vmem>>) target(%dma_start3A_1467 : memref<6144x768xf32, #tpu.memory_space<hbm>>) offsets(%arg18 : memref<64xi32, #tpu.memory_space<vmem>>) semaphore(%arg24 : memref<!tpu.dma_semaphore, #tpu.memory_space<semaphore_mem>>)
    %dma_wait3A_1468 = tpu.memref_slice %arg4[%mul3A_2] : memref<2048xf32, #tpu.memory_space<hbm>> -> memref<64xf32, #tpu.memory_space<hbm>>
    %dma_wait3A_1469 = tpu.memref_slice %arg4[%mul3A_2] : memref<2048xf32, #tpu.memory_space<hbm>> -> memref<64xf32, #tpu.memory_space<hbm>>
    tpu.wait_dma2 semaphore(%arg25 : memref<!tpu.dma_semaphore, #tpu.memory_space<semaphore_mem>>) src(%dma_wait3A_1469 : memref<64xf32, #tpu.memory_space<hbm>>) dst(%arg15 : memref<64xf32, #tpu.memory_space<vmem>>)
    %dma_wait3A_1470 = tpu.memref_slice %arg5[%mul3A_2] : memref<2048xf32, #tpu.memory_space<hbm>> -> memref<64xf32, #tpu.memory_space<hbm>>
    %dma_wait3A_1471 = tpu.memref_slice %arg5[%mul3A_2] : memref<2048xf32, #tpu.memory_space<hbm>> -> memref<64xf32, #tpu.memory_space<hbm>>
    tpu.wait_dma2 semaphore(%arg26 : memref<!tpu.dma_semaphore, #tpu.memory_space<semaphore_mem>>) src(%dma_wait3A_1471 : memref<64xf32, #tpu.memory_space<hbm>>) dst(%arg16 : memref<64xf32, #tpu.memory_space<vmem>>)
    %dma_start3A_1472 = arith.constant 0 : i32
    %dma_start3A_1473 = tpu.memref_slice %arg9[%dma_start3A_1472] : memref<6144xf32, #tpu.memory_space<hbm>> -> memref<6144xf32, #tpu.memory_space<hbm>>
    tpu.enqueue_indirect_dma source(%arg15 : memref<64xf32, #tpu.memory_space<vmem>>) target(%dma_start3A_1473 : memref<6144xf32, #tpu.memory_space<hbm>>) offsets(%arg17 : memref<64xi32, #tpu.memory_space<vmem>>) semaphore(%arg25 : memref<!tpu.dma_semaphore, #tpu.memory_space<semaphore_mem>>)
    %dma_start3A_1474 = arith.constant 0 : i32
    %dma_start3A_1475 = tpu.memref_slice %arg9[%dma_start3A_1474] : memref<6144xf32, #tpu.memory_space<hbm>> -> memref<6144xf32, #tpu.memory_space<hbm>>
    tpu.enqueue_indirect_dma source(%arg16 : memref<64xf32, #tpu.memory_space<vmem>>) target(%dma_start3A_1475 : memref<6144xf32, #tpu.memory_space<hbm>>) offsets(%arg18 : memref<64xi32, #tpu.memory_space<vmem>>) semaphore(%arg26 : memref<!tpu.dma_semaphore, #tpu.memory_space<semaphore_mem>>)
    %dma_wait3A_1476 = tpu.memref_slice %arg10[%mul3A_2] : memref<2048xi32, #tpu.memory_space<hbm>> -> memref<64xi32, #tpu.memory_space<hbm>>
    %dma_wait3A_1477 = tpu.memref_slice %arg10[%mul3A_2] : memref<2048xi32, #tpu.memory_space<hbm>> -> memref<64xi32, #tpu.memory_space<hbm>>
    tpu.wait_dma2 semaphore(%arg21 : memref<!tpu.dma_semaphore, #tpu.memory_space<semaphore_mem>>) src(%arg17 : memref<64xi32, #tpu.memory_space<vmem>>) dst(%dma_wait3A_1477 : memref<64xi32, #tpu.memory_space<hbm>>)
    %dma_wait3A_1478 = tpu.memref_slice %arg11[%mul3A_2] : memref<2048xi32, #tpu.memory_space<hbm>> -> memref<64xi32, #tpu.memory_space<hbm>>
    %dma_wait3A_1479 = tpu.memref_slice %arg11[%mul3A_2] : memref<2048xi32, #tpu.memory_space<hbm>> -> memref<64xi32, #tpu.memory_space<hbm>>
    tpu.wait_dma2 semaphore(%arg22 : memref<!tpu.dma_semaphore, #tpu.memory_space<semaphore_mem>>) src(%arg18 : memref<64xi32, #tpu.memory_space<vmem>>) dst(%dma_wait3A_1479 : memref<64xi32, #tpu.memory_space<hbm>>)
    %dma_wait3A_1480 = arith.constant 0 : i32
    %dma_wait3A_1481 = arith.constant 0 : i32
    %dma_wait3A_1482 = tpu.memref_slice %arg8[%dma_wait3A_1480, %dma_wait3A_1481] : memref<6144x768xf32, #tpu.memory_space<hbm>> -> memref<6144x768xf32, #tpu.memory_space<hbm>>
    tpu.wait_indirect_dma semaphore(%arg23 : memref<!tpu.dma_semaphore, #tpu.memory_space<semaphore_mem>>) src(%arg14 : memref<64x768xf32, #tpu.memory_space<vmem>>) dst(%dma_wait3A_1482 : memref<6144x768xf32, #tpu.memory_space<hbm>>)
    %dma_wait3A_1483 = arith.constant 0 : i32
    %dma_wait3A_1484 = arith.constant 0 : i32
    %dma_wait3A_1485 = tpu.memref_slice %arg8[%dma_wait3A_1483, %dma_wait3A_1484] : memref<6144x768xf32, #tpu.memory_space<hbm>> -> memref<6144x768xf32, #tpu.memory_space<hbm>>
    tpu.wait_indirect_dma semaphore(%arg24 : memref<!tpu.dma_semaphore, #tpu.memory_space<semaphore_mem>>) src(%arg14 : memref<64x768xf32, #tpu.memory_space<vmem>>) dst(%dma_wait3A_1485 : memref<6144x768xf32, #tpu.memory_space<hbm>>)
    %dma_wait3A_1486 = arith.constant 0 : i32
    %dma_wait3A_1487 = tpu.memref_slice %arg9[%dma_wait3A_1486] : memref<6144xf32, #tpu.memory_space<hbm>> -> memref<6144xf32, #tpu.memory_space<hbm>>
    tpu.wait_indirect_dma semaphore(%arg25 : memref<!tpu.dma_semaphore, #tpu.memory_space<semaphore_mem>>) src(%arg15 : memref<64xf32, #tpu.memory_space<vmem>>) dst(%dma_wait3A_1487 : memref<6144xf32, #tpu.memory_space<hbm>>)
    %dma_wait3A_1488 = arith.constant 0 : i32
    %dma_wait3A_1489 = tpu.memref_slice %arg9[%dma_wait3A_1488] : memref<6144xf32, #tpu.memory_space<hbm>> -> memref<6144xf32, #tpu.memory_space<hbm>>
    tpu.wait_indirect_dma semaphore(%arg26 : memref<!tpu.dma_semaphore, #tpu.memory_space<semaphore_mem>>) src(%arg16 : memref<64xf32, #tpu.memory_space<vmem>>) dst(%dma_wait3A_1489 : memref<6144xf32, #tpu.memory_space<hbm>>)
    return
  }
}

module attributes {stable_mosaic.version = 14 : i64} {
  func.func @_mlp_body(%arg0: i32, %arg1: memref<24xi32, #tpu.memory_space<smem>>, %arg2: memref<256x768xf32, #tpu.memory_space<vmem>>, %arg3: memref<1x3072x768xf32, #tpu.memory_space<vmem>>, %arg4: memref<1x768x1536xf32, #tpu.memory_space<vmem>>, %arg5: memref<256xf32, #tpu.memory_space<vmem>>, %arg6: memref<256x768xf32, #tpu.memory_space<vmem>>) attributes {dimension_semantics = [#tpu.dimension_semantics<arbitrary>], iteration_bounds = array<i64: 24>, scalar_prefetch = 1 : i64, scratch_operands = 0 : i64, tpu.core_type = #tpu.core_type<tc>, window_params = [{transform_indices = @transform_0, window_bounds = array<i64: 256, 768>}, {transform_indices = @transform_1, window_bounds = array<i64: 1, 3072, 768>}, {transform_indices = @transform_2, window_bounds = array<i64: 1, 768, 1536>}, {transform_indices = @transform_3, window_bounds = array<i64: 256>}, {transform_indices = @transform_4, window_bounds = array<i64: 256, 768>}]} {
    %get3A = arith.constant 0 : index
    %get3A_0 = arith.constant 0 : index
    %get3A_1 = vector.load %arg2[%get3A, %get3A_0] : memref<256x768xf32, #tpu.memory_space<vmem>>, vector<256x768xf32>
    %get3A_2 = arith.constant 0 : index
    %get3A_3 = arith.constant 0 : index
    %get3A_4 = arith.constant 0 : index
    %get3A_5 = vector.load %arg3[%get3A_2, %get3A_3, %get3A_4] : memref<1x3072x768xf32, #tpu.memory_space<vmem>>, vector<1x1536x768xf32>
    %get3A_6 = vector.shape_cast %get3A_5 : vector<1x1536x768xf32> to vector<1536x768xf32>
    %dot_general3A = arith.constant dense<0.000000e+00> : vector<256x1536xf32>
    %dot_general3A_7 = tpu.matmul %get3A_1, %get3A_6, %dot_general3A {dimension_numbers = #tpu.dot_dimension_numbers<[1], [1], [0], [0], [0, 0, 1, 0], [], []>, transpose_lhs_hint = false} : vector<256x768xf32>, vector<1536x768xf32>, vector<256x1536xf32> -> vector<256x1536xf32>
    %get3A_8 = arith.constant 0 : index
    %get3A_9 = arith.constant 1536 : index
    %get3A_10 = arith.constant 0 : index
    %get3A_11 = vector.load %arg3[%get3A_8, %get3A_9, %get3A_10] : memref<1x3072x768xf32, #tpu.memory_space<vmem>>, vector<1x1536x768xf32>
    %get3A_12 = vector.shape_cast %get3A_11 : vector<1x1536x768xf32> to vector<1536x768xf32>
    %dot_general3A_13 = arith.constant dense<0.000000e+00> : vector<256x1536xf32>
    %dot_general3A_14 = tpu.matmul %get3A_1, %get3A_12, %dot_general3A_13 {dimension_numbers = #tpu.dot_dimension_numbers<[1], [1], [0], [0], [0, 0, 1, 0], [], []>, transpose_lhs_hint = false} : vector<256x768xf32>, vector<1536x768xf32>, vector<256x1536xf32> -> vector<256x1536xf32>
    %mul3A = arith.mulf %dot_general3A_7, %dot_general3A_14 : vector<256x1536xf32>
    %neg3A = arith.constant 0.000000e+00 : f32
    %neg3A_15 = vector.broadcast %neg3A : f32 to vector<256x1536xf32>
    %neg3A_16 = arith.subf %neg3A_15, %dot_general3A_7 : vector<256x1536xf32>
    %exp3A = math.exp %neg3A_16 : vector<256x1536xf32>
    %add3A = arith.constant 1.000000e+00 : f32
    %add3A_17 = vector.broadcast %add3A : f32 to vector<256x1536xf32>
    %add3A_18 = arith.addf %add3A_17, %exp3A : vector<256x1536xf32>
    %div3A = arith.divf %mul3A, %add3A_18 : vector<256x1536xf32>
    %get3A_19 = arith.constant 0 : index
    %get3A_20 = arith.constant 0 : index
    %get3A_21 = arith.constant 0 : index
    %get3A_22 = vector.load %arg4[%get3A_19, %get3A_20, %get3A_21] : memref<1x768x1536xf32, #tpu.memory_space<vmem>>, vector<1x768x1536xf32>
    %get3A_23 = vector.shape_cast %get3A_22 : vector<1x768x1536xf32> to vector<768x1536xf32>
    %dot_general3A_24 = arith.constant dense<0.000000e+00> : vector<256x768xf32>
    %dot_general3A_25 = tpu.matmul %div3A, %get3A_23, %dot_general3A_24 {dimension_numbers = #tpu.dot_dimension_numbers<[1], [1], [0], [0], [0, 0, 1, 0], [], []>, transpose_lhs_hint = false} : vector<256x1536xf32>, vector<768x1536xf32>, vector<256x768xf32> -> vector<256x768xf32>
    %get3A_26 = arith.constant 0 : index
    %get3A_27 = vector.load %arg5[%get3A_26] : memref<256xf32, #tpu.memory_space<vmem>>, vector<256xf32>
    %reshape3A = vector.shape_cast %get3A_27 : vector<256xf32> to vector<256x1xf32>
    %mul3A_28 = vector.broadcast %reshape3A : vector<256x1xf32> to vector<256x768xf32>
    %mul3A_29 = arith.mulf %dot_general3A_25, %mul3A_28 : vector<256x768xf32>
    %swap3A = arith.constant 0 : index
    %swap3A_30 = arith.constant 0 : index
    %swap3A_31 = vector.load %arg6[%swap3A, %swap3A_30] : memref<256x768xf32, #tpu.memory_space<vmem>>, vector<256x768xf32>
    tpu.vector_store %arg6[%swap3A, %swap3A_30], %mul3A_29 {strides = array<i32>} : memref<256x768xf32, #tpu.memory_space<vmem>>, vector<256x768xf32>,
    return
  }
  func.func @transform_0(%arg0: i32, %arg1: memref<24xi32, #tpu.memory_space<smem>>) -> (i32, i32) {
    %c0_i32 = arith.constant 0 : i32
    %c0_i32_0 = arith.constant 0 : i32
    return %arg0, %c0_i32 : i32, i32
  }
  func.func @transform_1(%arg0: i32, %arg1: memref<24xi32, #tpu.memory_space<smem>>) -> (i32, i32, i32) {
    %get3A = arith.index_cast %arg0 : i32 to index
    %get3A_0 = memref.load %arg1[%get3A] : memref<24xi32, #tpu.memory_space<smem>>
    %c0_i32 = arith.constant 0 : i32
    %c0_i32_1 = arith.constant 0 : i32
    %c0_i32_2 = arith.constant 0 : i32
    return %get3A_0, %c0_i32, %c0_i32_1 : i32, i32, i32
  }
  func.func @transform_2(%arg0: i32, %arg1: memref<24xi32, #tpu.memory_space<smem>>) -> (i32, i32, i32) {
    %get3A = arith.index_cast %arg0 : i32 to index
    %get3A_0 = memref.load %arg1[%get3A] : memref<24xi32, #tpu.memory_space<smem>>
    %c0_i32 = arith.constant 0 : i32
    %c0_i32_1 = arith.constant 0 : i32
    %c0_i32_2 = arith.constant 0 : i32
    return %get3A_0, %c0_i32, %c0_i32_1 : i32, i32, i32
  }
  func.func @transform_3(%arg0: i32, %arg1: memref<24xi32, #tpu.memory_space<smem>>) -> i32 {
    %c0_i32 = arith.constant 0 : i32
    return %arg0 : i32
  }
  func.func @transform_4(%arg0: i32, %arg1: memref<24xi32, #tpu.memory_space<smem>>) -> (i32, i32) {
    %c0_i32 = arith.constant 0 : i32
    %c0_i32_0 = arith.constant 0 : i32
    return %arg0, %c0_i32 : i32, i32
  }
}

module attributes {stable_mosaic.version = 14 : i64} {
  func.func @_route_body(%arg0: memref<8x2048xf32, #tpu.memory_space<vmem>>, %arg1: memref<2048xi32, #tpu.memory_space<vmem>>, %arg2: memref<2048xi32, #tpu.memory_space<vmem>>, %arg3: memref<2048xf32, #tpu.memory_space<vmem>>, %arg4: memref<2048xf32, #tpu.memory_space<vmem>>, %arg5: memref<32x32xi32, #tpu.memory_space<vmem>>, %arg6: memref<24xi32, #tpu.memory_space<vmem>>) attributes {dimension_semantics = [], scalar_prefetch = 0 : i64, scratch_operands = 0 : i64, tpu.core_type = #tpu.core_type<tc>} {
    %get3A = arith.constant 0 : index
    %get3A_0 = arith.constant 0 : index
    %get3A_1 = vector.load %arg0[%get3A, %get3A_0] : memref<8x2048xf32, #tpu.memory_space<vmem>>, vector<8x2048xf32>
    %iota3A = tpu.iota {dimensions = array<i32: 0>} : vector<8x2048xi32>
    %reduce_max3A = arith.constant dense<0xFF800000> : vector<2048xf32>
    %reduce_max3A_2 = vector.multi_reduction <maximumf>, %get3A_1, %reduce_max3A [0] : vector<8x2048xf32> to vector<2048xf32>
    %broadcast_in_dim3A = vector.shape_cast %reduce_max3A_2 : vector<2048xf32> to vector<1x2048xf32>
    %ge3A = vector.broadcast %broadcast_in_dim3A : vector<1x2048xf32> to vector<8x2048xf32>
    %ge3A_3 = arith.cmpf oge, %get3A_1, %ge3A : vector<8x2048xf32>
    %jit3A = arith.constant 8 : i32
    %broadcast_in_dim3A_4 = vector.broadcast %jit3A : i32 to vector<8x2048xi32>
    %select_n3A = arith.select %ge3A_3, %iota3A, %broadcast_in_dim3A_4 : vector<8x2048xi1>, vector<8x2048xi32>
    %reduce_min3A = arith.constant dense<2147483647> : vector<2048xi32>
    %reduce_min3A_5 = vector.multi_reduction <minsi>, %select_n3A, %reduce_min3A [0] : vector<8x2048xi32> to vector<2048xi32>
    %broadcast_in_dim3A_6 = vector.shape_cast %reduce_min3A_5 : vector<2048xi32> to vector<1x2048xi32>
    %eq3A = vector.broadcast %broadcast_in_dim3A_6 : vector<1x2048xi32> to vector<8x2048xi32>
    %eq3A_7 = arith.cmpi eq, %iota3A, %eq3A : vector<8x2048xi32>
    %jit3A_8 = arith.constant 0xFF800000 : f32
    %broadcast_in_dim3A_9 = vector.broadcast %jit3A_8 : f32 to vector<8x2048xf32>
    %select_n3A_10 = arith.select %eq3A_7, %broadcast_in_dim3A_9, %get3A_1 : vector<8x2048xi1>, vector<8x2048xf32>
    %reduce_max3A_11 = arith.constant dense<0xFF800000> : vector<2048xf32>
    %reduce_max3A_12 = vector.multi_reduction <maximumf>, %select_n3A_10, %reduce_max3A_11 [0] : vector<8x2048xf32> to vector<2048xf32>
    %broadcast_in_dim3A_13 = vector.shape_cast %reduce_max3A_12 : vector<2048xf32> to vector<1x2048xf32>
    %ge3A_14 = vector.broadcast %broadcast_in_dim3A_13 : vector<1x2048xf32> to vector<8x2048xf32>
    %ge3A_15 = arith.cmpf oge, %select_n3A_10, %ge3A_14 : vector<8x2048xf32>
    %jit3A_16 = arith.constant 8 : i32
    %broadcast_in_dim3A_17 = vector.broadcast %jit3A_16 : i32 to vector<8x2048xi32>
    %select_n3A_18 = arith.select %ge3A_15, %iota3A, %broadcast_in_dim3A_17 : vector<8x2048xi1>, vector<8x2048xi32>
    %reduce_min3A_19 = arith.constant dense<2147483647> : vector<2048xi32>
    %reduce_min3A_20 = vector.multi_reduction <minsi>, %select_n3A_18, %reduce_min3A_19 [0] : vector<8x2048xi32> to vector<2048xi32>
    %broadcast_in_dim3A_21 = vector.shape_cast %reduce_min3A_20 : vector<2048xi32> to vector<1x2048xi32>
    %sub3A = arith.subf %broadcast_in_dim3A_13, %broadcast_in_dim3A : vector<1x2048xf32>
    %exp3A = math.exp %sub3A : vector<1x2048xf32>
    %add3A = arith.constant 1.000000e+00 : f32
    %add3A_22 = vector.broadcast %add3A : f32 to vector<1x2048xf32>
    %add3A_23 = arith.addf %add3A_22, %exp3A : vector<1x2048xf32>
    %div3A = arith.constant 1.000000e+00 : f32
    %div3A_24 = vector.broadcast %div3A : f32 to vector<1x2048xf32>
    %div3A_25 = arith.divf %div3A_24, %add3A_23 : vector<1x2048xf32>
    %reshape3A = vector.shape_cast %broadcast_in_dim3A_6 : vector<1x2048xi32> to vector<2048xi32>
    %swap3A = arith.constant 0 : index
    %swap3A_26 = vector.load %arg1[%swap3A] : memref<2048xi32, #tpu.memory_space<vmem>>, vector<2048xi32>
    tpu.vector_store %arg1[%swap3A], %reshape3A {strides = array<i32>} : memref<2048xi32, #tpu.memory_space<vmem>>, vector<2048xi32>,
    %reshape3A_27 = vector.shape_cast %broadcast_in_dim3A_21 : vector<1x2048xi32> to vector<2048xi32>
    %swap3A_28 = arith.constant 0 : index
    %swap3A_29 = vector.load %arg2[%swap3A_28] : memref<2048xi32, #tpu.memory_space<vmem>>, vector<2048xi32>
    tpu.vector_store %arg2[%swap3A_28], %reshape3A_27 {strides = array<i32>} : memref<2048xi32, #tpu.memory_space<vmem>>, vector<2048xi32>,
    %reshape3A_30 = vector.shape_cast %div3A_25 : vector<1x2048xf32> to vector<2048xf32>
    %swap3A_31 = arith.constant 0 : index
    %swap3A_32 = vector.load %arg3[%swap3A_31] : memref<2048xf32, #tpu.memory_space<vmem>>, vector<2048xf32>
    tpu.vector_store %arg3[%swap3A_31], %reshape3A_30 {strides = array<i32>} : memref<2048xf32, #tpu.memory_space<vmem>>, vector<2048xf32>,
    %sub3A_33 = arith.constant 1.000000e+00 : f32
    %sub3A_34 = vector.broadcast %sub3A_33 : f32 to vector<1x2048xf32>
    %sub3A_35 = arith.subf %sub3A_34, %div3A_25 : vector<1x2048xf32>
    %reshape3A_36 = vector.shape_cast %sub3A_35 : vector<1x2048xf32> to vector<2048xf32>
    %swap3A_37 = arith.constant 0 : index
    %swap3A_38 = vector.load %arg4[%swap3A_37] : memref<2048xf32, #tpu.memory_space<vmem>>, vector<2048xf32>
    tpu.vector_store %arg4[%swap3A_37], %reshape3A_36 {strides = array<i32>} : memref<2048xf32, #tpu.memory_space<vmem>>, vector<2048xf32>,
    %eq3A_39 = vector.broadcast %broadcast_in_dim3A_6 : vector<1x2048xi32> to vector<8x2048xi32>
    %eq3A_40 = arith.cmpi eq, %iota3A, %eq3A_39 : vector<8x2048xi32>
    %convert_element_type3A = arith.extui %eq3A_40 : vector<8x2048xi1> to vector<8x2048xi32>
    %convert_element_type3A_41 = arith.sitofp %convert_element_type3A : vector<8x2048xi32> to vector<8x2048xf32>
    %eq3A_42 = vector.broadcast %broadcast_in_dim3A_21 : vector<1x2048xi32> to vector<8x2048xi32>
    %eq3A_43 = arith.cmpi eq, %iota3A, %eq3A_42 : vector<8x2048xi32>
    %convert_element_type3A_44 = arith.extui %eq3A_43 : vector<8x2048xi1> to vector<8x2048xi32>
    %convert_element_type3A_45 = arith.sitofp %convert_element_type3A_44 : vector<8x2048xi32> to vector<8x2048xf32>
    %add3A_46 = arith.addf %convert_element_type3A_41, %convert_element_type3A_45 : vector<8x2048xf32>
    %iota3A_47 = tpu.iota {dimensions = array<i32: 0>} : vector<32x2048xi32>
    %iota3A_48 = tpu.iota {dimensions = array<i32: 1>} : vector<32x2048xi32>
    %jit3A_49 = arith.constant 64 : i32
    %div3A_50 = vector.broadcast %jit3A_49 : i32 to vector<32x2048xi32>
    %div3A_51 = arith.divsi %iota3A_48, %div3A_50 : vector<32x2048xi32>
    %sign3A = arith.constant 0 : i32
    %sign3A_52 = vector.broadcast %sign3A : i32 to vector<32x2048xi32>
    %sign3A_53 = arith.cmpi sgt, %iota3A_48, %sign3A_52 : vector<32x2048xi32>
    %sign3A_54 = arith.extui %sign3A_53 : vector<32x2048xi1> to vector<32x2048xi32>
    %sign3A_55 = arith.constant 0 : i32
    %sign3A_56 = vector.broadcast %sign3A_55 : i32 to vector<32x2048xi32>
    %sign3A_57 = arith.cmpi slt, %iota3A_48, %sign3A_56 : vector<32x2048xi32>
    %sign3A_58 = arith.extui %sign3A_57 : vector<32x2048xi1> to vector<32x2048xi32>
    %sign3A_59 = arith.subi %sign3A_54, %sign3A_58 : vector<32x2048xi32>
    %sign3A_60 = arith.constant 0 : i32
    %sign3A_61 = arith.cmpi sgt, %jit3A_49, %sign3A_60 : i32
    %sign3A_62 = arith.extui %sign3A_61 : i1 to i32
    %sign3A_63 = arith.constant 0 : i32
    %sign3A_64 = arith.cmpi slt, %jit3A_49, %sign3A_63 : i32
    %sign3A_65 = arith.extui %sign3A_64 : i1 to i32
    %sign3A_66 = arith.subi %sign3A_62, %sign3A_65 : i32
    %ne3A = vector.broadcast %sign3A_66 : i32 to vector<32x2048xi32>
    %ne3A_67 = arith.cmpi ne, %sign3A_59, %ne3A : vector<32x2048xi32>
    %rem3A = vector.broadcast %jit3A_49 : i32 to vector<32x2048xi32>
    %rem3A_68 = arith.remsi %iota3A_48, %rem3A : vector<32x2048xi32>
    %ne3A_69 = arith.constant 0 : i32
    %ne3A_70 = vector.broadcast %ne3A_69 : i32 to vector<32x2048xi32>
    %ne3A_71 = arith.cmpi ne, %rem3A_68, %ne3A_70 : vector<32x2048xi32>
    %and3A = arith.andi %ne3A_67, %ne3A_71 : vector<32x2048xi1>
    %sub3A_72 = arith.constant 1 : i32
    %sub3A_73 = vector.broadcast %sub3A_72 : i32 to vector<32x2048xi32>
    %sub3A_74 = arith.subi %div3A_51, %sub3A_73 : vector<32x2048xi32>
    %select_n3A_75 = arith.select %and3A, %sub3A_74, %div3A_51 : vector<32x2048xi1>, vector<32x2048xi32>
    %eq3A_76 = arith.cmpi eq, %iota3A_47, %select_n3A_75 : vector<32x2048xi32>
    %convert_element_type3A_77 = arith.extui %eq3A_76 : vector<32x2048xi1> to vector<32x2048xi32>
    %convert_element_type3A_78 = arith.sitofp %convert_element_type3A_77 : vector<32x2048xi32> to vector<32x2048xf32>
    %dot_general3A = arith.constant dense<0.000000e+00> : vector<32x8xf32>
    %dot_general3A_79 = tpu.matmul %convert_element_type3A_78, %add3A_46, %dot_general3A {dimension_numbers = #tpu.dot_dimension_numbers<[1], [1], [0], [0], [0, 0, 1, 0], [], []>, transpose_lhs_hint = false} : vector<32x2048xf32>, vector<8x2048xf32>, vector<32x8xf32> -> vector<32x8xf32>
    %iota3A_80 = tpu.iota {dimensions = array<i32: 1>} : vector<32x32xi32>
    %iota3A_81 = tpu.iota {dimensions = array<i32: 0>} : vector<32x32xi32>
    %lt3A = arith.cmpi slt, %iota3A_80, %iota3A_81 : vector<32x32xi32>
    %convert_element_type3A_82 = arith.extui %lt3A : vector<32x32xi1> to vector<32x32xi32>
    %convert_element_type3A_83 = arith.sitofp %convert_element_type3A_82 : vector<32x32xi32> to vector<32x32xf32>
    %dot_general3A_84 = arith.constant dense<0.000000e+00> : vector<32x8xf32>
    %dot_general3A_85 = tpu.matmul %convert_element_type3A_83, %dot_general3A_79, %dot_general3A_84 {dimension_numbers = #tpu.dot_dimension_numbers<[1], [0], [0], [1], [0, 0, 1, 1], [], []>, transpose_lhs_hint = false} : vector<32x32xf32>, vector<32x8xf32>, vector<32x8xf32> -> vector<32x8xf32>
    %reduce_sum3A = arith.constant dense<0.000000e+00> : vector<8xf32>
    %reduce_sum3A_86 = vector.multi_reduction <add>, %dot_general3A_79, %reduce_sum3A [0] : vector<32x8xf32> to vector<8xf32>
    %broadcast_in_dim3A_87 = vector.shape_cast %reduce_sum3A_86 : vector<8xf32> to vector<1x8xf32>
    %convert_element_type3A_88 = arith.fptosi %broadcast_in_dim3A_87 : vector<1x8xf32> to vector<1x8xi32>
    %add3A_89 = arith.constant 255 : i32
    %add3A_90 = vector.broadcast %add3A_89 : i32 to vector<1x8xi32>
    %add3A_91 = arith.addi %convert_element_type3A_88, %add3A_90 : vector<1x8xi32>
    %jit3A_92 = arith.constant 256 : i32
    %div3A_93 = vector.broadcast %jit3A_92 : i32 to vector<1x8xi32>
    %div3A_94 = arith.divsi %add3A_91, %div3A_93 : vector<1x8xi32>
    %sign3A_95 = arith.constant 0 : i32
    %sign3A_96 = vector.broadcast %sign3A_95 : i32 to vector<1x8xi32>
    %sign3A_97 = arith.cmpi sgt, %add3A_91, %sign3A_96 : vector<1x8xi32>
    %sign3A_98 = arith.extui %sign3A_97 : vector<1x8xi1> to vector<1x8xi32>
    %sign3A_99 = arith.constant 0 : i32
    %sign3A_100 = vector.broadcast %sign3A_99 : i32 to vector<1x8xi32>
    %sign3A_101 = arith.cmpi slt, %add3A_91, %sign3A_100 : vector<1x8xi32>
    %sign3A_102 = arith.extui %sign3A_101 : vector<1x8xi1> to vector<1x8xi32>
    %sign3A_103 = arith.subi %sign3A_98, %sign3A_102 : vector<1x8xi32>
    %sign3A_104 = arith.constant 0 : i32
    %sign3A_105 = arith.cmpi sgt, %jit3A_92, %sign3A_104 : i32
    %sign3A_106 = arith.extui %sign3A_105 : i1 to i32
    %sign3A_107 = arith.constant 0 : i32
    %sign3A_108 = arith.cmpi slt, %jit3A_92, %sign3A_107 : i32
    %sign3A_109 = arith.extui %sign3A_108 : i1 to i32
    %sign3A_110 = arith.subi %sign3A_106, %sign3A_109 : i32
    %ne3A_111 = vector.broadcast %sign3A_110 : i32 to vector<1x8xi32>
    %ne3A_112 = arith.cmpi ne, %sign3A_103, %ne3A_111 : vector<1x8xi32>
    %rem3A_113 = vector.broadcast %jit3A_92 : i32 to vector<1x8xi32>
    %rem3A_114 = arith.remsi %add3A_91, %rem3A_113 : vector<1x8xi32>
    %ne3A_115 = arith.constant 0 : i32
    %ne3A_116 = vector.broadcast %ne3A_115 : i32 to vector<1x8xi32>
    %ne3A_117 = arith.cmpi ne, %rem3A_114, %ne3A_116 : vector<1x8xi32>
    %and3A_118 = arith.andi %ne3A_112, %ne3A_117 : vector<1x8xi1>
    %sub3A_119 = arith.constant 1 : i32
    %sub3A_120 = vector.broadcast %sub3A_119 : i32 to vector<1x8xi32>
    %sub3A_121 = arith.subi %div3A_94, %sub3A_120 : vector<1x8xi32>
    %select_n3A_122 = arith.select %and3A_118, %sub3A_121, %div3A_94 : vector<1x8xi1>, vector<1x8xi32>
    %mul3A = arith.constant 256 : i32
    %mul3A_123 = vector.broadcast %mul3A : i32 to vector<1x8xi32>
    %mul3A_124 = arith.muli %select_n3A_122, %mul3A_123 : vector<1x8xi32>
    %convert_element_type3A_125 = arith.sitofp %mul3A_124 : vector<1x8xi32> to vector<1x8xf32>
    %iota3A_126 = tpu.iota {dimensions = array<i32: 0>} : vector<8x8xi32>
    %iota3A_127 = tpu.iota {dimensions = array<i32: 1>} : vector<8x8xi32>
    %lt3A_128 = arith.cmpi slt, %iota3A_126, %iota3A_127 : vector<8x8xi32>
    %convert_element_type3A_129 = arith.extui %lt3A_128 : vector<8x8xi1> to vector<8x8xi32>
    %convert_element_type3A_130 = arith.sitofp %convert_element_type3A_129 : vector<8x8xi32> to vector<8x8xf32>
    %dot_general3A_131 = arith.constant dense<0.000000e+00> : vector<1x8xf32>
    %dot_general3A_132 = tpu.matmul %convert_element_type3A_125, %convert_element_type3A_130, %dot_general3A_131 {dimension_numbers = #tpu.dot_dimension_numbers<[1], [0], [0], [1], [0, 0, 1, 1], [], []>, transpose_lhs_hint = false} : vector<1x8xf32>, vector<8x8xf32>, vector<1x8xf32> -> vector<1x8xf32>
    %add3A_133 = vector.broadcast %dot_general3A_132 : vector<1x8xf32> to vector<32x8xf32>
    %add3A_134 = arith.addf %dot_general3A_85, %add3A_133 : vector<32x8xf32>
    %convert_element_type3A_135 = arith.fptosi %add3A_134 : vector<32x8xf32> to vector<32x8xi32>
    %broadcast_in_dim3A_136 = arith.constant 0 : i32
    %broadcast_in_dim3A_137 = vector.broadcast %broadcast_in_dim3A_136 : i32 to vector<32x24xi32>
    %concatenate3A = tpu.concatenate %convert_element_type3A_135, %broadcast_in_dim3A_137 in 1 : vector<32x8xi32>, vector<32x24xi32> -> vector<32x32xi32>
    %swap3A_138 = arith.constant 0 : index
    %swap3A_139 = arith.constant 0 : index
    %swap3A_140 = vector.load %arg5[%swap3A_138, %swap3A_139] : memref<32x32xi32, #tpu.memory_space<vmem>>, vector<32x32xi32>
    tpu.vector_store %arg5[%swap3A_138, %swap3A_139], %concatenate3A {strides = array<i32>} : memref<32x32xi32, #tpu.memory_space<vmem>>, vector<32x32xi32>,
    %dot_general3A_141 = arith.constant dense<0.000000e+00> : vector<8x32xf32>
    %dot_general3A_142 = tpu.matmul %add3A_46, %convert_element_type3A_78, %dot_general3A_141 {dimension_numbers = #tpu.dot_dimension_numbers<[1], [1], [0], [0], [0, 0, 1, 0], [], []>, transpose_lhs_hint = false} : vector<8x2048xf32>, vector<32x2048xf32>, vector<8x32xf32> -> vector<8x32xf32>
    %reduce_sum3A_143 = arith.constant dense<0.000000e+00> : vector<8xf32>
    %reduce_sum3A_144 = vector.multi_reduction <add>, %dot_general3A_142, %reduce_sum3A_143 [1] : vector<8x32xf32> to vector<8xf32>
    %broadcast_in_dim3A_145 = vector.shape_cast %reduce_sum3A_144 : vector<8xf32> to vector<8x1xf32>
    %convert_element_type3A_146 = arith.fptosi %broadcast_in_dim3A_145 : vector<8x1xf32> to vector<8x1xi32>
    %add3A_147 = arith.constant 255 : i32
    %add3A_148 = vector.broadcast %add3A_147 : i32 to vector<8x1xi32>
    %add3A_149 = arith.addi %convert_element_type3A_146, %add3A_148 : vector<8x1xi32>
    %jit3A_150 = arith.constant 256 : i32
    %div3A_151 = vector.broadcast %jit3A_150 : i32 to vector<8x1xi32>
    %div3A_152 = arith.divsi %add3A_149, %div3A_151 : vector<8x1xi32>
    %sign3A_153 = arith.constant 0 : i32
    %sign3A_154 = vector.broadcast %sign3A_153 : i32 to vector<8x1xi32>
    %sign3A_155 = arith.cmpi sgt, %add3A_149, %sign3A_154 : vector<8x1xi32>
    %sign3A_156 = arith.extui %sign3A_155 : vector<8x1xi1> to vector<8x1xi32>
    %sign3A_157 = arith.constant 0 : i32
    %sign3A_158 = vector.broadcast %sign3A_157 : i32 to vector<8x1xi32>
    %sign3A_159 = arith.cmpi slt, %add3A_149, %sign3A_158 : vector<8x1xi32>
    %sign3A_160 = arith.extui %sign3A_159 : vector<8x1xi1> to vector<8x1xi32>
    %sign3A_161 = arith.subi %sign3A_156, %sign3A_160 : vector<8x1xi32>
    %sign3A_162 = arith.constant 0 : i32
    %sign3A_163 = arith.cmpi sgt, %jit3A_150, %sign3A_162 : i32
    %sign3A_164 = arith.extui %sign3A_163 : i1 to i32
    %sign3A_165 = arith.constant 0 : i32
    %sign3A_166 = arith.cmpi slt, %jit3A_150, %sign3A_165 : i32
    %sign3A_167 = arith.extui %sign3A_166 : i1 to i32
    %sign3A_168 = arith.subi %sign3A_164, %sign3A_167 : i32
    %ne3A_169 = vector.broadcast %sign3A_168 : i32 to vector<8x1xi32>
    %ne3A_170 = arith.cmpi ne, %sign3A_161, %ne3A_169 : vector<8x1xi32>
    %rem3A_171 = vector.broadcast %jit3A_150 : i32 to vector<8x1xi32>
    %rem3A_172 = arith.remsi %add3A_149, %rem3A_171 : vector<8x1xi32>
    %ne3A_173 = arith.constant 0 : i32
    %ne3A_174 = vector.broadcast %ne3A_173 : i32 to vector<8x1xi32>
    %ne3A_175 = arith.cmpi ne, %rem3A_172, %ne3A_174 : vector<8x1xi32>
    %and3A_176 = arith.andi %ne3A_170, %ne3A_175 : vector<8x1xi1>
    %sub3A_177 = arith.constant 1 : i32
    %sub3A_178 = vector.broadcast %sub3A_177 : i32 to vector<8x1xi32>
    %sub3A_179 = arith.subi %div3A_152, %sub3A_178 : vector<8x1xi32>
    %select_n3A_180 = arith.select %and3A_176, %sub3A_179, %div3A_152 : vector<8x1xi1>, vector<8x1xi32>
    %mul3A_181 = arith.constant 256 : i32
    %mul3A_182 = vector.broadcast %mul3A_181 : i32 to vector<8x1xi32>
    %mul3A_183 = arith.muli %select_n3A_180, %mul3A_182 : vector<8x1xi32>
    %convert_element_type3A_184 = arith.sitofp %mul3A_183 : vector<8x1xi32> to vector<8x1xf32>
    %iota3A_185 = tpu.iota {dimensions = array<i32: 1>} : vector<8x8xi32>
    %iota3A_186 = tpu.iota {dimensions = array<i32: 0>} : vector<8x8xi32>
    %lt3A_187 = arith.cmpi slt, %iota3A_185, %iota3A_186 : vector<8x8xi32>
    %convert_element_type3A_188 = arith.extui %lt3A_187 : vector<8x8xi1> to vector<8x8xi32>
    %convert_element_type3A_189 = arith.sitofp %convert_element_type3A_188 : vector<8x8xi32> to vector<8x8xf32>
    %dot_general3A_190 = arith.constant dense<0.000000e+00> : vector<8x1xf32>
    %dot_general3A_191 = tpu.matmul %convert_element_type3A_189, %convert_element_type3A_184, %dot_general3A_190 {dimension_numbers = #tpu.dot_dimension_numbers<[1], [0], [0], [1], [0, 0, 1, 1], [], []>, transpose_lhs_hint = false} : vector<8x8xf32>, vector<8x1xf32>, vector<8x1xf32> -> vector<8x1xf32>
    %iota3A_192 = tpu.iota {dimensions = array<i32: 1>} : vector<1x24xi32>
    %mul3A_193 = arith.constant 256 : i32
    %mul3A_194 = vector.broadcast %mul3A_193 : i32 to vector<1x24xi32>
    %mul3A_195 = arith.muli %iota3A_192, %mul3A_194 : vector<1x24xi32>
    %convert_element_type3A_196 = arith.sitofp %mul3A_195 : vector<1x24xi32> to vector<1x24xf32>
    %le3A = vector.broadcast %dot_general3A_191 : vector<8x1xf32> to vector<8x24xf32>
    %le3A_197 = vector.broadcast %convert_element_type3A_196 : vector<1x24xf32> to vector<8x24xf32>
    %le3A_198 = arith.cmpf ole, %le3A, %le3A_197 : vector<8x24xf32>
    %convert_element_type3A_199 = arith.extui %le3A_198 : vector<8x24xi1> to vector<8x24xi32>
    %convert_element_type3A_200 = arith.sitofp %convert_element_type3A_199 : vector<8x24xi32> to vector<8x24xf32>
    %reduce_sum3A_201 = arith.constant dense<0.000000e+00> : vector<24xf32>
    %reduce_sum3A_202 = vector.multi_reduction <add>, %convert_element_type3A_200, %reduce_sum3A_201 [0] : vector<8x24xf32> to vector<24xf32>
    %broadcast_in_dim3A_203 = vector.shape_cast %reduce_sum3A_202 : vector<24xf32> to vector<1x24xf32>
    %convert_element_type3A_204 = arith.fptosi %broadcast_in_dim3A_203 : vector<1x24xf32> to vector<1x24xi32>
    %sub3A_205 = arith.constant 1 : i32
    %sub3A_206 = vector.broadcast %sub3A_205 : i32 to vector<1x24xi32>
    %sub3A_207 = arith.subi %convert_element_type3A_204, %sub3A_206 : vector<1x24xi32>
    %min3A = arith.constant 7 : i32
    %min3A_208 = vector.broadcast %min3A : i32 to vector<1x24xi32>
    %min3A_209 = arith.minsi %sub3A_207, %min3A_208 : vector<1x24xi32>
    %reshape3A_210 = vector.shape_cast %min3A_209 : vector<1x24xi32> to vector<24xi32>
    %swap3A_211 = arith.constant 0 : index
    %swap3A_212 = vector.load %arg6[%swap3A_211] : memref<24xi32, #tpu.memory_space<vmem>>, vector<24xi32>
    tpu.vector_store %arg6[%swap3A_211], %reshape3A_210 {strides = array<i32>} : memref<24xi32, #tpu.memory_space<vmem>>, vector<24xi32>,
    return
  }
}

</mosaic_0001>

<sc_bundles>
// kernel: kernel.6.cloned.1.call-start
scs
__scs_entry_jumppad:
0x0: {  	(pc) =	sbr.rel $0x88, $3  }
0x1: {  	(tag) =	ssettag $0x0;
	lr =	simm.s32 $0x1  }
0x2: {  	[smem:$0x3F9D] =	sst lr;
	_ =	strace $0xD0000000  }
0x3: {  	_ = 	snop  }
0x4: {  	_ = 	snop  }
0x5: {  	_ = 	snop  }
0x6: {  	_ = 	snop  }
0x7: {  	_ = 	snop  }
__scs_overlays_trampoline_lowered:
0x8: {  	[smem:$0x3FAC] =	sst s0  }
0x9: {  	[smem:$0x3FAD] =	sst s1  }
0xa: {  	[smem:$0x3FAE] =	sst s2  }
0xb: {  	[smem:$0x3FAF] =	sst s3  }
0xc: {  	[smem:$0x3FB0] =	sst s4  }
0xd: {  	[smem:$0x3FB1] =	sst s5  }
0xe: {  	[smem:$0x3FB2] =	sst s6  }
0xf: {  	[smem:$0x3FB3] =	sst s7  }
0x10: {  	[smem:$0x3FB4] =	sst s8  }
0x11: {  	[smem:$0x3FB5] =	sst s9;
	s0 =	simm.s32 @!p0 $0x0  }
0x12: {  	s1 =	sld [smem:$0x3F9B];
	s0 =	simm.s32 @p0 $0x1  }
0x13: {  	[smem:$0x3FB6] =	sst s0;
	s0 =	simm.s32 @!p1 $0x0  }
0x14: {  	s2 =	sld [smem:$0x3F9A];
	s0 =	simm.s32 @p1 $0x1  }
0x15: {  	[smem:$0x3FB7] =	sst s0;
	s0 =	simm.s32 @!p2 $0x0  }
0x16: {  	s3 =	sld [smem:$0x3FDB];
	s0 =	simm.s32 @p2 $0x1  }
0x17: {  	s4 =	simm.s32 $0x1BF5;
	[smem:$0x3FB9] =	sst s0  }
0x18: {  	s0 =	sld [smem:$0x3F9C];
	_ =	swait.ge [sflag:s4], $0x0  }
0x19: {  	s7 =	sld [smem:$0x3F9D]  }
0x1a: {  	s8 =	sadd.s32 $0xFFFFE003, lr  }
0x1b: {  	s9 =	sadd.s32 $0xFFFFFEF7, lr;
	s5 =	simm.s32 $0xFFFFFFFF;
	p2 =	slt.u32 s8, $0xFFFFF086  }
0x1c: {  	p1 =	slt.u32 s9, $0xF7A;
	s5 =	simm.s32 @!p2 $0x0  }
0x1d: {  	s5 =	simm.s32 @p1 $0x1;
	p0 =	seq.s32 s7, s2  }
0x1e: {  	s7 =	smul.u32 @!p0 $0xF7A, s2;
	p2 =	seq.s32 @!p0 s5, $0x0  }
0x1f: {  	s9 =	smul.u32 $0xF7A, s1;
	s8 =	simm.s32 @!p0 $0x1BF5;
	p2 =	por !p2, p0  }
0x20: {  	[sflag:s8] =	ssyncset.s32 @!p0 $0xFFFFF086;
	s6 =	sadd.s32 @!p0 s3, s7;
	s7 =	simm.s32 @!p0 $0x108  }
0x21: {  	s3 =	sadd.s32 s3, s9;
	s6 =	sadd.s32 @!p0 $0x88, s6;
	s7 =	simm.s32 @p2 $0x1082  }
0x22: {  	[simem:s7], [sflag:s8] =	dma.local @!p0 [hbm:s6], $0xF7A  }
0x23: {  	s9 =	sor.u32 $0xD0000000, s2;
	s6 =	simm.s32 $0x108;
	_ =	swait.ge @!p0 [sflag:s8], $0x0  }
0x24: {  	s3 =	sadd.s32 $0x88, s3;
	s6 =	simm.s32 @!p1 $0x1082;
	[sflag:s4] =	ssyncset.s32 $0xFFFFF086  }
0x25: {  	[simem:s6], [sflag:s4] =	dma.local [hbm:s3], $0xF7A  }
0x26: {  	[smem:$0x3F9D] =	sst s1;
	(tag) =	ssettag s2;
	_ =	strace s9  }
0x27: {  	s1 =	sld [smem:$0x3FAD]  }
0x28: {  	s2 =	sld [smem:$0x3FAE]  }
0x29: {  	s4 =	sld [smem:$0x3FB0]  }
0x2a: {  	p0 =	seq.s32 s5, $0x0;
	s5 =	sld [smem:$0x3FB1]  }
0x2b: {  	s6 =	sld [smem:$0x3FB2]  }
0x2c: {  	s7 =	sld [smem:$0x3FB3]  }
0x2d: {  	s3 =	simm.s32 $0x108;
	s8 =	sld [smem:$0x3FB4]  }
0x2e: {  	s3 =	simm.s32 @!p0 $0x1082;
	s9 =	sld [smem:$0x3FB5]  }
0x2f: {  	lr =	sadd.s32 s0, s3;
	s0 =	sld [smem:$0x3FAC]  }
0x30: {  	s3 =	sld [smem:$0x3FAF]  }
0x31: {  	[smem:$0x3FB8] =	sst s10  }
0x32: {  	s10 =	sld [smem:$0x3FB6];
	_ =	sdelay $0x3  }
0x33: {  	p0 =	seq.s32 s10, $0x1;
	s10 =	sld [smem:$0x3FB8];
	_ =	sdelay $0x3  }
0x34: {  	[smem:$0x3FB8] =	sst s10  }
0x35: {  	s10 =	sld [smem:$0x3FB7];
	_ =	sdelay $0x3  }
0x36: {  	p1 =	seq.s32 s10, $0x1;
	s10 =	sld [smem:$0x3FB8];
	_ =	sdelay $0x3  }
0x37: {  	[smem:$0x3FB8] =	sst s10  }
0x38: {  	s10 =	sld [smem:$0x3FB9]  }
0x39: {  	_ = 	snop;
	(pc) =	sbr.ind lr, $3  }
0x3a: {  	_ = 	snop  }
0x3b: {  	_ = 	snop  }
0x3c: {  	p2 =	seq.s32 s10, $0x1;
	s10 =	sld [smem:$0x3FB8]  }
0x3d: {  	_ =	shalt  }
0x3e: {  	_ =	shalt  }
0x3f: {  	_ =	shalt  }
0x40: {  	_ =	shalt  }
0x41: {  	_ =	shalt  }
0x42: {  	_ =	shalt  }
0x43: {  	_ =	shalt  }
0x44: {  	_ =	shalt  }
0x45: {  	_ =	shalt  }
0x46: {  	_ =	shalt  }
0x47: {  	_ =	shalt  }
0x48: {  	_ =	shalt  }
0x49: {  	_ =	shalt  }
0x4a: {  	_ =	shalt  }
0x4b: {  	_ =	shalt  }
0x4c: {  	_ =	shalt  }
0x4d: {  	_ =	shalt  }
0x4e: {  	_ =	shalt  }
0x4f: {  	_ =	shalt  }
0x50: {  	_ =	shalt  }
0x51: {  	_ =	shalt  }
0x52: {  	_ =	shalt  }
0x53: {  	_ =	shalt  }
0x54: {  	_ =	shalt  }
0x55: {  	_ =	shalt  }
0x56: {  	_ =	shalt  }
0x57: {  	_ =	shalt  }
0x58: {  	_ =	shalt  }
0x59: {  	_ =	shalt  }
0x5a: {  	_ =	shalt  }
0x5b: {  	_ =	shalt  }
0x5c: {  	_ =	shalt  }
0x5d: {  	_ =	shalt  }
0x5e: {  	_ =	shalt  }
0x5f: {  	_ =	shalt  }
0x60: {  	_ =	shalt  }
0x61: {  	_ =	shalt  }
0x62: {  	_ =	shalt  }
0x63: {  	_ =	shalt  }
0x64: {  	_ =	shalt  }
0x65: {  	_ =	shalt  }
0x66: {  	_ =	shalt  }
0x67: {  	_ =	shalt  }
0x68: {  	_ =	shalt  }
0x69: {  	_ =	shalt  }
0x6a: {  	_ =	shalt  }
0x6b: {  	_ =	shalt  }
0x6c: {  	_ =	shalt  }
0x6d: {  	_ =	shalt  }
0x6e: {  	_ =	shalt  }
0x6f: {  	_ =	shalt  }
0x70: {  	_ =	shalt  }
0x71: {  	_ =	shalt  }
0x72: {  	_ =	shalt  }
0x73: {  	_ =	shalt  }
0x74: {  	_ =	shalt  }
0x75: {  	_ =	shalt  }
0x76: {  	_ =	shalt  }
0x77: {  	_ =	shalt  }
0x78: {  	_ =	shalt  }
0x79: {  	_ =	shalt  }
0x7a: {  	_ =	shalt  }
0x7b: {  	_ =	shalt  }
0x7c: {  	_ =	shalt  }
0x7d: {  	_ =	shalt  }
0x7e: {  	_ =	shalt  }
0x7f: {  	_ =	shalt  }
0x80: {  	_ =	shalt  }
0x81: {  	_ =	shalt  }
0x82: {  	_ =	shalt  }
0x83: {  	_ =	shalt  }
0x84: {  	_ =	shalt  }
0x85: {  	_ =	shalt  }
0x86: {  	_ =	shalt  }
0x87: {  	_ =	shalt  }
.Lfunc_end0:
.L_simem_size_0:
called_computation_lowered:
.L_overlay_start_0:
0x88: {  	s2 =	sld [smem:$0x3FD9]  }
0x89: {  	s3 =	sld [smem:$0x3FFE];
	_ =	sdelay $0x1  }
0x8a: {  	s1 =	srdreg.scid  }
0x8b: {  	s0 =	sand.u32 $0x1, s1  }
0x8c: {  	s17 =	sshll.u32 s0, $0xA;
	s2 =	sadd.s32 s3, s2  }
0x8d: {  	s2 =	sadd.s32 s2, s17  }
0x8e: {  	[smem:$0x3FC4] =	sst s2  }
0x8f: {  	_ = 	snop  }
0x90: {  	s2 =	sld [smem:$0x3FC9]  }
0x91: {  	s18 =	sld [smem:$0x3FD0];
	(tm) =	ssettm $0x1  }
0x92: {  	s4 =	sld [smem:$0x3FFB];
	_ =	sdelay $0x3  }
0x93: {  	_ =	strace s4  }
0x94: {  	s4 =	sld [smem:$0x3FFC];
	_ =	sdelay $0x3  }
0x95: {  	_ =	strace s4  }
0x96: {  	s4 =	sld [smem:$0x3FFD];
	_ =	sdelay $0x3  }
0x97: {  	_ =	strace s4  }
0x98: {  	_ =	strace $0x8FFFFFFF  }
0x99: {  	s19 =	sld [smem:$0x3FDB];
	_ =	sdelay $0x1  }
0x9a: {  	s5 =	simm.s32 $_scs_section_size  }
0x9b: {  	s6 =	simm.s32 $_size__tile_overlayer_lowered;
	s7 =	simm.s32 $_tile_overlayer_lowered  }
0x9c: {  	s22 =	simm.s32 $0x1BFF;
	s21 =	sshll.u32 s7, $0x1;
	s4 =	sadd.s32 s5, s19  }
0x9d: {  	s8 =	simm.s32 $0x0;
	s20 =	sshll.u32 s6, $0x1;
	s6 =	sadd.s32 s21, s4  }
0x9e: {  	[timem:s8], [sflag:s22] =	dma.local [hbm:s6], s20  }
0x9f: {  	_ =	swait.ge [sflag:s22], s20  }
0xa0: {  	s5 =	ssub.s32 $0x0, s20;
	[sflag:s22] =	ssyncset.done $0x0  }
0xa1: {  	[sflag:s22] =	ssyncadd.s32 s5;
	_ =	sdelay $0x1  }
0xa2: {  	s23 =	simm.s32 $0x1B8B  }
0xa3: {  	_ =	swait.ge [sflag:s23], $0x1  }
0xa4: {  	[sflag:s23] =	ssyncset.done $0x0  }
0xa5: {  	s25 =	simm.s32 $0x1B8E;
	s24 =	sld [smem:$0x3FFE];
	[sflag:s23] =	ssyncadd.s32 $0xFFFFFFFF  }
0xa6: {  	s26 =	simm.s32 $execute0_lowered;
	[smem:$0x3FD2] =	sst s25  }
0xa7: {  	s6 =	sshll.u32 s26, $0x1;
	_ =	strace $0x80000046;
	[dreg:$0x1] =	wrdreg $0xFFFFFFFF  }
0xa8: {  	s28 =	simm.s32 $_size_execute0_lowered;
	s4 =	sadd.s32 s4, s6;
	[dreg:$0x0] =	wrdreg $0x0  }
0xa9: {  	s6 =	sshll.u32 s28, $0x1;
	[dreg:$0x2] =	wrdreg s4  }
0xaa: {  	[dreg:$0x3] =	wrdreg s6  }
0xab: {  	[dreg:$0x4] =	wrdreg $0xC0  }
0xac: {  	_ =	task [dreg:s8], $0x5FFFF  }
0xad: {  	[dreg:$0x1] =	wrdreg $0xFFFFFFFF  }
0xae: {  	[dreg:$0x0] =	wrdreg $0x60  }
0xaf: {  	[dreg:$0x2] =	wrdreg s24  }
0xb0: {  	[dreg:$0x3] =	wrdreg s2  }
0xb1: {  	[dreg:$0x4] =	wrdreg s18  }
0xb2: {  	[dreg:$0x5] =	wrdreg $0x9  }
0xb3: {  	_ =	task.clear_ibuf [dreg:s8], $0x6FFFF;
	_ =	strace $0x90000046  }
0xb4: {  	s29 =	simm.s32 $0x9;
	_ =	strace $0x80000048  }
0xb5: {  	_ =	swait.ge [sflag:s29], $0x1  }
0xb6: {  	[sflag:s29] =	ssyncadd.s32 $0xFFFFFFFF  }
0xb7: {  	_ =	strace $0x90000048  }
0xb8: {  	_ =	sfence  }
0xb9: {  	s30 =	sld [smem:$0x0];
	_ =	sdelay $0x2  }
0xba: {  	s31 =	sshll.u32 s1, $0xD;
	s1 =	sshrl.u32 s1, $0x2  }
0xbb: {  	s3 =	sand.u32 $0x4000, s31;
	s1 =	sadd.s32 s1, s30  }
0xbc: {  	s0 =	sor.u32 s3, s0;
	s1 =	sshll.u32 s1, $0x11  }
0xbd: {  	s0 =	sor.u32 s1, s0  }
0xbe: {  	s0 =	sadd.s32 $0x8F2B, s0  }
0xbf: {  	[sflag:s0] =	ssyncadd.remote.s32 $0x1  }
0xc0: {  	_ =	sfence.sel $0xFFFF  }
0xc1: {  	[dreg:$0x0] =	wrdreg $0xFFFFFFFF;
	(pc) =	sbr.abs _section_cstart, $3  }
0xc2: {  	[dreg:$0x1] =	wrdreg $0xFFFFFFFF  }
0xc3: {  	_ =	task.clear_ibuf [dreg:s8], $0x2FFFF;
	_ =	strace $0x9FFFFFFF  }
0xc4: {  	(tm) =	ssettm $0x7FFFFFFF  }
0xc5: {  	_ =	shalt  }
tec
execute0_lowered:
.L_overlay_start_1:
0x0: {  	(tag) =	ssettag $0x1  }
0x1: {  	s0 =	rddreg [dreg:$0x0]  }
0x2: {  	s1 =	srdreg.scid;
	s3 =	stileid.u32  }
0x3: {  	s2 =	rddreg [dreg:$0x1];
	s30 =	simm.s32 $0x80;
	s31 =	simm.s32 $0xC300  }
0x4: {  	s19 =	simm.s32 $0x4;
	s16 =	simm.s32 $0x100;
	s14 =	simm.s32 $0x5900  }
0x5: {  	s15 =	simm.s32 $0x6100;
	s17 =	simm.s32 $0x6900;
	s18 =	simm.s32 $0x7100  }
0x6: {  	s21 =	simm.s32 $0x7900;
	s11 =	simm.s32 $0x8900;
	s10 =	simm.s32 $0x9100  }
0x7: {  	s20 =	simm.s32 $0xA100;
	s1 =	sand.u32 $0x1, s1;
	s3 =	sshll.u32 s3, $0x1  }
0x8: {  	s12 =	simm.s32 $0xB100;
	s4 =	sor.u32 s1, s3;
	s3 =	simm.s32 $0x0  }
0x9: {  	s5 =	sshll.u32 s4, $0x3;
	[smem:$0x7FF] =	sst s3;
	s6 =	sshll.u32 s4, $0x4  }
0xa: {  	s5 =	sadd.s32 s5, s0;
	_ =	strace $0x80000047;
	[dreg:$0xc] =	wrdreg s30  }
0xb: {  	s4 =	smul.u32 $0x1800, s4;
	[dreg:$0xd] =	wrdreg s31;
	s7 =	sadd.s32 $0x2600, s5  }
0xc: {  	s6 =	sadd.s32 s6, s0;
	s23 =	sadd.s32 $0x2000, s5;
	[dreg:$0x4] =	wrdreg s7  }
0xd: {  	s13 =	simm.s32 $0xB900;
	s6 =	sadd.s32 $0x1E00, s6;
	[dreg:$0x5] =	wrdreg s23  }
0xe: {  	s1 =	ssub.s32 $0x2, s1;
	s2 =	sadd.s32 s2, s4;
	[dreg:$0x6] =	wrdreg s6  }
0xf: {  	v0 =	vlaneseq.u32;
	s28 =	sshrl.u32 s1, $0x1;
	s24 =	sadd.s32 $0x2200, s5;
	[dreg:$0x7] =	wrdreg s2  }
0x10: {  	v2 =	vshrl.u32 v0, $0x3;
	v1 =	vand.u32 $0x7, v0;
	s1 =	ssub.s32 s1, s28;
	s25 =	sadd.s32 $0x2400, s5;
	[dreg:$0x8] =	wrdreg s24  }
0x11: {  	v0 =	vor.u32 $0x8, v0;
	[tilespmem:$0x1FFD0] =	vst v1;
	v1 =	vmul.u32 $0x8, v2;
	s26 =	sadd.s32 $0x92800, s5;
	s29 =	sadd.s32 $0x92A00, s5;
	[dreg:$0x9] =	wrdreg s25  }
0x12: {  	[tilespmem:$0x1FFF0] =	vst v0;
	s4 =	sadd.s32 $0x2800, s0;
	s5 =	sadd.s32 $0x2900, s0;
	[dreg:$0xa] =	wrdreg s26  }
0x13: {  	v3 =	vimm.s32 $0x0;
	vm0 =	vmmov $0xffff;
	s1 =	smax.u32 s1, $0x1;
	[dreg:$0xb] =	wrdreg s29;
	s6 =	sadd.s32 $0x2A00, s0;
	[tilespmem:$0x1FFE0] =	vst v1  }
.LBB2_1:
0x14: {  	[dreg:$0xe] =	wrdreg s1  }
0x15: {  	s0 =	rddreg [dreg:$0x4]  }
0x16: {  	s9 =	rddreg [dreg:$0x5]  }
0x17: {  	s23 =	rddreg [dreg:$0xc]  }
0x18: {  	[tilespmem:s3], [sflag:$0x1] =	stream.linear.gather [hbm4b:s0+s3], $0x40, $0x38;
	[tilespmem:$0xC380] =	vst v63  }
0x19: {  	s2 =	rddreg [dreg:$0x6]  }
0x1a: {  	[tilespmem:s23], [sflag:$0x2] =	stream.linear.gather [hbm4b:s9+s3], $0x40, $0x38;
	[tilespmem:$0xC380] =	vst v63  }
0x1b: {  	s22 =	rddreg [dreg:$0xd]  }
0x1c: {  	[tilespmem:s22], [sflag:$0x3] =	stream.linear.gather [hbm4b:s2+s3], $0x80, $0x38;
	[tilespmem:$0xC380] =	vst v63  }
0x1d: {  	s24 =	rddreg [dreg:$0x7];
	s26 =	simm.s32 $0x100  }
0x1e: {  	[tilespmem:s26], [sflag:$0x4] =	stream.linear.gather [hbm4b:s24+s3], $0xC000, $0x38;
	[tilespmem:$0xC380] =	vst v63  }
0x1f: {  	s25 =	rddreg [dreg:$0x8];
	s29 =	simm.s32 $0xC100  }
0x20: {  	[tilespmem:s29], [sflag:$0x5] =	stream.linear.gather [hbm4b:s25+s3], $0x40, $0x38;
	[tilespmem:$0xC380] =	vst v63  }
0x21: {  	s28 =	rddreg [dreg:$0x9];
	s30 =	simm.s32 $0xC180;
	s31 =	simm.s32 $0x1  }
0x22: {  	[tilespmem:s30], [sflag:$0x6] =	stream.linear.gather [hbm4b:s28+s3], $0x40, $0x38;
	[tilespmem:$0xC380] =	vst v63  }
0x23: {  	_ =	swait.ge [sflag:s31], $0x40  }
0x24: {  	[sflag:s31] =	ssyncset.done $0x0  }
0x25: {  	s1 =	simm.s32 $0x2;
	[sflag:s31] =	ssyncadd.s32 $0xFFFFFFC0  }
0x26: {  	_ =	swait.ge [sflag:s1], $0x40  }
0x27: {  	[sflag:s1] =	ssyncset.done $0x0  }
0x28: {  	s2 =	simm.s32 $0x3;
	[sflag:s1] =	ssyncadd.s32 $0xFFFFFFC0  }
0x29: {  	_ =	swait.ge [sflag:s2], $0x80  }
0x2a: {  	[sflag:s2] =	ssyncset.done $0x0  }
0x2b: {  	[sflag:s2] =	ssyncadd.s32 $0xFFFFFF80  }
0x2c: {  	v4 =	vld [tilespmem:$0x0]  }
0x2d: {  	v9 =	vld [tilespmem:$0xC300];
	_ =	sdelay $0x2  }
0x2e: {  	v15 =	vld [tilespmem:$0x10]  }
0x2f: {  	vm1 =	veq.s32 v4, $0x0  }
0x30: {  	v21 =	vld [tilespmem:$0x20];
	(v2sf) =	vpush v9, $0x0;
	vm4 =	veq.s32 v4, $0x1;
	vm3 =	veq.s32 v4, $0x2  }
0x31: {  	v6 =	vbroadcast v9, $0x1;
	vm2 =	veq.s32 v4, $0x3;
	v33 =	vbroadcast v9, $0x2  }
0x32: {  	v34 =	vbroadcast v9, $0x3;
	vm12 =	veq.s32 v4, $0x5;
	v40 =	vbroadcast v9, $0x5  }
0x33: {  	vm5 =	veq.s32 v15, $0x0;
	v45 =	vbroadcast v9, $0x6;
	vm13 =	veq.s32 v15, $0x2  }
0x34: {  	vm6 =	veq.s32 v15, $0x3;
	vm14 =	veq.s32 v15, $0x5;
	vm7 =	veq.s32 v15, $0x6  }
0x35: {  	vm15 =	veq.s32 v21, $0x0;
	vm8 =	veq.s32 v21, $0x1;
	vm11 =	veq.s32 v21, $0x3  }
0x36: {  	v5 =	vsel vm1, $0x1, v3;
	(v2sf) =	vpush v9, $0x1;
	v7 =	vsel vm3, $0x1, v3  }
0x37: {  	v8 =	vsel vm1, $0xFFFFFFFF, v3;
	v11 =	vsel vm4, $0xFFFFFFFF, v3;
	v30 =	vsel vm2, $0x1, v3  }
0x38: {  	v32 =	vsel vm3, $0xFFFFFFFF, v3;
	v35 =	vsel vm2, $0xFFFFFFFF, v3;
	v36 =	vsel vm12, $0x1, v3;
	(xrf0) =	vadd.scan.msk.s32 $0xffff, v5  }
0x39: {  	v41 =	vsel vm12, $0xFFFFFFFF, v3;
	v44 =	vsel vm5, $0x1, v3;
	v5 =	vsel vm4, $0x1, v3  }
0x3a: {  	v51 =	vsel vm13, $0x1, v3;
	v52 =	vsel vm5, $0xFFFFFFFF, v3;
	v55 =	vsel vm6, $0x1, v3;
	(xrf0) =	vadd.scan.msk.s32 $0xffff, v5  }
0x3b: {  	v16 =	vsel vm13, $0xFFFFFFFF, v3;
	v61 =	vsel vm14, $0x1, v3;
	(v2sf) =	vpush v9, $0x2;
	(xrf0) =	vadd.scan.msk.s32 $0xffff, v7  }
0x3c: {  	v17 =	vsel vm6, $0xFFFFFFFF, v3;
	(v2sf) =	vpush v9, $0x3;
	v5 =	vbroadcast v9, $0x0;
	(xrf0) =	vadd.scan.msk.s32 $0xffff, v30  }
0x3d: {  	v18 =	vsel vm7, $0x1, v3;
	v6 =	vadd.s32 v11, v6;
	(v2sf) =	vpush v9, $0x4  }
0x3e: {  	v37 =	vadd.s32 v35, v34;
	(v2sf) =	vpush v9, $0x5;
	v5 =	vadd.s32 v8, v5;
	v10, _, _ =	vpop (xrf0)  }
0x3f: {  	v7 =	vadd.s32 v32, v33;
	(v2sf) =	vpush v9, $0x6;
	v5 =	vadd.s32 v10, v5  }
0x40: {  	(v2sf) =	vpush v9, $0x7;
	v31, _, _ =	vpop (xrf0);
	v5 =	vnsel vm1, $0x0, v5;
	vm1 =	veq.s32 v4, $0x4  }
0x41: {  	(v2sf) =	vpush v10, $0xF;
	v6 =	vadd.s32 v31, v6;
	v13, _, _ =	vpop (xrf0);
	v12 =	vsel vm1, $0x1, v3  }
0x42: {  	(v2sf) =	vpush v31, $0xF;
	v6 =	vnsel vm4, $0x0, v6;
	v7 =	vadd.s32 v13, v7;
	v14, _, _ =	vpop (xrf0);
	(xrf0) =	vadd.scan.msk.s32 $0xffff, v12  }
0x43: {  	(v2sf) =	vpush v13, $0xF;
	v6 =	vadd.s32 v6, v5;
	v5 =	vadd.s32 v14, v37  }
0x44: {  	(v2sf) =	vpush v14, $0xF;
	(xrf0) =	vadd.scan.msk.s32 $0xffff, v36;
	v8 =	vnsel vm2, $0x0, v5;
	vm2 =	veq.s32 v4, $0x6  }
0x45: {  	v7 =	vnsel vm3, $0x0, v7;
	vm3 =	veq.s32 v4, $0x7;
	v38 =	vsel vm2, $0x1, v3  }
0x46: {  	v24 =	vsel vm14, $0xFFFFFFFF, v3;
	v27 =	vsel vm15, $0x1, v3;
	v42 =	vsel vm3, $0x1, v3;
	(xrf0) =	vadd.scan.msk.s32 $0xffff, v38  }
0x47: {  	v19 =	vsel vm7, $0xFFFFFFFF, v3;
	v35 =	vsel vm11, $0x1, v3;
	v5 =	vbroadcast v9, $0x4;
	(xrf0) =	vadd.scan.msk.s32 $0xffff, v42  }
0x48: {  	v10 =	vadd.s32 v41, v40;
	v39 =	vsel vm1, $0xFFFFFFFF, v3;
	v9 =	vbroadcast v9, $0x7;
	s23 =	spop (v2sf);
	v4, _, _ =	vpop (xrf0)  }
0x49: {  	v49 =	vsel vm3, $0xFFFFFFFF, v3;
	v5 =	vadd.s32 v39, v5;
	s25 =	spop (v2sf);
	(v2sf) =	vpush v4, $0xF  }
0x4a: {  	v6 =	vadd.s32 v7, v6;
	v46 =	vsel vm2, $0xFFFFFFFF, v3;
	s26 =	spop (v2sf);
	v5 =	vadd.s32 v4, v5;
	v43, _, _ =	vpop (xrf0);
	(xrf0) =	vadd.scan.msk.s32 $0xffff, v44  }
0x4b: {  	s28 =	spop (v2sf);
	v0 =	vnsel vm1, $0x0, v5;
	(v2sf) =	vpush v43, $0xF;
	vm1 =	veq.s32 v15, $0x1  }
0x4c: {  	v9 =	vadd.s32 v49, v9;
	s7 =	spop (v2sf);
	v4 =	vadd.s32 v43, v10;
	v47, _, _ =	vpop (xrf0);
	v48 =	vsel vm1, $0x1, v3  }
0x4d: {  	s8 =	spop (v2sf);
	v10 =	vadd.s32 v46, v45;
	[tilespmem:$0x1FFB0] =	vst v0;
	(v2sf) =	vpush v47, $0xF;
	(xrf0) =	vadd.scan.msk.s32 $0xffff, v48;
	v50, _, _ =	vpop (xrf0)  }
0x4e: {  	v0 =	vnsel vm12, $0x0, v4;
	s0 =	spop (v2sf);
	v56 =	vsel vm1, $0xFFFFFFFF, v3;
	(xrf0) =	vadd.scan.msk.s32 $0xffff, v51;
	(v2sf) =	vpush v50, $0xF  }
0x4f: {  	vm12 =	veq.s32 v21, $0x4;
	s22 =	spop (v2sf);
	v10 =	vadd.s32 v47, v10;
	v9 =	vadd.s32 v50, v9  }
0x50: {  	v10 =	vnsel vm2, $0x0, v10;
	vm2 =	veq.s32 v15, $0x4;
	s24 =	spop (v2sf);
	v9 =	vnsel vm3, $0x0, v9;
	v53, _, _ =	vpop (xrf0);
	(xrf0) =	vadd.scan.msk.s32 $0xffff, v55  }
0x51: {  	v58 =	vsel vm2, $0x1, v3;
	vm3 =	veq.s32 v15, $0x7;
	s24 =	sadd.s32 s23, s24;
	s9 =	spop (v2sf);
	(v2sf) =	vpush v53, $0xF  }
0x52: {  	v20 =	vsel vm2, $0xFFFFFFFF, v3;
	v23 =	vsel vm3, $0x1, v3;
	v54 =	vadd.s32 s24, v52;
	s30 =	sadd.s32 s25, s9;
	s25 =	spop (v2sf)  }
0x53: {  	v30 =	vsel vm3, $0xFFFFFFFF, v3;
	v12 =	vadd.s32 v53, v54;
	v13 =	vadd.s32 s30, v56;
	s23 =	sadd.s32 s26, s25;
	s29 =	spop (v2sf);
	v57, _, _ =	vpop (xrf0);
	(xrf0) =	vadd.scan.msk.s32 $0xffff, v58  }
0x54: {  	v11 =	vnsel vm5, $0x0, v12;
	v60 =	vadd.s32 s23, v16;
	s28 =	sadd.s32 s28, s29;
	(v2sf) =	vpush v57, $0xF;
	v59, _, _ =	vpop (xrf0);
	(xrf0) =	vadd.scan.msk.s32 $0xffff, v61  }
0x55: {  	v12 =	vadd.s32 v57, v13;
	v17 =	vadd.s32 s28, v17;
	(v2sf) =	vpush v59, $0xF  }
0x56: {  	v14 =	vadd.s32 v59, v60;
	v13 =	vnsel vm1, $0x0, v12;
	vm1 =	veq.s32 v21, $0x2;
	v62, _, _ =	vpop (xrf0);
	(xrf0) =	vadd.scan.msk.s32 $0xffff, v18  }
0x57: {  	v12 =	vnsel vm13, $0x0, v14;
	v32 =	vsel vm1, $0x1, v3;
	v38 =	vsel vm1, $0xFFFFFFFF, v3  }
0x58: {  	vm13 =	veq.s32 v21, $0x6;
	v63 =	vadd.s32 v62, v17;
	(v2sf) =	vpush v62, $0xF;
	s31 =	spop (v2sf)  }
0x59: {  	v43 =	vsel vm13, $0x1, v3;
	v14 =	vnsel vm6, $0x0, v63;
	v22, _, _ =	vpop (xrf0);
	(xrf0) =	vadd.scan.msk.s32 $0xffff, v23;
	v23 =	vsel vm8, $0xFFFFFFFF, v3;
	s1 =	sadd.s32 s7, s31  }
0x5a: {  	s7 =	spop (v2sf);
	(v2sf) =	vpush v22, $0xF;
	v25, _, _ =	vpop (xrf0);
	(xrf0) =	vadd.scan.msk.s32 $0xffff, v27;
	v27 =	vsel vm13, $0xFFFFFFFF, v3;
	v16 =	vadd.s32 s1, v20  }
0x5b: {  	s25 =	sadd.s32 s8, s7;
	(v2sf) =	vpush v25, $0xF;
	v20 =	vsel vm8, $0x1, v3;
	v15 =	vadd.s32 v22, v16  }
0x5c: {  	s8 =	spop (v2sf);
	v26 =	vadd.s32 s25, v24;
	v28, _, _ =	vpop (xrf0);
	v22 =	vsel vm15, $0xFFFFFFFF, v3;
	v24 =	vsel vm12, $0x1, v3  }
0x5d: {  	(xrf0) =	vadd.scan.msk.s32 $0xffff, v20;
	v17 =	vadd.s32 v25, v26;
	s9 =	spop (v2sf);
	v16 =	vnsel vm2, $0x0, v15;
	(v2sf) =	vpush v28, $0xF  }
0x5e: {  	s29 =	sadd.s32 s0, s8;
	vm2 =	veq.s32 v21, $0x5;
	v25 =	vsel vm11, $0xFFFFFFFF, v3;
	v26 =	vsel vm12, $0xFFFFFFFF, v3  }
0x5f: {  	v19 =	vadd.s32 s29, v19;
	v15 =	vnsel vm14, $0x0, v17;
	s31 =	sadd.s32 s22, s9;
	v40 =	vsel vm2, $0x1, v3  }
0x60: {  	vm14 =	veq.s32 v21, $0x7;
	v48 =	vsel vm2, $0xFFFFFFFF, v3;
	v18 =	vadd.s32 s31, v30;
	v30 =	vld [tilespmem:$0x30];
	s22 =	spop (v2sf)  }
0x61: {  	v29 =	vadd.s32 v28, v19;
	v31, _, _ =	vpop (xrf0);
	(xrf0) =	vadd.scan.msk.s32 $0xffff, v32;
	v46 =	vsel vm14, $0x1, v3;
	v55 =	vsel vm14, $0xFFFFFFFF, v3;
	s26 =	sadd.s32 s24, s22  }
0x62: {  	v17 =	vnsel vm7, $0x0, v29;
	(v2sf) =	vpush v31, $0xF;
	v33, _, _ =	vpop (xrf0);
	v34 =	vadd.s32 s26, v22  }
0x63: {  	v18 =	vadd.s32 v31, v18;
	(xrf0) =	vadd.scan.msk.s32 $0xffff, v35;
	v36, _, _ =	vpop (xrf0);
	s24 =	spop (v2sf);
	v20 =	vadd.s32 v33, v34;
	(v2sf) =	vpush v33, $0xF  }
0x64: {  	v18 =	vnsel vm3, $0x0, v18;
	s30 =	sadd.s32 s30, s24;
	s2 =	spop (v2sf);
	v19 =	vnsel vm15, $0x0, v20;
	(v2sf) =	vpush v36, $0xF  }
0x65: {  	(xrf0) =	vadd.scan.msk.s32 $0xffff, v24;
	vm3 =	veq.s32 v30, $0x1;
	vm15 =	veq.s32 v30, $0x2;
	v23 =	vadd.s32 s30, v23  }
0x66: {  	s23 =	sadd.s32 s23, s2;
	v28 =	vsel vm3, $0x1, v3;
	v29 =	vsel vm15, $0x1, v3;
	v61 =	vsel vm3, $0xFFFFFFFF, v3  }
0x67: {  	v39, _, _ =	vpop (xrf0);
	(xrf0) =	vadd.scan.msk.s32 $0xffff, v40;
	v62 =	vsel vm15, $0xFFFFFFFF, v3;
	v37 =	vadd.s32 v36, v23;
	s7 =	spop (v2sf);
	v22 =	vadd.s32 s23, v38  }
0x68: {  	(v2sf) =	vpush v39, $0xF;
	v20 =	vnsel vm8, $0x0, v37;
	s24 =	sadd.s32 s28, s7;
	v22 =	vadd.s32 v39, v22  }
0x69: {  	v41, _, _ =	vpop (xrf0);
	(xrf0) =	vadd.scan.msk.s32 $0xffff, v43;
	v39 =	vld [tilespmem:$0x80];
	v42 =	vadd.s32 s24, v25;
	v22 =	vnsel vm1, $0x0, v22;
	vm1 =	veq.s32 v30, $0x0  }
0x6a: {  	v20 =	vadd.s32 v20, v19;
	s8 =	spop (v2sf);
	v24 =	vadd.s32 v41, v42;
	(v2sf) =	vpush v41, $0xF  }
0x6b: {  	v44, _, _ =	vpop (xrf0);
	(xrf0) =	vadd.scan.msk.s32 $0xffff, v46;
	v51 =	vsel vm1, $0x1, v3;
	v58 =	vsel vm1, $0xFFFFFFFF, v3;
	s22 =	sadd.s32 s1, s8;
	v21 =	vnsel vm11, $0x0, v24  }
0x6c: {  	s9 =	spop (v2sf);
	(v2sf) =	vpush v44, $0xF;
	vm11 =	veq.s32 v30, $0x3;
	v45 =	vadd.s32 s22, v26  }
0x6d: {  	s0 =	sadd.s32 s25, s9;
	v49, _, _ =	vpop (xrf0);
	v60 =	vsel vm11, $0x1, v3;
	v43 =	vsel vm11, $0xFFFFFFFF, v3;
	v47 =	vadd.s32 v44, v45  }
0x6e: {  	(xrf0) =	vadd.scan.msk.s32 $0xffff, v51;
	s28 =	spop (v2sf);
	v50 =	vadd.s32 s0, v48;
	(v2sf) =	vpush v49, $0xF;
	vm9 =	veq.s32 v39, $0x5  }
0x6f: {  	v53, _, _ =	vpop (xrf0);
	(xrf0) =	vadd.scan.msk.s32 $0xffff, v28;
	s25 =	sadd.s32 s29, s28;
	v23 =	vnsel vm12, $0x0, v47;
	v52 =	vadd.s32 v49, v50;
	vm12 =	veq.s32 v30, $0x5  }
0x70: {  	v54 =	vadd.s32 s25, v27;
	v25 =	vnsel vm2, $0x0, v52;
	vm2 =	veq.s32 v30, $0x4  }
0x71: {  	v56, _, _ =	vpop (xrf0);
	(xrf0) =	vadd.scan.msk.s32 $0xffff, v29;
	v42 =	vsel vm12, $0x1, v3;
	v34 =	vsel vm12, $0xFFFFFFFF, v3;
	s29 =	spop (v2sf);
	v26 =	vadd.s32 v53, v54  }
0x72: {  	(v2sf) =	vpush v53, $0xF;
	v32 =	vsel vm2, $0x1, v3;
	v45 =	vsel vm2, $0xFFFFFFFF, v3;
	s28 =	sadd.s32 s31, s29  }
0x73: {  	v24 =	vnsel vm13, $0x0, v26;
	vm13 =	veq.s32 v39, $0x0;
	v27 =	vadd.s32 s28, v55  }
0x74: {  	v59, _, _ =	vpop (xrf0);
	v35 =	vsel vm13, $0x1, v3;
	v55 =	vsel vm13, $0xFFFFFFFF, v3;
	s2 =	spop (v2sf);
	v57 =	vadd.s32 v56, v27  }
0x75: {  	(v2sf) =	vpush v56, $0xF;
	v31, _, _ =	vpop (xrf0);
	(xrf0) =	vadd.scan.msk.s32 $0xffff, v60;
	s26 =	sadd.s32 s26, s2;
	s7 =	spop (v2sf);
	v26 =	vnsel vm14, $0x0, v57;
	vm14 =	veq.s32 v39, $0x1  }
0x76: {  	(v2sf) =	vpush v59, $0xF;
	v27 =	vadd.s32 s26, v58;
	s31 =	sadd.s32 s30, s7;
	v51 =	vsel vm14, $0x1, v3  }
0x77: {  	v63, _, _ =	vpop (xrf0);
	(xrf0) =	vadd.scan.msk.s32 $0xffff, v32;
	v38 =	vsel vm14, $0xFFFFFFFF, v3;
	v27 =	vadd.s32 v59, v27;
	s8 =	spop (v2sf);
	v28 =	vadd.s32 s31, v61  }
0x78: {  	(v2sf) =	vpush v31, $0xF;
	(xrf0) =	vadd.scan.msk.s32 $0xffff, v42;
	v42 =	vsel vm9, $0xFFFFFFFF, v3;
	s23 =	sadd.s32 s23, s8;
	v28 =	vadd.s32 v31, v28  }
0x79: {  	v27 =	vnsel vm1, $0x0, v27;
	vm1 =	veq.s32 v30, $0x7;
	v29 =	vadd.s32 s23, v62  }
0x7a: {  	v28 =	vnsel vm3, $0x0, v28;
	vm3 =	veq.s32 v30, $0x6;
	v46 =	vsel vm1, $0x1, v3  }
0x7b: {  	v53 =	vsel vm1, $0xFFFFFFFF, v3;
	v62 =	vsel vm9, $0x1, v3;
	s9 =	spop (v2sf);
	(v2sf) =	vpush v63, $0xF;
	v44, _, _ =	vpop (xrf0)  }
0x7c: {  	v29 =	vadd.s32 v63, v29;
	v33 =	vsel vm3, $0x1, v3;
	s29 =	spop (v2sf);
	(v2sf) =	vpush v44, $0xF  }
0x7d: {  	v50 =	vsel vm3, $0xFFFFFFFF, v3;
	s1 =	sadd.s32 s24, s9;
	v29 =	vnsel vm15, $0x0, v29;
	(xrf0) =	vadd.scan.msk.s32 $0xffff, v33;
	vm15 =	veq.s32 v39, $0x3  }
0x7e: {  	v28 =	vadd.s32 v28, v27;
	v32 =	vadd.s32 s1, v43;
	s24 =	sadd.s32 s22, s29;
	v47, _, _ =	vpop (xrf0);
	(xrf0) =	vadd.scan.msk.s32 $0xffff, v46;
	v57 =	vsel vm15, $0x1, v3;
	v46 =	vld [tilespmem:$0x90]  }
0x7f: {  	v41 =	vsel vm15, $0xFFFFFFFF, v3;
	v32 =	vadd.s32 v44, v32;
	s30 =	spop (v2sf);
	v31 =	vadd.s32 s24, v45  }
0x80: {  	(v2sf) =	vpush v47, $0xF;
	v30 =	vnsel vm11, $0x0, v32;
	s29 =	sadd.s32 s0, s30;
	v31 =	vadd.s32 v47, v31  }
0x81: {  	v48, _, _ =	vpop (xrf0);
	(xrf0) =	vadd.scan.msk.s32 $0xffff, v35;
	v34 =	vadd.s32 s29, v34;
	v32 =	vnsel vm2, $0x0, v31;
	vm2 =	veq.s32 v39, $0x2  }
0x82: {  	s7 =	spop (v2sf);
	v49 =	vadd.s32 v48, v34;
	(v2sf) =	vpush v48, $0xF;
	v37 =	vsel vm2, $0x1, v3  }
0x83: {  	v61 =	vsel vm2, $0xFFFFFFFF, v3;
	s25 =	sadd.s32 s25, s7;
	v31 =	vnsel vm12, $0x0, v49;
	v52, _, _ =	vpop (xrf0);
	(xrf0) =	vadd.scan.msk.s32 $0xffff, v51;
	vm10 =	veq.s32 v46, $0x0  }
0x84: {  	vm11 =	veq.s32 v46, $0x2;
	vm12 =	veq.s32 v46, $0x3;
	v34 =	vadd.s32 s25, v50;
	v36, _, _ =	vpop (xrf0);
	(xrf0) =	vadd.scan.msk.s32 $0xffff, v37  }
0x85: {  	v50 =	vsel vm10, $0x1, v3;
	s8 =	spop (v2sf);
	v34 =	vadd.s32 v52, v34;
	(v2sf) =	vpush v52, $0xF  }
0x86: {  	s30 =	sadd.s32 s28, s8;
	s9 =	spop (v2sf);
	v33 =	vnsel vm3, $0x0, v34;
	(v2sf) =	vpush v36, $0xF;
	vm3 =	veq.s32 v39, $0x4  }
0x87: {  	v56, _, _ =	vpop (xrf0);
	(xrf0) =	vadd.scan.msk.s32 $0xffff, v57;
	v35 =	vadd.s32 s30, v53;
	s2 =	sadd.s32 s26, s9;
	v60 =	vsel vm3, $0x1, v3;
	v47 =	vsel vm3, $0xFFFFFFFF, v3  }
0x88: {  	v54 =	vadd.s32 v36, v35;
	s22 =	spop (v2sf);
	v35 =	vadd.s32 s2, v55;
	(v2sf) =	vpush v56, $0xF  }
0x89: {  	v55 =	vsel vm11, $0x1, v3;
	s22 =	sadd.s32 s31, s22;
	v34 =	vnsel vm1, $0x0, v54;
	v35 =	vadd.s32 v56, v35;
	v58, _, _ =	vpop (xrf0)  }
0x8a: {  	(xrf0) =	vadd.scan.msk.s32 $0xffff, v60;
	vm1 =	veq.s32 v39, $0x6;
	v59 =	vadd.s32 s22, v38;
	(v2sf) =	vpush v58, $0xF;
	v40, _, _ =	vpop (xrf0);
	s26 =	spop (v2sf)  }
0x8b: {  	v35 =	vnsel vm13, $0x0, v35;
	v45 =	vsel vm1, $0x1, v3;
	s0 =	sadd.s32 s23, s26;
	s28 =	spop (v2sf);
	(v2sf) =	vpush v40, $0xF  }
0x8c: {  	(xrf0) =	vadd.scan.msk.s32 $0xffff, v62;
	v53 =	vsel vm1, $0xFFFFFFFF, v3;
	vm13 =	veq.s32 v46, $0x5;
	v37 =	vadd.s32 s0, v61  }
0x8d: {  	v36 =	vadd.s32 v58, v59;
	v63, _, _ =	vpop (xrf0);
	(xrf0) =	vadd.scan.msk.s32 $0xffff, v45;
	v45 =	vsel vm10, $0xFFFFFFFF, v3;
	v37 =	vadd.s32 v40, v37  }
0x8e: {  	v58 =	vsel vm12, $0x1, v3;
	v37 =	vnsel vm2, $0x0, v37;
	vm2 =	veq.s32 v39, $0x7  }
0x8f: {  	v62 =	vsel vm13, $0x1, v3;
	v36 =	vnsel vm14, $0x0, v36;
	s31 =	spop (v2sf);
	v48 =	vsel vm2, $0x1, v3  }
0x90: {  	s26 =	sadd.s32 s1, s28;
	v61 =	vsel vm11, $0xFFFFFFFF, v3;
	v36 =	vadd.s32 v36, v35;
	(v2sf) =	vpush v63, $0xF;
	v49, _, _ =	vpop (xrf0);
	s1 =	sadd.s32 s24, s31;
	(xrf0) =	vadd.scan.msk.s32 $0xffff, v48  }
0x91: {  	v44 =	vadd.s32 s26, v41;
	v39 =	vadd.s32 s1, v47;
	s7 =	spop (v2sf);
	(v2sf) =	vpush v49, $0xF  }
0x92: {  	v38 =	vadd.s32 v63, v44;
	v63 =	vsel vm12, $0xFFFFFFFF, v3;
	v39 =	vadd.s32 v49, v39  }
0x93: {  	v38 =	vnsel vm15, $0x0, v38;
	v51, _, _ =	vpop (xrf0);
	(xrf0) =	vadd.scan.msk.s32 $0xffff, v50;
	v39 =	vnsel vm3, $0x0, v39;
	vm3 =	veq.s32 v46, $0x1  }
0x94: {  	v44 =	vsel vm2, $0xFFFFFFFF, v3;
	s24 =	sadd.s32 s29, s7;
	v43 =	vsel vm3, $0x1, v3;
	s8 =	spop (v2sf);
	(v2sf) =	vpush v51, $0xF  }
0x95: {  	v54, _, _ =	vpop (xrf0);
	v50 =	vsel vm13, $0xFFFFFFFF, v3;
	v42 =	vadd.s32 s24, v42;
	v59 =	vsel vm3, $0xFFFFFFFF, v3;
	(xrf0) =	vadd.scan.msk.s32 $0xffff, v43;
	s28 =	sadd.s32 s25, s8;
	s9 =	spop (v2sf)  }
0x96: {  	v52 =	vadd.s32 v51, v42;
	(v2sf) =	vpush v54, $0xF;
	v41 =	vadd.s32 s28, v53;
	s29 =	sadd.s32 s30, s9;
	v56, _, _ =	vpop (xrf0);
	(xrf0) =	vadd.scan.msk.s32 $0xffff, v55  }
0x97: {  	v40 =	vnsel vm9, $0x0, v52;
	s25 =	spop (v2sf);
	v41 =	vadd.s32 v54, v41;
	v44 =	vadd.s32 s29, v44  }
0x98: {  	v55 =	vld [tilespmem:$0xA0];
	s23 =	sadd.s32 s2, s25;
	(v2sf) =	vpush v56, $0xF;
	v44 =	vadd.s32 v56, v44;
	v42 =	vnsel vm1, $0x0, v41  }
0x99: {  	v47, _, _ =	vpop (xrf0);
	(xrf0) =	vadd.scan.msk.s32 $0xffff, v58;
	vm1 =	veq.s32 v46, $0x4;
	v57 =	vadd.s32 s23, v45;
	s30 =	spop (v2sf);
	v41 =	vnsel vm2, $0x0, v44  }
0x9a: {  	v48 =	vsel vm1, $0x1, v3;
	vm2 =	veq.s32 v46, $0x6;
	s30 =	sadd.s32 s22, s30;
	s31 =	spop (v2sf);
	(v2sf) =	vpush v47, $0xF  }
0x9b: {  	v56 =	vsel vm1, $0xFFFFFFFF, v3;
	v43 =	vadd.s32 v47, v57;
	v60, _, _ =	vpop (xrf0);
	v44 =	vadd.s32 s30, v59  }
0x9c: {  	v53 =	vsel vm2, $0x1, v3;
	v43 =	vnsel vm10, $0x0, v43;
	v44 =	vadd.s32 v60, v44;
	v49, _, _ =	vpop (xrf0);
	(xrf0) =	vadd.scan.msk.s32 $0xffff, v48  }
0x9d: {  	s22 =	sadd.s32 s0, s31;
	(v2sf) =	vpush v60, $0xF;
	vm14 =	veq.s32 v55, $0x0;
	vm15 =	veq.s32 v55, $0x2  }
0x9e: {  	vm9 =	veq.s32 v55, $0x3;
	vm10 =	veq.s32 v55, $0x4;
	v47 =	vadd.s32 s22, v61  }
0x9f: {  	s7 =	spop (v2sf);
	v45 =	vnsel vm3, $0x0, v44;
	vm3 =	veq.s32 v46, $0x7;
	(xrf0) =	vadd.scan.msk.s32 $0xffff, v62;
	(v2sf) =	vpush v49, $0xF;
	v52, _, _ =	vpop (xrf0)  }
0xa0: {  	v61 =	vsel vm14, $0x1, v3;
	v47 =	vadd.s32 v49, v47;
	s26 =	sadd.s32 s26, s7;
	(xrf0) =	vadd.scan.msk.s32 $0xffff, v53;
	s8 =	spop (v2sf);
	(v2sf) =	vpush v52, $0xF  }
0xa1: {  	v57 =	vsel vm3, $0x1, v3;
	v44 =	vnsel vm11, $0x0, v47;
	v47 =	vadd.s32 s26, v63;
	s25 =	sadd.s32 s1, s8  }
0xa2: {  	v62 =	vsel vm2, $0xFFFFFFFF, v3;
	v54 =	vadd.s32 v52, v47;
	v47 =	vadd.s32 s25, v56;
	v58, _, _ =	vpop (xrf0)  }
0xa3: {  	v45 =	vadd.s32 v45, v43;
	s9 =	spop (v2sf);
	(xrf0) =	vadd.scan.msk.s32 $0xffff, v57;
	v47 =	vadd.s32 v58, v47;
	(v2sf) =	vpush v58, $0xF  }
0xa4: {  	v53 =	vsel vm15, $0x1, v3;
	v48 =	vnsel vm1, $0x0, v47;
	vm1 =	veq.s32 v55, $0x1  }
0xa5: {  	vm11 =	veq.s32 v55, $0x7;
	v52 =	vsel vm3, $0xFFFFFFFF, v3;
	s24 =	sadd.s32 s24, s9;
	v51, _, _ =	vpop (xrf0);
	s31 =	spop (v2sf);
	(xrf0) =	vadd.scan.msk.s32 $0xffff, v61;
	v63 =	vsel vm1, $0x1, v3  }
0xa6: {  	v46 =	vnsel vm12, $0x0, v54;
	v54 =	vsel vm10, $0x1, v3;
	v59 =	vadd.s32 s24, v50;
	s28 =	sadd.s32 s28, s31;
	v56, _, _ =	vpop (xrf0);
	(xrf0) =	vadd.scan.msk.s32 $0xffff, v63  }
0xa7: {  	v60 =	vadd.s32 v51, v59;
	v49 =	vadd.s32 s28, v62;
	v59 =	vsel vm14, $0xFFFFFFFF, v3  }
0xa8: {  	v62 =	vsel vm1, $0xFFFFFFFF, v3;
	v47 =	vnsel vm13, $0x0, v60;
	s1 =	spop (v2sf);
	(v2sf) =	vpush v51, $0xF  }
0xa9: {  	v49 =	vadd.s32 v56, v49;
	v60 =	vsel vm9, $0x1, v3;
	s29 =	sadd.s32 s29, s1;
	v57, _, _ =	vpop (xrf0);
	(xrf0) =	vadd.scan.msk.s32 $0xffff, v53;
	s2 =	spop (v2sf);
	(v2sf) =	vpush v56, $0xF  }
0xaa: {  	v50 =	vnsel vm2, $0x0, v49;
	vm2 =	veq.s32 v55, $0x6;
	v52 =	vadd.s32 s29, v52  }
0xab: {  	v58 =	vadd.s32 v57, v52;
	v61, _, _ =	vpop (xrf0);
	(xrf0) =	vadd.scan.msk.s32 $0xffff, v60;
	v60 =	vsel vm15, $0xFFFFFFFF, v3;
	s23 =	sadd.s32 s23, s2;
	(v2sf) =	vpush v57, $0xF  }
0xac: {  	v49 =	vnsel vm3, $0x0, v58;
	s7 =	spop (v2sf);
	vm3 =	veq.s32 v55, $0x5;
	v52 =	vadd.s32 s23, v59;
	v63, _, _ =	vpop (xrf0);
	(xrf0) =	vadd.scan.msk.s32 $0xffff, v54  }
0xad: {  	(v2sf) =	vpush v61, $0xF;
	s1 =	sadd.s32 s30, s7;
	v57 =	vsel vm3, $0x1, v3;
	v52 =	vadd.s32 v61, v52  }
0xae: {  	v59 =	vld [tilespmem:$0xB0];
	s8 =	spop (v2sf);
	v51 =	vnsel vm14, $0x0, v52;
	v52 =	vadd.s32 s1, v62;
	(v2sf) =	vpush v63, $0xF  }
0xaf: {  	v58 =	vsel vm9, $0xFFFFFFFF, v3;
	s2 =	sadd.s32 s22, s8;
	s9 =	spop (v2sf);
	v56, _, _ =	vpop (xrf0);
	(xrf0) =	vadd.scan.msk.s32 $0xffff, v57;
	v57 =	vsel vm2, $0x1, v3;
	v52 =	vadd.s32 v63, v52  }
0xb0: {  	v53 =	vadd.s32 s2, v60;
	v63 =	vsel vm10, $0xFFFFFFFF, v3;
	s26 =	sadd.s32 s26, s9;
	(v2sf) =	vpush v56, $0xF  }
0xb1: {  	v60, _, _ =	vpop (xrf0);
	(xrf0) =	vadd.scan.msk.s32 $0xffff, v57;
	v54 =	vnsel vm1, $0x0, v52;
	v61 =	vadd.s32 v56, v53;
	v58 =	vadd.s32 s26, v58  }
0xb2: {  	v53 =	vnsel vm15, $0x0, v61;
	v62 =	vadd.s32 v60, v58;
	s22 =	spop (v2sf);
	(v2sf) =	vpush v60, $0xF;
	v60, _, _ =	vpop (xrf0)  }
0xb3: {  	v61 =	vsel vm11, $0x1, v3;
	vm12 =	veq.s32 v59, $0x0;
	(v2sf) =	vpush v60, $0xF  }
0xb4: {  	vm1 =	veq.s32 v59, $0x1;
	vm13 =	veq.s32 v59, $0x2;
	vm14 =	veq.s32 v59, $0x5  }
0xb5: {  	[tilespmem:$0x1FFC0] =	vst v0;
	vm15 =	veq.s32 v59, $0x6;
	v58 =	vsel vm12, $0x1, v3;
	v1 =	vsel vm1, $0xFFFFFFFF, v3;
	s0 =	sadd.s32 s25, s22  }
0xb6: {  	v2 =	vsel vm13, $0xFFFFFFFF, v3;
	v0 =	vsel vm14, $0x1, v3;
	(xrf0) =	vadd.scan.msk.s32 $0xffff, v61;
	v55 =	vadd.s32 s0, v63;
	v57, _, _ =	vpop (xrf0)  }
0xb7: {  	v52 =	vnsel vm9, $0x0, v62;
	s30 =	spop (v2sf);
	v55 =	vadd.s32 v60, v55;
	(v2sf) =	vpush v57, $0xF;
	v60, _, _ =	vpop (xrf0)  }
0xb8: {  	v62 =	vsel vm3, $0xFFFFFFFF, v3;
	(xrf0) =	vadd.scan.msk.s32 $0xffff, v58;
	v58 =	vsel vm1, $0x1, v3;
	s30 =	sadd.s32 s24, s30;
	s31 =	spop (v2sf);
	(v2sf) =	vpush v60, $0xF  }
0xb9: {  	v63 =	vsel vm2, $0xFFFFFFFF, v3;
	(xrf0) =	vadd.scan.msk.s32 $0xffff, v58;
	v58 =	vsel vm13, $0x1, v3;
	v56 =	vadd.s32 s30, v62;
	s31 =	sadd.s32 s28, s31  }
0xba: {  	v62 =	vsel vm11, $0xFFFFFFFF, v3;
	v56 =	vadd.s32 v57, v56;
	s7 =	spop (v2sf);
	v61 =	vadd.s32 s31, v63  }
0xbb: {  	v57 =	vnsel vm3, $0x0, v56;
	vm3 =	veq.s32 v59, $0x3;
	s22 =	sadd.s32 s29, s7;
	v56 =	vadd.s32 v60, v61  }
0xbc: {  	s8 =	spop (v2sf);
	v63 =	vsel vm3, $0x1, v3;
	v60, _, _ =	vpop (xrf0);
	v61 =	vadd.s32 s22, v62;
	(xrf0) =	vadd.scan.msk.s32 $0xffff, v58;
	v58 =	vnsel vm2, $0x0, v56  }
0xbd: {  	s23 =	sadd.s32 s23, s8;
	v56 =	vadd.s32 v60, v61;
	v61 =	vsel vm12, $0xFFFFFFFF, v3;
	s9 =	spop (v2sf);
	vm2 =	veq.s32 v59, $0x4  }
0xbe: {  	v55 =	vnsel vm10, $0x0, v55;
	v62, _, _ =	vpop (xrf0);
	(xrf0) =	vadd.scan.msk.s32 $0xffff, v63;
	v61 =	vadd.s32 s23, v61;
	s25 =	sadd.s32 s1, s9;
	v63 =	vsel vm2, $0x1, v3  }
0xbf: {  	v56 =	vnsel vm11, $0x0, v56;
	v4, _, _ =	vpop (xrf0);
	v61 =	vadd.s32 v62, v61;
	s24 =	spop (v2sf);
	v1 =	vadd.s32 s25, v1;
	(xrf0) =	vadd.scan.msk.s32 $0xffff, v63  }
0xc0: {  	v61 =	vnsel vm12, $0x0, v61;
	s24 =	sadd.s32 s2, s24;
	v1 =	vadd.s32 v4, v1;
	(xrf0) =	vadd.scan.msk.s32 $0xffff, v0;
	v0 =	vsel vm15, $0x1, v3  }
0xc1: {  	v2 =	vadd.s32 s24, v2;
	v1 =	vnsel vm1, $0x0, v1;
	vm1 =	veq.s32 v59, $0x7;
	s28 =	spop (v2sf)  }
0xc2: {  	v63, _, _ =	vpop (xrf0);
	(xrf0) =	vadd.scan.msk.s32 $0xffff, v0;
	v0 =	vadd.s32 v8, v6;
	s29 =	spop (v2sf);
	(v2sf) =	vpush v60, $0xF;
	v60 =	vsel vm3, $0xFFFFFFFF, v3  }
0xc3: {  	v8 =	vsel vm2, $0xFFFFFFFF, v3;
	v5 =	vsel vm1, $0x1, v3;
	v2 =	vadd.s32 v63, v2  }
0xc4: {  	v1 =	vadd.s32 v1, v61;
	s28 =	sadd.s32 s26, s28;
	v7, _, _ =	vpop (xrf0);
	v2 =	vnsel vm13, $0x0, v2;
	s29 =	sadd.s32 s0, s29;
	(v2sf) =	vpush v62, $0xF  }
0xc5: {  	v6 =	vadd.s32 s28, v60;
	(v2sf) =	vpush v4, $0xF;
	v62 =	vadd.s32 s29, v8;
	v60, _, _ =	vpop (xrf0)  }
0xc6: {  	s2 =	spop (v2sf);
	v4 =	vadd.s32 v7, v6;
	v6 =	vadd.s32 v60, v62;
	v62 =	vsel vm14, $0xFFFFFFFF, v3  }
0xc7: {  	(xrf0) =	vadd.scan.msk.s32 $0xffff, v5;
	v1 =	vadd.s32 v2, v1;
	(v2sf) =	vpush v63, $0xF;
	v4 =	vnsel vm3, $0x0, v4;
	s7 =	spop (v2sf)  }
0xc8: {  	s30 =	sadd.s32 s30, s2;
	v63 =	vsel vm15, $0xFFFFFFFF, v3;
	v8, _, _ =	vpop (xrf0);
	(v2sf) =	vpush v7, $0xF;
	v1 =	vadd.s32 v4, v1;
	s26 =	sadd.s32 s31, s7  }
0xc9: {  	v59 =	vadd.s32 s30, v62;
	v5 =	vnsel vm2, $0x0, v6;
	v62, _, _ =	vpop (xrf0);
	v63 =	vadd.s32 s26, v63  }
0xca: {  	(v2sf) =	vpush v60, $0xF;
	v6 =	vadd.s32 v8, v59;
	v63 =	vadd.s32 v62, v63  }
0xcb: {  	(v2sf) =	vpush v8, $0xF;
	v8 =	vadd.s32 v22, v20;
	v59 =	vnsel vm15, $0x0, v63;
	v63 =	vld [tilespmem:$0x1FFB0]  }
0xcc: {  	v4 =	vsel vm1, $0xFFFFFFFF, v3;
	v60 =	vadd.s32 v54, v51;
	v8 =	vadd.s32 v21, v8  }
0xcd: {  	v1 =	vadd.s32 v5, v1;
	(v2sf) =	vpush v62, $0xF;
	v22, _, _ =	vpop (xrf0);
	v8 =	vadd.s32 v23, v8  }
0xce: {  	v6 =	vnsel vm14, $0x0, v6;
	(v2sf) =	vpush v22, $0xF;
	v8 =	vadd.s32 v25, v8  }
0xcf: {  	v62 =	vadd.s32 v53, v60;
	v1 =	vadd.s32 v6, v1;
	v8 =	vadd.s32 v24, v8  }
0xd0: {  	v0 =	vadd.s32 v63, v0;
	v63 =	vadd.s32 v13, v11;
	v11 =	vadd.s32 v37, v36  }
0xd1: {  	v8 =	vadd.s32 v26, v8;
	v13 =	vld [tilespmem:$0x1FFC0];
	v7 =	vadd.s32 v12, v63;
	v11 =	vadd.s32 v38, v11  }
0xd2: {  	v12 =	vadd.s32 v44, v45;
	v63 =	vadd.s32 v52, v62;
	v7 =	vadd.s32 v14, v7  }
0xd3: {  	s8 =	spop (v2sf);
	v11 =	vadd.s32 v39, v11;
	v12 =	vadd.s32 v46, v12;
	v2 =	vadd.s32 v55, v63  }
0xd4: {  	s9 =	spop (v2sf);
	s0 =	sadd.s32 s22, s8;
	v7 =	vadd.s32 v16, v7;
	v11 =	vadd.s32 v40, v11;
	v12 =	vadd.s32 v48, v12  }
0xd5: {  	s1 =	sadd.s32 s23, s9;
	s23 =	spop (v2sf);
	v2 =	vadd.s32 v57, v2;
	v4 =	vadd.s32 s0, v4;
	v7 =	vadd.s32 v15, v7  }
0xd6: {  	v11 =	vadd.s32 v42, v11;
	[smem:$0x0] =	sst s1;
	v12 =	vadd.s32 v47, v12;
	s25 =	sadd.s32 s25, s23;
	s31 =	spop (v2sf);
	v0 =	vadd.s32 v13, v0  }
0xd7: {  	[tilespmem:$0xC220] =	vst v8;
	v11 =	vadd.s32 v41, v11;
	[smem:$0x1] =	sst s25;
	s2 =	sadd.s32 s24, s31;
	v0 =	vadd.s32 v10, v0;
	v10 =	vadd.s32 v29, v28  }
0xd8: {  	v7 =	vadd.s32 v17, v7;
	s7 =	spop (v2sf);
	[smem:$0x2] =	sst s2;
	[tilespmem:$0xC280] =	vst v11;
	v0 =	vadd.s32 v9, v0;
	v10 =	vadd.s32 v30, v10  }
0xd9: {  	v7 =	vadd.s32 v18, v7;
	s8 =	sadd.s32 s28, s7;
	s9 =	spop (v2sf);
	s28 =	rddreg [dreg:$0xa];
	v10 =	vadd.s32 v32, v10;
	[tilespmem:$0xC200] =	vst v0;
	v0 =	vadd.s32 v50, v12  }
0xda: {  	v2 =	vadd.s32 v58, v2;
	[tilespmem:$0xC210] =	vst v7;
	[smem:$0x3] =	sst s8;
	s22 =	sadd.s32 s29, s9;
	v10 =	vadd.s32 v31, v10;
	v0 =	vadd.s32 v49, v0  }
0xdb: {  	v4 =	vadd.s32 v22, v4;
	s23 =	spop (v2sf);
	[smem:$0x4] =	sst s22;
	v10 =	vadd.s32 v33, v10;
	[tilespmem:$0xC290] =	vst v0;
	v0 =	vadd.s32 v56, v2  }
0xdc: {  	v1 =	vadd.s32 v59, v1;
	s24 =	sadd.s32 s30, s23;
	s30 =	rddreg [dreg:$0xb];
	s25 =	spop (v2sf);
	v2 =	vnsel vm1, $0x0, v4;
	v10 =	vadd.s32 v34, v10;
	[tilespmem:$0xC2A0] =	vst v0  }
0xdd: {  	[smem:$0x5] =	sst s24;
	s1 =	sadd.s32 s26, s25;
	s29 =	spop (v2sf);
	v0 =	vadd.s32 v2, v1;
	[tilespmem:$0xC230] =	vst v10  }
0xde: {  	s22 =	simm.s32 $0xC200;
	[smem:$0x6] =	sst s1;
	s0 =	sadd.s32 s0, s29;
	[tilespmem:$0xC2B0] =	vst v0  }
0xdf: {  	[hbm4b:s28+s3] =	stream.linear.scatter [tilespmem:s22], [sflag:$0x1], $0x40, $0x38;
	[tilespmem:$0xC380] =	vst v63  }
0xe0: {  	s2 =	simm.s32 $0xC280;
	[smem:$0x7] =	sst s0  }
0xe1: {  	[hbm4b:s30+s3] =	stream.linear.scatter [tilespmem:s2], [sflag:$0x2], $0x40, $0x38;
	[tilespmem:$0xC380] =	vst v63  }
0xe2: {  	_ =	swait.ge [sflag:s19], $0xC000  }
0xe3: {  	[sflag:s19] =	ssyncset.done $0x0  }
0xe4: {  	[sflag:s19] =	ssyncadd.s32 $0xFFFF4000  }
0xe5: {  	v0 =	vld [tilespmem:$0xC200];
	_ =	sdelay $0x3  }
0xe6: {  	v2 =	vld [tilespmem:$0x1FFD0]  }
0xe7: {  	v1 =	vshrl.u32 v0, $0x3  }
0xe8: {  	v4 =	vld [tilespmem:$0x1FFE0];
	v1 =	vmul.u32 $0x30, v1  }
0xe9: {  	v0 =	vand.u32 $0x7, v0  }
0xea: {  	v0 =	vor.u32 v0, v1  }
0xeb: {  	v1 =	vperm.xlane v0, v2  }
0xec: {  	v5 =	vld [tilespmem:$0x1FFF0]  }
0xed: {  	v1 =	vadd.s32 v4, v1;
	_ =	sdelay $0x3  }
0xee: {  	v0 =	vperm.xlane v0, v5  }
0xef: {  	[hbm4b:s4+s3] =	stream.indirect_vreg.scatter [tilespmem:s16], [sflag:$0x3], $0x80, v1, vm0, $0xb8;
	[tilespmem:$0xC380] =	vst v63  }
0xf0: {  	s0 =	simm.s32 $0x900;
	v0 =	vadd.s32 v4, v0  }
0xf1: {  	[hbm4b:s5+s3] =	stream.indirect_vreg.scatter [tilespmem:s0], [sflag:$0x3], $0x80, v1, vm0, $0xb8;
	[tilespmem:$0xC380] =	vst v63  }
0xf2: {  	s1 =	simm.s32 $0x1100  }
0xf3: {  	[hbm4b:s6+s3] =	stream.indirect_vreg.scatter [tilespmem:s1], [sflag:$0x3], $0x80, v1, vm0, $0xb8;
	[tilespmem:$0xC380] =	vst v63  }
0xf4: {  	s23 =	simm.s32 $0x1900  }
0xf5: {  	[hbm4b:s4+s3] =	stream.indirect_vreg.scatter [tilespmem:s23], [sflag:$0x3], $0x80, v0, vm0, $0xb8;
	[tilespmem:$0xC380] =	vst v63  }
0xf6: {  	s24 =	simm.s32 $0x2100  }
0xf7: {  	[hbm4b:s5+s3] =	stream.indirect_vreg.scatter [tilespmem:s24], [sflag:$0x3], $0x80, v0, vm0, $0xb8;
	[tilespmem:$0xC380] =	vst v63  }
0xf8: {  	s25 =	simm.s32 $0x2900  }
0xf9: {  	[hbm4b:s6+s3] =	stream.indirect_vreg.scatter [tilespmem:s25], [sflag:$0x3], $0x80, v0, vm0, $0xb8;
	[tilespmem:$0xC380] =	vst v63  }
0xfa: {  	v0 =	vld [tilespmem:$0xC210];
	_ =	sdelay $0x4  }
0xfb: {  	v1 =	vshrl.u32 v0, $0x3  }
0xfc: {  	v1 =	vmul.u32 $0x30, v1  }
0xfd: {  	v0 =	vand.u32 $0x7, v0  }
0xfe: {  	v0 =	vor.u32 v0, v1  }
0xff: {  	v1 =	vperm.xlane v0, v2;
	_ =	sdelay $0x1  }
0x100: {  	v1 =	vadd.s32 v4, v1;
	_ =	sdelay $0x3  }
0x101: {  	s26 =	simm.s32 $0x3100;
	v0 =	vperm.xlane v0, v5  }
0x102: {  	[hbm4b:s4+s3] =	stream.indirect_vreg.scatter [tilespmem:s26], [sflag:$0x3], $0x80, v1, vm0, $0xb8;
	[tilespmem:$0xC380] =	vst v63  }
0x103: {  	s28 =	simm.s32 $0x3900;
	v0 =	vadd.s32 v4, v0  }
0x104: {  	[hbm4b:s5+s3] =	stream.indirect_vreg.scatter [tilespmem:s28], [sflag:$0x3], $0x80, v1, vm0, $0xb8;
	[tilespmem:$0xC380] =	vst v63  }
0x105: {  	s29 =	simm.s32 $0x4100  }
0x106: {  	[hbm4b:s6+s3] =	stream.indirect_vreg.scatter [tilespmem:s29], [sflag:$0x3], $0x80, v1, vm0, $0xb8;
	[tilespmem:$0xC380] =	vst v63  }
0x107: {  	s30 =	simm.s32 $0x4900  }
0x108: {  	[hbm4b:s4+s3] =	stream.indirect_vreg.scatter [tilespmem:s30], [sflag:$0x3], $0x80, v0, vm0, $0xb8;
	[tilespmem:$0xC380] =	vst v63  }
0x109: {  	s31 =	simm.s32 $0x5100  }
0x10a: {  	[hbm4b:s5+s3] =	stream.indirect_vreg.scatter [tilespmem:s31], [sflag:$0x3], $0x80, v0, vm0, $0xb8;
	[tilespmem:$0xC380] =	vst v63  }
0x10b: {  	_ = 	snop  }
0x10c: {  	[hbm4b:s6+s3] =	stream.indirect_vreg.scatter [tilespmem:s14], [sflag:$0x3], $0x80, v0, vm0, $0xb8;
	[tilespmem:$0xC380] =	vst v63  }
0x10d: {  	v0 =	vld [tilespmem:$0xC220];
	_ =	sdelay $0x4  }
0x10e: {  	v1 =	vshrl.u32 v0, $0x3  }
0x10f: {  	v1 =	vmul.u32 $0x30, v1  }
0x110: {  	v0 =	vand.u32 $0x7, v0  }
0x111: {  	v0 =	vor.u32 v0, v1  }
0x112: {  	v1 =	vperm.xlane v0, v2;
	_ =	sdelay $0x1  }
0x113: {  	v1 =	vadd.s32 v4, v1;
	_ =	sdelay $0x3  }
0x114: {  	v0 =	vperm.xlane v0, v5  }
0x115: {  	[hbm4b:s4+s3] =	stream.indirect_vreg.scatter [tilespmem:s15], [sflag:$0x3], $0x80, v1, vm0, $0xb8;
	[tilespmem:$0xC380] =	vst v63  }
0x116: {  	v0 =	vadd.s32 v4, v0  }
0x117: {  	[hbm4b:s5+s3] =	stream.indirect_vreg.scatter [tilespmem:s17], [sflag:$0x3], $0x80, v1, vm0, $0xb8;
	[tilespmem:$0xC380] =	vst v63  }
0x118: {  	_ = 	snop  }
0x119: {  	[hbm4b:s6+s3] =	stream.indirect_vreg.scatter [tilespmem:s18], [sflag:$0x3], $0x80, v1, vm0, $0xb8;
	[tilespmem:$0xC380] =	vst v63  }
0x11a: {  	_ = 	snop  }
0x11b: {  	[hbm4b:s4+s3] =	stream.indirect_vreg.scatter [tilespmem:s21], [sflag:$0x3], $0x80, v0, vm0, $0xb8;
	[tilespmem:$0xC380] =	vst v63  }
0x11c: {  	s8 =	simm.s32 $0x8100  }
0x11d: {  	[hbm4b:s5+s3] =	stream.indirect_vreg.scatter [tilespmem:s8], [sflag:$0x3], $0x80, v0, vm0, $0xb8;
	[tilespmem:$0xC380] =	vst v63  }
0x11e: {  	_ = 	snop  }
0x11f: {  	[hbm4b:s6+s3] =	stream.indirect_vreg.scatter [tilespmem:s11], [sflag:$0x3], $0x80, v0, vm0, $0xb8;
	[tilespmem:$0xC380] =	vst v63  }
0x120: {  	v0 =	vld [tilespmem:$0xC230];
	_ =	sdelay $0x4  }
0x121: {  	v1 =	vshrl.u32 v0, $0x3  }
0x122: {  	v1 =	vmul.u32 $0x30, v1  }
0x123: {  	v0 =	vand.u32 $0x7, v0  }
0x124: {  	v0 =	vor.u32 v0, v1  }
0x125: {  	v1 =	vperm.xlane v0, v2;
	_ =	sdelay $0x1  }
0x126: {  	v1 =	vadd.s32 v4, v1;
	_ =	sdelay $0x3  }
0x127: {  	v0 =	vperm.xlane v0, v5  }
0x128: {  	[hbm4b:s4+s3] =	stream.indirect_vreg.scatter [tilespmem:s10], [sflag:$0x3], $0x80, v1, vm0, $0xb8;
	[tilespmem:$0xC380] =	vst v63  }
0x129: {  	s9 =	simm.s32 $0x9900;
	v0 =	vadd.s32 v4, v0  }
0x12a: {  	[hbm4b:s5+s3] =	stream.indirect_vreg.scatter [tilespmem:s9], [sflag:$0x3], $0x80, v1, vm0, $0xb8;
	[tilespmem:$0xC380] =	vst v63  }
0x12b: {  	_ = 	snop  }
0x12c: {  	[hbm4b:s6+s3] =	stream.indirect_vreg.scatter [tilespmem:s20], [sflag:$0x3], $0x80, v1, vm0, $0xb8;
	[tilespmem:$0xC380] =	vst v63  }
0x12d: {  	s7 =	simm.s32 $0xA900  }
0x12e: {  	[hbm4b:s4+s3] =	stream.indirect_vreg.scatter [tilespmem:s7], [sflag:$0x3], $0x80, v0, vm0, $0xb8;
	[tilespmem:$0xC380] =	vst v63  }
0x12f: {  	_ = 	snop  }
0x130: {  	[hbm4b:s5+s3] =	stream.indirect_vreg.scatter [tilespmem:s12], [sflag:$0x3], $0x80, v0, vm0, $0xb8;
	[tilespmem:$0xC380] =	vst v63  }
0x131: {  	_ = 	snop  }
0x132: {  	[hbm4b:s6+s3] =	stream.indirect_vreg.scatter [tilespmem:s13], [sflag:$0x3], $0x80, v0, vm0, $0xb8;
	[tilespmem:$0xC380] =	vst v63  }
0x133: {  	v0 =	vld [tilespmem:$0xC280];
	_ =	sdelay $0x4  }
0x134: {  	v1 =	vshrl.u32 v0, $0x3  }
0x135: {  	v1 =	vmul.u32 $0x30, v1  }
0x136: {  	v0 =	vand.u32 $0x7, v0  }
0x137: {  	v0 =	vor.u32 v0, v1  }
0x138: {  	v1 =	vperm.xlane v0, v2;
	_ =	sdelay $0x1  }
0x139: {  	v1 =	vadd.s32 v4, v1;
	_ =	sdelay $0x3  }
0x13a: {  	v0 =	vperm.xlane v0, v5  }
0x13b: {  	[hbm4b:s4+s3] =	stream.indirect_vreg.scatter [tilespmem:s16], [sflag:$0x4], $0x80, v1, vm0, $0xb8;
	[tilespmem:$0xC380] =	vst v63  }
0x13c: {  	v0 =	vadd.s32 v4, v0  }
0x13d: {  	[hbm4b:s5+s3] =	stream.indirect_vreg.scatter [tilespmem:s0], [sflag:$0x4], $0x80, v1, vm0, $0xb8;
	[tilespmem:$0xC380] =	vst v63  }
0x13e: {  	_ = 	snop  }
0x13f: {  	[hbm4b:s6+s3] =	stream.indirect_vreg.scatter [tilespmem:s1], [sflag:$0x4], $0x80, v1, vm0, $0xb8;
	[tilespmem:$0xC380] =	vst v63  }
0x140: {  	_ = 	snop  }
0x141: {  	[hbm4b:s4+s3] =	stream.indirect_vreg.scatter [tilespmem:s23], [sflag:$0x4], $0x80, v0, vm0, $0xb8;
	[tilespmem:$0xC380] =	vst v63  }
0x142: {  	_ = 	snop  }
0x143: {  	[hbm4b:s5+s3] =	stream.indirect_vreg.scatter [tilespmem:s24], [sflag:$0x4], $0x80, v0, vm0, $0xb8;
	[tilespmem:$0xC380] =	vst v63  }
0x144: {  	_ = 	snop  }
0x145: {  	[hbm4b:s6+s3] =	stream.indirect_vreg.scatter [tilespmem:s25], [sflag:$0x4], $0x80, v0, vm0, $0xb8;
	[tilespmem:$0xC380] =	vst v63  }
0x146: {  	v0 =	vld [tilespmem:$0xC290];
	_ =	sdelay $0x4  }
0x147: {  	v1 =	vshrl.u32 v0, $0x3  }
0x148: {  	v1 =	vmul.u32 $0x30, v1  }
0x149: {  	v0 =	vand.u32 $0x7, v0  }
0x14a: {  	v0 =	vor.u32 v0, v1  }
0x14b: {  	v1 =	vperm.xlane v0, v2;
	_ =	sdelay $0x1  }
0x14c: {  	v1 =	vadd.s32 v4, v1;
	_ =	sdelay $0x3  }
0x14d: {  	v0 =	vperm.xlane v0, v5  }
0x14e: {  	[hbm4b:s4+s3] =	stream.indirect_vreg.scatter [tilespmem:s26], [sflag:$0x4], $0x80, v1, vm0, $0xb8;
	[tilespmem:$0xC380] =	vst v63  }
0x14f: {  	v0 =	vadd.s32 v4, v0  }
0x150: {  	[hbm4b:s5+s3] =	stream.indirect_vreg.scatter [tilespmem:s28], [sflag:$0x4], $0x80, v1, vm0, $0xb8;
	[tilespmem:$0xC380] =	vst v63  }
0x151: {  	_ = 	snop  }
0x152: {  	[hbm4b:s6+s3] =	stream.indirect_vreg.scatter [tilespmem:s29], [sflag:$0x4], $0x80, v1, vm0, $0xb8;
	[tilespmem:$0xC380] =	vst v63  }
0x153: {  	_ = 	snop  }
0x154: {  	[hbm4b:s4+s3] =	stream.indirect_vreg.scatter [tilespmem:s30], [sflag:$0x4], $0x80, v0, vm0, $0xb8;
	[tilespmem:$0xC380] =	vst v63  }
0x155: {  	_ = 	snop  }
0x156: {  	[hbm4b:s5+s3] =	stream.indirect_vreg.scatter [tilespmem:s31], [sflag:$0x4], $0x80, v0, vm0, $0xb8;
	[tilespmem:$0xC380] =	vst v63  }
0x157: {  	_ = 	snop  }
0x158: {  	[hbm4b:s6+s3] =	stream.indirect_vreg.scatter [tilespmem:s14], [sflag:$0x4], $0x80, v0, vm0, $0xb8;
	[tilespmem:$0xC380] =	vst v63  }
0x159: {  	v0 =	vld [tilespmem:$0xC2A0];
	_ =	sdelay $0x4  }
0x15a: {  	v1 =	vshrl.u32 v0, $0x3  }
0x15b: {  	v1 =	vmul.u32 $0x30, v1  }
0x15c: {  	v0 =	vand.u32 $0x7, v0  }
0x15d: {  	v0 =	vor.u32 v0, v1  }
0x15e: {  	v1 =	vperm.xlane v0, v2;
	_ =	sdelay $0x1  }
0x15f: {  	v1 =	vadd.s32 v4, v1;
	_ =	sdelay $0x3  }
0x160: {  	v0 =	vperm.xlane v0, v5  }
0x161: {  	[hbm4b:s4+s3] =	stream.indirect_vreg.scatter [tilespmem:s15], [sflag:$0x4], $0x80, v1, vm0, $0xb8;
	[tilespmem:$0xC380] =	vst v63  }
0x162: {  	v0 =	vadd.s32 v4, v0  }
0x163: {  	[hbm4b:s5+s3] =	stream.indirect_vreg.scatter [tilespmem:s17], [sflag:$0x4], $0x80, v1, vm0, $0xb8;
	[tilespmem:$0xC380] =	vst v63  }
0x164: {  	_ = 	snop  }
0x165: {  	[hbm4b:s6+s3] =	stream.indirect_vreg.scatter [tilespmem:s18], [sflag:$0x4], $0x80, v1, vm0, $0xb8;
	[tilespmem:$0xC380] =	vst v63  }
0x166: {  	_ = 	snop  }
0x167: {  	[hbm4b:s4+s3] =	stream.indirect_vreg.scatter [tilespmem:s21], [sflag:$0x4], $0x80, v0, vm0, $0xb8;
	[tilespmem:$0xC380] =	vst v63  }
0x168: {  	_ = 	snop  }
0x169: {  	[hbm4b:s5+s3] =	stream.indirect_vreg.scatter [tilespmem:s8], [sflag:$0x4], $0x80, v0, vm0, $0xb8;
	[tilespmem:$0xC380] =	vst v63  }
0x16a: {  	_ = 	snop  }
0x16b: {  	[hbm4b:s6+s3] =	stream.indirect_vreg.scatter [tilespmem:s11], [sflag:$0x4], $0x80, v0, vm0, $0xb8;
	[tilespmem:$0xC380] =	vst v63  }
0x16c: {  	v0 =	vld [tilespmem:$0xC2B0];
	_ =	sdelay $0x4  }
0x16d: {  	v1 =	vshrl.u32 v0, $0x3  }
0x16e: {  	v1 =	vmul.u32 $0x30, v1  }
0x16f: {  	v0 =	vand.u32 $0x7, v0  }
0x170: {  	v0 =	vor.u32 v0, v1  }
0x171: {  	v1 =	vperm.xlane v0, v2;
	_ =	sdelay $0x1  }
0x172: {  	v1 =	vadd.s32 v4, v1;
	_ =	sdelay $0x3  }
0x173: {  	v0 =	vperm.xlane v0, v5  }
0x174: {  	[hbm4b:s4+s3] =	stream.indirect_vreg.scatter [tilespmem:s10], [sflag:$0x4], $0x80, v1, vm0, $0xb8;
	[tilespmem:$0xC380] =	vst v63  }
0x175: {  	v0 =	vadd.s32 v4, v0  }
0x176: {  	[hbm4b:s5+s3] =	stream.indirect_vreg.scatter [tilespmem:s9], [sflag:$0x4], $0x80, v1, vm0, $0xb8;
	[tilespmem:$0xC380] =	vst v63  }
0x177: {  	_ = 	snop  }
0x178: {  	[hbm4b:s6+s3] =	stream.indirect_vreg.scatter [tilespmem:s20], [sflag:$0x4], $0x80, v1, vm0, $0xb8;
	[tilespmem:$0xC380] =	vst v63  }
0x179: {  	_ = 	snop  }
0x17a: {  	[hbm4b:s4+s3] =	stream.indirect_vreg.scatter [tilespmem:s7], [sflag:$0x4], $0x80, v0, vm0, $0xb8;
	[tilespmem:$0xC380] =	vst v63  }
0x17b: {  	_ = 	snop  }
0x17c: {  	[hbm4b:s5+s3] =	stream.indirect_vreg.scatter [tilespmem:s12], [sflag:$0x4], $0x80, v0, vm0, $0xb8;
	[tilespmem:$0xC380] =	vst v63  }
0x17d: {  	s31 =	simm.s32 $0x5  }
0x17e: {  	[hbm4b:s6+s3] =	stream.indirect_vreg.scatter [tilespmem:s13], [sflag:$0x4], $0x80, v0, vm0, $0xb8;
	[tilespmem:$0xC380] =	vst v63  }
0x17f: {  	_ =	swait.ge [sflag:s31], $0x40  }
0x180: {  	[sflag:s31] =	ssyncset.done $0x0  }
0x181: {  	s7 =	simm.s32 $0x6;
	[sflag:s31] =	ssyncadd.s32 $0xFFFFFFC0  }
0x182: {  	_ =	swait.ge [sflag:s7], $0x40  }
0x183: {  	[sflag:s7] =	ssyncset.done $0x0  }
0x184: {  	[sflag:s7] =	ssyncadd.s32 $0xFFFFFFC0  }
0x185: {  	s24 =	simm.s32 $0x40;
	s25 =	simm.s32 $0xC100;
	s23 =	rddreg [dreg:$0x2]  }
0x186: {  	[hbm4b:s23+s24] =	stream.indirect.scatter [tilespmem:s25], [sflag:$0x5], $0x1, s22, s24, $0xb8;
	[tilespmem:$0xC380] =	vst v63  }
0x187: {  	s26 =	simm.s32 $0xC180;
	s28 =	simm.s32 $0x1  }
0x188: {  	[hbm4b:s23+s24] =	stream.indirect.scatter [tilespmem:s26], [sflag:$0x6], $0x1, s2, s24, $0xb8;
	[tilespmem:$0xC380] =	vst v63  }
0x189: {  	_ =	swait.ge [sflag:s28], $0x40  }
0x18a: {  	[sflag:s28] =	ssyncset.done $0x0  }
0x18b: {  	s29 =	simm.s32 $0x2;
	[sflag:s28] =	ssyncadd.s32 $0xFFFFFFC0  }
0x18c: {  	_ =	swait.ge [sflag:s29], $0x40  }
0x18d: {  	[sflag:s29] =	ssyncset.done $0x0  }
0x18e: {  	s30 =	simm.s32 $0x3;
	[sflag:s29] =	ssyncadd.s32 $0xFFFFFFC0  }
0x18f: {  	_ =	swait.ge [sflag:s30], $0xC000  }
0x190: {  	[sflag:s30] =	ssyncset.done $0x0  }
0x191: {  	[sflag:s30] =	ssyncadd.s32 $0xFFFF4000  }
0x192: {  	_ =	swait.ge [sflag:s19], $0xC000  }
0x193: {  	[sflag:s19] =	ssyncset.done $0x0  }
0x194: {  	[sflag:s19] =	ssyncadd.s32 $0xFFFF4000  }
0x195: {  	_ =	swait.ge [sflag:s31], $0x40  }
0x196: {  	[sflag:s31] =	ssyncset.done $0x0  }
0x197: {  	[sflag:s31] =	ssyncadd.s32 $0xFFFFFFC0;
	s31 =	rddreg [dreg:$0xe]  }
0x198: {  	p0 =	sne.s32 s31, $0x1  }
.Ltmp0:
0x199: {  	_ = 	snop;
	(pc) =	sbr.rel @p0 .LBB2_1-.Ltmp0, $4  }
0x19a: {  	_ = 	snop  }
0x19b: {  	_ =	swait.ge [sflag:s7], $0x40  }
0x19c: {  	[sflag:s7] =	ssyncset.done $0x0  }
0x19d: {  	s1 =	sadd.s32 $0xFFFFFFFF, s31;
	[sflag:s7] =	ssyncadd.s32 $0xFFFFFFC0  }
0x19e: {  	_ =	sfence.sel $0x180000  }
0x19f: {  	[bflag:$0x0] =	sbarrier.arrive $0xFFFF  }
0x1a0: {  	_ =	strace $0x90000047  }
0x1a1: {  	s0 =	stileid.u32;
	[bflag:$0x2] =	sbarrier.arrive $0xFFFF  }
0x1a2: {  	p0 =	sne.s32 s0, $0x0;
	s0 =	rddreg [dreg:$0x3]  }
0x1a3: {  	s0 =	sadd.s32 @!p0 $0x100000, s0  }
0x1a4: {  	[sflag:s0] =	ssyncadd.tile.s32 @!p0 $0x1;
	_ =	shalt  }
.Lfunc_end2:
_tile_overlayer_lowered:
.L_overlay_start_2:
0x1a5: {  	(tag) =	ssettag $0x2  }
0x1a6: {  	s0 =	rddreg [dreg:$0x0];
	s2 =	stileid.u32  }
0x1a7: {  	s1 =	rddreg [dreg:$0x1];
	p0 =	sne.s32 s2, $0x0  }
0x1a8: {  	s3 =	rddreg [dreg:$0x2];
	[bflag:$0x3] =	sbarrier.arrive $0xFFFF;
	s2 =	simm.s32 @!p0 $0x1C07  }
0x1a9: {  	[timem:s3], [sflag:s2] =	dma.local @!p0 [hbm:s0], s1  }
0x1aa: {  	s0 =	simm.s32 @!p0 $0x7  }
0x1ab: {  	_ =	swait.ge @!p0 [sflag:s0], s1  }
0x1ac: {  	s1 =	ssub.s32 @!p0 $0x0, s1;
	[sflag:s0] =	ssyncset.done @!p0 $0x0  }
0x1ad: {  	[sflag:s0] =	ssyncadd.s32 @!p0 s1  }
0x1ae: {  	[bflag:$0x3] =	sbarrier.arrive $0xFFFF  }
0x1af: {  	_ =	shalt  }

// kernel: kernel.9.cloned.1.call-start
scs
__scs_entry_jumppad:
0x0: {  	(pc) =	sbr.rel $0x88, $3  }
0x1: {  	(tag) =	ssettag $0x0;
	lr =	simm.s32 $0x1  }
0x2: {  	[smem:$0x3F9D] =	sst lr;
	_ =	strace $0xD0000000  }
0x3: {  	_ = 	snop  }
0x4: {  	_ = 	snop  }
0x5: {  	_ = 	snop  }
0x6: {  	_ = 	snop  }
0x7: {  	_ = 	snop  }
__scs_overlays_trampoline_lowered:
0x8: {  	[smem:$0x3FAC] =	sst s0  }
0x9: {  	[smem:$0x3FAD] =	sst s1  }
0xa: {  	[smem:$0x3FAE] =	sst s2  }
0xb: {  	[smem:$0x3FAF] =	sst s3  }
0xc: {  	[smem:$0x3FB0] =	sst s4  }
0xd: {  	[smem:$0x3FB1] =	sst s5  }
0xe: {  	[smem:$0x3FB2] =	sst s6  }
0xf: {  	[smem:$0x3FB3] =	sst s7  }
0x10: {  	[smem:$0x3FB4] =	sst s8  }
0x11: {  	[smem:$0x3FB5] =	sst s9;
	s0 =	simm.s32 @!p0 $0x0  }
0x12: {  	s1 =	sld [smem:$0x3F9B];
	s0 =	simm.s32 @p0 $0x1  }
0x13: {  	[smem:$0x3FB6] =	sst s0;
	s0 =	simm.s32 @!p1 $0x0  }
0x14: {  	s2 =	sld [smem:$0x3F9A];
	s0 =	simm.s32 @p1 $0x1  }
0x15: {  	[smem:$0x3FB7] =	sst s0;
	s0 =	simm.s32 @!p2 $0x0  }
0x16: {  	s3 =	sld [smem:$0x3FDB];
	s0 =	simm.s32 @p2 $0x1  }
0x17: {  	s4 =	simm.s32 $0x1BF5;
	[smem:$0x3FB9] =	sst s0  }
0x18: {  	s0 =	sld [smem:$0x3F9C];
	_ =	swait.ge [sflag:s4], $0x0  }
0x19: {  	s7 =	sld [smem:$0x3F9D]  }
0x1a: {  	s8 =	sadd.s32 $0xFFFFE003, lr  }
0x1b: {  	s9 =	sadd.s32 $0xFFFFFEF7, lr;
	s5 =	simm.s32 $0xFFFFFFFF;
	p2 =	slt.u32 s8, $0xFFFFF086  }
0x1c: {  	p1 =	slt.u32 s9, $0xF7A;
	s5 =	simm.s32 @!p2 $0x0  }
0x1d: {  	s5 =	simm.s32 @p1 $0x1;
	p0 =	seq.s32 s7, s2  }
0x1e: {  	s7 =	smul.u32 @!p0 $0xF7A, s2;
	p2 =	seq.s32 @!p0 s5, $0x0  }
0x1f: {  	s9 =	smul.u32 $0xF7A, s1;
	s8 =	simm.s32 @!p0 $0x1BF5;
	p2 =	por !p2, p0  }
0x20: {  	[sflag:s8] =	ssyncset.s32 @!p0 $0xFFFFF086;
	s6 =	sadd.s32 @!p0 s3, s7;
	s7 =	simm.s32 @!p0 $0x108  }
0x21: {  	s3 =	sadd.s32 s3, s9;
	s6 =	sadd.s32 @!p0 $0x88, s6;
	s7 =	simm.s32 @p2 $0x1082  }
0x22: {  	[simem:s7], [sflag:s8] =	dma.local @!p0 [hbm:s6], $0xF7A  }
0x23: {  	s9 =	sor.u32 $0xD0000000, s2;
	s6 =	simm.s32 $0x108;
	_ =	swait.ge @!p0 [sflag:s8], $0x0  }
0x24: {  	s3 =	sadd.s32 $0x88, s3;
	s6 =	simm.s32 @!p1 $0x1082;
	[sflag:s4] =	ssyncset.s32 $0xFFFFF086  }
0x25: {  	[simem:s6], [sflag:s4] =	dma.local [hbm:s3], $0xF7A  }
0x26: {  	[smem:$0x3F9D] =	sst s1;
	(tag) =	ssettag s2;
	_ =	strace s9  }
0x27: {  	s1 =	sld [smem:$0x3FAD]  }
0x28: {  	s2 =	sld [smem:$0x3FAE]  }
0x29: {  	s4 =	sld [smem:$0x3FB0]  }
0x2a: {  	p0 =	seq.s32 s5, $0x0;
	s5 =	sld [smem:$0x3FB1]  }
0x2b: {  	s6 =	sld [smem:$0x3FB2]  }
0x2c: {  	s7 =	sld [smem:$0x3FB3]  }
0x2d: {  	s3 =	simm.s32 $0x108;
	s8 =	sld [smem:$0x3FB4]  }
0x2e: {  	s3 =	simm.s32 @!p0 $0x1082;
	s9 =	sld [smem:$0x3FB5]  }
0x2f: {  	lr =	sadd.s32 s0, s3;
	s0 =	sld [smem:$0x3FAC]  }
0x30: {  	s3 =	sld [smem:$0x3FAF]  }
0x31: {  	[smem:$0x3FB8] =	sst s10  }
0x32: {  	s10 =	sld [smem:$0x3FB6];
	_ =	sdelay $0x3  }
0x33: {  	p0 =	seq.s32 s10, $0x1;
	s10 =	sld [smem:$0x3FB8];
	_ =	sdelay $0x3  }
0x34: {  	[smem:$0x3FB8] =	sst s10  }
0x35: {  	s10 =	sld [smem:$0x3FB7];
	_ =	sdelay $0x3  }
0x36: {  	p1 =	seq.s32 s10, $0x1;
	s10 =	sld [smem:$0x3FB8];
	_ =	sdelay $0x3  }
0x37: {  	[smem:$0x3FB8] =	sst s10  }
0x38: {  	s10 =	sld [smem:$0x3FB9]  }
0x39: {  	_ = 	snop;
	(pc) =	sbr.ind lr, $3  }
0x3a: {  	_ = 	snop  }
0x3b: {  	_ = 	snop  }
0x3c: {  	p2 =	seq.s32 s10, $0x1;
	s10 =	sld [smem:$0x3FB8]  }
0x3d: {  	_ =	shalt  }
0x3e: {  	_ =	shalt  }
0x3f: {  	_ =	shalt  }
0x40: {  	_ =	shalt  }
0x41: {  	_ =	shalt  }
0x42: {  	_ =	shalt  }
0x43: {  	_ =	shalt  }
0x44: {  	_ =	shalt  }
0x45: {  	_ =	shalt  }
0x46: {  	_ =	shalt  }
0x47: {  	_ =	shalt  }
0x48: {  	_ =	shalt  }
0x49: {  	_ =	shalt  }
0x4a: {  	_ =	shalt  }
0x4b: {  	_ =	shalt  }
0x4c: {  	_ =	shalt  }
0x4d: {  	_ =	shalt  }
0x4e: {  	_ =	shalt  }
0x4f: {  	_ =	shalt  }
0x50: {  	_ =	shalt  }
0x51: {  	_ =	shalt  }
0x52: {  	_ =	shalt  }
0x53: {  	_ =	shalt  }
0x54: {  	_ =	shalt  }
0x55: {  	_ =	shalt  }
0x56: {  	_ =	shalt  }
0x57: {  	_ =	shalt  }
0x58: {  	_ =	shalt  }
0x59: {  	_ =	shalt  }
0x5a: {  	_ =	shalt  }
0x5b: {  	_ =	shalt  }
0x5c: {  	_ =	shalt  }
0x5d: {  	_ =	shalt  }
0x5e: {  	_ =	shalt  }
0x5f: {  	_ =	shalt  }
0x60: {  	_ =	shalt  }
0x61: {  	_ =	shalt  }
0x62: {  	_ =	shalt  }
0x63: {  	_ =	shalt  }
0x64: {  	_ =	shalt  }
0x65: {  	_ =	shalt  }
0x66: {  	_ =	shalt  }
0x67: {  	_ =	shalt  }
0x68: {  	_ =	shalt  }
0x69: {  	_ =	shalt  }
0x6a: {  	_ =	shalt  }
0x6b: {  	_ =	shalt  }
0x6c: {  	_ =	shalt  }
0x6d: {  	_ =	shalt  }
0x6e: {  	_ =	shalt  }
0x6f: {  	_ =	shalt  }
0x70: {  	_ =	shalt  }
0x71: {  	_ =	shalt  }
0x72: {  	_ =	shalt  }
0x73: {  	_ =	shalt  }
0x74: {  	_ =	shalt  }
0x75: {  	_ =	shalt  }
0x76: {  	_ =	shalt  }
0x77: {  	_ =	shalt  }
0x78: {  	_ =	shalt  }
0x79: {  	_ =	shalt  }
0x7a: {  	_ =	shalt  }
0x7b: {  	_ =	shalt  }
0x7c: {  	_ =	shalt  }
0x7d: {  	_ =	shalt  }
0x7e: {  	_ =	shalt  }
0x7f: {  	_ =	shalt  }
0x80: {  	_ =	shalt  }
0x81: {  	_ =	shalt  }
0x82: {  	_ =	shalt  }
0x83: {  	_ =	shalt  }
0x84: {  	_ =	shalt  }
0x85: {  	_ =	shalt  }
0x86: {  	_ =	shalt  }
0x87: {  	_ =	shalt  }
.Lfunc_end0:
.L_simem_size_0:
called_computation.1_lowered:
.L_overlay_start_0:
0x88: {  	s2 =	sld [smem:$0x3FD9]  }
0x89: {  	s3 =	sld [smem:$0x3FFE];
	_ =	sdelay $0x1  }
0x8a: {  	s1 =	srdreg.scid  }
0x8b: {  	s0 =	sand.u32 $0x1, s1  }
0x8c: {  	s17 =	sshll.u32 s0, $0xA;
	s2 =	sadd.s32 s3, s2  }
0x8d: {  	s2 =	sadd.s32 s2, s17  }
0x8e: {  	[smem:$0x3FC4] =	sst s2  }
0x8f: {  	_ = 	snop  }
0x90: {  	s2 =	sld [smem:$0x3FD0];
	(tm) =	ssettm $0x1  }
0x91: {  	s18 =	sld [smem:$0x3FFB];
	_ =	sdelay $0x3  }
0x92: {  	_ =	strace s18  }
0x93: {  	s3 =	sld [smem:$0x3FFC];
	_ =	sdelay $0x3  }
0x94: {  	_ =	strace s3  }
0x95: {  	s3 =	sld [smem:$0x3FFD];
	_ =	sdelay $0x3  }
0x96: {  	_ =	strace s3  }
0x97: {  	_ =	strace $0x8FFFFFFF  }
0x98: {  	s19 =	sld [smem:$0x3FDB];
	_ =	sdelay $0x1  }
0x99: {  	s4 =	simm.s32 $_scs_section_size  }
0x9a: {  	s5 =	simm.s32 $_size__tile_overlayer_lowered;
	s6 =	simm.s32 $_tile_overlayer_lowered  }
0x9b: {  	s22 =	simm.s32 $0x1BFF;
	s21 =	sshll.u32 s6, $0x1;
	s3 =	sadd.s32 s4, s19  }
0x9c: {  	s7 =	simm.s32 $0x0;
	s20 =	sshll.u32 s5, $0x1;
	s5 =	sadd.s32 s21, s3  }
0x9d: {  	[timem:s7], [sflag:s22] =	dma.local [hbm:s5], s20  }
0x9e: {  	_ =	swait.ge [sflag:s22], s20  }
0x9f: {  	s4 =	ssub.s32 $0x0, s20;
	[sflag:s22] =	ssyncset.done $0x0  }
0xa0: {  	[sflag:s22] =	ssyncadd.s32 s4;
	_ =	sdelay $0x1  }
0xa1: {  	s23 =	simm.s32 $0x1B8B  }
0xa2: {  	_ =	swait.ge [sflag:s23], $0x1  }
0xa3: {  	[sflag:s23] =	ssyncset.done $0x0  }
0xa4: {  	s25 =	simm.s32 $0x1B8E;
	s24 =	sld [smem:$0x3FFE];
	[sflag:s23] =	ssyncadd.s32 $0xFFFFFFFF  }
0xa5: {  	s26 =	simm.s32 $execute0_lowered;
	[smem:$0x3FD2] =	sst s25  }
0xa6: {  	s5 =	sshll.u32 s26, $0x1;
	_ =	strace $0x80000049;
	[dreg:$0x1] =	wrdreg $0xFFFFFFFF  }
0xa7: {  	s28 =	simm.s32 $_size_execute0_lowered;
	s3 =	sadd.s32 s3, s5;
	[dreg:$0x0] =	wrdreg $0x0  }
0xa8: {  	s5 =	sshll.u32 s28, $0x1;
	[dreg:$0x2] =	wrdreg s3  }
0xa9: {  	[dreg:$0x3] =	wrdreg s5  }
0xaa: {  	[dreg:$0x4] =	wrdreg $0xC0  }
0xab: {  	_ =	task [dreg:s7], $0x5FFFF  }
0xac: {  	[dreg:$0x1] =	wrdreg $0xFFFFFFFF  }
0xad: {  	[dreg:$0x0] =	wrdreg $0x60  }
0xae: {  	[dreg:$0x2] =	wrdreg s24  }
0xaf: {  	[dreg:$0x3] =	wrdreg s2  }
0xb0: {  	[dreg:$0x4] =	wrdreg $0x9  }
0xb1: {  	_ =	task.clear_ibuf [dreg:s7], $0x5FFFF;
	_ =	strace $0x90000049  }
0xb2: {  	s29 =	simm.s32 $0x9;
	_ =	strace $0x8000004B  }
0xb3: {  	_ =	swait.ge [sflag:s29], $0x1  }
0xb4: {  	[sflag:s29] =	ssyncadd.s32 $0xFFFFFFFF  }
0xb5: {  	_ =	strace $0x9000004B  }
0xb6: {  	_ =	sfence  }
0xb7: {  	s30 =	sld [smem:$0x0];
	_ =	sdelay $0x2  }
0xb8: {  	s31 =	sshll.u32 s1, $0xD;
	s1 =	sshrl.u32 s1, $0x2  }
0xb9: {  	s3 =	sand.u32 $0x4000, s31;
	s1 =	sadd.s32 s1, s30  }
0xba: {  	s0 =	sor.u32 s3, s0;
	s1 =	sshll.u32 s1, $0x11  }
0xbb: {  	s0 =	sor.u32 s1, s0  }
0xbc: {  	s0 =	sadd.s32 $0x8F2B, s0  }
0xbd: {  	[sflag:s0] =	ssyncadd.remote.s32 $0x1  }
0xbe: {  	_ =	sfence.sel $0xFFFF  }
0xbf: {  	[dreg:$0x0] =	wrdreg $0xFFFFFFFF;
	(pc) =	sbr.abs _section_cstart, $3  }
0xc0: {  	[dreg:$0x1] =	wrdreg $0xFFFFFFFF  }
0xc1: {  	_ =	task.clear_ibuf [dreg:s7], $0x2FFFF;
	_ =	strace $0x9FFFFFFF  }
0xc2: {  	(tm) =	ssettm $0x7FFFFFFF  }
0xc3: {  	_ =	shalt  }
tec
execute0_lowered:
.L_overlay_start_1:
0x0: {  	(tag) =	ssettag $0x1  }
0x1: {  	s0 =	rddreg [dreg:$0x0]  }
0x2: {  	s1 =	rddreg [dreg:$0x1]  }
0x3: {  	s2 =	simm.s32 $0x0;
	s3 =	srdreg.scid;
	s5 =	stileid.u32  }
0x4: {  	s10 =	simm.s32 $0x3;
	s12 =	simm.s32 $0x100;
	s26 =	simm.s32 $0x11900  }
0x5: {  	s28 =	simm.s32 $0x12100;
	s29 =	simm.s32 $0x12900;
	s30 =	simm.s32 $0x13100  }
0x6: {  	s31 =	simm.s32 $0x13900;
	s11 =	simm.s32 $0x15100;
	s13 =	simm.s32 $0x15900  }
0x7: {  	s14 =	simm.s32 $0x16100;
	s15 =	simm.s32 $0x16900;
	s16 =	simm.s32 $0x17100  }
0x8: {  	s17 =	simm.s32 $0x17900;
	s18 =	simm.s32 $0x1;
	s19 =	simm.s32 $0x2  }
0x9: {  	s20 =	simm.s32 $0x0;
	[smem:$0x7FF] =	sst s2;
	s4 =	sand.u32 $0x1, s3  }
0xa: {  	s5 =	sshll.u32 s5, $0x4;
	s3 =	sadd.s32 $0x1E00, s0;
	s6 =	sshll.u32 s4, $0x3  }
0xb: {  	_ =	strace $0x8000004A;
	s4 =	ssub.s32 $0x2, s4;
	s5 =	sor.u32 s6, s5  }
0xc: {  	s7 =	sshrl.u32 s4, $0x1;
	s6 =	sadd.s32 s5, s0;
	s8 =	smul.u32 $0x300, s5  }
0xd: {  	v2 =	vlaneseq.u32;
	s9 =	ssub.s32 s4, s7;
	s7 =	sadd.s32 $0x2000, s0;
	s4 =	sadd.s32 $0x92800, s6  }
0xe: {  	vm0 =	vmmov $0xffff;
	v1 =	vshrl.u32 v2, $0x3;
	s5 =	sadd.s32 $0x92A00, s6;
	s6 =	sadd.s32 $0x1F00, s0;
	s9 =	smax.u32 s9, $0x1  }
0xf: {  	v0 =	vand.u32 $0x7, v2;
	v2 =	vor.u32 $0x8, v2;
	v1 =	vmul.u32 $0x8, v1;
	s0 =	simm.s32 $0x14100;
	s8 =	sadd.s32 s1, s8;
	s1 =	simm.s32 $0x14900  }
.LBB2_1:
0x10: {  	[tilespmem:s2], [sflag:$0x3] =	stream.linear.gather [hbm4b:s4+s2], $0x40, $0x38;
	[tilespmem:$0x18100] =	vst v63  }
0x11: {  	_ =	swait.ge [sflag:s10], $0x40  }
0x12: {  	[sflag:s10] =	ssyncset.done $0x0  }
0x13: {  	s21 =	simm.s32 $0x80;
	[sflag:s10] =	ssyncadd.s32 $0xFFFFFFC0  }
0x14: {  	[tilespmem:s21], [sflag:$0x3] =	stream.linear.gather [hbm4b:s5+s2], $0x40, $0x38;
	[tilespmem:$0x18100] =	vst v63  }
0x15: {  	_ =	swait.ge [sflag:s10], $0x40  }
0x16: {  	[sflag:s10] =	ssyncset.done $0x0  }
0x17: {  	[sflag:s10] =	ssyncadd.s32 $0xFFFFFFC0  }
0x18: {  	v3 =	vld [tilespmem:$0x0];
	_ =	sdelay $0x4  }
0x19: {  	v4 =	vshrl.u32 v3, $0x3  }
0x1a: {  	v4 =	vmul.u32 $0x30, v4  }
0x1b: {  	v3 =	vand.u32 $0x7, v3  }
0x1c: {  	v3 =	vor.u32 v3, v4  }
0x1d: {  	v4 =	vperm.xlane v3, v0;
	_ =	sdelay $0x1  }
0x1e: {  	v4 =	vadd.s32 v1, v4;
	_ =	sdelay $0x3  }
0x1f: {  	v3 =	vperm.xlane v3, v2  }
0x20: {  	[tilespmem:s12], [sflag:$0x1] =	stream.indirect_vreg.gather [hbm4b:s3+s2], $0x80, v4, vm0, $0xb8;
	[tilespmem:$0x18100] =	vst v63  }
0x21: {  	s23 =	simm.s32 $0x900;
	v3 =	vadd.s32 v1, v3  }
0x22: {  	[tilespmem:s23], [sflag:$0x1] =	stream.indirect_vreg.gather [hbm4b:s6+s2], $0x80, v4, vm0, $0xb8;
	[tilespmem:$0x18100] =	vst v63  }
0x23: {  	s24 =	simm.s32 $0x1100  }
0x24: {  	[tilespmem:s24], [sflag:$0x1] =	stream.indirect_vreg.gather [hbm4b:s7+s2], $0x80, v4, vm0, $0xb8;
	[tilespmem:$0x18100] =	vst v63  }
0x25: {  	s25 =	simm.s32 $0x1900  }
0x26: {  	[tilespmem:s25], [sflag:$0x1] =	stream.indirect_vreg.gather [hbm4b:s3+s2], $0x80, v3, vm0, $0xb8;
	[tilespmem:$0x18100] =	vst v63  }
0x27: {  	s22 =	simm.s32 $0x2100  }
0x28: {  	[tilespmem:s22], [sflag:$0x1] =	stream.indirect_vreg.gather [hbm4b:s6+s2], $0x80, v3, vm0, $0xb8;
	[tilespmem:$0x18100] =	vst v63  }
0x29: {  	s23 =	simm.s32 $0x2900  }
0x2a: {  	[tilespmem:s23], [sflag:$0x1] =	stream.indirect_vreg.gather [hbm4b:s7+s2], $0x80, v3, vm0, $0xb8;
	[tilespmem:$0x18100] =	vst v63  }
0x2b: {  	v3 =	vld [tilespmem:$0x10];
	_ =	sdelay $0x4  }
0x2c: {  	v4 =	vshrl.u32 v3, $0x3  }
0x2d: {  	v4 =	vmul.u32 $0x30, v4  }
0x2e: {  	v3 =	vand.u32 $0x7, v3  }
0x2f: {  	v3 =	vor.u32 v3, v4  }
0x30: {  	v4 =	vperm.xlane v3, v0;
	_ =	sdelay $0x1  }
0x31: {  	v4 =	vadd.s32 v1, v4;
	_ =	sdelay $0x3  }
0x32: {  	s24 =	simm.s32 $0x3100;
	v3 =	vperm.xlane v3, v2  }
0x33: {  	[tilespmem:s24], [sflag:$0x1] =	stream.indirect_vreg.gather [hbm4b:s3+s2], $0x80, v4, vm0, $0xb8;
	[tilespmem:$0x18100] =	vst v63  }
0x34: {  	s25 =	simm.s32 $0x3900;
	v3 =	vadd.s32 v1, v3  }
0x35: {  	[tilespmem:s25], [sflag:$0x1] =	stream.indirect_vreg.gather [hbm4b:s6+s2], $0x80, v4, vm0, $0xb8;
	[tilespmem:$0x18100] =	vst v63  }
0x36: {  	s22 =	simm.s32 $0x4100  }
0x37: {  	[tilespmem:s22], [sflag:$0x1] =	stream.indirect_vreg.gather [hbm4b:s7+s2], $0x80, v4, vm0, $0xb8;
	[tilespmem:$0x18100] =	vst v63  }
0x38: {  	s23 =	simm.s32 $0x4900  }
0x39: {  	[tilespmem:s23], [sflag:$0x1] =	stream.indirect_vreg.gather [hbm4b:s3+s2], $0x80, v3, vm0, $0xb8;
	[tilespmem:$0x18100] =	vst v63  }
0x3a: {  	s24 =	simm.s32 $0x5100  }
0x3b: {  	[tilespmem:s24], [sflag:$0x1] =	stream.indirect_vreg.gather [hbm4b:s6+s2], $0x80, v3, vm0, $0xb8;
	[tilespmem:$0x18100] =	vst v63  }
0x3c: {  	s25 =	simm.s32 $0x5900  }
0x3d: {  	[tilespmem:s25], [sflag:$0x1] =	stream.indirect_vreg.gather [hbm4b:s7+s2], $0x80, v3, vm0, $0xb8;
	[tilespmem:$0x18100] =	vst v63  }
0x3e: {  	v3 =	vld [tilespmem:$0x20];
	_ =	sdelay $0x4  }
0x3f: {  	v4 =	vshrl.u32 v3, $0x3  }
0x40: {  	v4 =	vmul.u32 $0x30, v4  }
0x41: {  	v3 =	vand.u32 $0x7, v3  }
0x42: {  	v3 =	vor.u32 v3, v4  }
0x43: {  	v4 =	vperm.xlane v3, v0;
	_ =	sdelay $0x1  }
0x44: {  	v4 =	vadd.s32 v1, v4;
	_ =	sdelay $0x3  }
0x45: {  	s22 =	simm.s32 $0x6100;
	v3 =	vperm.xlane v3, v2  }
0x46: {  	[tilespmem:s22], [sflag:$0x1] =	stream.indirect_vreg.gather [hbm4b:s3+s2], $0x80, v4, vm0, $0xb8;
	[tilespmem:$0x18100] =	vst v63  }
0x47: {  	s23 =	simm.s32 $0x6900;
	v3 =	vadd.s32 v1, v3  }
0x48: {  	[tilespmem:s23], [sflag:$0x1] =	stream.indirect_vreg.gather [hbm4b:s6+s2], $0x80, v4, vm0, $0xb8;
	[tilespmem:$0x18100] =	vst v63  }
0x49: {  	s24 =	simm.s32 $0x7100  }
0x4a: {  	[tilespmem:s24], [sflag:$0x1] =	stream.indirect_vreg.gather [hbm4b:s7+s2], $0x80, v4, vm0, $0xb8;
	[tilespmem:$0x18100] =	vst v63  }
0x4b: {  	s25 =	simm.s32 $0x7900  }
0x4c: {  	[tilespmem:s25], [sflag:$0x1] =	stream.indirect_vreg.gather [hbm4b:s3+s2], $0x80, v3, vm0, $0xb8;
	[tilespmem:$0x18100] =	vst v63  }
0x4d: {  	s22 =	simm.s32 $0x8100  }
0x4e: {  	[tilespmem:s22], [sflag:$0x1] =	stream.indirect_vreg.gather [hbm4b:s6+s2], $0x80, v3, vm0, $0xb8;
	[tilespmem:$0x18100] =	vst v63  }
0x4f: {  	s23 =	simm.s32 $0x8900  }
0x50: {  	[tilespmem:s23], [sflag:$0x1] =	stream.indirect_vreg.gather [hbm4b:s7+s2], $0x80, v3, vm0, $0xb8;
	[tilespmem:$0x18100] =	vst v63  }
0x51: {  	v3 =	vld [tilespmem:$0x30];
	_ =	sdelay $0x4  }
0x52: {  	v4 =	vshrl.u32 v3, $0x3  }
0x53: {  	v4 =	vmul.u32 $0x30, v4  }
0x54: {  	v3 =	vand.u32 $0x7, v3  }
0x55: {  	v3 =	vor.u32 v3, v4  }
0x56: {  	v4 =	vperm.xlane v3, v0;
	_ =	sdelay $0x1  }
0x57: {  	v4 =	vadd.s32 v1, v4;
	_ =	sdelay $0x3  }
0x58: {  	s24 =	simm.s32 $0x9100;
	v3 =	vperm.xlane v3, v2  }
0x59: {  	[tilespmem:s24], [sflag:$0x1] =	stream.indirect_vreg.gather [hbm4b:s3+s2], $0x80, v4, vm0, $0xb8;
	[tilespmem:$0x18100] =	vst v63  }
0x5a: {  	s25 =	simm.s32 $0x9900;
	v3 =	vadd.s32 v1, v3  }
0x5b: {  	[tilespmem:s25], [sflag:$0x1] =	stream.indirect_vreg.gather [hbm4b:s6+s2], $0x80, v4, vm0, $0xb8;
	[tilespmem:$0x18100] =	vst v63  }
0x5c: {  	s22 =	simm.s32 $0xA100  }
0x5d: {  	[tilespmem:s22], [sflag:$0x1] =	stream.indirect_vreg.gather [hbm4b:s7+s2], $0x80, v4, vm0, $0xb8;
	[tilespmem:$0x18100] =	vst v63  }
0x5e: {  	s23 =	simm.s32 $0xA900  }
0x5f: {  	[tilespmem:s23], [sflag:$0x1] =	stream.indirect_vreg.gather [hbm4b:s3+s2], $0x80, v3, vm0, $0xb8;
	[tilespmem:$0x18100] =	vst v63  }
0x60: {  	s24 =	simm.s32 $0xB100  }
0x61: {  	[tilespmem:s24], [sflag:$0x1] =	stream.indirect_vreg.gather [hbm4b:s6+s2], $0x80, v3, vm0, $0xb8;
	[tilespmem:$0x18100] =	vst v63  }
0x62: {  	s25 =	simm.s32 $0xB900  }
0x63: {  	[tilespmem:s25], [sflag:$0x1] =	stream.indirect_vreg.gather [hbm4b:s7+s2], $0x80, v3, vm0, $0xb8;
	[tilespmem:$0x18100] =	vst v63  }
0x64: {  	v3 =	vld [tilespmem:$0x80];
	_ =	sdelay $0x4  }
0x65: {  	v4 =	vshrl.u32 v3, $0x3  }
0x66: {  	v4 =	vmul.u32 $0x30, v4  }
0x67: {  	v3 =	vand.u32 $0x7, v3  }
0x68: {  	v3 =	vor.u32 v3, v4  }
0x69: {  	v4 =	vperm.xlane v3, v0;
	_ =	sdelay $0x1  }
0x6a: {  	v4 =	vadd.s32 v1, v4;
	_ =	sdelay $0x3  }
0x6b: {  	s22 =	simm.s32 $0xC100;
	v3 =	vperm.xlane v3, v2  }
0x6c: {  	[tilespmem:s22], [sflag:$0x2] =	stream.indirect_vreg.gather [hbm4b:s3+s2], $0x80, v4, vm0, $0xb8;
	[tilespmem:$0x18100] =	vst v63  }
0x6d: {  	s23 =	simm.s32 $0xC900;
	v3 =	vadd.s32 v1, v3  }
0x6e: {  	[tilespmem:s23], [sflag:$0x2] =	stream.indirect_vreg.gather [hbm4b:s6+s2], $0x80, v4, vm0, $0xb8;
	[tilespmem:$0x18100] =	vst v63  }
0x6f: {  	s24 =	simm.s32 $0xD100  }
0x70: {  	[tilespmem:s24], [sflag:$0x2] =	stream.indirect_vreg.gather [hbm4b:s7+s2], $0x80, v4, vm0, $0xb8;
	[tilespmem:$0x18100] =	vst v63  }
0x71: {  	s25 =	simm.s32 $0xD900  }
0x72: {  	[tilespmem:s25], [sflag:$0x2] =	stream.indirect_vreg.gather [hbm4b:s3+s2], $0x80, v3, vm0, $0xb8;
	[tilespmem:$0x18100] =	vst v63  }
0x73: {  	s22 =	simm.s32 $0xE100  }
0x74: {  	[tilespmem:s22], [sflag:$0x2] =	stream.indirect_vreg.gather [hbm4b:s6+s2], $0x80, v3, vm0, $0xb8;
	[tilespmem:$0x18100] =	vst v63  }
0x75: {  	s23 =	simm.s32 $0xE900  }
0x76: {  	[tilespmem:s23], [sflag:$0x2] =	stream.indirect_vreg.gather [hbm4b:s7+s2], $0x80, v3, vm0, $0xb8;
	[tilespmem:$0x18100] =	vst v63  }
0x77: {  	v3 =	vld [tilespmem:$0x90];
	_ =	sdelay $0x4  }
0x78: {  	v4 =	vshrl.u32 v3, $0x3  }
0x79: {  	v4 =	vmul.u32 $0x30, v4  }
0x7a: {  	v3 =	vand.u32 $0x7, v3  }
0x7b: {  	v3 =	vor.u32 v3, v4  }
0x7c: {  	v4 =	vperm.xlane v3, v0;
	_ =	sdelay $0x1  }
0x7d: {  	v4 =	vadd.s32 v1, v4;
	_ =	sdelay $0x3  }
0x7e: {  	s24 =	simm.s32 $0xF100;
	v3 =	vperm.xlane v3, v2  }
0x7f: {  	[tilespmem:s24], [sflag:$0x2] =	stream.indirect_vreg.gather [hbm4b:s3+s2], $0x80, v4, vm0, $0xb8;
	[tilespmem:$0x18100] =	vst v63  }
0x80: {  	s25 =	simm.s32 $0xF900;
	v3 =	vadd.s32 v1, v3  }
0x81: {  	[tilespmem:s25], [sflag:$0x2] =	stream.indirect_vreg.gather [hbm4b:s6+s2], $0x80, v4, vm0, $0xb8;
	[tilespmem:$0x18100] =	vst v63  }
0x82: {  	s22 =	simm.s32 $0x10100  }
0x83: {  	[tilespmem:s22], [sflag:$0x2] =	stream.indirect_vreg.gather [hbm4b:s7+s2], $0x80, v4, vm0, $0xb8;
	[tilespmem:$0x18100] =	vst v63  }
0x84: {  	s23 =	simm.s32 $0x10900  }
0x85: {  	[tilespmem:s23], [sflag:$0x2] =	stream.indirect_vreg.gather [hbm4b:s3+s2], $0x80, v3, vm0, $0xb8;
	[tilespmem:$0x18100] =	vst v63  }
0x86: {  	s24 =	simm.s32 $0x11100  }
0x87: {  	[tilespmem:s24], [sflag:$0x2] =	stream.indirect_vreg.gather [hbm4b:s6+s2], $0x80, v3, vm0, $0xb8;
	[tilespmem:$0x18100] =	vst v63  }
0x88: {  	_ = 	snop  }
0x89: {  	[tilespmem:s26], [sflag:$0x2] =	stream.indirect_vreg.gather [hbm4b:s7+s2], $0x80, v3, vm0, $0xb8;
	[tilespmem:$0x18100] =	vst v63  }
0x8a: {  	v3 =	vld [tilespmem:$0xA0];
	_ =	sdelay $0x4  }
0x8b: {  	v4 =	vshrl.u32 v3, $0x3  }
0x8c: {  	v4 =	vmul.u32 $0x30, v4  }
0x8d: {  	v3 =	vand.u32 $0x7, v3  }
0x8e: {  	v3 =	vor.u32 v3, v4  }
0x8f: {  	v4 =	vperm.xlane v3, v0;
	_ =	sdelay $0x1  }
0x90: {  	v4 =	vadd.s32 v1, v4;
	_ =	sdelay $0x3  }
0x91: {  	v3 =	vperm.xlane v3, v2  }
0x92: {  	[tilespmem:s28], [sflag:$0x2] =	stream.indirect_vreg.gather [hbm4b:s3+s2], $0x80, v4, vm0, $0xb8;
	[tilespmem:$0x18100] =	vst v63  }
0x93: {  	v3 =	vadd.s32 v1, v3  }
0x94: {  	[tilespmem:s29], [sflag:$0x2] =	stream.indirect_vreg.gather [hbm4b:s6+s2], $0x80, v4, vm0, $0xb8;
	[tilespmem:$0x18100] =	vst v63  }
0x95: {  	_ = 	snop  }
0x96: {  	[tilespmem:s30], [sflag:$0x2] =	stream.indirect_vreg.gather [hbm4b:s7+s2], $0x80, v4, vm0, $0xb8;
	[tilespmem:$0x18100] =	vst v63  }
0x97: {  	_ = 	snop  }
0x98: {  	[tilespmem:s31], [sflag:$0x2] =	stream.indirect_vreg.gather [hbm4b:s3+s2], $0x80, v3, vm0, $0xb8;
	[tilespmem:$0x18100] =	vst v63  }
0x99: {  	_ = 	snop  }
0x9a: {  	[tilespmem:s0], [sflag:$0x2] =	stream.indirect_vreg.gather [hbm4b:s6+s2], $0x80, v3, vm0, $0xb8;
	[tilespmem:$0x18100] =	vst v63  }
0x9b: {  	_ = 	snop  }
0x9c: {  	[tilespmem:s1], [sflag:$0x2] =	stream.indirect_vreg.gather [hbm4b:s7+s2], $0x80, v3, vm0, $0xb8;
	[tilespmem:$0x18100] =	vst v63  }
0x9d: {  	v3 =	vld [tilespmem:$0xB0];
	_ =	sdelay $0x4  }
0x9e: {  	v4 =	vshrl.u32 v3, $0x3  }
0x9f: {  	v4 =	vmul.u32 $0x30, v4  }
0xa0: {  	v3 =	vand.u32 $0x7, v3  }
0xa1: {  	v3 =	vor.u32 v3, v4  }
0xa2: {  	v4 =	vperm.xlane v3, v0;
	_ =	sdelay $0x1  }
0xa3: {  	v4 =	vadd.s32 v1, v4;
	_ =	sdelay $0x3  }
0xa4: {  	v3 =	vperm.xlane v3, v2  }
0xa5: {  	[tilespmem:s11], [sflag:$0x2] =	stream.indirect_vreg.gather [hbm4b:s3+s2], $0x80, v4, vm0, $0xb8;
	[tilespmem:$0x18100] =	vst v63  }
0xa6: {  	v3 =	vadd.s32 v1, v3  }
0xa7: {  	[tilespmem:s13], [sflag:$0x2] =	stream.indirect_vreg.gather [hbm4b:s6+s2], $0x80, v4, vm0, $0xb8;
	[tilespmem:$0x18100] =	vst v63  }
0xa8: {  	_ = 	snop  }
0xa9: {  	[tilespmem:s14], [sflag:$0x2] =	stream.indirect_vreg.gather [hbm4b:s7+s2], $0x80, v4, vm0, $0xb8;
	[tilespmem:$0x18100] =	vst v63  }
0xaa: {  	_ = 	snop  }
0xab: {  	[tilespmem:s15], [sflag:$0x2] =	stream.indirect_vreg.gather [hbm4b:s3+s2], $0x80, v3, vm0, $0xb8;
	[tilespmem:$0x18100] =	vst v63  }
0xac: {  	_ = 	snop  }
0xad: {  	[tilespmem:s16], [sflag:$0x2] =	stream.indirect_vreg.gather [hbm4b:s6+s2], $0x80, v3, vm0, $0xb8;
	[tilespmem:$0x18100] =	vst v63  }
0xae: {  	_ = 	snop  }
0xaf: {  	[tilespmem:s17], [sflag:$0x2] =	stream.indirect_vreg.gather [hbm4b:s7+s2], $0x80, v3, vm0, $0xb8;
	[tilespmem:$0x18100] =	vst v63  }
0xb0: {  	_ =	swait.ge [sflag:s18], $0xC000  }
0xb1: {  	[sflag:s18] =	ssyncset.done $0x0  }
0xb2: {  	s25 =	simm.s32 $0x0;
	[sflag:s18] =	ssyncadd.s32 $0xFFFF4000  }
0xb3: {  	s21 =	smul.u32 $0x1800, s25;
	_ =	swait.ge [sflag:s19], $0xC000  }
0xb4: {  	s22 =	sand.u32 $0x380, s2;
	[sflag:s19] =	ssyncset.done $0x0  }
0xb5: {  	s21 =	sor.u32 s22, s21;
	[sflag:s19] =	ssyncadd.s32 $0xFFFF4000  }
0xb6: {  	v12 =	vld [tilespmem:s21+$0xC100]  }
0xb7: {  	v13 =	vld [tilespmem:s21+$0xC110]  }
0xb8: {  	v14 =	vld [tilespmem:s21+$0xC120]  }
0xb9: {  	v15 =	vld [tilespmem:s21+$0xC130]  }
0xba: {  	v16 =	vld [tilespmem:s21+$0xC140]  }
0xbb: {  	v17 =	vld [tilespmem:s21+$0xC150]  }
0xbc: {  	v18 =	vld [tilespmem:s21+$0xC160]  }
0xbd: {  	v19 =	vld [tilespmem:s21+$0xC170]  }
0xbe: {  	v20 =	vld [tilespmem:s21+$0xC500]  }
0xbf: {  	v21 =	vld [tilespmem:s21+$0xC510]  }
0xc0: {  	v22 =	vld [tilespmem:s21+$0xC520]  }
0xc1: {  	v23 =	vld [tilespmem:s21+$0xC530]  }
0xc2: {  	v24 =	vld [tilespmem:s21+$0xC540]  }
0xc3: {  	v25 =	vld [tilespmem:s21+$0xC550]  }
0xc4: {  	v26 =	vld [tilespmem:s21+$0xC560]  }
0xc5: {  	v27 =	vld [tilespmem:s21+$0xC570]  }
0xc6: {  	v28 =	vld [tilespmem:s21+$0xC900]  }
0xc7: {  	v29 =	vld [tilespmem:s21+$0xC910]  }
0xc8: {  	v30 =	vld [tilespmem:s21+$0xC920]  }
0xc9: {  	v31 =	vld [tilespmem:s21+$0xC930]  }
0xca: {  	v32 =	vld [tilespmem:s21+$0xC940]  }
0xcb: {  	v33 =	vld [tilespmem:s21+$0xC950]  }
0xcc: {  	v34 =	vld [tilespmem:s21+$0xC960]  }
0xcd: {  	v35 =	vld [tilespmem:s21+$0xC970]  }
0xce: {  	v36 =	vld [tilespmem:s21+$0xCD00]  }
0xcf: {  	v37 =	vld [tilespmem:s21+$0xCD10]  }
0xd0: {  	v38 =	vld [tilespmem:s21+$0xCD20]  }
0xd1: {  	v39 =	vld [tilespmem:s21+$0xCD30]  }
0xd2: {  	v40 =	vld [tilespmem:s21+$0xCD40]  }
0xd3: {  	v41 =	vld [tilespmem:s21+$0xCD50]  }
0xd4: {  	v42 =	vld [tilespmem:s21+$0xCD60]  }
0xd5: {  	v43 =	vld [tilespmem:s21+$0xCD70]  }
0xd6: {  	v44 =	vld [tilespmem:s21+$0xD100]  }
0xd7: {  	v45 =	vld [tilespmem:s21+$0xD110]  }
0xd8: {  	v46 =	vld [tilespmem:s21+$0xD120]  }
0xd9: {  	v47 =	vld [tilespmem:s21+$0xD130]  }
0xda: {  	v48 =	vld [tilespmem:s21+$0xD140]  }
0xdb: {  	v49 =	vld [tilespmem:s21+$0xD150]  }
0xdc: {  	v50 =	vld [tilespmem:s21+$0xD160]  }
0xdd: {  	v11 =	vld [tilespmem:s21+$0xD170]  }
0xde: {  	v10 =	vld [tilespmem:s21+$0xD500]  }
0xdf: {  	v9 =	vld [tilespmem:s21+$0xD510]  }
0xe0: {  	v8 =	vld [tilespmem:s21+$0xD520]  }
0xe1: {  	v7 =	vld [tilespmem:s21+$0xD530]  }
0xe2: {  	v6 =	vld [tilespmem:s21+$0xD540]  }
0xe3: {  	v51 =	vld [tilespmem:s21+$0x100]  }
0xe4: {  	v52 =	vld [tilespmem:s21+$0x110]  }
0xe5: {  	v53 =	vld [tilespmem:s21+$0x120]  }
0xe6: {  	v54 =	vld [tilespmem:s21+$0x130]  }
0xe7: {  	v55 =	vld [tilespmem:s21+$0x140]  }
0xe8: {  	v62 =	vld [tilespmem:s21+$0x150];
	v12 =	vadd.f32 v12, v51  }
0xe9: {  	v63 =	vld [tilespmem:s21+$0x160];
	v13 =	vadd.f32 v13, v52  }
0xea: {  	[tilespmem:s21+$0x100] =	vst v12;
	v12 =	vadd.f32 v14, v53;
	v14 =	vld [tilespmem:s21+$0x170]  }
0xeb: {  	[tilespmem:s21+$0x110] =	vst v13;
	v13 =	vadd.f32 v15, v54;
	v15 =	vld [tilespmem:s21+$0x500]  }
0xec: {  	[tilespmem:s21+$0x120] =	vst v12;
	v12 =	vadd.f32 v16, v55;
	v16 =	vld [tilespmem:s21+$0x510]  }
0xed: {  	[tilespmem:s21+$0x130] =	vst v13;
	v13 =	vadd.f32 v17, v62;
	v17 =	vld [tilespmem:s21+$0x520]  }
0xee: {  	v5 =	vld [tilespmem:s21+$0xD550]  }
0xef: {  	[tilespmem:s21+$0x140] =	vst v12;
	v12 =	vadd.f32 v18, v63;
	v18 =	vld [tilespmem:s21+$0x570]  }
0xf0: {  	[tilespmem:s21+$0x150] =	vst v13;
	v13 =	vadd.f32 v19, v14;
	v14 =	vld [tilespmem:s21+$0x530]  }
0xf1: {  	[tilespmem:s21+$0x160] =	vst v12;
	v12 =	vadd.f32 v20, v15;
	v15 =	vld [tilespmem:s21+$0x540]  }
0xf2: {  	[tilespmem:s21+$0x170] =	vst v13;
	v13 =	vadd.f32 v21, v16;
	v16 =	vadd.f32 v22, v17;
	v17 =	vld [tilespmem:s21+$0x560]  }
0xf3: {  	[tilespmem:s21+$0x500] =	vst v12;
	v12 =	vld [tilespmem:s21+$0x550]  }
0xf4: {  	[tilespmem:s21+$0x510] =	vst v13;
	v13 =	vld [tilespmem:s21+$0x900];
	v18 =	vadd.f32 v27, v18  }
0xf5: {  	[tilespmem:s21+$0x520] =	vst v16;
	v16 =	vld [tilespmem:s21+$0x910];
	v14 =	vadd.f32 v23, v14  }
0xf6: {  	v4 =	vld [tilespmem:s21+$0xD560];
	v15 =	vadd.f32 v24, v15;
	[tilespmem:s21+$0x570] =	vst v18  }
0xf7: {  	[tilespmem:s21+$0x530] =	vst v14;
	v14 =	vld [tilespmem:s21+$0x920];
	v17 =	vadd.f32 v26, v17  }
0xf8: {  	v12 =	vadd.f32 v25, v12;
	[tilespmem:s21+$0x540] =	vst v15;
	v15 =	vld [tilespmem:s21+$0x930]  }
0xf9: {  	v18 =	vld [tilespmem:s21+$0x970];
	[tilespmem:s21+$0x560] =	vst v17;
	v13 =	vadd.f32 v28, v13  }
0xfa: {  	v16 =	vadd.f32 v29, v16;
	[tilespmem:s21+$0x550] =	vst v12;
	v12 =	vld [tilespmem:s21+$0x940]  }
0xfb: {  	v17 =	vld [tilespmem:s21+$0x950];
	[tilespmem:s21+$0x900] =	vst v13  }
0xfc: {  	[tilespmem:s21+$0x910] =	vst v16;
	v16 =	vld [tilespmem:s21+$0x960];
	v13 =	vadd.f32 v30, v14  }
0xfd: {  	v14 =	vld [tilespmem:s21+$0xD00];
	v15 =	vadd.f32 v31, v15  }
0xfe: {  	[tilespmem:s21+$0x920] =	vst v13;
	v13 =	vld [tilespmem:s21+$0xD10]  }
0xff: {  	v12 =	vadd.f32 v32, v12;
	[tilespmem:s21+$0x930] =	vst v15;
	v15 =	vld [tilespmem:s21+$0xD20]  }
0x100: {  	v3 =	vld [tilespmem:s21+$0xD570];
	v17 =	vadd.f32 v33, v17  }
0x101: {  	v16 =	vadd.f32 v34, v16;
	[tilespmem:s21+$0x940] =	vst v12;
	v12 =	vld [tilespmem:s21+$0xD30]  }
0x102: {  	[tilespmem:s21+$0x950] =	vst v17;
	v17 =	vld [tilespmem:s21+$0xD40];
	v14 =	vadd.f32 v36, v14  }
0x103: {  	v18 =	vadd.f32 v35, v18;
	[tilespmem:s21+$0x960] =	vst v16;
	v16 =	vld [tilespmem:s21+$0xD50]  }
0x104: {  	v13 =	vadd.f32 v37, v13;
	[tilespmem:s21+$0xD00] =	vst v14;
	v14 =	vadd.f32 v38, v15;
	v15 =	vld [tilespmem:s21+$0xD60]  }
0x105: {  	[tilespmem:s21+$0x970] =	vst v18;
	v18 =	vld [tilespmem:s21+$0xD70]  }
0x106: {  	[tilespmem:s21+$0xD10] =	vst v13;
	v13 =	vld [tilespmem:s21+$0x1100];
	v12 =	vadd.f32 v39, v12  }
0x107: {  	v17 =	vadd.f32 v40, v17;
	[tilespmem:s21+$0xD20] =	vst v14;
	v14 =	vld [tilespmem:s21+$0x1110]  }
0x108: {  	v16 =	vadd.f32 v41, v16;
	[tilespmem:s21+$0xD30] =	vst v12;
	v12 =	vld [tilespmem:s21+$0x1120]  }
0x109: {  	[tilespmem:s21+$0xD40] =	vst v17;
	v17 =	vld [tilespmem:s21+$0x1130];
	v15 =	vadd.f32 v42, v15  }
0x10a: {  	v19 =	vld [tilespmem:s21+$0x1140];
	[tilespmem:s21+$0xD50] =	vst v16;
	v16 =	vadd.f32 v43, v18  }
0x10b: {  	v18 =	vld [tilespmem:s21+$0x1150];
	v13 =	vadd.f32 v44, v13;
	[tilespmem:s21+$0xD60] =	vst v15  }
0x10c: {  	v20 =	vld [tilespmem:s21+$0x1160];
	[tilespmem:s21+$0xD70] =	vst v16;
	v14 =	vadd.f32 v45, v14  }
0x10d: {  	v16 =	vld [tilespmem:s21+$0x1170];
	[tilespmem:s21+$0x1100] =	vst v13;
	v12 =	vadd.f32 v46, v12  }
0x10e: {  	v15 =	vld [tilespmem:s21+$0x1500];
	v13 =	vadd.f32 v47, v17;
	[tilespmem:s21+$0x1110] =	vst v14  }
0x10f: {  	v14 =	vld [tilespmem:s21+$0x1510];
	[tilespmem:s21+$0x1120] =	vst v12;
	v12 =	vadd.f32 v48, v19  }
0x110: {  	[tilespmem:s21+$0x1130] =	vst v13;
	v13 =	vld [tilespmem:s21+$0x1520];
	v18 =	vadd.f32 v49, v18  }
0x111: {  	s22 =	simm.s32 $0x1;
	s23 =	simm.s32 $0x0;
	v17 =	vadd.f32 v50, v20;
	[tilespmem:s21+$0x1140] =	vst v12;
	v12 =	vld [tilespmem:s21+$0x1530]  }
.LBB2_2:
0x112: {  	s24 =	sshrl.u32 s22, $0x3;
	p0 =	sne.s32 s22, $0x3F;
	[tilespmem:s21+$0x1150] =	vst v18;
	v11 =	vadd.f32 v11, v16;
	v16 =	vld [tilespmem:s21+$0x1540]  }
0x113: {  	s23 =	sadd.s32 $0x80, s23;
	s24 =	smul.u32 $0x1800, s24;
	[tilespmem:s21+$0x1160] =	vst v17;
	v10 =	vadd.f32 v10, v15;
	v15 =	vld [tilespmem:s21+$0x1550]  }
0x114: {  	s25 =	sand.u32 $0x380, s23;
	[tilespmem:s21+$0x1170] =	vst v11;
	v9 =	vadd.f32 v9, v14;
	v11 =	vld [tilespmem:s21+$0x1560]  }
0x115: {  	s24 =	sor.u32 s25, s24;
	[tilespmem:s21+$0x1500] =	vst v10;
	v8 =	vadd.f32 v8, v13;
	v10 =	vld [tilespmem:s21+$0x1570]  }
0x116: {  	v39 =	vld [tilespmem:s24+$0xC100];
	[tilespmem:s21+$0x1510] =	vst v9;
	v7 =	vadd.f32 v7, v12  }
0x117: {  	v40 =	vld [tilespmem:s24+$0xC110];
	[tilespmem:s21+$0x1520] =	vst v8;
	v6 =	vadd.f32 v6, v16  }
0x118: {  	v41 =	vld [tilespmem:s24+$0xC120];
	[tilespmem:s21+$0x1530] =	vst v7;
	v5 =	vadd.f32 v5, v15  }
0x119: {  	v42 =	vld [tilespmem:s24+$0xC130];
	[tilespmem:s21+$0x1540] =	vst v6;
	v4 =	vadd.f32 v4, v11  }
0x11a: {  	v43 =	vld [tilespmem:s24+$0xC140];
	[tilespmem:s21+$0x1550] =	vst v5;
	v3 =	vadd.f32 v3, v10  }
0x11b: {  	v44 =	vld [tilespmem:s24+$0xC150];
	[tilespmem:s21+$0x1560] =	vst v4  }
0x11c: {  	v45 =	vld [tilespmem:s24+$0xC160];
	[tilespmem:s21+$0x1570] =	vst v3;
	s21 =	smov.u32 s24  }
0x11d: {  	v46 =	vld [tilespmem:s21+$0xC170]  }
0x11e: {  	v47 =	vld [tilespmem:s21+$0xC500]  }
0x11f: {  	v48 =	vld [tilespmem:s21+$0xC510]  }
0x120: {  	v49 =	vld [tilespmem:s21+$0xC520]  }
0x121: {  	v50 =	vld [tilespmem:s21+$0xC530]  }
0x122: {  	v38 =	vld [tilespmem:s21+$0xC540]  }
0x123: {  	v37 =	vld [tilespmem:s21+$0xC550]  }
0x124: {  	v36 =	vld [tilespmem:s21+$0xC560]  }
0x125: {  	v35 =	vld [tilespmem:s21+$0xC570]  }
0x126: {  	v34 =	vld [tilespmem:s21+$0xC900]  }
0x127: {  	v33 =	vld [tilespmem:s21+$0xC910]  }
0x128: {  	v32 =	vld [tilespmem:s21+$0xC920]  }
0x129: {  	v31 =	vld [tilespmem:s21+$0xC930]  }
0x12a: {  	v30 =	vld [tilespmem:s21+$0xC940]  }
0x12b: {  	v29 =	vld [tilespmem:s21+$0xC950]  }
0x12c: {  	v28 =	vld [tilespmem:s21+$0xC960]  }
0x12d: {  	v27 =	vld [tilespmem:s21+$0xC970]  }
0x12e: {  	v26 =	vld [tilespmem:s21+$0xCD00]  }
0x12f: {  	v25 =	vld [tilespmem:s21+$0xCD10]  }
0x130: {  	v24 =	vld [tilespmem:s21+$0xCD20]  }
0x131: {  	v23 =	vld [tilespmem:s21+$0xCD30]  }
0x132: {  	v22 =	vld [tilespmem:s21+$0xCD40]  }
0x133: {  	v21 =	vld [tilespmem:s21+$0xCD50]  }
0x134: {  	v20 =	vld [tilespmem:s21+$0xCD60]  }
0x135: {  	v19 =	vld [tilespmem:s21+$0xCD70]  }
0x136: {  	v18 =	vld [tilespmem:s21+$0xD100]  }
0x137: {  	v17 =	vld [tilespmem:s21+$0xD110]  }
0x138: {  	v16 =	vld [tilespmem:s21+$0xD120]  }
0x139: {  	v15 =	vld [tilespmem:s21+$0xD130]  }
0x13a: {  	v14 =	vld [tilespmem:s21+$0xD140]  }
0x13b: {  	v13 =	vld [tilespmem:s21+$0xD150]  }
0x13c: {  	v12 =	vld [tilespmem:s21+$0xD160]  }
0x13d: {  	v11 =	vld [tilespmem:s21+$0xD170]  }
0x13e: {  	v10 =	vld [tilespmem:s21+$0xD500]  }
0x13f: {  	v9 =	vld [tilespmem:s21+$0xD510]  }
0x140: {  	v8 =	vld [tilespmem:s21+$0xD520]  }
0x141: {  	v7 =	vld [tilespmem:s21+$0xD530]  }
0x142: {  	v6 =	vld [tilespmem:s21+$0xD540]  }
0x143: {  	v5 =	vld [tilespmem:s21+$0xD550]  }
0x144: {  	v4 =	vld [tilespmem:s21+$0xD560]  }
0x145: {  	v3 =	vld [tilespmem:s21+$0xD570]  }
0x146: {  	v51 =	vld [tilespmem:s21+$0x100]  }
0x147: {  	v52 =	vld [tilespmem:s21+$0x110]  }
0x148: {  	v53 =	vld [tilespmem:s21+$0x120]  }
0x149: {  	v54 =	vld [tilespmem:s21+$0x130]  }
0x14a: {  	v55 =	vld [tilespmem:s21+$0x140]  }
0x14b: {  	v39 =	vadd.f32 v39, v51;
	v51 =	vld [tilespmem:s21+$0x150]  }
0x14c: {  	v40 =	vadd.f32 v40, v52;
	v52 =	vld [tilespmem:s21+$0x160]  }
0x14d: {  	[tilespmem:s21+$0x100] =	vst v39;
	v39 =	vadd.f32 v41, v53;
	v41 =	vld [tilespmem:s21+$0x170]  }
0x14e: {  	[tilespmem:s21+$0x110] =	vst v40;
	v40 =	vadd.f32 v42, v54;
	v42 =	vld [tilespmem:s21+$0x500]  }
0x14f: {  	[tilespmem:s21+$0x120] =	vst v39;
	v39 =	vadd.f32 v43, v55;
	v43 =	vld [tilespmem:s21+$0x510]  }
0x150: {  	[tilespmem:s21+$0x130] =	vst v40;
	v40 =	vadd.f32 v44, v51;
	v44 =	vld [tilespmem:s21+$0x520]  }
0x151: {  	[tilespmem:s21+$0x140] =	vst v39;
	v39 =	vadd.f32 v45, v52;
	v45 =	vld [tilespmem:s21+$0x530]  }
0x152: {  	[tilespmem:s21+$0x150] =	vst v40;
	v40 =	vadd.f32 v46, v41;
	v41 =	vld [tilespmem:s21+$0x540]  }
0x153: {  	[tilespmem:s21+$0x160] =	vst v39;
	v39 =	vadd.f32 v47, v42;
	v42 =	vld [tilespmem:s21+$0x550]  }
0x154: {  	[tilespmem:s21+$0x170] =	vst v40;
	v40 =	vadd.f32 v48, v43;
	v43 =	vld [tilespmem:s21+$0x560]  }
0x155: {  	[tilespmem:s21+$0x500] =	vst v39;
	v39 =	vadd.f32 v49, v44;
	v44 =	vld [tilespmem:s21+$0x570]  }
0x156: {  	[tilespmem:s21+$0x510] =	vst v40;
	v40 =	vadd.f32 v50, v45;
	v45 =	vld [tilespmem:s21+$0x900]  }
0x157: {  	[tilespmem:s21+$0x520] =	vst v39;
	v38 =	vadd.f32 v38, v41;
	v39 =	vld [tilespmem:s21+$0x910]  }
0x158: {  	[tilespmem:s21+$0x530] =	vst v40;
	v37 =	vadd.f32 v37, v42;
	v40 =	vld [tilespmem:s21+$0x920]  }
0x159: {  	[tilespmem:s21+$0x540] =	vst v38;
	v36 =	vadd.f32 v36, v43;
	v38 =	vld [tilespmem:s21+$0x930]  }
0x15a: {  	[tilespmem:s21+$0x550] =	vst v37;
	v35 =	vadd.f32 v35, v44;
	v37 =	vld [tilespmem:s21+$0x940]  }
0x15b: {  	[tilespmem:s21+$0x560] =	vst v36;
	v34 =	vadd.f32 v34, v45;
	v36 =	vld [tilespmem:s21+$0x950]  }
0x15c: {  	[tilespmem:s21+$0x570] =	vst v35;
	v33 =	vadd.f32 v33, v39;
	v35 =	vld [tilespmem:s21+$0x960]  }
0x15d: {  	[tilespmem:s21+$0x900] =	vst v34;
	v32 =	vadd.f32 v32, v40;
	v34 =	vld [tilespmem:s21+$0x970]  }
0x15e: {  	[tilespmem:s21+$0x910] =	vst v33;
	v31 =	vadd.f32 v31, v38;
	v33 =	vld [tilespmem:s21+$0xD00]  }
0x15f: {  	[tilespmem:s21+$0x920] =	vst v32;
	v30 =	vadd.f32 v30, v37;
	v32 =	vld [tilespmem:s21+$0xD10]  }
0x160: {  	[tilespmem:s21+$0x930] =	vst v31;
	v29 =	vadd.f32 v29, v36;
	v31 =	vld [tilespmem:s21+$0xD20]  }
0x161: {  	[tilespmem:s21+$0x940] =	vst v30;
	v28 =	vadd.f32 v28, v35;
	v30 =	vld [tilespmem:s21+$0xD30]  }
0x162: {  	[tilespmem:s21+$0x950] =	vst v29;
	v27 =	vadd.f32 v27, v34;
	v29 =	vld [tilespmem:s21+$0xD40]  }
0x163: {  	[tilespmem:s21+$0x960] =	vst v28;
	v26 =	vadd.f32 v26, v33;
	v28 =	vld [tilespmem:s21+$0xD50]  }
0x164: {  	[tilespmem:s21+$0x970] =	vst v27;
	v25 =	vadd.f32 v25, v32;
	v27 =	vld [tilespmem:s21+$0xD60]  }
0x165: {  	[tilespmem:s21+$0xD00] =	vst v26;
	v24 =	vadd.f32 v24, v31;
	v26 =	vld [tilespmem:s21+$0xD70]  }
0x166: {  	[tilespmem:s21+$0xD10] =	vst v25;
	v23 =	vadd.f32 v23, v30;
	v25 =	vld [tilespmem:s21+$0x1100]  }
0x167: {  	[tilespmem:s21+$0xD20] =	vst v24;
	v22 =	vadd.f32 v22, v29;
	v24 =	vld [tilespmem:s21+$0x1110]  }
0x168: {  	[tilespmem:s21+$0xD30] =	vst v23;
	v21 =	vadd.f32 v21, v28;
	v23 =	vld [tilespmem:s21+$0x1120]  }
0x169: {  	[tilespmem:s21+$0xD40] =	vst v22;
	v20 =	vadd.f32 v20, v27;
	v22 =	vld [tilespmem:s21+$0x1130]  }
0x16a: {  	[tilespmem:s21+$0xD50] =	vst v21;
	v19 =	vadd.f32 v19, v26;
	v21 =	vld [tilespmem:s21+$0x1140]  }
0x16b: {  	[tilespmem:s21+$0xD60] =	vst v20;
	v18 =	vadd.f32 v18, v25;
	v20 =	vld [tilespmem:s21+$0x1150]  }
0x16c: {  	[tilespmem:s21+$0xD70] =	vst v19;
	v17 =	vadd.f32 v17, v24;
	v19 =	vld [tilespmem:s21+$0x1160]  }
.Ltmp0:
0x16d: {  	[tilespmem:s21+$0x1100] =	vst v18;
	v18 =	vadd.f32 v16, v23;
	v16 =	vld [tilespmem:s21+$0x1170];
	(pc) =	sbr.rel @p0 .LBB2_2-.Ltmp0, $4  }
0x16e: {  	[tilespmem:s21+$0x1110] =	vst v17;
	v17 =	vadd.f32 v15, v22;
	v15 =	vld [tilespmem:s21+$0x1500]  }
0x16f: {  	[tilespmem:s21+$0x1120] =	vst v18;
	v21 =	vadd.f32 v14, v21;
	v14 =	vld [tilespmem:s21+$0x1510]  }
0x170: {  	[tilespmem:s21+$0x1130] =	vst v17;
	v18 =	vadd.f32 v13, v20;
	v13 =	vld [tilespmem:s21+$0x1520]  }
0x171: {  	s22 =	sadd.s32 $0x1, s22;
	[tilespmem:s21+$0x1140] =	vst v21;
	v17 =	vadd.f32 v12, v19;
	v12 =	vld [tilespmem:s21+$0x1530]  }
0x172: {  	[tilespmem:s21+$0x1150] =	vst v18;
	v60 =	vld [tilespmem:s21+$0x1540];
	v11 =	vadd.f32 v11, v16  }
0x173: {  	v61 =	vld [tilespmem:s21+$0x1550];
	[tilespmem:s21+$0x1160] =	vst v17;
	v10 =	vadd.f32 v10, v15  }
0x174: {  	v62 =	vld [tilespmem:s21+$0x1560];
	[tilespmem:s21+$0x1170] =	vst v11;
	v9 =	vadd.f32 v9, v14  }
0x175: {  	v63 =	vld [tilespmem:s21+$0x1570];
	[tilespmem:s21+$0x1500] =	vst v10;
	v8 =	vadd.f32 v8, v13  }
0x176: {  	[tilespmem:s21+$0x1510] =	vst v9;
	v7 =	vadd.f32 v7, v12  }
0x177: {  	[tilespmem:s21+$0x1520] =	vst v8;
	v6 =	vadd.f32 v6, v60  }
0x178: {  	v5 =	vadd.f32 v5, v61;
	[tilespmem:s21+$0x1530] =	vst v7  }
0x179: {  	v4 =	vadd.f32 v4, v62;
	[tilespmem:s21+$0x1540] =	vst v6  }
0x17a: {  	s20 =	sadd.s32 $0x1, s20;
	v3 =	vadd.f32 v3, v63;
	[tilespmem:s21+$0x1550] =	vst v5  }
0x17b: {  	p0 =	sne.s32 s20, s9;
	[tilespmem:s21+$0x1560] =	vst v4  }
.Ltmp1:
0x17c: {  	[tilespmem:s21+$0x1570] =	vst v3;
	(pc) =	sbr.rel @p0 .LBB2_1-.Ltmp1, $4  }
0x17d: {  	[hbm4b:s8+s2] =	stream.linear.scatter [tilespmem:s12], [sflag:$0x3], $0xC000, $0x38;
	[tilespmem:$0x18100] =	vst v63  }
0x17e: {  	_ =	swait.ge [sflag:s10], $0xC000  }
0x17f: {  	[sflag:s10] =	ssyncset.done $0x0  }
0x180: {  	[sflag:s10] =	ssyncadd.s32 $0xFFFF4000  }
0x181: {  	_ =	sfence.sel $0x180000  }
0x182: {  	[bflag:$0x0] =	sbarrier.arrive $0xFFFF  }
0x183: {  	_ =	strace $0x9000004A  }
0x184: {  	s0 =	stileid.u32;
	[bflag:$0x2] =	sbarrier.arrive $0xFFFF  }
0x185: {  	p0 =	sne.s32 s0, $0x0;
	s0 =	rddreg [dreg:$0x2]  }
0x186: {  	s0 =	sadd.s32 @!p0 $0x100000, s0  }
0x187: {  	[sflag:s0] =	ssyncadd.tile.s32 @!p0 $0x1;
	_ =	shalt  }
.Lfunc_end2:
_tile_overlayer_lowered:
.L_overlay_start_2:
0x188: {  	(tag) =	ssettag $0x2  }
0x189: {  	s0 =	rddreg [dreg:$0x0];
	s2 =	stileid.u32  }
0x18a: {  	s1 =	rddreg [dreg:$0x1];
	p0 =	sne.s32 s2, $0x0  }
0x18b: {  	s3 =	rddreg [dreg:$0x2];
	[bflag:$0x3] =	sbarrier.arrive $0xFFFF;
	s2 =	simm.s32 @!p0 $0x1C03  }
0x18c: {  	[timem:s3], [sflag:s2] =	dma.local @!p0 [hbm:s0], s1  }
0x18d: {  	s0 =	simm.s32 @!p0 $0x3  }
0x18e: {  	_ =	swait.ge @!p0 [sflag:s0], s1  }
0x18f: {  	s1 =	ssub.s32 @!p0 $0x0, s1;
	[sflag:s0] =	ssyncset.done @!p0 $0x0  }
0x190: {  	[sflag:s0] =	ssyncadd.s32 @!p0 s1  }
0x191: {  	[bflag:$0x3] =	sbarrier.arrive $0xFFFF  }
0x192: {  	_ =	shalt  }

</sc_bundles>
